<compile_context>
chip_gen: v7x
topology: tpu7x:2x2x1
jax: 0.10.2.dev20260603
libtpu: 0.0.44.dev20260713+nightly
codegen_flags: <defaults>
</compile_context>

<pallas_src>
import functools

import jax
import jax.numpy as jnp
from jax import lax
from jax.experimental import pallas as pl
from jax.experimental.pallas import tpu as pltpu
from jax.experimental.pallas import tpu_sc as plsc

N = 10000
E = 320000
D = 128

NC = 2
NS = 16
NW = NC * NS
CHUNK = 128
ECHUNKS = E // CHUNK
NCHUNK = 78
NEXTRA = ECHUNKS - NCHUNK * NW
NWIN = 3
WCH = NCHUNK // NWIN
WSZ = WCH * CHUNK
ROWS_T = 624
ROWS_TAIL = N - ROWS_T * NS
ZB = 2000


def _make_sc_agg(compute_deg: bool):
    out_type = [jax.ShapeDtypeStruct((NC, N, D), jnp.float32)]
    if compute_deg:
        out_type.append(jax.ShapeDtypeStruct((NC, N), jnp.float32))

    scratch = [
        pltpu.VMEM((2, WSZ), jnp.int32),
        pltpu.VMEM((2, WSZ), jnp.int32),
        pltpu.VMEM((1, CHUNK), jnp.int32),
        pltpu.VMEM((1, CHUNK), jnp.int32),
        pltpu.VMEM((CHUNK, D), jnp.float32),
        pltpu.VMEM((CHUNK, D), jnp.float32),
        pltpu.VMEM((CHUNK,), jnp.float32),
        pltpu.VMEM((ZB,), jnp.float32),
        pltpu.VMEM_SHARED((N, D), jnp.float32),
        pltpu.VMEM_SHARED((N,), jnp.float32),
        pltpu.SemaphoreType.DMA,
        pltpu.SemaphoreType.DMA,
        pltpu.SemaphoreType.DMA,
        pltpu.SemaphoreType.DMA,
    ]

    mesh = plsc.VectorSubcoreMesh(core_axis_name="c", subcore_axis_name="s")

    def body(x_hbm, e_hbm, *rest):
        if compute_deg:
            agg_out, deg_out = rest[0], rest[1]
            scr = rest[2:]
        else:
            agg_out = rest[0]
            deg_out = None
            scr = rest[1:]
        (src_v, dst_v, srcx_v, dstx_v, rows0, rows1, ones_v, z1_v,
         agg_s, deg_s, sem0, sem1, semw, semz) = scr

        c = lax.axis_index("c")
        s = lax.axis_index("s")
        wid = s * NC + c
        eofs = pl.multiple_of(
            jnp.where(wid < NEXTRA, wid * (NCHUNK + 1),
                      NEXTRA * (NCHUNK + 1)
                      + (wid - NEXTRA) * NCHUNK) * CHUNK,
            CHUNK)

        z16 = jnp.zeros((16,), jnp.float32)

        pltpu.sync_copy(e_hbm.at[0, pl.ds(eofs, WSZ)], src_v.at[0])
        pltpu.sync_copy(e_hbm.at[1, pl.ds(eofs, WSZ)], dst_v.at[0])
        pltpu.async_copy(x_hbm.at[src_v.at[0, pl.ds(0, CHUNK)]], rows0, sem0)

        def zrow(i, carry):
            for j in range(D // 16):
                rows1[i, pl.ds(j * 16, 16)] = z16
            return carry

        lax.fori_loop(0, CHUNK, zrow, 0)

        r0 = s * ROWS_T
        n_full = ROWS_T // CHUNK
        rem = ROWS_T - n_full * CHUNK
        for t in range(n_full):
            pltpu.async_copy(rows1, agg_s.at[pl.ds(r0 + t * CHUNK, CHUNK)],
                             semz)
        if rem:
            pltpu.async_copy(rows1.at[pl.ds(0, rem)],
                             agg_s.at[pl.ds(r0 + n_full * CHUNK, rem)], semz)

        @pl.when(s == 3)
        def _():
            pltpu.sync_copy(rows1.at[pl.ds(0, ROWS_TAIL)],
                            agg_s.at[pl.ds(ROWS_T * NS, ROWS_TAIL)])

        if compute_deg:
            def zz(i, carry):
                z1_v[pl.ds(i * 16, 16)] = z16
                return carry
            lax.fori_loop(0, ZB // 16, zz, 0)

            one16 = jnp.ones((16,), jnp.float32)
            for j in range(CHUNK // 16):
                ones_v[pl.ds(j * 16, 16)] = one16

            @pl.when(s == 2)
            def _():
                nf = N // ZB
                for t in range(nf):
                    pltpu.sync_copy(z1_v, deg_s.at[pl.ds(t * ZB, ZB)])

        for t in range(n_full):
            pltpu.make_async_copy(rows1, agg_s.at[pl.ds(r0 + t * CHUNK,
                                                        CHUNK)], semz).wait()
        if rem:
            pltpu.make_async_copy(rows1.at[pl.ds(0, rem)],
                                  agg_s.at[pl.ds(r0 + n_full * CHUNK, rem)],
                                  semz).wait()

        plsc.subcore_barrier()

        def idx(v, b, k):
            return v.at[b, pl.ds(k * CHUNK, CHUNK)]

        def gather(b, k, buf, sem):
            return pltpu.async_copy(x_hbm.at[idx(src_v, b, k)], buf, sem)

        def scat(b, k, buf):
            pltpu.sync_copy(buf, agg_s.at[idx(dst_v, b, k)], add=True)
            if compute_deg:
                pltpu.sync_copy(ones_v, deg_s.at[idx(dst_v, b, k)], add=True)

        def make_step(b):
            def step(g, carry):
                k0 = 2 * g
                gather(b, k0 + 1, rows1, sem1)
                pltpu.make_async_copy(x_hbm.at[idx(src_v, b, k0)], rows0,
                                      sem0).wait()
                scat(b, k0, rows0)

                @pl.when(k0 + 2 < WCH)
                def _():
                    gather(b, k0 + 2, rows0, sem0)

                pltpu.make_async_copy(x_hbm.at[idx(src_v, b, k0 + 1)], rows1,
                                      sem1).wait()
                scat(b, k0 + 1, rows1)
                return carry
            return step

        for w in range(NWIN):
            b = w % 2
            if w + 1 < NWIN:
                nb = (w + 1) % 2
                wofs = eofs + (w + 1) * WSZ
                pltpu.async_copy(e_hbm.at[0, pl.ds(wofs, WSZ)],
                                 src_v.at[nb], semw)
                pltpu.async_copy(e_hbm.at[1, pl.ds(wofs, WSZ)],
                                 dst_v.at[nb], semw)
            lax.fori_loop(0, WCH // 2, make_step(b), 0)
            if w + 1 < NWIN:
                nb = (w + 1) % 2
                wofs = eofs + (w + 1) * WSZ
                pltpu.make_async_copy(e_hbm.at[0, pl.ds(wofs, WSZ)],
                                      src_v.at[nb], semw).wait()
                pltpu.make_async_copy(e_hbm.at[1, pl.ds(wofs, WSZ)],
                                      dst_v.at[nb], semw).wait()
                gather(nb, 0, rows0, sem0)

        @pl.when(wid < NEXTRA)
        def _():
            xofs = eofs + NCHUNK * CHUNK
            pltpu.sync_copy(e_hbm.at[0, pl.ds(xofs, CHUNK)], srcx_v.at[0])
            pltpu.sync_copy(e_hbm.at[1, pl.ds(xofs, CHUNK)], dstx_v.at[0])
            pltpu.async_copy(x_hbm.at[srcx_v.at[0]], rows0, sem0).wait()
            pltpu.sync_copy(rows0, agg_s.at[dstx_v.at[0]], add=True)
            if compute_deg:
                pltpu.sync_copy(ones_v, deg_s.at[dstx_v.at[0]], add=True)

        plsc.subcore_barrier()

        pltpu.sync_copy(agg_s.at[pl.ds(r0, ROWS_T)],
                        agg_out.at[c, pl.ds(r0, ROWS_T)])

        @pl.when(s == 3)
        def _():
            pltpu.sync_copy(agg_s.at[pl.ds(ROWS_T * NS, ROWS_TAIL)],
                            agg_out.at[c, pl.ds(ROWS_T * NS, ROWS_TAIL)])

        if compute_deg:
            @pl.when(s == 2)
            def _():
                pltpu.sync_copy(deg_s, deg_out.at[c])

    return pl.kernel(body, out_type=out_type, scratch_types=scratch, mesh=mesh)


_sc_agg_deg = _make_sc_agg(True)
_sc_agg = _make_sc_agg(False)


RB = 5000
NB = N // RB


def _combine(aggp, degp, xw, wl):
    agg = aggp[0] + aggp[1]
    deg = jnp.maximum(degp[:, 0:1] + degp[:, 1:2], 1.0)
    mean = agg / deg
    return (lax.dot_general(mean, wl[...], (((1,), (1,)), ((), ())),
                            preferred_element_type=jnp.float32)
            + xw[...])


def _tc_hidden_body(aggp, degp, xw, wl, o):
    z = _combine(aggp, degp[...], xw, wl)
    o[...] = jnp.maximum(z, 0.0)


def _tc_final_body(aggp, degp, xw, wl, o):
    z = _combine(aggp, degp[...], xw, wl)
    m = jnp.max(z, axis=-1, keepdims=True)
    lse = jnp.log(jnp.sum(jnp.exp(z - m), axis=-1, keepdims=True)) + m
    o[...] = z - lse


def _tc_layer(body, aggp, degp, xw, wl):
    return pl.pallas_call(
        body,
        grid=(NB,),
        in_specs=[
            pl.BlockSpec((NC, RB, D), lambda i: (0, i, 0)),
            pl.BlockSpec((RB, NC), lambda i: (i, 0)),
            pl.BlockSpec((RB, D), lambda i: (i, 0)),
            pl.BlockSpec((D, D), lambda i: (0, 0)),
        ],
        out_specs=pl.BlockSpec((RB, D), lambda i: (i, 0)),
        out_shape=jax.ShapeDtypeStruct((N, D), jnp.float32),
    )(aggp, degp, xw, wl)


def _tc_xw_body(x, wr, bl, o):
    o[...] = lax.dot_general(x[...], wr[...], (((1,), (1,)), ((), ())),
                             preferred_element_type=jnp.float32) + bl[...]


def _tc_xw(x, wr, bl):
    return pl.pallas_call(
        _tc_xw_body,
        grid=(NB,),
        in_specs=[
            pl.BlockSpec((RB, D), lambda i: (i, 0)),
            pl.BlockSpec((D, D), lambda i: (0, 0)),
            pl.BlockSpec((1, D), lambda i: (0, 0)),
        ],
        out_specs=pl.BlockSpec((RB, D), lambda i: (i, 0)),
        out_shape=jax.ShapeDtypeStruct((N, D), jnp.float32),
    )(x, wr, bl)


def kernel(x, edge_index, Wl1, bl1, Wr1, Wl2, bl2, Wr2):
    ei = edge_index.astype(jnp.int32)

    aggp1, degp = _sc_agg_deg(x, ei)
    xw1 = _tc_xw(x, Wr1, bl1.reshape(1, D))
    degpt = degp.T
    h = _tc_layer(_tc_hidden_body, aggp1, degpt, xw1, Wl1)
    (aggp2,) = _sc_agg(h, ei)
    hw2 = _tc_xw(h, Wr2, bl2.reshape(1, D))
    out = _tc_layer(_tc_final_body, aggp2, degpt, hw2, Wl2)
    return out

# --- scband reference (transcript-rebuilt; emitter-appended) ---
"""Pipeline reference for scband-sage-36490042146907 (READ-ONLY COPY).

The authoritative reference and input builder live on the scoring server;
editing this copy changes nothing except your own understanding.
"""

import jax, jax.numpy as jnp
import numpy as np

N_NODES = 10000
N_EDGES = 320000
D_IN = 128
D_HID = 128


def _sage_conv(x, src, dst, Wl, bl, Wr, num_nodes):
    # mean aggregation of source features onto destination nodes
    msgs = x[src]  # gather [E, d]
    agg = jax.ops.segment_sum(msgs, dst, num_segments=num_nodes)
    deg = jax.ops.segment_sum(jnp.ones((src.shape[0],), dtype=x.dtype), dst, num_segments=num_nodes)
    mean = agg / jnp.clip(deg, 1.0)[:, None]
    # PyG SAGEConv: lin_l(aggregated) + lin_r(x), lin_r has no bias
    return mean @ Wl.T + bl + x @ Wr.T


def setup_inputs(seed: int = 0) -> dict:
    key = jax.random.key(seed)
    ks = jax.random.split(key, 8)
    x = jax.random.normal(ks[0], (N_NODES, D_IN), dtype=jnp.float32)
    edge_index = jax.random.randint(ks[1], (2, N_EDGES), 0, N_NODES, dtype=jnp.int64)
    s1 = 1.0 / np.sqrt(D_IN)
    s2 = 1.0 / np.sqrt(D_HID)
    Wl1 = jax.random.uniform(ks[2], (D_HID, D_IN), minval=-s1, maxval=s1, dtype=jnp.float32)
    bl1 = jnp.zeros((D_HID,), dtype=jnp.float32)
    Wr1 = jax.random.uniform(ks[3], (D_HID, D_IN), minval=-s1, maxval=s1, dtype=jnp.float32)
    Wl2 = jax.random.uniform(ks[4], (D_HID, D_HID), minval=-s2, maxval=s2, dtype=jnp.float32)
    bl2 = jnp.zeros((D_HID,), dtype=jnp.float32)
    Wr2 = jax.random.uniform(ks[5], (D_HID, D_HID), minval=-s2, maxval=s2, dtype=jnp.float32)
    return {"x": x, "edge_index": edge_index, "Wl1": Wl1, "bl1": bl1, "Wr1": Wr1,
            "Wl2": Wl2, "bl2": bl2, "Wr2": Wr2}


def reference(x, edge_index, Wl1, bl1, Wr1, Wl2, bl2, Wr2):
    src = edge_index[0]
    dst = edge_index[1]
    h = _sage_conv(x, src, dst, Wl1, bl1, Wr1, N_NODES)
    h = jax.nn.relu(h)
    # dropout p=0.0 in eval mode -> identity
    h = _sage_conv(h, src, dst, Wl2, bl2, Wr2, N_NODES)
    return jax.nn.log_softmax(h, axis=-1)

if __name__ == "__main__":
    import jax
    _d = setup_inputs()
    print(jax.jit(kernel)(*tuple(_d.values())))

</pallas_src>

<mosaic_0001>
#map = affine_map<(d0, d1) -> (0, 0)>
#map1 = affine_map<(d0, d1) -> (0, 0, 0)>
module attributes {stable_mosaic.version = 14 : i64} {
  func.func @body(%arg0: i32, %arg1: i32, %arg2: memref<10000x128xf32, #tpu.memory_space<hbm>>, %arg3: memref<2x320000xi32, #tpu.memory_space<hbm>>, %arg4: memref<2x10000x128xf32, #tpu.memory_space<hbm>>, %arg5: memref<2x10000xf32, #tpu.memory_space<hbm>>, %arg6: memref<2x3328xi32, #tpu.memory_space<vmem>>, %arg7: memref<2x3328xi32, #tpu.memory_space<vmem>>, %arg8: memref<1x128xi32, #tpu.memory_space<vmem>>, %arg9: memref<1x128xi32, #tpu.memory_space<vmem>>, %arg10: memref<128x128xf32, #tpu.memory_space<vmem>>, %arg11: memref<128x128xf32, #tpu.memory_space<vmem>>, %arg12: memref<128xf32, #tpu.memory_space<vmem>>, %arg13: memref<2000xf32, #tpu.memory_space<vmem>>, %arg14: memref<10000x128xf32, #tpu.memory_space<vmem_shared>>, %arg15: memref<10000xf32, #tpu.memory_space<vmem_shared>>, %arg16: memref<!tpu.dma_semaphore, #tpu.memory_space<semaphore_mem>>, %arg17: memref<!tpu.dma_semaphore, #tpu.memory_space<semaphore_mem>>, %arg18: memref<!tpu.dma_semaphore, #tpu.memory_space<semaphore_mem>>, %arg19: memref<!tpu.dma_semaphore, #tpu.memory_space<semaphore_mem>>) attributes {dimension_semantics = [#tpu.dimension_semantics<core_parallel>, #tpu.dimension_semantics<subcore_parallel>], iteration_bounds = array<i64: 2, 16>, scalar_prefetch = 0 : i64, scratch_operands = 14 : i64, tpu.core_type = #tpu.core_type<sc_vector_subcore>, window_params = [{transform_indices = #map}, {transform_indices = #map}, {transform_indices = #map1}, {transform_indices = #map}]} {
    %mul3A = arith.constant 2 : i32
    %mul3A_0 = arith.muli %arg1, %mul3A : i32
    %add3A = arith.addi %mul3A_0, %arg0 : i32
    %lt3A = arith.constant 4 : i32
    %lt3A_1 = arith.cmpi slt, %add3A, %lt3A : i32
    %mul3A_2 = arith.constant 79 : i32
    %mul3A_3 = arith.muli %add3A, %mul3A_2 : i32
    %sub3A = arith.constant 4 : i32
    %sub3A_4 = arith.subi %add3A, %sub3A : i32
    %mul3A_5 = arith.constant 78 : i32
    %mul3A_6 = arith.muli %sub3A_4, %mul3A_5 : i32
    %add3A_7 = arith.constant 316 : i32
    %add3A_8 = arith.addi %add3A_7, %mul3A_6 : i32
    %select_n3A = arith.select %lt3A_1, %mul3A_3, %add3A_8 : i32
    %mul3A_9 = arith.constant 128 : i32
    %mul3A_10 = arith.muli %select_n3A, %mul3A_9 : i32
    %multiple_of3A = tpu.assume_multiple %mul3A_10, 128 : i32
    %broadcast_in_dim3A = arith.constant 0.000000e+00 : f32
    %broadcast_in_dim3A_11 = vector.broadcast %broadcast_in_dim3A : f32 to vector<16xf32>
    %run_scoped3A = arith.constant 0 : i32
    %run_scoped3A_12 = arith.constant 0 : i32
    "tpu.region"() ({
      %run_scoped3A_297 = tpu.sem_alloc : memref<!tpu.dma_semaphore, #tpu.memory_space<semaphore_mem>>
      %dma_start3A_298 = arith.constant 0 : i32
      %dma_start3A_299 = tpu.memref_slice %arg6[%run_scoped3A_12, %dma_start3A_298] : memref<2x3328xi32, #tpu.memory_space<vmem>> -> memref<1x3328xi32, #tpu.memory_space<vmem>>
      %dma_start3A_300 = tpu.memref_squeeze %dma_start3A_299 : memref<1x3328xi32, #tpu.memory_space<vmem>> -> memref<3328xi32, #tpu.memory_space<vmem>>
      %dma_start3A_301 = tpu.memref_slice %arg3[%run_scoped3A, %multiple_of3A] : memref<2x320000xi32, #tpu.memory_space<hbm>> -> memref<1x3328xi32, #tpu.memory_space<hbm>>
      %dma_start3A_302 = tpu.memref_squeeze %dma_start3A_301 : memref<1x3328xi32, #tpu.memory_space<hbm>> -> memref<3328xi32, #tpu.memory_space<hbm>>
      %dma_start3A_303 = arith.constant 0 : i32
      %dma_start3A_304 = tpu.memref_slice %arg6[%run_scoped3A_12, %dma_start3A_303] : memref<2x3328xi32, #tpu.memory_space<vmem>> -> memref<1x3328xi32, #tpu.memory_space<vmem>>
      %dma_start3A_305 = tpu.memref_squeeze %dma_start3A_304 : memref<1x3328xi32, #tpu.memory_space<vmem>> -> memref<3328xi32, #tpu.memory_space<vmem>>
      %dma_start3A_306 = tpu.memref_slice %arg3[%run_scoped3A, %multiple_of3A] : memref<2x320000xi32, #tpu.memory_space<hbm>> -> memref<1x3328xi32, #tpu.memory_space<hbm>>
      %dma_start3A_307 = tpu.memref_squeeze %dma_start3A_306 : memref<1x3328xi32, #tpu.memory_space<hbm>> -> memref<3328xi32, #tpu.memory_space<hbm>>
      tpu.enqueue_dma source(%dma_start3A_307 : memref<3328xi32, #tpu.memory_space<hbm>>) target(%dma_start3A_305 : memref<3328xi32, #tpu.memory_space<vmem>>) target_semaphore(%run_scoped3A_297 : memref<!tpu.dma_semaphore, #tpu.memory_space<semaphore_mem>>)
      %dma_wait3A_308 = arith.constant 0 : i32
      %dma_wait3A_309 = tpu.memref_slice %arg6[%run_scoped3A_12, %dma_wait3A_308] : memref<2x3328xi32, #tpu.memory_space<vmem>> -> memref<1x3328xi32, #tpu.memory_space<vmem>>
      %dma_wait3A_310 = tpu.memref_squeeze %dma_wait3A_309 : memref<1x3328xi32, #tpu.memory_space<vmem>> -> memref<3328xi32, #tpu.memory_space<vmem>>
      %dma_wait3A_311 = tpu.memref_slice %arg3[%run_scoped3A, %multiple_of3A] : memref<2x320000xi32, #tpu.memory_space<hbm>> -> memref<1x3328xi32, #tpu.memory_space<hbm>>
      %dma_wait3A_312 = tpu.memref_squeeze %dma_wait3A_311 : memref<1x3328xi32, #tpu.memory_space<hbm>> -> memref<3328xi32, #tpu.memory_space<hbm>>
      %dma_wait3A_313 = arith.constant 0 : i32
      %dma_wait3A_314 = tpu.memref_slice %arg6[%run_scoped3A_12, %dma_wait3A_313] : memref<2x3328xi32, #tpu.memory_space<vmem>> -> memref<1x3328xi32, #tpu.memory_space<vmem>>
      %dma_wait3A_315 = tpu.memref_squeeze %dma_wait3A_314 : memref<1x3328xi32, #tpu.memory_space<vmem>> -> memref<3328xi32, #tpu.memory_space<vmem>>
      %dma_wait3A_316 = tpu.memref_slice %arg3[%run_scoped3A, %multiple_of3A] : memref<2x320000xi32, #tpu.memory_space<hbm>> -> memref<1x3328xi32, #tpu.memory_space<hbm>>
      %dma_wait3A_317 = tpu.memref_squeeze %dma_wait3A_316 : memref<1x3328xi32, #tpu.memory_space<hbm>> -> memref<3328xi32, #tpu.memory_space<hbm>>
      tpu.wait_dma2 semaphore(%run_scoped3A_297 : memref<!tpu.dma_semaphore, #tpu.memory_space<semaphore_mem>>) src(%dma_wait3A_317 : memref<3328xi32, #tpu.memory_space<hbm>>) dst(%dma_wait3A_315 : memref<3328xi32, #tpu.memory_space<vmem>>)
      tpu.yield
    }) : () -> ()
    %run_scoped3A_13 = arith.constant 1 : i32
    %run_scoped3A_14 = arith.constant 0 : i32
    "tpu.region"() ({
      %run_scoped3A_297 = tpu.sem_alloc : memref<!tpu.dma_semaphore, #tpu.memory_space<semaphore_mem>>
      %dma_start3A_298 = arith.constant 0 : i32
      %dma_start3A_299 = tpu.memref_slice %arg7[%run_scoped3A_14, %dma_start3A_298] : memref<2x3328xi32, #tpu.memory_space<vmem>> -> memref<1x3328xi32, #tpu.memory_space<vmem>>
      %dma_start3A_300 = tpu.memref_squeeze %dma_start3A_299 : memref<1x3328xi32, #tpu.memory_space<vmem>> -> memref<3328xi32, #tpu.memory_space<vmem>>
      %dma_start3A_301 = tpu.memref_slice %arg3[%run_scoped3A_13, %multiple_of3A] : memref<2x320000xi32, #tpu.memory_space<hbm>> -> memref<1x3328xi32, #tpu.memory_space<hbm>>
      %dma_start3A_302 = tpu.memref_squeeze %dma_start3A_301 : memref<1x3328xi32, #tpu.memory_space<hbm>> -> memref<3328xi32, #tpu.memory_space<hbm>>
      %dma_start3A_303 = arith.constant 0 : i32
      %dma_start3A_304 = tpu.memref_slice %arg7[%run_scoped3A_14, %dma_start3A_303] : memref<2x3328xi32, #tpu.memory_space<vmem>> -> memref<1x3328xi32, #tpu.memory_space<vmem>>
      %dma_start3A_305 = tpu.memref_squeeze %dma_start3A_304 : memref<1x3328xi32, #tpu.memory_space<vmem>> -> memref<3328xi32, #tpu.memory_space<vmem>>
      %dma_start3A_306 = tpu.memref_slice %arg3[%run_scoped3A_13, %multiple_of3A] : memref<2x320000xi32, #tpu.memory_space<hbm>> -> memref<1x3328xi32, #tpu.memory_space<hbm>>
      %dma_start3A_307 = tpu.memref_squeeze %dma_start3A_306 : memref<1x3328xi32, #tpu.memory_space<hbm>> -> memref<3328xi32, #tpu.memory_space<hbm>>
      tpu.enqueue_dma source(%dma_start3A_307 : memref<3328xi32, #tpu.memory_space<hbm>>) target(%dma_start3A_305 : memref<3328xi32, #tpu.memory_space<vmem>>) target_semaphore(%run_scoped3A_297 : memref<!tpu.dma_semaphore, #tpu.memory_space<semaphore_mem>>)
      %dma_wait3A_308 = arith.constant 0 : i32
      %dma_wait3A_309 = tpu.memref_slice %arg7[%run_scoped3A_14, %dma_wait3A_308] : memref<2x3328xi32, #tpu.memory_space<vmem>> -> memref<1x3328xi32, #tpu.memory_space<vmem>>
      %dma_wait3A_310 = tpu.memref_squeeze %dma_wait3A_309 : memref<1x3328xi32, #tpu.memory_space<vmem>> -> memref<3328xi32, #tpu.memory_space<vmem>>
      %dma_wait3A_311 = tpu.memref_slice %arg3[%run_scoped3A_13, %multiple_of3A] : memref<2x320000xi32, #tpu.memory_space<hbm>> -> memref<1x3328xi32, #tpu.memory_space<hbm>>
      %dma_wait3A_312 = tpu.memref_squeeze %dma_wait3A_311 : memref<1x3328xi32, #tpu.memory_space<hbm>> -> memref<3328xi32, #tpu.memory_space<hbm>>
      %dma_wait3A_313 = arith.constant 0 : i32
      %dma_wait3A_314 = tpu.memref_slice %arg7[%run_scoped3A_14, %dma_wait3A_313] : memref<2x3328xi32, #tpu.memory_space<vmem>> -> memref<1x3328xi32, #tpu.memory_space<vmem>>
      %dma_wait3A_315 = tpu.memref_squeeze %dma_wait3A_314 : memref<1x3328xi32, #tpu.memory_space<vmem>> -> memref<3328xi32, #tpu.memory_space<vmem>>
      %dma_wait3A_316 = tpu.memref_slice %arg3[%run_scoped3A_13, %multiple_of3A] : memref<2x320000xi32, #tpu.memory_space<hbm>> -> memref<1x3328xi32, #tpu.memory_space<hbm>>
      %dma_wait3A_317 = tpu.memref_squeeze %dma_wait3A_316 : memref<1x3328xi32, #tpu.memory_space<hbm>> -> memref<3328xi32, #tpu.memory_space<hbm>>
      tpu.wait_dma2 semaphore(%run_scoped3A_297 : memref<!tpu.dma_semaphore, #tpu.memory_space<semaphore_mem>>) src(%dma_wait3A_317 : memref<3328xi32, #tpu.memory_space<hbm>>) dst(%dma_wait3A_315 : memref<3328xi32, #tpu.memory_space<vmem>>)
      tpu.yield
    }) : () -> ()
    %dma_start3A = arith.constant 0 : i32
    %dma_start3A_15 = arith.constant 0 : i32
    %dma_start3A_16 = tpu.memref_slice %arg6[%dma_start3A, %dma_start3A_15] : memref<2x3328xi32, #tpu.memory_space<vmem>> -> memref<1x128xi32, #tpu.memory_space<vmem>>
    %dma_start3A_17 = tpu.memref_squeeze %dma_start3A_16 : memref<1x128xi32, #tpu.memory_space<vmem>> -> memref<128xi32, #tpu.memory_space<vmem>>
    %dma_start3A_18 = arith.constant 0 : i32
    %dma_start3A_19 = arith.constant 0 : i32
    %dma_start3A_20 = tpu.memref_slice %arg2[%dma_start3A_18, %dma_start3A_19] : memref<10000x128xf32, #tpu.memory_space<hbm>> -> memref<10000x128xf32, #tpu.memory_space<hbm>>
    tpu.enqueue_indirect_dma source(%dma_start3A_20 : memref<10000x128xf32, #tpu.memory_space<hbm>>) target(%arg10 : memref<128x128xf32, #tpu.memory_space<vmem>>) offsets(%dma_start3A_17 : memref<128xi32, #tpu.memory_space<vmem>>) semaphore(%arg16 : memref<!tpu.dma_semaphore, #tpu.memory_space<semaphore_mem>>)
    %scan3A = arith.constant 0 : i32
    %scan3A_21 = arith.constant 0 : i32
    %scan3A_22 = arith.constant 128 : i32
    %scan3A_23 = arith.addi %scan3A_21, %scan3A_22 : i32
    %scan3A_24 = arith.constant 1 : i32
    scf.for %scan3A_297 = %scan3A_21 to %scan3A_23 step %scan3A_24  : i32 {
      %swap3A_298 = arith.index_cast %scan3A_297 : i32 to index
      %swap3A_299 = arith.constant 0 : index
      %swap3A_300 = tpu.vector_load %arg11[%swap3A_298, %swap3A_299] {strides = array<i32>} : memref<128x128xf32, #tpu.memory_space<vmem>>, vector<1x16xf32>,
      %swap3A_301 = vector.shape_cast %swap3A_300 : vector<1x16xf32> to vector<16xf32>
      %swap3A_302 = vector.shape_cast %broadcast_in_dim3A_11 : vector<16xf32> to vector<1x16xf32>
      tpu.vector_store %arg11[%swap3A_298, %swap3A_299], %swap3A_302 {strides = array<i32>} : memref<128x128xf32, #tpu.memory_space<vmem>>, vector<1x16xf32>,
      %swap3A_303 = arith.index_cast %scan3A_297 : i32 to index
      %swap3A_304 = arith.constant 16 : index
      %swap3A_305 = tpu.vector_load %arg11[%swap3A_303, %swap3A_304] {strides = array<i32>} : memref<128x128xf32, #tpu.memory_space<vmem>>, vector<1x16xf32>,
      %swap3A_306 = vector.shape_cast %swap3A_305 : vector<1x16xf32> to vector<16xf32>
      %swap3A_307 = vector.shape_cast %broadcast_in_dim3A_11 : vector<16xf32> to vector<1x16xf32>
      tpu.vector_store %arg11[%swap3A_303, %swap3A_304], %swap3A_307 {strides = array<i32>} : memref<128x128xf32, #tpu.memory_space<vmem>>, vector<1x16xf32>,
      %swap3A_308 = arith.index_cast %scan3A_297 : i32 to index
      %swap3A_309 = arith.constant 32 : index
      %swap3A_310 = tpu.vector_load %arg11[%swap3A_308, %swap3A_309] {strides = array<i32>} : memref<128x128xf32, #tpu.memory_space<vmem>>, vector<1x16xf32>,
      %swap3A_311 = vector.shape_cast %swap3A_310 : vector<1x16xf32> to vector<16xf32>
      %swap3A_312 = vector.shape_cast %broadcast_in_dim3A_11 : vector<16xf32> to vector<1x16xf32>
      tpu.vector_store %arg11[%swap3A_308, %swap3A_309], %swap3A_312 {strides = array<i32>} : memref<128x128xf32, #tpu.memory_space<vmem>>, vector<1x16xf32>,
      %swap3A_313 = arith.index_cast %scan3A_297 : i32 to index
      %swap3A_314 = arith.constant 48 : index
      %swap3A_315 = tpu.vector_load %arg11[%swap3A_313, %swap3A_314] {strides = array<i32>} : memref<128x128xf32, #tpu.memory_space<vmem>>, vector<1x16xf32>,
      %swap3A_316 = vector.shape_cast %swap3A_315 : vector<1x16xf32> to vector<16xf32>
      %swap3A_317 = vector.shape_cast %broadcast_in_dim3A_11 : vector<16xf32> to vector<1x16xf32>
      tpu.vector_store %arg11[%swap3A_313, %swap3A_314], %swap3A_317 {strides = array<i32>} : memref<128x128xf32, #tpu.memory_space<vmem>>, vector<1x16xf32>,
      %swap3A_318 = arith.index_cast %scan3A_297 : i32 to index
      %swap3A_319 = arith.constant 64 : index
      %swap3A_320 = tpu.vector_load %arg11[%swap3A_318, %swap3A_319] {strides = array<i32>} : memref<128x128xf32, #tpu.memory_space<vmem>>, vector<1x16xf32>,
      %swap3A_321 = vector.shape_cast %swap3A_320 : vector<1x16xf32> to vector<16xf32>
      %swap3A_322 = vector.shape_cast %broadcast_in_dim3A_11 : vector<16xf32> to vector<1x16xf32>
      tpu.vector_store %arg11[%swap3A_318, %swap3A_319], %swap3A_322 {strides = array<i32>} : memref<128x128xf32, #tpu.memory_space<vmem>>, vector<1x16xf32>,
      %swap3A_323 = arith.index_cast %scan3A_297 : i32 to index
      %swap3A_324 = arith.constant 80 : index
      %swap3A_325 = tpu.vector_load %arg11[%swap3A_323, %swap3A_324] {strides = array<i32>} : memref<128x128xf32, #tpu.memory_space<vmem>>, vector<1x16xf32>,
      %swap3A_326 = vector.shape_cast %swap3A_325 : vector<1x16xf32> to vector<16xf32>
      %swap3A_327 = vector.shape_cast %broadcast_in_dim3A_11 : vector<16xf32> to vector<1x16xf32>
      tpu.vector_store %arg11[%swap3A_323, %swap3A_324], %swap3A_327 {strides = array<i32>} : memref<128x128xf32, #tpu.memory_space<vmem>>, vector<1x16xf32>,
      %swap3A_328 = arith.index_cast %scan3A_297 : i32 to index
      %swap3A_329 = arith.constant 96 : index
      %swap3A_330 = tpu.vector_load %arg11[%swap3A_328, %swap3A_329] {strides = array<i32>} : memref<128x128xf32, #tpu.memory_space<vmem>>, vector<1x16xf32>,
      %swap3A_331 = vector.shape_cast %swap3A_330 : vector<1x16xf32> to vector<16xf32>
      %swap3A_332 = vector.shape_cast %broadcast_in_dim3A_11 : vector<16xf32> to vector<1x16xf32>
      tpu.vector_store %arg11[%swap3A_328, %swap3A_329], %swap3A_332 {strides = array<i32>} : memref<128x128xf32, #tpu.memory_space<vmem>>, vector<1x16xf32>,
      %swap3A_333 = arith.index_cast %scan3A_297 : i32 to index
      %swap3A_334 = arith.constant 112 : index
      %swap3A_335 = tpu.vector_load %arg11[%swap3A_333, %swap3A_334] {strides = array<i32>} : memref<128x128xf32, #tpu.memory_space<vmem>>, vector<1x16xf32>,
      %swap3A_336 = vector.shape_cast %swap3A_335 : vector<1x16xf32> to vector<16xf32>
      %swap3A_337 = vector.shape_cast %broadcast_in_dim3A_11 : vector<16xf32> to vector<1x16xf32>
      tpu.vector_store %arg11[%swap3A_333, %swap3A_334], %swap3A_337 {strides = array<i32>} : memref<128x128xf32, #tpu.memory_space<vmem>>, vector<1x16xf32>,
    }
    %scan3A_25 = arith.constant 128 : i32
    %mul3A_26 = arith.constant 624 : i32
    %mul3A_27 = arith.muli %arg1, %mul3A_26 : i32
    %add3A_28 = arith.constant 0 : i32
    %add3A_29 = arith.addi %mul3A_27, %add3A_28 : i32
    %dma_start3A_30 = arith.constant 0 : i32
    %dma_start3A_31 = tpu.memref_slice %arg14[%add3A_29, %dma_start3A_30] : memref<10000x128xf32, #tpu.memory_space<vmem_shared>> -> memref<128x128xf32, #tpu.memory_space<vmem_shared>>
    %dma_start3A_32 = arith.constant 0 : i32
    %dma_start3A_33 = tpu.memref_slice %arg14[%add3A_29, %dma_start3A_32] : memref<10000x128xf32, #tpu.memory_space<vmem_shared>> -> memref<128x128xf32, #tpu.memory_space<vmem_shared>>
    tpu.enqueue_dma source(%arg11 : memref<128x128xf32, #tpu.memory_space<vmem>>) target(%dma_start3A_33 : memref<128x128xf32, #tpu.memory_space<vmem_shared>>) target_semaphore(%arg19 : memref<!tpu.dma_semaphore, #tpu.memory_space<semaphore_mem>>)
    %add3A_34 = arith.constant 128 : i32
    %add3A_35 = arith.addi %mul3A_27, %add3A_34 : i32
    %dma_start3A_36 = arith.constant 0 : i32
    %dma_start3A_37 = tpu.memref_slice %arg14[%add3A_35, %dma_start3A_36] : memref<10000x128xf32, #tpu.memory_space<vmem_shared>> -> memref<128x128xf32, #tpu.memory_space<vmem_shared>>
    %dma_start3A_38 = arith.constant 0 : i32
    %dma_start3A_39 = tpu.memref_slice %arg14[%add3A_35, %dma_start3A_38] : memref<10000x128xf32, #tpu.memory_space<vmem_shared>> -> memref<128x128xf32, #tpu.memory_space<vmem_shared>>
    tpu.enqueue_dma source(%arg11 : memref<128x128xf32, #tpu.memory_space<vmem>>) target(%dma_start3A_39 : memref<128x128xf32, #tpu.memory_space<vmem_shared>>) target_semaphore(%arg19 : memref<!tpu.dma_semaphore, #tpu.memory_space<semaphore_mem>>)
    %add3A_40 = arith.constant 256 : i32
    %add3A_41 = arith.addi %mul3A_27, %add3A_40 : i32
    %dma_start3A_42 = arith.constant 0 : i32
    %dma_start3A_43 = tpu.memref_slice %arg14[%add3A_41, %dma_start3A_42] : memref<10000x128xf32, #tpu.memory_space<vmem_shared>> -> memref<128x128xf32, #tpu.memory_space<vmem_shared>>
    %dma_start3A_44 = arith.constant 0 : i32
    %dma_start3A_45 = tpu.memref_slice %arg14[%add3A_41, %dma_start3A_44] : memref<10000x128xf32, #tpu.memory_space<vmem_shared>> -> memref<128x128xf32, #tpu.memory_space<vmem_shared>>
    tpu.enqueue_dma source(%arg11 : memref<128x128xf32, #tpu.memory_space<vmem>>) target(%dma_start3A_45 : memref<128x128xf32, #tpu.memory_space<vmem_shared>>) target_semaphore(%arg19 : memref<!tpu.dma_semaphore, #tpu.memory_space<semaphore_mem>>)
    %add3A_46 = arith.constant 384 : i32
    %add3A_47 = arith.addi %mul3A_27, %add3A_46 : i32
    %dma_start3A_48 = arith.constant 0 : i32
    %dma_start3A_49 = tpu.memref_slice %arg14[%add3A_47, %dma_start3A_48] : memref<10000x128xf32, #tpu.memory_space<vmem_shared>> -> memref<128x128xf32, #tpu.memory_space<vmem_shared>>
    %dma_start3A_50 = arith.constant 0 : i32
    %dma_start3A_51 = tpu.memref_slice %arg14[%add3A_47, %dma_start3A_50] : memref<10000x128xf32, #tpu.memory_space<vmem_shared>> -> memref<128x128xf32, #tpu.memory_space<vmem_shared>>
    tpu.enqueue_dma source(%arg11 : memref<128x128xf32, #tpu.memory_space<vmem>>) target(%dma_start3A_51 : memref<128x128xf32, #tpu.memory_space<vmem_shared>>) target_semaphore(%arg19 : memref<!tpu.dma_semaphore, #tpu.memory_space<semaphore_mem>>)
    %add3A_52 = arith.constant 512 : i32
    %add3A_53 = arith.addi %mul3A_27, %add3A_52 : i32
    %dma_start3A_54 = arith.constant 0 : i32
    %dma_start3A_55 = arith.constant 0 : i32
    %dma_start3A_56 = tpu.memref_slice %arg11[%dma_start3A_54, %dma_start3A_55] : memref<128x128xf32, #tpu.memory_space<vmem>> -> memref<112x128xf32, #tpu.memory_space<vmem>>
    %dma_start3A_57 = arith.constant 0 : i32
    %dma_start3A_58 = tpu.memref_slice %arg14[%add3A_53, %dma_start3A_57] : memref<10000x128xf32, #tpu.memory_space<vmem_shared>> -> memref<112x128xf32, #tpu.memory_space<vmem_shared>>
    %dma_start3A_59 = arith.constant 0 : i32
    %dma_start3A_60 = tpu.memref_slice %arg14[%add3A_53, %dma_start3A_59] : memref<10000x128xf32, #tpu.memory_space<vmem_shared>> -> memref<112x128xf32, #tpu.memory_space<vmem_shared>>
    %dma_start3A_61 = arith.constant 0 : i32
    %dma_start3A_62 = arith.constant 0 : i32
    %dma_start3A_63 = tpu.memref_slice %arg11[%dma_start3A_61, %dma_start3A_62] : memref<128x128xf32, #tpu.memory_space<vmem>> -> memref<112x128xf32, #tpu.memory_space<vmem>>
    tpu.enqueue_dma source(%dma_start3A_63 : memref<112x128xf32, #tpu.memory_space<vmem>>) target(%dma_start3A_60 : memref<112x128xf32, #tpu.memory_space<vmem_shared>>) target_semaphore(%arg19 : memref<!tpu.dma_semaphore, #tpu.memory_space<semaphore_mem>>)
    %eq3A = arith.constant 3 : i32
    %eq3A_64 = arith.cmpi eq, %arg1, %eq3A : i32
    %convert_element_type3A = arith.extui %eq3A_64 : i1 to i32
    %cond3A = arith.constant 0 : i32
    %cond3A_65 = arith.cmpi ne, %convert_element_type3A, %cond3A : i32
    scf.if %cond3A_65 {
      "tpu.region"() ({
        %run_scoped3A_297 = tpu.sem_alloc : memref<!tpu.dma_semaphore, #tpu.memory_space<semaphore_mem>>
        %dma_start3A_298 = arith.constant 0 : i32
        %dma_start3A_299 = arith.constant 0 : i32
        %dma_start3A_300 = tpu.memref_slice %arg11[%dma_start3A_298, %dma_start3A_299] : memref<128x128xf32, #tpu.memory_space<vmem>> -> memref<16x128xf32, #tpu.memory_space<vmem>>
        %dma_start3A_301 = arith.constant 9984 : i32
        %dma_start3A_302 = arith.constant 0 : i32
        %dma_start3A_303 = tpu.memref_slice %arg14[%dma_start3A_301, %dma_start3A_302] : memref<10000x128xf32, #tpu.memory_space<vmem_shared>> -> memref<16x128xf32, #tpu.memory_space<vmem_shared>>
        %dma_start3A_304 = arith.constant 9984 : i32
        %dma_start3A_305 = arith.constant 0 : i32
        %dma_start3A_306 = tpu.memref_slice %arg14[%dma_start3A_304, %dma_start3A_305] : memref<10000x128xf32, #tpu.memory_space<vmem_shared>> -> memref<16x128xf32, #tpu.memory_space<vmem_shared>>
        %dma_start3A_307 = arith.constant 0 : i32
        %dma_start3A_308 = arith.constant 0 : i32
        %dma_start3A_309 = tpu.memref_slice %arg11[%dma_start3A_307, %dma_start3A_308] : memref<128x128xf32, #tpu.memory_space<vmem>> -> memref<16x128xf32, #tpu.memory_space<vmem>>
        tpu.enqueue_dma source(%dma_start3A_309 : memref<16x128xf32, #tpu.memory_space<vmem>>) target(%dma_start3A_306 : memref<16x128xf32, #tpu.memory_space<vmem_shared>>) target_semaphore(%run_scoped3A_297 : memref<!tpu.dma_semaphore, #tpu.memory_space<semaphore_mem>>)
        %dma_wait3A_310 = arith.constant 0 : i32
        %dma_wait3A_311 = arith.constant 0 : i32
        %dma_wait3A_312 = tpu.memref_slice %arg11[%dma_wait3A_310, %dma_wait3A_311] : memref<128x128xf32, #tpu.memory_space<vmem>> -> memref<16x128xf32, #tpu.memory_space<vmem>>
        %dma_wait3A_313 = arith.constant 9984 : i32
        %dma_wait3A_314 = arith.constant 0 : i32
        %dma_wait3A_315 = tpu.memref_slice %arg14[%dma_wait3A_313, %dma_wait3A_314] : memref<10000x128xf32, #tpu.memory_space<vmem_shared>> -> memref<16x128xf32, #tpu.memory_space<vmem_shared>>
        %dma_wait3A_316 = arith.constant 9984 : i32
        %dma_wait3A_317 = arith.constant 0 : i32
        %dma_wait3A_318 = tpu.memref_slice %arg14[%dma_wait3A_316, %dma_wait3A_317] : memref<10000x128xf32, #tpu.memory_space<vmem_shared>> -> memref<16x128xf32, #tpu.memory_space<vmem_shared>>
        %dma_wait3A_319 = arith.constant 0 : i32
        %dma_wait3A_320 = arith.constant 0 : i32
        %dma_wait3A_321 = tpu.memref_slice %arg11[%dma_wait3A_319, %dma_wait3A_320] : memref<128x128xf32, #tpu.memory_space<vmem>> -> memref<16x128xf32, #tpu.memory_space<vmem>>
        tpu.wait_dma2 semaphore(%run_scoped3A_297 : memref<!tpu.dma_semaphore, #tpu.memory_space<semaphore_mem>>) src(%dma_wait3A_321 : memref<16x128xf32, #tpu.memory_space<vmem>>) dst(%dma_wait3A_318 : memref<16x128xf32, #tpu.memory_space<vmem_shared>>)
        tpu.yield
      }) : () -> ()
    } else {
    }
    %scan3A_66 = arith.constant 0 : i32
    %scan3A_67 = arith.constant 0 : i32
    %scan3A_68 = arith.constant 125 : i32
    %scan3A_69 = arith.addi %scan3A_67, %scan3A_68 : i32
    %scan3A_70 = arith.constant 1 : i32
    scf.for %scan3A_297 = %scan3A_67 to %scan3A_69 step %scan3A_70  : i32 {
      %mul3A_298 = arith.constant 16 : i32
      %mul3A_299 = arith.muli %scan3A_297, %mul3A_298 : i32
      %swap3A_300 = arith.index_cast %mul3A_299 : i32 to index
      %swap3A_301 = tpu.vector_load %arg13[%swap3A_300] {strides = array<i32>} : memref<2000xf32, #tpu.memory_space<vmem>>, vector<16xf32>,
      %swap3A_302 = vector.shape_cast %swap3A_301 : vector<16xf32> to vector<16xf32>
      %swap3A_303 = vector.shape_cast %broadcast_in_dim3A_11 : vector<16xf32> to vector<16xf32>
      tpu.vector_store %arg13[%swap3A_300], %swap3A_303 {strides = array<i32>} : memref<2000xf32, #tpu.memory_space<vmem>>, vector<16xf32>,
    }
    %scan3A_71 = arith.constant 125 : i32
    %broadcast_in_dim3A_72 = arith.constant 1.000000e+00 : f32
    %broadcast_in_dim3A_73 = vector.broadcast %broadcast_in_dim3A_72 : f32 to vector<16xf32>
    %swap3A = arith.constant 0 : index
    %swap3A_74 = tpu.vector_load %arg12[%swap3A] {strides = array<i32>} : memref<128xf32, #tpu.memory_space<vmem>>, vector<16xf32>,
    %swap3A_75 = vector.shape_cast %swap3A_74 : vector<16xf32> to vector<16xf32>
    %swap3A_76 = vector.shape_cast %broadcast_in_dim3A_73 : vector<16xf32> to vector<16xf32>
    tpu.vector_store %arg12[%swap3A], %swap3A_76 {strides = array<i32>} : memref<128xf32, #tpu.memory_space<vmem>>, vector<16xf32>,
    %swap3A_77 = arith.constant 16 : index
    %swap3A_78 = tpu.vector_load %arg12[%swap3A_77] {strides = array<i32>} : memref<128xf32, #tpu.memory_space<vmem>>, vector<16xf32>,
    %swap3A_79 = vector.shape_cast %swap3A_78 : vector<16xf32> to vector<16xf32>
    %swap3A_80 = vector.shape_cast %broadcast_in_dim3A_73 : vector<16xf32> to vector<16xf32>
    tpu.vector_store %arg12[%swap3A_77], %swap3A_80 {strides = array<i32>} : memref<128xf32, #tpu.memory_space<vmem>>, vector<16xf32>,
    %swap3A_81 = arith.constant 32 : index
    %swap3A_82 = tpu.vector_load %arg12[%swap3A_81] {strides = array<i32>} : memref<128xf32, #tpu.memory_space<vmem>>, vector<16xf32>,
    %swap3A_83 = vector.shape_cast %swap3A_82 : vector<16xf32> to vector<16xf32>
    %swap3A_84 = vector.shape_cast %broadcast_in_dim3A_73 : vector<16xf32> to vector<16xf32>
    tpu.vector_store %arg12[%swap3A_81], %swap3A_84 {strides = array<i32>} : memref<128xf32, #tpu.memory_space<vmem>>, vector<16xf32>,
    %swap3A_85 = arith.constant 48 : index
    %swap3A_86 = tpu.vector_load %arg12[%swap3A_85] {strides = array<i32>} : memref<128xf32, #tpu.memory_space<vmem>>, vector<16xf32>,
    %swap3A_87 = vector.shape_cast %swap3A_86 : vector<16xf32> to vector<16xf32>
    %swap3A_88 = vector.shape_cast %broadcast_in_dim3A_73 : vector<16xf32> to vector<16xf32>
    tpu.vector_store %arg12[%swap3A_85], %swap3A_88 {strides = array<i32>} : memref<128xf32, #tpu.memory_space<vmem>>, vector<16xf32>,
    %swap3A_89 = arith.constant 64 : index
    %swap3A_90 = tpu.vector_load %arg12[%swap3A_89] {strides = array<i32>} : memref<128xf32, #tpu.memory_space<vmem>>, vector<16xf32>,
    %swap3A_91 = vector.shape_cast %swap3A_90 : vector<16xf32> to vector<16xf32>
    %swap3A_92 = vector.shape_cast %broadcast_in_dim3A_73 : vector<16xf32> to vector<16xf32>
    tpu.vector_store %arg12[%swap3A_89], %swap3A_92 {strides = array<i32>} : memref<128xf32, #tpu.memory_space<vmem>>, vector<16xf32>,
    %swap3A_93 = arith.constant 80 : index
    %swap3A_94 = tpu.vector_load %arg12[%swap3A_93] {strides = array<i32>} : memref<128xf32, #tpu.memory_space<vmem>>, vector<16xf32>,
    %swap3A_95 = vector.shape_cast %swap3A_94 : vector<16xf32> to vector<16xf32>
    %swap3A_96 = vector.shape_cast %broadcast_in_dim3A_73 : vector<16xf32> to vector<16xf32>
    tpu.vector_store %arg12[%swap3A_93], %swap3A_96 {strides = array<i32>} : memref<128xf32, #tpu.memory_space<vmem>>, vector<16xf32>,
    %swap3A_97 = arith.constant 96 : index
    %swap3A_98 = tpu.vector_load %arg12[%swap3A_97] {strides = array<i32>} : memref<128xf32, #tpu.memory_space<vmem>>, vector<16xf32>,
    %swap3A_99 = vector.shape_cast %swap3A_98 : vector<16xf32> to vector<16xf32>
    %swap3A_100 = vector.shape_cast %broadcast_in_dim3A_73 : vector<16xf32> to vector<16xf32>
    tpu.vector_store %arg12[%swap3A_97], %swap3A_100 {strides = array<i32>} : memref<128xf32, #tpu.memory_space<vmem>>, vector<16xf32>,
    %swap3A_101 = arith.constant 112 : index
    %swap3A_102 = tpu.vector_load %arg12[%swap3A_101] {strides = array<i32>} : memref<128xf32, #tpu.memory_space<vmem>>, vector<16xf32>,
    %swap3A_103 = vector.shape_cast %swap3A_102 : vector<16xf32> to vector<16xf32>
    %swap3A_104 = vector.shape_cast %broadcast_in_dim3A_73 : vector<16xf32> to vector<16xf32>
    tpu.vector_store %arg12[%swap3A_101], %swap3A_104 {strides = array<i32>} : memref<128xf32, #tpu.memory_space<vmem>>, vector<16xf32>,
    %eq3A_105 = arith.constant 2 : i32
    %eq3A_106 = arith.cmpi eq, %arg1, %eq3A_105 : i32
    %convert_element_type3A_107 = arith.extui %eq3A_106 : i1 to i32
    %cond3A_108 = arith.constant 0 : i32
    %cond3A_109 = arith.cmpi ne, %convert_element_type3A_107, %cond3A_108 : i32
    scf.if %cond3A_109 {
      "tpu.region"() ({
        %run_scoped3A_297 = tpu.sem_alloc : memref<!tpu.dma_semaphore, #tpu.memory_space<semaphore_mem>>
        %dma_start3A_298 = arith.constant 0 : i32
        %dma_start3A_299 = tpu.memref_slice %arg15[%dma_start3A_298] : memref<10000xf32, #tpu.memory_space<vmem_shared>> -> memref<2000xf32, #tpu.memory_space<vmem_shared>>
        %dma_start3A_300 = arith.constant 0 : i32
        %dma_start3A_301 = tpu.memref_slice %arg15[%dma_start3A_300] : memref<10000xf32, #tpu.memory_space<vmem_shared>> -> memref<2000xf32, #tpu.memory_space<vmem_shared>>
        tpu.enqueue_dma source(%arg13 : memref<2000xf32, #tpu.memory_space<vmem>>) target(%dma_start3A_301 : memref<2000xf32, #tpu.memory_space<vmem_shared>>) target_semaphore(%run_scoped3A_297 : memref<!tpu.dma_semaphore, #tpu.memory_space<semaphore_mem>>)
        %dma_wait3A_302 = arith.constant 0 : i32
        %dma_wait3A_303 = tpu.memref_slice %arg15[%dma_wait3A_302] : memref<10000xf32, #tpu.memory_space<vmem_shared>> -> memref<2000xf32, #tpu.memory_space<vmem_shared>>
        %dma_wait3A_304 = arith.constant 0 : i32
        %dma_wait3A_305 = tpu.memref_slice %arg15[%dma_wait3A_304] : memref<10000xf32, #tpu.memory_space<vmem_shared>> -> memref<2000xf32, #tpu.memory_space<vmem_shared>>
        tpu.wait_dma2 semaphore(%run_scoped3A_297 : memref<!tpu.dma_semaphore, #tpu.memory_space<semaphore_mem>>) src(%arg13 : memref<2000xf32, #tpu.memory_space<vmem>>) dst(%dma_wait3A_305 : memref<2000xf32, #tpu.memory_space<vmem_shared>>)
        tpu.yield
      }) : () -> ()
      "tpu.region"() ({
        %run_scoped3A_297 = tpu.sem_alloc : memref<!tpu.dma_semaphore, #tpu.memory_space<semaphore_mem>>
        %dma_start3A_298 = arith.constant 2000 : i32
        %dma_start3A_299 = tpu.memref_slice %arg15[%dma_start3A_298] : memref<10000xf32, #tpu.memory_space<vmem_shared>> -> memref<2000xf32, #tpu.memory_space<vmem_shared>>
        %dma_start3A_300 = arith.constant 2000 : i32
        %dma_start3A_301 = tpu.memref_slice %arg15[%dma_start3A_300] : memref<10000xf32, #tpu.memory_space<vmem_shared>> -> memref<2000xf32, #tpu.memory_space<vmem_shared>>
        tpu.enqueue_dma source(%arg13 : memref<2000xf32, #tpu.memory_space<vmem>>) target(%dma_start3A_301 : memref<2000xf32, #tpu.memory_space<vmem_shared>>) target_semaphore(%run_scoped3A_297 : memref<!tpu.dma_semaphore, #tpu.memory_space<semaphore_mem>>)
        %dma_wait3A_302 = arith.constant 2000 : i32
        %dma_wait3A_303 = tpu.memref_slice %arg15[%dma_wait3A_302] : memref<10000xf32, #tpu.memory_space<vmem_shared>> -> memref<2000xf32, #tpu.memory_space<vmem_shared>>
        %dma_wait3A_304 = arith.constant 2000 : i32
        %dma_wait3A_305 = tpu.memref_slice %arg15[%dma_wait3A_304] : memref<10000xf32, #tpu.memory_space<vmem_shared>> -> memref<2000xf32, #tpu.memory_space<vmem_shared>>
        tpu.wait_dma2 semaphore(%run_scoped3A_297 : memref<!tpu.dma_semaphore, #tpu.memory_space<semaphore_mem>>) src(%arg13 : memref<2000xf32, #tpu.memory_space<vmem>>) dst(%dma_wait3A_305 : memref<2000xf32, #tpu.memory_space<vmem_shared>>)
        tpu.yield
      }) : () -> ()
      "tpu.region"() ({
        %run_scoped3A_297 = tpu.sem_alloc : memref<!tpu.dma_semaphore, #tpu.memory_space<semaphore_mem>>
        %dma_start3A_298 = arith.constant 4000 : i32
        %dma_start3A_299 = tpu.memref_slice %arg15[%dma_start3A_298] : memref<10000xf32, #tpu.memory_space<vmem_shared>> -> memref<2000xf32, #tpu.memory_space<vmem_shared>>
        %dma_start3A_300 = arith.constant 4000 : i32
        %dma_start3A_301 = tpu.memref_slice %arg15[%dma_start3A_300] : memref<10000xf32, #tpu.memory_space<vmem_shared>> -> memref<2000xf32, #tpu.memory_space<vmem_shared>>
        tpu.enqueue_dma source(%arg13 : memref<2000xf32, #tpu.memory_space<vmem>>) target(%dma_start3A_301 : memref<2000xf32, #tpu.memory_space<vmem_shared>>) target_semaphore(%run_scoped3A_297 : memref<!tpu.dma_semaphore, #tpu.memory_space<semaphore_mem>>)
        %dma_wait3A_302 = arith.constant 4000 : i32
        %dma_wait3A_303 = tpu.memref_slice %arg15[%dma_wait3A_302] : memref<10000xf32, #tpu.memory_space<vmem_shared>> -> memref<2000xf32, #tpu.memory_space<vmem_shared>>
        %dma_wait3A_304 = arith.constant 4000 : i32
        %dma_wait3A_305 = tpu.memref_slice %arg15[%dma_wait3A_304] : memref<10000xf32, #tpu.memory_space<vmem_shared>> -> memref<2000xf32, #tpu.memory_space<vmem_shared>>
        tpu.wait_dma2 semaphore(%run_scoped3A_297 : memref<!tpu.dma_semaphore, #tpu.memory_space<semaphore_mem>>) src(%arg13 : memref<2000xf32, #tpu.memory_space<vmem>>) dst(%dma_wait3A_305 : memref<2000xf32, #tpu.memory_space<vmem_shared>>)
        tpu.yield
      }) : () -> ()
      "tpu.region"() ({
        %run_scoped3A_297 = tpu.sem_alloc : memref<!tpu.dma_semaphore, #tpu.memory_space<semaphore_mem>>
        %dma_start3A_298 = arith.constant 6000 : i32
        %dma_start3A_299 = tpu.memref_slice %arg15[%dma_start3A_298] : memref<10000xf32, #tpu.memory_space<vmem_shared>> -> memref<2000xf32, #tpu.memory_space<vmem_shared>>
        %dma_start3A_300 = arith.constant 6000 : i32
        %dma_start3A_301 = tpu.memref_slice %arg15[%dma_start3A_300] : memref<10000xf32, #tpu.memory_space<vmem_shared>> -> memref<2000xf32, #tpu.memory_space<vmem_shared>>
        tpu.enqueue_dma source(%arg13 : memref<2000xf32, #tpu.memory_space<vmem>>) target(%dma_start3A_301 : memref<2000xf32, #tpu.memory_space<vmem_shared>>) target_semaphore(%run_scoped3A_297 : memref<!tpu.dma_semaphore, #tpu.memory_space<semaphore_mem>>)
        %dma_wait3A_302 = arith.constant 6000 : i32
        %dma_wait3A_303 = tpu.memref_slice %arg15[%dma_wait3A_302] : memref<10000xf32, #tpu.memory_space<vmem_shared>> -> memref<2000xf32, #tpu.memory_space<vmem_shared>>
        %dma_wait3A_304 = arith.constant 6000 : i32
        %dma_wait3A_305 = tpu.memref_slice %arg15[%dma_wait3A_304] : memref<10000xf32, #tpu.memory_space<vmem_shared>> -> memref<2000xf32, #tpu.memory_space<vmem_shared>>
        tpu.wait_dma2 semaphore(%run_scoped3A_297 : memref<!tpu.dma_semaphore, #tpu.memory_space<semaphore_mem>>) src(%arg13 : memref<2000xf32, #tpu.memory_space<vmem>>) dst(%dma_wait3A_305 : memref<2000xf32, #tpu.memory_space<vmem_shared>>)
        tpu.yield
      }) : () -> ()
      "tpu.region"() ({
        %run_scoped3A_297 = tpu.sem_alloc : memref<!tpu.dma_semaphore, #tpu.memory_space<semaphore_mem>>
        %dma_start3A_298 = arith.constant 8000 : i32
        %dma_start3A_299 = tpu.memref_slice %arg15[%dma_start3A_298] : memref<10000xf32, #tpu.memory_space<vmem_shared>> -> memref<2000xf32, #tpu.memory_space<vmem_shared>>
        %dma_start3A_300 = arith.constant 8000 : i32
        %dma_start3A_301 = tpu.memref_slice %arg15[%dma_start3A_300] : memref<10000xf32, #tpu.memory_space<vmem_shared>> -> memref<2000xf32, #tpu.memory_space<vmem_shared>>
        tpu.enqueue_dma source(%arg13 : memref<2000xf32, #tpu.memory_space<vmem>>) target(%dma_start3A_301 : memref<2000xf32, #tpu.memory_space<vmem_shared>>) target_semaphore(%run_scoped3A_297 : memref<!tpu.dma_semaphore, #tpu.memory_space<semaphore_mem>>)
        %dma_wait3A_302 = arith.constant 8000 : i32
        %dma_wait3A_303 = tpu.memref_slice %arg15[%dma_wait3A_302] : memref<10000xf32, #tpu.memory_space<vmem_shared>> -> memref<2000xf32, #tpu.memory_space<vmem_shared>>
        %dma_wait3A_304 = arith.constant 8000 : i32
        %dma_wait3A_305 = tpu.memref_slice %arg15[%dma_wait3A_304] : memref<10000xf32, #tpu.memory_space<vmem_shared>> -> memref<2000xf32, #tpu.memory_space<vmem_shared>>
        tpu.wait_dma2 semaphore(%run_scoped3A_297 : memref<!tpu.dma_semaphore, #tpu.memory_space<semaphore_mem>>) src(%arg13 : memref<2000xf32, #tpu.memory_space<vmem>>) dst(%dma_wait3A_305 : memref<2000xf32, #tpu.memory_space<vmem_shared>>)
        tpu.yield
      }) : () -> ()
    } else {
    }
    %add3A_110 = arith.constant 0 : i32
    %add3A_111 = arith.addi %mul3A_27, %add3A_110 : i32
    %dma_wait3A = arith.constant 0 : i32
    %dma_wait3A_112 = tpu.memref_slice %arg14[%add3A_111, %dma_wait3A] : memref<10000x128xf32, #tpu.memory_space<vmem_shared>> -> memref<128x128xf32, #tpu.memory_space<vmem_shared>>
    %dma_wait3A_113 = arith.constant 0 : i32
    %dma_wait3A_114 = tpu.memref_slice %arg14[%add3A_111, %dma_wait3A_113] : memref<10000x128xf32, #tpu.memory_space<vmem_shared>> -> memref<128x128xf32, #tpu.memory_space<vmem_shared>>
    tpu.wait_dma2 semaphore(%arg19 : memref<!tpu.dma_semaphore, #tpu.memory_space<semaphore_mem>>) src(%arg11 : memref<128x128xf32, #tpu.memory_space<vmem>>) dst(%dma_wait3A_114 : memref<128x128xf32, #tpu.memory_space<vmem_shared>>)
    %add3A_115 = arith.constant 128 : i32
    %add3A_116 = arith.addi %mul3A_27, %add3A_115 : i32
    %dma_wait3A_117 = arith.constant 0 : i32
    %dma_wait3A_118 = tpu.memref_slice %arg14[%add3A_116, %dma_wait3A_117] : memref<10000x128xf32, #tpu.memory_space<vmem_shared>> -> memref<128x128xf32, #tpu.memory_space<vmem_shared>>
    %dma_wait3A_119 = arith.constant 0 : i32
    %dma_wait3A_120 = tpu.memref_slice %arg14[%add3A_116, %dma_wait3A_119] : memref<10000x128xf32, #tpu.memory_space<vmem_shared>> -> memref<128x128xf32, #tpu.memory_space<vmem_shared>>
    tpu.wait_dma2 semaphore(%arg19 : memref<!tpu.dma_semaphore, #tpu.memory_space<semaphore_mem>>) src(%arg11 : memref<128x128xf32, #tpu.memory_space<vmem>>) dst(%dma_wait3A_120 : memref<128x128xf32, #tpu.memory_space<vmem_shared>>)
    %add3A_121 = arith.constant 256 : i32
    %add3A_122 = arith.addi %mul3A_27, %add3A_121 : i32
    %dma_wait3A_123 = arith.constant 0 : i32
    %dma_wait3A_124 = tpu.memref_slice %arg14[%add3A_122, %dma_wait3A_123] : memref<10000x128xf32, #tpu.memory_space<vmem_shared>> -> memref<128x128xf32, #tpu.memory_space<vmem_shared>>
    %dma_wait3A_125 = arith.constant 0 : i32
    %dma_wait3A_126 = tpu.memref_slice %arg14[%add3A_122, %dma_wait3A_125] : memref<10000x128xf32, #tpu.memory_space<vmem_shared>> -> memref<128x128xf32, #tpu.memory_space<vmem_shared>>
    tpu.wait_dma2 semaphore(%arg19 : memref<!tpu.dma_semaphore, #tpu.memory_space<semaphore_mem>>) src(%arg11 : memref<128x128xf32, #tpu.memory_space<vmem>>) dst(%dma_wait3A_126 : memref<128x128xf32, #tpu.memory_space<vmem_shared>>)
    %add3A_127 = arith.constant 384 : i32
    %add3A_128 = arith.addi %mul3A_27, %add3A_127 : i32
    %dma_wait3A_129 = arith.constant 0 : i32
    %dma_wait3A_130 = tpu.memref_slice %arg14[%add3A_128, %dma_wait3A_129] : memref<10000x128xf32, #tpu.memory_space<vmem_shared>> -> memref<128x128xf32, #tpu.memory_space<vmem_shared>>
    %dma_wait3A_131 = arith.constant 0 : i32
    %dma_wait3A_132 = tpu.memref_slice %arg14[%add3A_128, %dma_wait3A_131] : memref<10000x128xf32, #tpu.memory_space<vmem_shared>> -> memref<128x128xf32, #tpu.memory_space<vmem_shared>>
    tpu.wait_dma2 semaphore(%arg19 : memref<!tpu.dma_semaphore, #tpu.memory_space<semaphore_mem>>) src(%arg11 : memref<128x128xf32, #tpu.memory_space<vmem>>) dst(%dma_wait3A_132 : memref<128x128xf32, #tpu.memory_space<vmem_shared>>)
    %add3A_133 = arith.constant 512 : i32
    %add3A_134 = arith.addi %mul3A_27, %add3A_133 : i32
    %dma_wait3A_135 = arith.constant 0 : i32
    %dma_wait3A_136 = arith.constant 0 : i32
    %dma_wait3A_137 = tpu.memref_slice %arg11[%dma_wait3A_135, %dma_wait3A_136] : memref<128x128xf32, #tpu.memory_space<vmem>> -> memref<112x128xf32, #tpu.memory_space<vmem>>
    %dma_wait3A_138 = arith.constant 0 : i32
    %dma_wait3A_139 = tpu.memref_slice %arg14[%add3A_134, %dma_wait3A_138] : memref<10000x128xf32, #tpu.memory_space<vmem_shared>> -> memref<112x128xf32, #tpu.memory_space<vmem_shared>>
    %dma_wait3A_140 = arith.constant 0 : i32
    %dma_wait3A_141 = tpu.memref_slice %arg14[%add3A_134, %dma_wait3A_140] : memref<10000x128xf32, #tpu.memory_space<vmem_shared>> -> memref<112x128xf32, #tpu.memory_space<vmem_shared>>
    %dma_wait3A_142 = arith.constant 0 : i32
    %dma_wait3A_143 = arith.constant 0 : i32
    %dma_wait3A_144 = tpu.memref_slice %arg11[%dma_wait3A_142, %dma_wait3A_143] : memref<128x128xf32, #tpu.memory_space<vmem>> -> memref<112x128xf32, #tpu.memory_space<vmem>>
    tpu.wait_dma2 semaphore(%arg19 : memref<!tpu.dma_semaphore, #tpu.memory_space<semaphore_mem>>) src(%dma_wait3A_144 : memref<112x128xf32, #tpu.memory_space<vmem>>) dst(%dma_wait3A_141 : memref<112x128xf32, #tpu.memory_space<vmem_shared>>)
    %barrier3A = arith.constant 0 : index
    tpu.barrier barrier_id(%barrier3A)
    %add3A_145 = arith.constant 3328 : i32
    %add3A_146 = arith.addi %multiple_of3A, %add3A_145 : i32
    %dma_start3A_147 = arith.constant 0 : i32
    %dma_start3A_148 = arith.constant 1 : i32
    %dma_start3A_149 = arith.constant 0 : i32
    %dma_start3A_150 = tpu.memref_slice %arg6[%dma_start3A_148, %dma_start3A_149] : memref<2x3328xi32, #tpu.memory_space<vmem>> -> memref<1x3328xi32, #tpu.memory_space<vmem>>
    %dma_start3A_151 = tpu.memref_squeeze %dma_start3A_150 : memref<1x3328xi32, #tpu.memory_space<vmem>> -> memref<3328xi32, #tpu.memory_space<vmem>>
    %dma_start3A_152 = tpu.memref_slice %arg3[%dma_start3A_147, %add3A_146] : memref<2x320000xi32, #tpu.memory_space<hbm>> -> memref<1x3328xi32, #tpu.memory_space<hbm>>
    %dma_start3A_153 = tpu.memref_squeeze %dma_start3A_152 : memref<1x3328xi32, #tpu.memory_space<hbm>> -> memref<3328xi32, #tpu.memory_space<hbm>>
    %dma_start3A_154 = arith.constant 0 : i32
    %dma_start3A_155 = tpu.memref_slice %arg6[%dma_start3A_148, %dma_start3A_154] : memref<2x3328xi32, #tpu.memory_space<vmem>> -> memref<1x3328xi32, #tpu.memory_space<vmem>>
    %dma_start3A_156 = tpu.memref_squeeze %dma_start3A_155 : memref<1x3328xi32, #tpu.memory_space<vmem>> -> memref<3328xi32, #tpu.memory_space<vmem>>
    %dma_start3A_157 = tpu.memref_slice %arg3[%dma_start3A_147, %add3A_146] : memref<2x320000xi32, #tpu.memory_space<hbm>> -> memref<1x3328xi32, #tpu.memory_space<hbm>>
    %dma_start3A_158 = tpu.memref_squeeze %dma_start3A_157 : memref<1x3328xi32, #tpu.memory_space<hbm>> -> memref<3328xi32, #tpu.memory_space<hbm>>
    tpu.enqueue_dma source(%dma_start3A_158 : memref<3328xi32, #tpu.memory_space<hbm>>) target(%dma_start3A_156 : memref<3328xi32, #tpu.memory_space<vmem>>) target_semaphore(%arg18 : memref<!tpu.dma_semaphore, #tpu.memory_space<semaphore_mem>>)
    %dma_start3A_159 = arith.constant 1 : i32
    %dma_start3A_160 = arith.constant 1 : i32
    %dma_start3A_161 = arith.constant 0 : i32
    %dma_start3A_162 = tpu.memref_slice %arg7[%dma_start3A_160, %dma_start3A_161] : memref<2x3328xi32, #tpu.memory_space<vmem>> -> memref<1x3328xi32, #tpu.memory_space<vmem>>
    %dma_start3A_163 = tpu.memref_squeeze %dma_start3A_162 : memref<1x3328xi32, #tpu.memory_space<vmem>> -> memref<3328xi32, #tpu.memory_space<vmem>>
    %dma_start3A_164 = tpu.memref_slice %arg3[%dma_start3A_159, %add3A_146] : memref<2x320000xi32, #tpu.memory_space<hbm>> -> memref<1x3328xi32, #tpu.memory_space<hbm>>
    %dma_start3A_165 = tpu.memref_squeeze %dma_start3A_164 : memref<1x3328xi32, #tpu.memory_space<hbm>> -> memref<3328xi32, #tpu.memory_space<hbm>>
    %dma_start3A_166 = arith.constant 0 : i32
    %dma_start3A_167 = tpu.memref_slice %arg7[%dma_start3A_160, %dma_start3A_166] : memref<2x3328xi32, #tpu.memory_space<vmem>> -> memref<1x3328xi32, #tpu.memory_space<vmem>>
    %dma_start3A_168 = tpu.memref_squeeze %dma_start3A_167 : memref<1x3328xi32, #tpu.memory_space<vmem>> -> memref<3328xi32, #tpu.memory_space<vmem>>
    %dma_start3A_169 = tpu.memref_slice %arg3[%dma_start3A_159, %add3A_146] : memref<2x320000xi32, #tpu.memory_space<hbm>> -> memref<1x3328xi32, #tpu.memory_space<hbm>>
    %dma_start3A_170 = tpu.memref_squeeze %dma_start3A_169 : memref<1x3328xi32, #tpu.memory_space<hbm>> -> memref<3328xi32, #tpu.memory_space<hbm>>
    tpu.enqueue_dma source(%dma_start3A_170 : memref<3328xi32, #tpu.memory_space<hbm>>) target(%dma_start3A_168 : memref<3328xi32, #tpu.memory_space<vmem>>) target_semaphore(%arg18 : memref<!tpu.dma_semaphore, #tpu.memory_space<semaphore_mem>>)
    %scan3A_171 = arith.constant 0 : i32
    %scan3A_172 = arith.constant 0 : i32
    %scan3A_173 = arith.constant 13 : i32
    %scan3A_174 = arith.addi %scan3A_172, %scan3A_173 : i32
    %scan3A_175 = arith.constant 1 : i32
    scf.for %scan3A_297 = %scan3A_172 to %scan3A_174 step %scan3A_175  : i32 {
      %mul3A_298 = arith.constant 2 : i32
      %mul3A_299 = arith.muli %mul3A_298, %scan3A_297 : i32
      %add3A_300 = arith.constant 1 : i32
      %add3A_301 = arith.addi %mul3A_299, %add3A_300 : i32
      %mul3A_302 = arith.constant 128 : i32
      %mul3A_303 = arith.muli %add3A_301, %mul3A_302 : i32
      %dma_start3A_304 = arith.constant 0 : i32
      %dma_start3A_305 = tpu.memref_slice %arg6[%dma_start3A_304, %mul3A_303] : memref<2x3328xi32, #tpu.memory_space<vmem>> -> memref<1x128xi32, #tpu.memory_space<vmem>>
      %dma_start3A_306 = tpu.memref_squeeze %dma_start3A_305 : memref<1x128xi32, #tpu.memory_space<vmem>> -> memref<128xi32, #tpu.memory_space<vmem>>
      %dma_start3A_307 = arith.constant 0 : i32
      %dma_start3A_308 = arith.constant 0 : i32
      %dma_start3A_309 = tpu.memref_slice %arg2[%dma_start3A_307, %dma_start3A_308] : memref<10000x128xf32, #tpu.memory_space<hbm>> -> memref<10000x128xf32, #tpu.memory_space<hbm>>
      tpu.enqueue_indirect_dma source(%dma_start3A_309 : memref<10000x128xf32, #tpu.memory_space<hbm>>) target(%arg11 : memref<128x128xf32, #tpu.memory_space<vmem>>) offsets(%dma_start3A_306 : memref<128xi32, #tpu.memory_space<vmem>>) semaphore(%arg17 : memref<!tpu.dma_semaphore, #tpu.memory_space<semaphore_mem>>)
      %mul3A_310 = arith.constant 128 : i32
      %mul3A_311 = arith.muli %mul3A_299, %mul3A_310 : i32
      %dma_wait3A_312 = arith.constant 0 : i32
      %dma_wait3A_313 = tpu.memref_slice %arg6[%dma_wait3A_312, %mul3A_311] : memref<2x3328xi32, #tpu.memory_space<vmem>> -> memref<1x128xi32, #tpu.memory_space<vmem>>
      %dma_wait3A_314 = tpu.memref_squeeze %dma_wait3A_313 : memref<1x128xi32, #tpu.memory_space<vmem>> -> memref<128xi32, #tpu.memory_space<vmem>>
      %dma_wait3A_315 = arith.constant 0 : i32
      %dma_wait3A_316 = arith.constant 0 : i32
      %dma_wait3A_317 = tpu.memref_slice %arg2[%dma_wait3A_315, %dma_wait3A_316] : memref<10000x128xf32, #tpu.memory_space<hbm>> -> memref<10000x128xf32, #tpu.memory_space<hbm>>
      tpu.wait_indirect_dma semaphore(%arg16 : memref<!tpu.dma_semaphore, #tpu.memory_space<semaphore_mem>>) src(%dma_wait3A_317 : memref<10000x128xf32, #tpu.memory_space<hbm>>) dst(%arg10 : memref<128x128xf32, #tpu.memory_space<vmem>>)
      %mul3A_318 = arith.constant 128 : i32
      %mul3A_319 = arith.muli %mul3A_299, %mul3A_318 : i32
      %run_scoped3A_320 = arith.constant 0 : i32
      "tpu.region"() ({
        %run_scoped3A_349 = tpu.sem_alloc : memref<!tpu.dma_semaphore, #tpu.memory_space<semaphore_mem>>
        %dma_start3A_350 = tpu.memref_slice %arg7[%run_scoped3A_320, %mul3A_319] : memref<2x3328xi32, #tpu.memory_space<vmem>> -> memref<1x128xi32, #tpu.memory_space<vmem>>
        %dma_start3A_351 = tpu.memref_squeeze %dma_start3A_350 : memref<1x128xi32, #tpu.memory_space<vmem>> -> memref<128xi32, #tpu.memory_space<vmem>>
        %dma_start3A_352 = arith.constant 0 : i32
        %dma_start3A_353 = arith.constant 0 : i32
        %dma_start3A_354 = tpu.memref_slice %arg14[%dma_start3A_352, %dma_start3A_353] : memref<10000x128xf32, #tpu.memory_space<vmem_shared>> -> memref<10000x128xf32, #tpu.memory_space<vmem_shared>>
        tpu.enqueue_indirect_dma source(%arg10 : memref<128x128xf32, #tpu.memory_space<vmem>>) target(%dma_start3A_354 : memref<10000x128xf32, #tpu.memory_space<vmem_shared>>) offsets(%dma_start3A_351 : memref<128xi32, #tpu.memory_space<vmem>>) semaphore(%run_scoped3A_349 : memref<!tpu.dma_semaphore, #tpu.memory_space<semaphore_mem>>) {add = true}
        %dma_wait3A_355 = tpu.memref_slice %arg7[%run_scoped3A_320, %mul3A_319] : memref<2x3328xi32, #tpu.memory_space<vmem>> -> memref<1x128xi32, #tpu.memory_space<vmem>>
        %dma_wait3A_356 = tpu.memref_squeeze %dma_wait3A_355 : memref<1x128xi32, #tpu.memory_space<vmem>> -> memref<128xi32, #tpu.memory_space<vmem>>
        %dma_wait3A_357 = arith.constant 0 : i32
        %dma_wait3A_358 = arith.constant 0 : i32
        %dma_wait3A_359 = tpu.memref_slice %arg14[%dma_wait3A_357, %dma_wait3A_358] : memref<10000x128xf32, #tpu.memory_space<vmem_shared>> -> memref<10000x128xf32, #tpu.memory_space<vmem_shared>>
        tpu.wait_indirect_dma semaphore(%run_scoped3A_349 : memref<!tpu.dma_semaphore, #tpu.memory_space<semaphore_mem>>) src(%arg10 : memref<128x128xf32, #tpu.memory_space<vmem>>) dst(%dma_wait3A_359 : memref<10000x128xf32, #tpu.memory_space<vmem_shared>>)
        tpu.yield
      }) : () -> ()
      %mul3A_321 = arith.constant 128 : i32
      %mul3A_322 = arith.muli %mul3A_299, %mul3A_321 : i32
      %run_scoped3A_323 = arith.constant 0 : i32
      "tpu.region"() ({
        %run_scoped3A_349 = tpu.sem_alloc : memref<!tpu.dma_semaphore, #tpu.memory_space<semaphore_mem>>
        %dma_start3A_350 = tpu.memref_slice %arg7[%run_scoped3A_323, %mul3A_322] : memref<2x3328xi32, #tpu.memory_space<vmem>> -> memref<1x128xi32, #tpu.memory_space<vmem>>
        %dma_start3A_351 = tpu.memref_squeeze %dma_start3A_350 : memref<1x128xi32, #tpu.memory_space<vmem>> -> memref<128xi32, #tpu.memory_space<vmem>>
        %dma_start3A_352 = arith.constant 0 : i32
        %dma_start3A_353 = tpu.memref_slice %arg15[%dma_start3A_352] : memref<10000xf32, #tpu.memory_space<vmem_shared>> -> memref<10000xf32, #tpu.memory_space<vmem_shared>>
        tpu.enqueue_indirect_dma source(%arg12 : memref<128xf32, #tpu.memory_space<vmem>>) target(%dma_start3A_353 : memref<10000xf32, #tpu.memory_space<vmem_shared>>) offsets(%dma_start3A_351 : memref<128xi32, #tpu.memory_space<vmem>>) semaphore(%run_scoped3A_349 : memref<!tpu.dma_semaphore, #tpu.memory_space<semaphore_mem>>) {add = true}
        %dma_wait3A_354 = tpu.memref_slice %arg7[%run_scoped3A_323, %mul3A_322] : memref<2x3328xi32, #tpu.memory_space<vmem>> -> memref<1x128xi32, #tpu.memory_space<vmem>>
        %dma_wait3A_355 = tpu.memref_squeeze %dma_wait3A_354 : memref<1x128xi32, #tpu.memory_space<vmem>> -> memref<128xi32, #tpu.memory_space<vmem>>
        %dma_wait3A_356 = arith.constant 0 : i32
        %dma_wait3A_357 = tpu.memref_slice %arg15[%dma_wait3A_356] : memref<10000xf32, #tpu.memory_space<vmem_shared>> -> memref<10000xf32, #tpu.memory_space<vmem_shared>>
        tpu.wait_indirect_dma semaphore(%run_scoped3A_349 : memref<!tpu.dma_semaphore, #tpu.memory_space<semaphore_mem>>) src(%arg12 : memref<128xf32, #tpu.memory_space<vmem>>) dst(%dma_wait3A_357 : memref<10000xf32, #tpu.memory_space<vmem_shared>>)
        tpu.yield
      }) : () -> ()
      %add3A_324 = arith.constant 2 : i32
      %add3A_325 = arith.addi %mul3A_299, %add3A_324 : i32
      %lt3A_326 = arith.constant 26 : i32
      %lt3A_327 = arith.cmpi slt, %add3A_325, %lt3A_326 : i32
      %convert_element_type3A_328 = arith.extui %lt3A_327 : i1 to i32
      %cond3A_329 = arith.constant 0 : i32
      %cond3A_330 = arith.cmpi ne, %convert_element_type3A_328, %cond3A_329 : i32
      scf.if %cond3A_330 {
        %add3A_349 = arith.constant 2 : i32
        %add3A_350 = arith.addi %mul3A_299, %add3A_349 : i32
        %mul3A_351 = arith.constant 128 : i32
        %mul3A_352 = arith.muli %add3A_350, %mul3A_351 : i32
        %dma_start3A_353 = arith.constant 0 : i32
        %dma_start3A_354 = tpu.memref_slice %arg6[%dma_start3A_353, %mul3A_352] : memref<2x3328xi32, #tpu.memory_space<vmem>> -> memref<1x128xi32, #tpu.memory_space<vmem>>
        %dma_start3A_355 = tpu.memref_squeeze %dma_start3A_354 : memref<1x128xi32, #tpu.memory_space<vmem>> -> memref<128xi32, #tpu.memory_space<vmem>>
        %dma_start3A_356 = arith.constant 0 : i32
        %dma_start3A_357 = arith.constant 0 : i32
        %dma_start3A_358 = tpu.memref_slice %arg2[%dma_start3A_356, %dma_start3A_357] : memref<10000x128xf32, #tpu.memory_space<hbm>> -> memref<10000x128xf32, #tpu.memory_space<hbm>>
        tpu.enqueue_indirect_dma source(%dma_start3A_358 : memref<10000x128xf32, #tpu.memory_space<hbm>>) target(%arg10 : memref<128x128xf32, #tpu.memory_space<vmem>>) offsets(%dma_start3A_355 : memref<128xi32, #tpu.memory_space<vmem>>) semaphore(%arg16 : memref<!tpu.dma_semaphore, #tpu.memory_space<semaphore_mem>>)
      } else {
      }
      %add3A_331 = arith.constant 1 : i32
      %add3A_332 = arith.addi %mul3A_299, %add3A_331 : i32
      %mul3A_333 = arith.constant 128 : i32
      %mul3A_334 = arith.muli %add3A_332, %mul3A_333 : i32
      %dma_wait3A_335 = arith.constant 0 : i32
      %dma_wait3A_336 = tpu.memref_slice %arg6[%dma_wait3A_335, %mul3A_334] : memref<2x3328xi32, #tpu.memory_space<vmem>> -> memref<1x128xi32, #tpu.memory_space<vmem>>
      %dma_wait3A_337 = tpu.memref_squeeze %dma_wait3A_336 : memref<1x128xi32, #tpu.memory_space<vmem>> -> memref<128xi32, #tpu.memory_space<vmem>>
      %dma_wait3A_338 = arith.constant 0 : i32
      %dma_wait3A_339 = arith.constant 0 : i32
      %dma_wait3A_340 = tpu.memref_slice %arg2[%dma_wait3A_338, %dma_wait3A_339] : memref<10000x128xf32, #tpu.memory_space<hbm>> -> memref<10000x128xf32, #tpu.memory_space<hbm>>
      tpu.wait_indirect_dma semaphore(%arg17 : memref<!tpu.dma_semaphore, #tpu.memory_space<semaphore_mem>>) src(%dma_wait3A_340 : memref<10000x128xf32, #tpu.memory_space<hbm>>) dst(%arg11 : memref<128x128xf32, #tpu.memory_space<vmem>>)
      %add3A_341 = arith.constant 1 : i32
      %add3A_342 = arith.addi %mul3A_299, %add3A_341 : i32
      %mul3A_343 = arith.constant 128 : i32
      %mul3A_344 = arith.muli %add3A_342, %mul3A_343 : i32
      %run_scoped3A_345 = arith.constant 0 : i32
      "tpu.region"() ({
        %run_scoped3A_349 = tpu.sem_alloc : memref<!tpu.dma_semaphore, #tpu.memory_space<semaphore_mem>>
        %dma_start3A_350 = tpu.memref_slice %arg7[%run_scoped3A_345, %mul3A_344] : memref<2x3328xi32, #tpu.memory_space<vmem>> -> memref<1x128xi32, #tpu.memory_space<vmem>>
        %dma_start3A_351 = tpu.memref_squeeze %dma_start3A_350 : memref<1x128xi32, #tpu.memory_space<vmem>> -> memref<128xi32, #tpu.memory_space<vmem>>
        %dma_start3A_352 = arith.constant 0 : i32
        %dma_start3A_353 = arith.constant 0 : i32
        %dma_start3A_354 = tpu.memref_slice %arg14[%dma_start3A_352, %dma_start3A_353] : memref<10000x128xf32, #tpu.memory_space<vmem_shared>> -> memref<10000x128xf32, #tpu.memory_space<vmem_shared>>
        tpu.enqueue_indirect_dma source(%arg11 : memref<128x128xf32, #tpu.memory_space<vmem>>) target(%dma_start3A_354 : memref<10000x128xf32, #tpu.memory_space<vmem_shared>>) offsets(%dma_start3A_351 : memref<128xi32, #tpu.memory_space<vmem>>) semaphore(%run_scoped3A_349 : memref<!tpu.dma_semaphore, #tpu.memory_space<semaphore_mem>>) {add = true}
        %dma_wait3A_355 = tpu.memref_slice %arg7[%run_scoped3A_345, %mul3A_344] : memref<2x3328xi32, #tpu.memory_space<vmem>> -> memref<1x128xi32, #tpu.memory_space<vmem>>
        %dma_wait3A_356 = tpu.memref_squeeze %dma_wait3A_355 : memref<1x128xi32, #tpu.memory_space<vmem>> -> memref<128xi32, #tpu.memory_space<vmem>>
        %dma_wait3A_357 = arith.constant 0 : i32
        %dma_wait3A_358 = arith.constant 0 : i32
        %dma_wait3A_359 = tpu.memref_slice %arg14[%dma_wait3A_357, %dma_wait3A_358] : memref<10000x128xf32, #tpu.memory_space<vmem_shared>> -> memref<10000x128xf32, #tpu.memory_space<vmem_shared>>
        tpu.wait_indirect_dma semaphore(%run_scoped3A_349 : memref<!tpu.dma_semaphore, #tpu.memory_space<semaphore_mem>>) src(%arg11 : memref<128x128xf32, #tpu.memory_space<vmem>>) dst(%dma_wait3A_359 : memref<10000x128xf32, #tpu.memory_space<vmem_shared>>)
        tpu.yield
      }) : () -> ()
      %mul3A_346 = arith.constant 128 : i32
      %mul3A_347 = arith.muli %add3A_342, %mul3A_346 : i32
      %run_scoped3A_348 = arith.constant 0 : i32
      "tpu.region"() ({
        %run_scoped3A_349 = tpu.sem_alloc : memref<!tpu.dma_semaphore, #tpu.memory_space<semaphore_mem>>
        %dma_start3A_350 = tpu.memref_slice %arg7[%run_scoped3A_348, %mul3A_347] : memref<2x3328xi32, #tpu.memory_space<vmem>> -> memref<1x128xi32, #tpu.memory_space<vmem>>
        %dma_start3A_351 = tpu.memref_squeeze %dma_start3A_350 : memref<1x128xi32, #tpu.memory_space<vmem>> -> memref<128xi32, #tpu.memory_space<vmem>>
        %dma_start3A_352 = arith.constant 0 : i32
        %dma_start3A_353 = tpu.memref_slice %arg15[%dma_start3A_352] : memref<10000xf32, #tpu.memory_space<vmem_shared>> -> memref<10000xf32, #tpu.memory_space<vmem_shared>>
        tpu.enqueue_indirect_dma source(%arg12 : memref<128xf32, #tpu.memory_space<vmem>>) target(%dma_start3A_353 : memref<10000xf32, #tpu.memory_space<vmem_shared>>) offsets(%dma_start3A_351 : memref<128xi32, #tpu.memory_space<vmem>>) semaphore(%run_scoped3A_349 : memref<!tpu.dma_semaphore, #tpu.memory_space<semaphore_mem>>) {add = true}
        %dma_wait3A_354 = tpu.memref_slice %arg7[%run_scoped3A_348, %mul3A_347] : memref<2x3328xi32, #tpu.memory_space<vmem>> -> memref<1x128xi32, #tpu.memory_space<vmem>>
        %dma_wait3A_355 = tpu.memref_squeeze %dma_wait3A_354 : memref<1x128xi32, #tpu.memory_space<vmem>> -> memref<128xi32, #tpu.memory_space<vmem>>
        %dma_wait3A_356 = arith.constant 0 : i32
        %dma_wait3A_357 = tpu.memref_slice %arg15[%dma_wait3A_356] : memref<10000xf32, #tpu.memory_space<vmem_shared>> -> memref<10000xf32, #tpu.memory_space<vmem_shared>>
        tpu.wait_indirect_dma semaphore(%run_scoped3A_349 : memref<!tpu.dma_semaphore, #tpu.memory_space<semaphore_mem>>) src(%arg12 : memref<128xf32, #tpu.memory_space<vmem>>) dst(%dma_wait3A_357 : memref<10000xf32, #tpu.memory_space<vmem_shared>>)
        tpu.yield
      }) : () -> ()
    }
    %scan3A_176 = arith.constant 13 : i32
    %add3A_177 = arith.constant 3328 : i32
    %add3A_178 = arith.addi %multiple_of3A, %add3A_177 : i32
    %dma_wait3A_179 = arith.constant 0 : i32
    %dma_wait3A_180 = arith.constant 1 : i32
    %dma_wait3A_181 = arith.constant 0 : i32
    %dma_wait3A_182 = tpu.memref_slice %arg6[%dma_wait3A_180, %dma_wait3A_181] : memref<2x3328xi32, #tpu.memory_space<vmem>> -> memref<1x3328xi32, #tpu.memory_space<vmem>>
    %dma_wait3A_183 = tpu.memref_squeeze %dma_wait3A_182 : memref<1x3328xi32, #tpu.memory_space<vmem>> -> memref<3328xi32, #tpu.memory_space<vmem>>
    %dma_wait3A_184 = tpu.memref_slice %arg3[%dma_wait3A_179, %add3A_178] : memref<2x320000xi32, #tpu.memory_space<hbm>> -> memref<1x3328xi32, #tpu.memory_space<hbm>>
    %dma_wait3A_185 = tpu.memref_squeeze %dma_wait3A_184 : memref<1x3328xi32, #tpu.memory_space<hbm>> -> memref<3328xi32, #tpu.memory_space<hbm>>
    %dma_wait3A_186 = arith.constant 0 : i32
    %dma_wait3A_187 = tpu.memref_slice %arg6[%dma_wait3A_180, %dma_wait3A_186] : memref<2x3328xi32, #tpu.memory_space<vmem>> -> memref<1x3328xi32, #tpu.memory_space<vmem>>
    %dma_wait3A_188 = tpu.memref_squeeze %dma_wait3A_187 : memref<1x3328xi32, #tpu.memory_space<vmem>> -> memref<3328xi32, #tpu.memory_space<vmem>>
    %dma_wait3A_189 = tpu.memref_slice %arg3[%dma_wait3A_179, %add3A_178] : memref<2x320000xi32, #tpu.memory_space<hbm>> -> memref<1x3328xi32, #tpu.memory_space<hbm>>
    %dma_wait3A_190 = tpu.memref_squeeze %dma_wait3A_189 : memref<1x3328xi32, #tpu.memory_space<hbm>> -> memref<3328xi32, #tpu.memory_space<hbm>>
    tpu.wait_dma2 semaphore(%arg18 : memref<!tpu.dma_semaphore, #tpu.memory_space<semaphore_mem>>) src(%dma_wait3A_190 : memref<3328xi32, #tpu.memory_space<hbm>>) dst(%dma_wait3A_188 : memref<3328xi32, #tpu.memory_space<vmem>>)
    %dma_wait3A_191 = arith.constant 1 : i32
    %dma_wait3A_192 = arith.constant 1 : i32
    %dma_wait3A_193 = arith.constant 0 : i32
    %dma_wait3A_194 = tpu.memref_slice %arg7[%dma_wait3A_192, %dma_wait3A_193] : memref<2x3328xi32, #tpu.memory_space<vmem>> -> memref<1x3328xi32, #tpu.memory_space<vmem>>
    %dma_wait3A_195 = tpu.memref_squeeze %dma_wait3A_194 : memref<1x3328xi32, #tpu.memory_space<vmem>> -> memref<3328xi32, #tpu.memory_space<vmem>>
    %dma_wait3A_196 = tpu.memref_slice %arg3[%dma_wait3A_191, %add3A_178] : memref<2x320000xi32, #tpu.memory_space<hbm>> -> memref<1x3328xi32, #tpu.memory_space<hbm>>
    %dma_wait3A_197 = tpu.memref_squeeze %dma_wait3A_196 : memref<1x3328xi32, #tpu.memory_space<hbm>> -> memref<3328xi32, #tpu.memory_space<hbm>>
    %dma_wait3A_198 = arith.constant 0 : i32
    %dma_wait3A_199 = tpu.memref_slice %arg7[%dma_wait3A_192, %dma_wait3A_198] : memref<2x3328xi32, #tpu.memory_space<vmem>> -> memref<1x3328xi32, #tpu.memory_space<vmem>>
    %dma_wait3A_200 = tpu.memref_squeeze %dma_wait3A_199 : memref<1x3328xi32, #tpu.memory_space<vmem>> -> memref<3328xi32, #tpu.memory_space<vmem>>
    %dma_wait3A_201 = tpu.memref_slice %arg3[%dma_wait3A_191, %add3A_178] : memref<2x320000xi32, #tpu.memory_space<hbm>> -> memref<1x3328xi32, #tpu.memory_space<hbm>>
    %dma_wait3A_202 = tpu.memref_squeeze %dma_wait3A_201 : memref<1x3328xi32, #tpu.memory_space<hbm>> -> memref<3328xi32, #tpu.memory_space<hbm>>
    tpu.wait_dma2 semaphore(%arg18 : memref<!tpu.dma_semaphore, #tpu.memory_space<semaphore_mem>>) src(%dma_wait3A_202 : memref<3328xi32, #tpu.memory_space<hbm>>) dst(%dma_wait3A_200 : memref<3328xi32, #tpu.memory_space<vmem>>)
    %dma_start3A_203 = arith.constant 1 : i32
    %dma_start3A_204 = arith.constant 0 : i32
    %dma_start3A_205 = tpu.memref_slice %arg6[%dma_start3A_203, %dma_start3A_204] : memref<2x3328xi32, #tpu.memory_space<vmem>> -> memref<1x128xi32, #tpu.memory_space<vmem>>
    %dma_start3A_206 = tpu.memref_squeeze %dma_start3A_205 : memref<1x128xi32, #tpu.memory_space<vmem>> -> memref<128xi32, #tpu.memory_space<vmem>>
    %dma_start3A_207 = arith.constant 0 : i32
    %dma_start3A_208 = arith.constant 0 : i32
    %dma_start3A_209 = tpu.memref_slice %arg2[%dma_start3A_207, %dma_start3A_208] : memref<10000x128xf32, #tpu.memory_space<hbm>> -> memref<10000x128xf32, #tpu.memory_space<hbm>>
    tpu.enqueue_indirect_dma source(%dma_start3A_209 : memref<10000x128xf32, #tpu.memory_space<hbm>>) target(%arg10 : memref<128x128xf32, #tpu.memory_space<vmem>>) offsets(%dma_start3A_206 : memref<128xi32, #tpu.memory_space<vmem>>) semaphore(%arg16 : memref<!tpu.dma_semaphore, #tpu.memory_space<semaphore_mem>>)
    %add3A_210 = arith.constant 6656 : i32
    %add3A_211 = arith.addi %multiple_of3A, %add3A_210 : i32
    %dma_start3A_212 = arith.constant 0 : i32
    %dma_start3A_213 = arith.constant 0 : i32
    %dma_start3A_214 = arith.constant 0 : i32
    %dma_start3A_215 = tpu.memref_slice %arg6[%dma_start3A_213, %dma_start3A_214] : memref<2x3328xi32, #tpu.memory_space<vmem>> -> memref<1x3328xi32, #tpu.memory_space<vmem>>
    %dma_start3A_216 = tpu.memref_squeeze %dma_start3A_215 : memref<1x3328xi32, #tpu.memory_space<vmem>> -> memref<3328xi32, #tpu.memory_space<vmem>>
    %dma_start3A_217 = tpu.memref_slice %arg3[%dma_start3A_212, %add3A_211] : memref<2x320000xi32, #tpu.memory_space<hbm>> -> memref<1x3328xi32, #tpu.memory_space<hbm>>
    %dma_start3A_218 = tpu.memref_squeeze %dma_start3A_217 : memref<1x3328xi32, #tpu.memory_space<hbm>> -> memref<3328xi32, #tpu.memory_space<hbm>>
    %dma_start3A_219 = arith.constant 0 : i32
    %dma_start3A_220 = tpu.memref_slice %arg6[%dma_start3A_213, %dma_start3A_219] : memref<2x3328xi32, #tpu.memory_space<vmem>> -> memref<1x3328xi32, #tpu.memory_space<vmem>>
    %dma_start3A_221 = tpu.memref_squeeze %dma_start3A_220 : memref<1x3328xi32, #tpu.memory_space<vmem>> -> memref<3328xi32, #tpu.memory_space<vmem>>
    %dma_start3A_222 = tpu.memref_slice %arg3[%dma_start3A_212, %add3A_211] : memref<2x320000xi32, #tpu.memory_space<hbm>> -> memref<1x3328xi32, #tpu.memory_space<hbm>>
    %dma_start3A_223 = tpu.memref_squeeze %dma_start3A_222 : memref<1x3328xi32, #tpu.memory_space<hbm>> -> memref<3328xi32, #tpu.memory_space<hbm>>
    tpu.enqueue_dma source(%dma_start3A_223 : memref<3328xi32, #tpu.memory_space<hbm>>) target(%dma_start3A_221 : memref<3328xi32, #tpu.memory_space<vmem>>) target_semaphore(%arg18 : memref<!tpu.dma_semaphore, #tpu.memory_space<semaphore_mem>>)
    %dma_start3A_224 = arith.constant 1 : i32
    %dma_start3A_225 = arith.constant 0 : i32
    %dma_start3A_226 = arith.constant 0 : i32
    %dma_start3A_227 = tpu.memref_slice %arg7[%dma_start3A_225, %dma_start3A_226] : memref<2x3328xi32, #tpu.memory_space<vmem>> -> memref<1x3328xi32, #tpu.memory_space<vmem>>
    %dma_start3A_228 = tpu.memref_squeeze %dma_start3A_227 : memref<1x3328xi32, #tpu.memory_space<vmem>> -> memref<3328xi32, #tpu.memory_space<vmem>>
    %dma_start3A_229 = tpu.memref_slice %arg3[%dma_start3A_224, %add3A_211] : memref<2x320000xi32, #tpu.memory_space<hbm>> -> memref<1x3328xi32, #tpu.memory_space<hbm>>
    %dma_start3A_230 = tpu.memref_squeeze %dma_start3A_229 : memref<1x3328xi32, #tpu.memory_space<hbm>> -> memref<3328xi32, #tpu.memory_space<hbm>>
    %dma_start3A_231 = arith.constant 0 : i32
    %dma_start3A_232 = tpu.memref_slice %arg7[%dma_start3A_225, %dma_start3A_231] : memref<2x3328xi32, #tpu.memory_space<vmem>> -> memref<1x3328xi32, #tpu.memory_space<vmem>>
    %dma_start3A_233 = tpu.memref_squeeze %dma_start3A_232 : memref<1x3328xi32, #tpu.memory_space<vmem>> -> memref<3328xi32, #tpu.memory_space<vmem>>
    %dma_start3A_234 = tpu.memref_slice %arg3[%dma_start3A_224, %add3A_211] : memref<2x320000xi32, #tpu.memory_space<hbm>> -> memref<1x3328xi32, #tpu.memory_space<hbm>>
    %dma_start3A_235 = tpu.memref_squeeze %dma_start3A_234 : memref<1x3328xi32, #tpu.memory_space<hbm>> -> memref<3328xi32, #tpu.memory_space<hbm>>
    tpu.enqueue_dma source(%dma_start3A_235 : memref<3328xi32, #tpu.memory_space<hbm>>) target(%dma_start3A_233 : memref<3328xi32, #tpu.memory_space<vmem>>) target_semaphore(%arg18 : memref<!tpu.dma_semaphore, #tpu.memory_space<semaphore_mem>>)
    %scan3A_236 = arith.constant 0 : i32
    %scan3A_237 = arith.constant 0 : i32
    %scan3A_238 = arith.constant 13 : i32
    %scan3A_239 = arith.addi %scan3A_237, %scan3A_238 : i32
    %scan3A_240 = arith.constant 1 : i32
    scf.for %scan3A_297 = %scan3A_237 to %scan3A_239 step %scan3A_240  : i32 {
      %mul3A_298 = arith.constant 2 : i32
      %mul3A_299 = arith.muli %mul3A_298, %scan3A_297 : i32
      %add3A_300 = arith.constant 1 : i32
      %add3A_301 = arith.addi %mul3A_299, %add3A_300 : i32
      %mul3A_302 = arith.constant 128 : i32
      %mul3A_303 = arith.muli %add3A_301, %mul3A_302 : i32
      %dma_start3A_304 = arith.constant 1 : i32
      %dma_start3A_305 = tpu.memref_slice %arg6[%dma_start3A_304, %mul3A_303] : memref<2x3328xi32, #tpu.memory_space<vmem>> -> memref<1x128xi32, #tpu.memory_space<vmem>>
      %dma_start3A_306 = tpu.memref_squeeze %dma_start3A_305 : memref<1x128xi32, #tpu.memory_space<vmem>> -> memref<128xi32, #tpu.memory_space<vmem>>
      %dma_start3A_307 = arith.constant 0 : i32
      %dma_start3A_308 = arith.constant 0 : i32
      %dma_start3A_309 = tpu.memref_slice %arg2[%dma_start3A_307, %dma_start3A_308] : memref<10000x128xf32, #tpu.memory_space<hbm>> -> memref<10000x128xf32, #tpu.memory_space<hbm>>
      tpu.enqueue_indirect_dma source(%dma_start3A_309 : memref<10000x128xf32, #tpu.memory_space<hbm>>) target(%arg11 : memref<128x128xf32, #tpu.memory_space<vmem>>) offsets(%dma_start3A_306 : memref<128xi32, #tpu.memory_space<vmem>>) semaphore(%arg17 : memref<!tpu.dma_semaphore, #tpu.memory_space<semaphore_mem>>)
      %mul3A_310 = arith.constant 128 : i32
      %mul3A_311 = arith.muli %mul3A_299, %mul3A_310 : i32
      %dma_wait3A_312 = arith.constant 1 : i32
      %dma_wait3A_313 = tpu.memref_slice %arg6[%dma_wait3A_312, %mul3A_311] : memref<2x3328xi32, #tpu.memory_space<vmem>> -> memref<1x128xi32, #tpu.memory_space<vmem>>
      %dma_wait3A_314 = tpu.memref_squeeze %dma_wait3A_313 : memref<1x128xi32, #tpu.memory_space<vmem>> -> memref<128xi32, #tpu.memory_space<vmem>>
      %dma_wait3A_315 = arith.constant 0 : i32
      %dma_wait3A_316 = arith.constant 0 : i32
      %dma_wait3A_317 = tpu.memref_slice %arg2[%dma_wait3A_315, %dma_wait3A_316] : memref<10000x128xf32, #tpu.memory_space<hbm>> -> memref<10000x128xf32, #tpu.memory_space<hbm>>
      tpu.wait_indirect_dma semaphore(%arg16 : memref<!tpu.dma_semaphore, #tpu.memory_space<semaphore_mem>>) src(%dma_wait3A_317 : memref<10000x128xf32, #tpu.memory_space<hbm>>) dst(%arg10 : memref<128x128xf32, #tpu.memory_space<vmem>>)
      %mul3A_318 = arith.constant 128 : i32
      %mul3A_319 = arith.muli %mul3A_299, %mul3A_318 : i32
      %run_scoped3A_320 = arith.constant 1 : i32
      "tpu.region"() ({
        %run_scoped3A_349 = tpu.sem_alloc : memref<!tpu.dma_semaphore, #tpu.memory_space<semaphore_mem>>
        %dma_start3A_350 = tpu.memref_slice %arg7[%run_scoped3A_320, %mul3A_319] : memref<2x3328xi32, #tpu.memory_space<vmem>> -> memref<1x128xi32, #tpu.memory_space<vmem>>
        %dma_start3A_351 = tpu.memref_squeeze %dma_start3A_350 : memref<1x128xi32, #tpu.memory_space<vmem>> -> memref<128xi32, #tpu.memory_space<vmem>>
        %dma_start3A_352 = arith.constant 0 : i32
        %dma_start3A_353 = arith.constant 0 : i32
        %dma_start3A_354 = tpu.memref_slice %arg14[%dma_start3A_352, %dma_start3A_353] : memref<10000x128xf32, #tpu.memory_space<vmem_shared>> -> memref<10000x128xf32, #tpu.memory_space<vmem_shared>>
        tpu.enqueue_indirect_dma source(%arg10 : memref<128x128xf32, #tpu.memory_space<vmem>>) target(%dma_start3A_354 : memref<10000x128xf32, #tpu.memory_space<vmem_shared>>) offsets(%dma_start3A_351 : memref<128xi32, #tpu.memory_space<vmem>>) semaphore(%run_scoped3A_349 : memref<!tpu.dma_semaphore, #tpu.memory_space<semaphore_mem>>) {add = true}
        %dma_wait3A_355 = tpu.memref_slice %arg7[%run_scoped3A_320, %mul3A_319] : memref<2x3328xi32, #tpu.memory_space<vmem>> -> memref<1x128xi32, #tpu.memory_space<vmem>>
        %dma_wait3A_356 = tpu.memref_squeeze %dma_wait3A_355 : memref<1x128xi32, #tpu.memory_space<vmem>> -> memref<128xi32, #tpu.memory_space<vmem>>
        %dma_wait3A_357 = arith.constant 0 : i32
        %dma_wait3A_358 = arith.constant 0 : i32
        %dma_wait3A_359 = tpu.memref_slice %arg14[%dma_wait3A_357, %dma_wait3A_358] : memref<10000x128xf32, #tpu.memory_space<vmem_shared>> -> memref<10000x128xf32, #tpu.memory_space<vmem_shared>>
        tpu.wait_indirect_dma semaphore(%run_scoped3A_349 : memref<!tpu.dma_semaphore, #tpu.memory_space<semaphore_mem>>) src(%arg10 : memref<128x128xf32, #tpu.memory_space<vmem>>) dst(%dma_wait3A_359 : memref<10000x128xf32, #tpu.memory_space<vmem_shared>>)
        tpu.yield
      }) : () -> ()
      %mul3A_321 = arith.constant 128 : i32
      %mul3A_322 = arith.muli %mul3A_299, %mul3A_321 : i32
      %run_scoped3A_323 = arith.constant 1 : i32
      "tpu.region"() ({
        %run_scoped3A_349 = tpu.sem_alloc : memref<!tpu.dma_semaphore, #tpu.memory_space<semaphore_mem>>
        %dma_start3A_350 = tpu.memref_slice %arg7[%run_scoped3A_323, %mul3A_322] : memref<2x3328xi32, #tpu.memory_space<vmem>> -> memref<1x128xi32, #tpu.memory_space<vmem>>
        %dma_start3A_351 = tpu.memref_squeeze %dma_start3A_350 : memref<1x128xi32, #tpu.memory_space<vmem>> -> memref<128xi32, #tpu.memory_space<vmem>>
        %dma_start3A_352 = arith.constant 0 : i32
        %dma_start3A_353 = tpu.memref_slice %arg15[%dma_start3A_352] : memref<10000xf32, #tpu.memory_space<vmem_shared>> -> memref<10000xf32, #tpu.memory_space<vmem_shared>>
        tpu.enqueue_indirect_dma source(%arg12 : memref<128xf32, #tpu.memory_space<vmem>>) target(%dma_start3A_353 : memref<10000xf32, #tpu.memory_space<vmem_shared>>) offsets(%dma_start3A_351 : memref<128xi32, #tpu.memory_space<vmem>>) semaphore(%run_scoped3A_349 : memref<!tpu.dma_semaphore, #tpu.memory_space<semaphore_mem>>) {add = true}
        %dma_wait3A_354 = tpu.memref_slice %arg7[%run_scoped3A_323, %mul3A_322] : memref<2x3328xi32, #tpu.memory_space<vmem>> -> memref<1x128xi32, #tpu.memory_space<vmem>>
        %dma_wait3A_355 = tpu.memref_squeeze %dma_wait3A_354 : memref<1x128xi32, #tpu.memory_space<vmem>> -> memref<128xi32, #tpu.memory_space<vmem>>
        %dma_wait3A_356 = arith.constant 0 : i32
        %dma_wait3A_357 = tpu.memref_slice %arg15[%dma_wait3A_356] : memref<10000xf32, #tpu.memory_space<vmem_shared>> -> memref<10000xf32, #tpu.memory_space<vmem_shared>>
        tpu.wait_indirect_dma semaphore(%run_scoped3A_349 : memref<!tpu.dma_semaphore, #tpu.memory_space<semaphore_mem>>) src(%arg12 : memref<128xf32, #tpu.memory_space<vmem>>) dst(%dma_wait3A_357 : memref<10000xf32, #tpu.memory_space<vmem_shared>>)
        tpu.yield
      }) : () -> ()
      %add3A_324 = arith.constant 2 : i32
      %add3A_325 = arith.addi %mul3A_299, %add3A_324 : i32
      %lt3A_326 = arith.constant 26 : i32
      %lt3A_327 = arith.cmpi slt, %add3A_325, %lt3A_326 : i32
      %convert_element_type3A_328 = arith.extui %lt3A_327 : i1 to i32
      %cond3A_329 = arith.constant 0 : i32
      %cond3A_330 = arith.cmpi ne, %convert_element_type3A_328, %cond3A_329 : i32
      scf.if %cond3A_330 {
        %add3A_349 = arith.constant 2 : i32
        %add3A_350 = arith.addi %mul3A_299, %add3A_349 : i32
        %mul3A_351 = arith.constant 128 : i32
        %mul3A_352 = arith.muli %add3A_350, %mul3A_351 : i32
        %dma_start3A_353 = arith.constant 1 : i32
        %dma_start3A_354 = tpu.memref_slice %arg6[%dma_start3A_353, %mul3A_352] : memref<2x3328xi32, #tpu.memory_space<vmem>> -> memref<1x128xi32, #tpu.memory_space<vmem>>
        %dma_start3A_355 = tpu.memref_squeeze %dma_start3A_354 : memref<1x128xi32, #tpu.memory_space<vmem>> -> memref<128xi32, #tpu.memory_space<vmem>>
        %dma_start3A_356 = arith.constant 0 : i32
        %dma_start3A_357 = arith.constant 0 : i32
        %dma_start3A_358 = tpu.memref_slice %arg2[%dma_start3A_356, %dma_start3A_357] : memref<10000x128xf32, #tpu.memory_space<hbm>> -> memref<10000x128xf32, #tpu.memory_space<hbm>>
        tpu.enqueue_indirect_dma source(%dma_start3A_358 : memref<10000x128xf32, #tpu.memory_space<hbm>>) target(%arg10 : memref<128x128xf32, #tpu.memory_space<vmem>>) offsets(%dma_start3A_355 : memref<128xi32, #tpu.memory_space<vmem>>) semaphore(%arg16 : memref<!tpu.dma_semaphore, #tpu.memory_space<semaphore_mem>>)
      } else {
      }
      %add3A_331 = arith.constant 1 : i32
      %add3A_332 = arith.addi %mul3A_299, %add3A_331 : i32
      %mul3A_333 = arith.constant 128 : i32
      %mul3A_334 = arith.muli %add3A_332, %mul3A_333 : i32
      %dma_wait3A_335 = arith.constant 1 : i32
      %dma_wait3A_336 = tpu.memref_slice %arg6[%dma_wait3A_335, %mul3A_334] : memref<2x3328xi32, #tpu.memory_space<vmem>> -> memref<1x128xi32, #tpu.memory_space<vmem>>
      %dma_wait3A_337 = tpu.memref_squeeze %dma_wait3A_336 : memref<1x128xi32, #tpu.memory_space<vmem>> -> memref<128xi32, #tpu.memory_space<vmem>>
      %dma_wait3A_338 = arith.constant 0 : i32
      %dma_wait3A_339 = arith.constant 0 : i32
      %dma_wait3A_340 = tpu.memref_slice %arg2[%dma_wait3A_338, %dma_wait3A_339] : memref<10000x128xf32, #tpu.memory_space<hbm>> -> memref<10000x128xf32, #tpu.memory_space<hbm>>
      tpu.wait_indirect_dma semaphore(%arg17 : memref<!tpu.dma_semaphore, #tpu.memory_space<semaphore_mem>>) src(%dma_wait3A_340 : memref<10000x128xf32, #tpu.memory_space<hbm>>) dst(%arg11 : memref<128x128xf32, #tpu.memory_space<vmem>>)
      %add3A_341 = arith.constant 1 : i32
      %add3A_342 = arith.addi %mul3A_299, %add3A_341 : i32
      %mul3A_343 = arith.constant 128 : i32
      %mul3A_344 = arith.muli %add3A_342, %mul3A_343 : i32
      %run_scoped3A_345 = arith.constant 1 : i32
      "tpu.region"() ({
        %run_scoped3A_349 = tpu.sem_alloc : memref<!tpu.dma_semaphore, #tpu.memory_space<semaphore_mem>>
        %dma_start3A_350 = tpu.memref_slice %arg7[%run_scoped3A_345, %mul3A_344] : memref<2x3328xi32, #tpu.memory_space<vmem>> -> memref<1x128xi32, #tpu.memory_space<vmem>>
        %dma_start3A_351 = tpu.memref_squeeze %dma_start3A_350 : memref<1x128xi32, #tpu.memory_space<vmem>> -> memref<128xi32, #tpu.memory_space<vmem>>
        %dma_start3A_352 = arith.constant 0 : i32
        %dma_start3A_353 = arith.constant 0 : i32
        %dma_start3A_354 = tpu.memref_slice %arg14[%dma_start3A_352, %dma_start3A_353] : memref<10000x128xf32, #tpu.memory_space<vmem_shared>> -> memref<10000x128xf32, #tpu.memory_space<vmem_shared>>
        tpu.enqueue_indirect_dma source(%arg11 : memref<128x128xf32, #tpu.memory_space<vmem>>) target(%dma_start3A_354 : memref<10000x128xf32, #tpu.memory_space<vmem_shared>>) offsets(%dma_start3A_351 : memref<128xi32, #tpu.memory_space<vmem>>) semaphore(%run_scoped3A_349 : memref<!tpu.dma_semaphore, #tpu.memory_space<semaphore_mem>>) {add = true}
        %dma_wait3A_355 = tpu.memref_slice %arg7[%run_scoped3A_345, %mul3A_344] : memref<2x3328xi32, #tpu.memory_space<vmem>> -> memref<1x128xi32, #tpu.memory_space<vmem>>
        %dma_wait3A_356 = tpu.memref_squeeze %dma_wait3A_355 : memref<1x128xi32, #tpu.memory_space<vmem>> -> memref<128xi32, #tpu.memory_space<vmem>>
        %dma_wait3A_357 = arith.constant 0 : i32
        %dma_wait3A_358 = arith.constant 0 : i32
        %dma_wait3A_359 = tpu.memref_slice %arg14[%dma_wait3A_357, %dma_wait3A_358] : memref<10000x128xf32, #tpu.memory_space<vmem_shared>> -> memref<10000x128xf32, #tpu.memory_space<vmem_shared>>
        tpu.wait_indirect_dma semaphore(%run_scoped3A_349 : memref<!tpu.dma_semaphore, #tpu.memory_space<semaphore_mem>>) src(%arg11 : memref<128x128xf32, #tpu.memory_space<vmem>>) dst(%dma_wait3A_359 : memref<10000x128xf32, #tpu.memory_space<vmem_shared>>)
        tpu.yield
      }) : () -> ()
      %mul3A_346 = arith.constant 128 : i32
      %mul3A_347 = arith.muli %add3A_342, %mul3A_346 : i32
      %run_scoped3A_348 = arith.constant 1 : i32
      "tpu.region"() ({
        %run_scoped3A_349 = tpu.sem_alloc : memref<!tpu.dma_semaphore, #tpu.memory_space<semaphore_mem>>
        %dma_start3A_350 = tpu.memref_slice %arg7[%run_scoped3A_348, %mul3A_347] : memref<2x3328xi32, #tpu.memory_space<vmem>> -> memref<1x128xi32, #tpu.memory_space<vmem>>
        %dma_start3A_351 = tpu.memref_squeeze %dma_start3A_350 : memref<1x128xi32, #tpu.memory_space<vmem>> -> memref<128xi32, #tpu.memory_space<vmem>>
        %dma_start3A_352 = arith.constant 0 : i32
        %dma_start3A_353 = tpu.memref_slice %arg15[%dma_start3A_352] : memref<10000xf32, #tpu.memory_space<vmem_shared>> -> memref<10000xf32, #tpu.memory_space<vmem_shared>>
        tpu.enqueue_indirect_dma source(%arg12 : memref<128xf32, #tpu.memory_space<vmem>>) target(%dma_start3A_353 : memref<10000xf32, #tpu.memory_space<vmem_shared>>) offsets(%dma_start3A_351 : memref<128xi32, #tpu.memory_space<vmem>>) semaphore(%run_scoped3A_349 : memref<!tpu.dma_semaphore, #tpu.memory_space<semaphore_mem>>) {add = true}
        %dma_wait3A_354 = tpu.memref_slice %arg7[%run_scoped3A_348, %mul3A_347] : memref<2x3328xi32, #tpu.memory_space<vmem>> -> memref<1x128xi32, #tpu.memory_space<vmem>>
        %dma_wait3A_355 = tpu.memref_squeeze %dma_wait3A_354 : memref<1x128xi32, #tpu.memory_space<vmem>> -> memref<128xi32, #tpu.memory_space<vmem>>
        %dma_wait3A_356 = arith.constant 0 : i32
        %dma_wait3A_357 = tpu.memref_slice %arg15[%dma_wait3A_356] : memref<10000xf32, #tpu.memory_space<vmem_shared>> -> memref<10000xf32, #tpu.memory_space<vmem_shared>>
        tpu.wait_indirect_dma semaphore(%run_scoped3A_349 : memref<!tpu.dma_semaphore, #tpu.memory_space<semaphore_mem>>) src(%arg12 : memref<128xf32, #tpu.memory_space<vmem>>) dst(%dma_wait3A_357 : memref<10000xf32, #tpu.memory_space<vmem_shared>>)
        tpu.yield
      }) : () -> ()
    }
    %scan3A_241 = arith.constant 13 : i32
    %add3A_242 = arith.constant 6656 : i32
    %add3A_243 = arith.addi %multiple_of3A, %add3A_242 : i32
    %dma_wait3A_244 = arith.constant 0 : i32
    %dma_wait3A_245 = arith.constant 0 : i32
    %dma_wait3A_246 = arith.constant 0 : i32
    %dma_wait3A_247 = tpu.memref_slice %arg6[%dma_wait3A_245, %dma_wait3A_246] : memref<2x3328xi32, #tpu.memory_space<vmem>> -> memref<1x3328xi32, #tpu.memory_space<vmem>>
    %dma_wait3A_248 = tpu.memref_squeeze %dma_wait3A_247 : memref<1x3328xi32, #tpu.memory_space<vmem>> -> memref<3328xi32, #tpu.memory_space<vmem>>
    %dma_wait3A_249 = tpu.memref_slice %arg3[%dma_wait3A_244, %add3A_243] : memref<2x320000xi32, #tpu.memory_space<hbm>> -> memref<1x3328xi32, #tpu.memory_space<hbm>>
    %dma_wait3A_250 = tpu.memref_squeeze %dma_wait3A_249 : memref<1x3328xi32, #tpu.memory_space<hbm>> -> memref<3328xi32, #tpu.memory_space<hbm>>
    %dma_wait3A_251 = arith.constant 0 : i32
    %dma_wait3A_252 = tpu.memref_slice %arg6[%dma_wait3A_245, %dma_wait3A_251] : memref<2x3328xi32, #tpu.memory_space<vmem>> -> memref<1x3328xi32, #tpu.memory_space<vmem>>
    %dma_wait3A_253 = tpu.memref_squeeze %dma_wait3A_252 : memref<1x3328xi32, #tpu.memory_space<vmem>> -> memref<3328xi32, #tpu.memory_space<vmem>>
    %dma_wait3A_254 = tpu.memref_slice %arg3[%dma_wait3A_244, %add3A_243] : memref<2x320000xi32, #tpu.memory_space<hbm>> -> memref<1x3328xi32, #tpu.memory_space<hbm>>
    %dma_wait3A_255 = tpu.memref_squeeze %dma_wait3A_254 : memref<1x3328xi32, #tpu.memory_space<hbm>> -> memref<3328xi32, #tpu.memory_space<hbm>>
    tpu.wait_dma2 semaphore(%arg18 : memref<!tpu.dma_semaphore, #tpu.memory_space<semaphore_mem>>) src(%dma_wait3A_255 : memref<3328xi32, #tpu.memory_space<hbm>>) dst(%dma_wait3A_253 : memref<3328xi32, #tpu.memory_space<vmem>>)
    %dma_wait3A_256 = arith.constant 1 : i32
    %dma_wait3A_257 = arith.constant 0 : i32
    %dma_wait3A_258 = arith.constant 0 : i32
    %dma_wait3A_259 = tpu.memref_slice %arg7[%dma_wait3A_257, %dma_wait3A_258] : memref<2x3328xi32, #tpu.memory_space<vmem>> -> memref<1x3328xi32, #tpu.memory_space<vmem>>
    %dma_wait3A_260 = tpu.memref_squeeze %dma_wait3A_259 : memref<1x3328xi32, #tpu.memory_space<vmem>> -> memref<3328xi32, #tpu.memory_space<vmem>>
    %dma_wait3A_261 = tpu.memref_slice %arg3[%dma_wait3A_256, %add3A_243] : memref<2x320000xi32, #tpu.memory_space<hbm>> -> memref<1x3328xi32, #tpu.memory_space<hbm>>
    %dma_wait3A_262 = tpu.memref_squeeze %dma_wait3A_261 : memref<1x3328xi32, #tpu.memory_space<hbm>> -> memref<3328xi32, #tpu.memory_space<hbm>>
    %dma_wait3A_263 = arith.constant 0 : i32
    %dma_wait3A_264 = tpu.memref_slice %arg7[%dma_wait3A_257, %dma_wait3A_263] : memref<2x3328xi32, #tpu.memory_space<vmem>> -> memref<1x3328xi32, #tpu.memory_space<vmem>>
    %dma_wait3A_265 = tpu.memref_squeeze %dma_wait3A_264 : memref<1x3328xi32, #tpu.memory_space<vmem>> -> memref<3328xi32, #tpu.memory_space<vmem>>
    %dma_wait3A_266 = tpu.memref_slice %arg3[%dma_wait3A_256, %add3A_243] : memref<2x320000xi32, #tpu.memory_space<hbm>> -> memref<1x3328xi32, #tpu.memory_space<hbm>>
    %dma_wait3A_267 = tpu.memref_squeeze %dma_wait3A_266 : memref<1x3328xi32, #tpu.memory_space<hbm>> -> memref<3328xi32, #tpu.memory_space<hbm>>
    tpu.wait_dma2 semaphore(%arg18 : memref<!tpu.dma_semaphore, #tpu.memory_space<semaphore_mem>>) src(%dma_wait3A_267 : memref<3328xi32, #tpu.memory_space<hbm>>) dst(%dma_wait3A_265 : memref<3328xi32, #tpu.memory_space<vmem>>)
    %dma_start3A_268 = arith.constant 0 : i32
    %dma_start3A_269 = arith.constant 0 : i32
    %dma_start3A_270 = tpu.memref_slice %arg6[%dma_start3A_268, %dma_start3A_269] : memref<2x3328xi32, #tpu.memory_space<vmem>> -> memref<1x128xi32, #tpu.memory_space<vmem>>
    %dma_start3A_271 = tpu.memref_squeeze %dma_start3A_270 : memref<1x128xi32, #tpu.memory_space<vmem>> -> memref<128xi32, #tpu.memory_space<vmem>>
    %dma_start3A_272 = arith.constant 0 : i32
    %dma_start3A_273 = arith.constant 0 : i32
    %dma_start3A_274 = tpu.memref_slice %arg2[%dma_start3A_272, %dma_start3A_273] : memref<10000x128xf32, #tpu.memory_space<hbm>> -> memref<10000x128xf32, #tpu.memory_space<hbm>>
    tpu.enqueue_indirect_dma source(%dma_start3A_274 : memref<10000x128xf32, #tpu.memory_space<hbm>>) target(%arg10 : memref<128x128xf32, #tpu.memory_space<vmem>>) offsets(%dma_start3A_271 : memref<128xi32, #tpu.memory_space<vmem>>) semaphore(%arg16 : memref<!tpu.dma_semaphore, #tpu.memory_space<semaphore_mem>>)
    %scan3A_275 = arith.constant 0 : i32
    %scan3A_276 = arith.constant 0 : i32
    %scan3A_277 = arith.constant 13 : i32
    %scan3A_278 = arith.addi %scan3A_276, %scan3A_277 : i32
    %scan3A_279 = arith.constant 1 : i32
    scf.for %scan3A_297 = %scan3A_276 to %scan3A_278 step %scan3A_279  : i32 {
      %mul3A_298 = arith.constant 2 : i32
      %mul3A_299 = arith.muli %mul3A_298, %scan3A_297 : i32
      %add3A_300 = arith.constant 1 : i32
      %add3A_301 = arith.addi %mul3A_299, %add3A_300 : i32
      %mul3A_302 = arith.constant 128 : i32
      %mul3A_303 = arith.muli %add3A_301, %mul3A_302 : i32
      %dma_start3A_304 = arith.constant 0 : i32
      %dma_start3A_305 = tpu.memref_slice %arg6[%dma_start3A_304, %mul3A_303] : memref<2x3328xi32, #tpu.memory_space<vmem>> -> memref<1x128xi32, #tpu.memory_space<vmem>>
      %dma_start3A_306 = tpu.memref_squeeze %dma_start3A_305 : memref<1x128xi32, #tpu.memory_space<vmem>> -> memref<128xi32, #tpu.memory_space<vmem>>
      %dma_start3A_307 = arith.constant 0 : i32
      %dma_start3A_308 = arith.constant 0 : i32
      %dma_start3A_309 = tpu.memref_slice %arg2[%dma_start3A_307, %dma_start3A_308] : memref<10000x128xf32, #tpu.memory_space<hbm>> -> memref<10000x128xf32, #tpu.memory_space<hbm>>
      tpu.enqueue_indirect_dma source(%dma_start3A_309 : memref<10000x128xf32, #tpu.memory_space<hbm>>) target(%arg11 : memref<128x128xf32, #tpu.memory_space<vmem>>) offsets(%dma_start3A_306 : memref<128xi32, #tpu.memory_space<vmem>>) semaphore(%arg17 : memref<!tpu.dma_semaphore, #tpu.memory_space<semaphore_mem>>)
      %mul3A_310 = arith.constant 128 : i32
      %mul3A_311 = arith.muli %mul3A_299, %mul3A_310 : i32
      %dma_wait3A_312 = arith.constant 0 : i32
      %dma_wait3A_313 = tpu.memref_slice %arg6[%dma_wait3A_312, %mul3A_311] : memref<2x3328xi32, #tpu.memory_space<vmem>> -> memref<1x128xi32, #tpu.memory_space<vmem>>
      %dma_wait3A_314 = tpu.memref_squeeze %dma_wait3A_313 : memref<1x128xi32, #tpu.memory_space<vmem>> -> memref<128xi32, #tpu.memory_space<vmem>>
      %dma_wait3A_315 = arith.constant 0 : i32
      %dma_wait3A_316 = arith.constant 0 : i32
      %dma_wait3A_317 = tpu.memref_slice %arg2[%dma_wait3A_315, %dma_wait3A_316] : memref<10000x128xf32, #tpu.memory_space<hbm>> -> memref<10000x128xf32, #tpu.memory_space<hbm>>
      tpu.wait_indirect_dma semaphore(%arg16 : memref<!tpu.dma_semaphore, #tpu.memory_space<semaphore_mem>>) src(%dma_wait3A_317 : memref<10000x128xf32, #tpu.memory_space<hbm>>) dst(%arg10 : memref<128x128xf32, #tpu.memory_space<vmem>>)
      %mul3A_318 = arith.constant 128 : i32
      %mul3A_319 = arith.muli %mul3A_299, %mul3A_318 : i32
      %run_scoped3A_320 = arith.constant 0 : i32
      "tpu.region"() ({
        %run_scoped3A_349 = tpu.sem_alloc : memref<!tpu.dma_semaphore, #tpu.memory_space<semaphore_mem>>
        %dma_start3A_350 = tpu.memref_slice %arg7[%run_scoped3A_320, %mul3A_319] : memref<2x3328xi32, #tpu.memory_space<vmem>> -> memref<1x128xi32, #tpu.memory_space<vmem>>
        %dma_start3A_351 = tpu.memref_squeeze %dma_start3A_350 : memref<1x128xi32, #tpu.memory_space<vmem>> -> memref<128xi32, #tpu.memory_space<vmem>>
        %dma_start3A_352 = arith.constant 0 : i32
        %dma_start3A_353 = arith.constant 0 : i32
        %dma_start3A_354 = tpu.memref_slice %arg14[%dma_start3A_352, %dma_start3A_353] : memref<10000x128xf32, #tpu.memory_space<vmem_shared>> -> memref<10000x128xf32, #tpu.memory_space<vmem_shared>>
        tpu.enqueue_indirect_dma source(%arg10 : memref<128x128xf32, #tpu.memory_space<vmem>>) target(%dma_start3A_354 : memref<10000x128xf32, #tpu.memory_space<vmem_shared>>) offsets(%dma_start3A_351 : memref<128xi32, #tpu.memory_space<vmem>>) semaphore(%run_scoped3A_349 : memref<!tpu.dma_semaphore, #tpu.memory_space<semaphore_mem>>) {add = true}
        %dma_wait3A_355 = tpu.memref_slice %arg7[%run_scoped3A_320, %mul3A_319] : memref<2x3328xi32, #tpu.memory_space<vmem>> -> memref<1x128xi32, #tpu.memory_space<vmem>>
        %dma_wait3A_356 = tpu.memref_squeeze %dma_wait3A_355 : memref<1x128xi32, #tpu.memory_space<vmem>> -> memref<128xi32, #tpu.memory_space<vmem>>
        %dma_wait3A_357 = arith.constant 0 : i32
        %dma_wait3A_358 = arith.constant 0 : i32
        %dma_wait3A_359 = tpu.memref_slice %arg14[%dma_wait3A_357, %dma_wait3A_358] : memref<10000x128xf32, #tpu.memory_space<vmem_shared>> -> memref<10000x128xf32, #tpu.memory_space<vmem_shared>>
        tpu.wait_indirect_dma semaphore(%run_scoped3A_349 : memref<!tpu.dma_semaphore, #tpu.memory_space<semaphore_mem>>) src(%arg10 : memref<128x128xf32, #tpu.memory_space<vmem>>) dst(%dma_wait3A_359 : memref<10000x128xf32, #tpu.memory_space<vmem_shared>>)
        tpu.yield
      }) : () -> ()
      %mul3A_321 = arith.constant 128 : i32
      %mul3A_322 = arith.muli %mul3A_299, %mul3A_321 : i32
      %run_scoped3A_323 = arith.constant 0 : i32
      "tpu.region"() ({
        %run_scoped3A_349 = tpu.sem_alloc : memref<!tpu.dma_semaphore, #tpu.memory_space<semaphore_mem>>
        %dma_start3A_350 = tpu.memref_slice %arg7[%run_scoped3A_323, %mul3A_322] : memref<2x3328xi32, #tpu.memory_space<vmem>> -> memref<1x128xi32, #tpu.memory_space<vmem>>
        %dma_start3A_351 = tpu.memref_squeeze %dma_start3A_350 : memref<1x128xi32, #tpu.memory_space<vmem>> -> memref<128xi32, #tpu.memory_space<vmem>>
        %dma_start3A_352 = arith.constant 0 : i32
        %dma_start3A_353 = tpu.memref_slice %arg15[%dma_start3A_352] : memref<10000xf32, #tpu.memory_space<vmem_shared>> -> memref<10000xf32, #tpu.memory_space<vmem_shared>>
        tpu.enqueue_indirect_dma source(%arg12 : memref<128xf32, #tpu.memory_space<vmem>>) target(%dma_start3A_353 : memref<10000xf32, #tpu.memory_space<vmem_shared>>) offsets(%dma_start3A_351 : memref<128xi32, #tpu.memory_space<vmem>>) semaphore(%run_scoped3A_349 : memref<!tpu.dma_semaphore, #tpu.memory_space<semaphore_mem>>) {add = true}
        %dma_wait3A_354 = tpu.memref_slice %arg7[%run_scoped3A_323, %mul3A_322] : memref<2x3328xi32, #tpu.memory_space<vmem>> -> memref<1x128xi32, #tpu.memory_space<vmem>>
        %dma_wait3A_355 = tpu.memref_squeeze %dma_wait3A_354 : memref<1x128xi32, #tpu.memory_space<vmem>> -> memref<128xi32, #tpu.memory_space<vmem>>
        %dma_wait3A_356 = arith.constant 0 : i32
        %dma_wait3A_357 = tpu.memref_slice %arg15[%dma_wait3A_356] : memref<10000xf32, #tpu.memory_space<vmem_shared>> -> memref<10000xf32, #tpu.memory_space<vmem_shared>>
        tpu.wait_indirect_dma semaphore(%run_scoped3A_349 : memref<!tpu.dma_semaphore, #tpu.memory_space<semaphore_mem>>) src(%arg12 : memref<128xf32, #tpu.memory_space<vmem>>) dst(%dma_wait3A_357 : memref<10000xf32, #tpu.memory_space<vmem_shared>>)
        tpu.yield
      }) : () -> ()
      %add3A_324 = arith.constant 2 : i32
      %add3A_325 = arith.addi %mul3A_299, %add3A_324 : i32
      %lt3A_326 = arith.constant 26 : i32
      %lt3A_327 = arith.cmpi slt, %add3A_325, %lt3A_326 : i32
      %convert_element_type3A_328 = arith.extui %lt3A_327 : i1 to i32
      %cond3A_329 = arith.constant 0 : i32
      %cond3A_330 = arith.cmpi ne, %convert_element_type3A_328, %cond3A_329 : i32
      scf.if %cond3A_330 {
        %add3A_349 = arith.constant 2 : i32
        %add3A_350 = arith.addi %mul3A_299, %add3A_349 : i32
        %mul3A_351 = arith.constant 128 : i32
        %mul3A_352 = arith.muli %add3A_350, %mul3A_351 : i32
        %dma_start3A_353 = arith.constant 0 : i32
        %dma_start3A_354 = tpu.memref_slice %arg6[%dma_start3A_353, %mul3A_352] : memref<2x3328xi32, #tpu.memory_space<vmem>> -> memref<1x128xi32, #tpu.memory_space<vmem>>
        %dma_start3A_355 = tpu.memref_squeeze %dma_start3A_354 : memref<1x128xi32, #tpu.memory_space<vmem>> -> memref<128xi32, #tpu.memory_space<vmem>>
        %dma_start3A_356 = arith.constant 0 : i32
        %dma_start3A_357 = arith.constant 0 : i32
        %dma_start3A_358 = tpu.memref_slice %arg2[%dma_start3A_356, %dma_start3A_357] : memref<10000x128xf32, #tpu.memory_space<hbm>> -> memref<10000x128xf32, #tpu.memory_space<hbm>>
        tpu.enqueue_indirect_dma source(%dma_start3A_358 : memref<10000x128xf32, #tpu.memory_space<hbm>>) target(%arg10 : memref<128x128xf32, #tpu.memory_space<vmem>>) offsets(%dma_start3A_355 : memref<128xi32, #tpu.memory_space<vmem>>) semaphore(%arg16 : memref<!tpu.dma_semaphore, #tpu.memory_space<semaphore_mem>>)
      } else {
      }
      %add3A_331 = arith.constant 1 : i32
      %add3A_332 = arith.addi %mul3A_299, %add3A_331 : i32
      %mul3A_333 = arith.constant 128 : i32
      %mul3A_334 = arith.muli %add3A_332, %mul3A_333 : i32
      %dma_wait3A_335 = arith.constant 0 : i32
      %dma_wait3A_336 = tpu.memref_slice %arg6[%dma_wait3A_335, %mul3A_334] : memref<2x3328xi32, #tpu.memory_space<vmem>> -> memref<1x128xi32, #tpu.memory_space<vmem>>
      %dma_wait3A_337 = tpu.memref_squeeze %dma_wait3A_336 : memref<1x128xi32, #tpu.memory_space<vmem>> -> memref<128xi32, #tpu.memory_space<vmem>>
      %dma_wait3A_338 = arith.constant 0 : i32
      %dma_wait3A_339 = arith.constant 0 : i32
      %dma_wait3A_340 = tpu.memref_slice %arg2[%dma_wait3A_338, %dma_wait3A_339] : memref<10000x128xf32, #tpu.memory_space<hbm>> -> memref<10000x128xf32, #tpu.memory_space<hbm>>
      tpu.wait_indirect_dma semaphore(%arg17 : memref<!tpu.dma_semaphore, #tpu.memory_space<semaphore_mem>>) src(%dma_wait3A_340 : memref<10000x128xf32, #tpu.memory_space<hbm>>) dst(%arg11 : memref<128x128xf32, #tpu.memory_space<vmem>>)
      %add3A_341 = arith.constant 1 : i32
      %add3A_342 = arith.addi %mul3A_299, %add3A_341 : i32
      %mul3A_343 = arith.constant 128 : i32
      %mul3A_344 = arith.muli %add3A_342, %mul3A_343 : i32
      %run_scoped3A_345 = arith.constant 0 : i32
      "tpu.region"() ({
        %run_scoped3A_349 = tpu.sem_alloc : memref<!tpu.dma_semaphore, #tpu.memory_space<semaphore_mem>>
        %dma_start3A_350 = tpu.memref_slice %arg7[%run_scoped3A_345, %mul3A_344] : memref<2x3328xi32, #tpu.memory_space<vmem>> -> memref<1x128xi32, #tpu.memory_space<vmem>>
        %dma_start3A_351 = tpu.memref_squeeze %dma_start3A_350 : memref<1x128xi32, #tpu.memory_space<vmem>> -> memref<128xi32, #tpu.memory_space<vmem>>
        %dma_start3A_352 = arith.constant 0 : i32
        %dma_start3A_353 = arith.constant 0 : i32
        %dma_start3A_354 = tpu.memref_slice %arg14[%dma_start3A_352, %dma_start3A_353] : memref<10000x128xf32, #tpu.memory_space<vmem_shared>> -> memref<10000x128xf32, #tpu.memory_space<vmem_shared>>
        tpu.enqueue_indirect_dma source(%arg11 : memref<128x128xf32, #tpu.memory_space<vmem>>) target(%dma_start3A_354 : memref<10000x128xf32, #tpu.memory_space<vmem_shared>>) offsets(%dma_start3A_351 : memref<128xi32, #tpu.memory_space<vmem>>) semaphore(%run_scoped3A_349 : memref<!tpu.dma_semaphore, #tpu.memory_space<semaphore_mem>>) {add = true}
        %dma_wait3A_355 = tpu.memref_slice %arg7[%run_scoped3A_345, %mul3A_344] : memref<2x3328xi32, #tpu.memory_space<vmem>> -> memref<1x128xi32, #tpu.memory_space<vmem>>
        %dma_wait3A_356 = tpu.memref_squeeze %dma_wait3A_355 : memref<1x128xi32, #tpu.memory_space<vmem>> -> memref<128xi32, #tpu.memory_space<vmem>>
        %dma_wait3A_357 = arith.constant 0 : i32
        %dma_wait3A_358 = arith.constant 0 : i32
        %dma_wait3A_359 = tpu.memref_slice %arg14[%dma_wait3A_357, %dma_wait3A_358] : memref<10000x128xf32, #tpu.memory_space<vmem_shared>> -> memref<10000x128xf32, #tpu.memory_space<vmem_shared>>
        tpu.wait_indirect_dma semaphore(%run_scoped3A_349 : memref<!tpu.dma_semaphore, #tpu.memory_space<semaphore_mem>>) src(%arg11 : memref<128x128xf32, #tpu.memory_space<vmem>>) dst(%dma_wait3A_359 : memref<10000x128xf32, #tpu.memory_space<vmem_shared>>)
        tpu.yield
      }) : () -> ()
      %mul3A_346 = arith.constant 128 : i32
      %mul3A_347 = arith.muli %add3A_342, %mul3A_346 : i32
      %run_scoped3A_348 = arith.constant 0 : i32
      "tpu.region"() ({
        %run_scoped3A_349 = tpu.sem_alloc : memref<!tpu.dma_semaphore, #tpu.memory_space<semaphore_mem>>
        %dma_start3A_350 = tpu.memref_slice %arg7[%run_scoped3A_348, %mul3A_347] : memref<2x3328xi32, #tpu.memory_space<vmem>> -> memref<1x128xi32, #tpu.memory_space<vmem>>
        %dma_start3A_351 = tpu.memref_squeeze %dma_start3A_350 : memref<1x128xi32, #tpu.memory_space<vmem>> -> memref<128xi32, #tpu.memory_space<vmem>>
        %dma_start3A_352 = arith.constant 0 : i32
        %dma_start3A_353 = tpu.memref_slice %arg15[%dma_start3A_352] : memref<10000xf32, #tpu.memory_space<vmem_shared>> -> memref<10000xf32, #tpu.memory_space<vmem_shared>>
        tpu.enqueue_indirect_dma source(%arg12 : memref<128xf32, #tpu.memory_space<vmem>>) target(%dma_start3A_353 : memref<10000xf32, #tpu.memory_space<vmem_shared>>) offsets(%dma_start3A_351 : memref<128xi32, #tpu.memory_space<vmem>>) semaphore(%run_scoped3A_349 : memref<!tpu.dma_semaphore, #tpu.memory_space<semaphore_mem>>) {add = true}
        %dma_wait3A_354 = tpu.memref_slice %arg7[%run_scoped3A_348, %mul3A_347] : memref<2x3328xi32, #tpu.memory_space<vmem>> -> memref<1x128xi32, #tpu.memory_space<vmem>>
        %dma_wait3A_355 = tpu.memref_squeeze %dma_wait3A_354 : memref<1x128xi32, #tpu.memory_space<vmem>> -> memref<128xi32, #tpu.memory_space<vmem>>
        %dma_wait3A_356 = arith.constant 0 : i32
        %dma_wait3A_357 = tpu.memref_slice %arg15[%dma_wait3A_356] : memref<10000xf32, #tpu.memory_space<vmem_shared>> -> memref<10000xf32, #tpu.memory_space<vmem_shared>>
        tpu.wait_indirect_dma semaphore(%run_scoped3A_349 : memref<!tpu.dma_semaphore, #tpu.memory_space<semaphore_mem>>) src(%arg12 : memref<128xf32, #tpu.memory_space<vmem>>) dst(%dma_wait3A_357 : memref<10000xf32, #tpu.memory_space<vmem_shared>>)
        tpu.yield
      }) : () -> ()
    }
    %scan3A_280 = arith.constant 13 : i32
    %lt3A_281 = arith.constant 4 : i32
    %lt3A_282 = arith.cmpi slt, %add3A, %lt3A_281 : i32
    %convert_element_type3A_283 = arith.extui %lt3A_282 : i1 to i32
    %cond3A_284 = arith.constant 0 : i32
    %cond3A_285 = arith.cmpi ne, %convert_element_type3A_283, %cond3A_284 : i32
    scf.if %cond3A_285 {
      %add3A_297 = arith.constant 9984 : i32
      %add3A_298 = arith.addi %multiple_of3A, %add3A_297 : i32
      %run_scoped3A_299 = arith.constant 0 : i32
      %run_scoped3A_300 = arith.constant 0 : i32
      "tpu.region"() ({
        %run_scoped3A_319 = tpu.sem_alloc : memref<!tpu.dma_semaphore, #tpu.memory_space<semaphore_mem>>
        %dma_start3A_320 = arith.constant 0 : i32
        %dma_start3A_321 = tpu.memref_slice %arg8[%run_scoped3A_300, %dma_start3A_320] : memref<1x128xi32, #tpu.memory_space<vmem>> -> memref<1x128xi32, #tpu.memory_space<vmem>>
        %dma_start3A_322 = tpu.memref_squeeze %dma_start3A_321 : memref<1x128xi32, #tpu.memory_space<vmem>> -> memref<128xi32, #tpu.memory_space<vmem>>
        %dma_start3A_323 = tpu.memref_slice %arg3[%run_scoped3A_299, %add3A_298] : memref<2x320000xi32, #tpu.memory_space<hbm>> -> memref<1x128xi32, #tpu.memory_space<hbm>>
        %dma_start3A_324 = tpu.memref_squeeze %dma_start3A_323 : memref<1x128xi32, #tpu.memory_space<hbm>> -> memref<128xi32, #tpu.memory_space<hbm>>
        %dma_start3A_325 = arith.constant 0 : i32
        %dma_start3A_326 = tpu.memref_slice %arg8[%run_scoped3A_300, %dma_start3A_325] : memref<1x128xi32, #tpu.memory_space<vmem>> -> memref<1x128xi32, #tpu.memory_space<vmem>>
        %dma_start3A_327 = tpu.memref_squeeze %dma_start3A_326 : memref<1x128xi32, #tpu.memory_space<vmem>> -> memref<128xi32, #tpu.memory_space<vmem>>
        %dma_start3A_328 = tpu.memref_slice %arg3[%run_scoped3A_299, %add3A_298] : memref<2x320000xi32, #tpu.memory_space<hbm>> -> memref<1x128xi32, #tpu.memory_space<hbm>>
        %dma_start3A_329 = tpu.memref_squeeze %dma_start3A_328 : memref<1x128xi32, #tpu.memory_space<hbm>> -> memref<128xi32, #tpu.memory_space<hbm>>
        tpu.enqueue_dma source(%dma_start3A_329 : memref<128xi32, #tpu.memory_space<hbm>>) target(%dma_start3A_327 : memref<128xi32, #tpu.memory_space<vmem>>) target_semaphore(%run_scoped3A_319 : memref<!tpu.dma_semaphore, #tpu.memory_space<semaphore_mem>>)
        %dma_wait3A_330 = arith.constant 0 : i32
        %dma_wait3A_331 = tpu.memref_slice %arg8[%run_scoped3A_300, %dma_wait3A_330] : memref<1x128xi32, #tpu.memory_space<vmem>> -> memref<1x128xi32, #tpu.memory_space<vmem>>
        %dma_wait3A_332 = tpu.memref_squeeze %dma_wait3A_331 : memref<1x128xi32, #tpu.memory_space<vmem>> -> memref<128xi32, #tpu.memory_space<vmem>>
        %dma_wait3A_333 = tpu.memref_slice %arg3[%run_scoped3A_299, %add3A_298] : memref<2x320000xi32, #tpu.memory_space<hbm>> -> memref<1x128xi32, #tpu.memory_space<hbm>>
        %dma_wait3A_334 = tpu.memref_squeeze %dma_wait3A_333 : memref<1x128xi32, #tpu.memory_space<hbm>> -> memref<128xi32, #tpu.memory_space<hbm>>
        %dma_wait3A_335 = arith.constant 0 : i32
        %dma_wait3A_336 = tpu.memref_slice %arg8[%run_scoped3A_300, %dma_wait3A_335] : memref<1x128xi32, #tpu.memory_space<vmem>> -> memref<1x128xi32, #tpu.memory_space<vmem>>
        %dma_wait3A_337 = tpu.memref_squeeze %dma_wait3A_336 : memref<1x128xi32, #tpu.memory_space<vmem>> -> memref<128xi32, #tpu.memory_space<vmem>>
        %dma_wait3A_338 = tpu.memref_slice %arg3[%run_scoped3A_299, %add3A_298] : memref<2x320000xi32, #tpu.memory_space<hbm>> -> memref<1x128xi32, #tpu.memory_space<hbm>>
        %dma_wait3A_339 = tpu.memref_squeeze %dma_wait3A_338 : memref<1x128xi32, #tpu.memory_space<hbm>> -> memref<128xi32, #tpu.memory_space<hbm>>
        tpu.wait_dma2 semaphore(%run_scoped3A_319 : memref<!tpu.dma_semaphore, #tpu.memory_space<semaphore_mem>>) src(%dma_wait3A_339 : memref<128xi32, #tpu.memory_space<hbm>>) dst(%dma_wait3A_337 : memref<128xi32, #tpu.memory_space<vmem>>)
        tpu.yield
      }) : () -> ()
      %run_scoped3A_301 = arith.constant 1 : i32
      %run_scoped3A_302 = arith.constant 0 : i32
      "tpu.region"() ({
        %run_scoped3A_319 = tpu.sem_alloc : memref<!tpu.dma_semaphore, #tpu.memory_space<semaphore_mem>>
        %dma_start3A_320 = arith.constant 0 : i32
        %dma_start3A_321 = tpu.memref_slice %arg9[%run_scoped3A_302, %dma_start3A_320] : memref<1x128xi32, #tpu.memory_space<vmem>> -> memref<1x128xi32, #tpu.memory_space<vmem>>
        %dma_start3A_322 = tpu.memref_squeeze %dma_start3A_321 : memref<1x128xi32, #tpu.memory_space<vmem>> -> memref<128xi32, #tpu.memory_space<vmem>>
        %dma_start3A_323 = tpu.memref_slice %arg3[%run_scoped3A_301, %add3A_298] : memref<2x320000xi32, #tpu.memory_space<hbm>> -> memref<1x128xi32, #tpu.memory_space<hbm>>
        %dma_start3A_324 = tpu.memref_squeeze %dma_start3A_323 : memref<1x128xi32, #tpu.memory_space<hbm>> -> memref<128xi32, #tpu.memory_space<hbm>>
        %dma_start3A_325 = arith.constant 0 : i32
        %dma_start3A_326 = tpu.memref_slice %arg9[%run_scoped3A_302, %dma_start3A_325] : memref<1x128xi32, #tpu.memory_space<vmem>> -> memref<1x128xi32, #tpu.memory_space<vmem>>
        %dma_start3A_327 = tpu.memref_squeeze %dma_start3A_326 : memref<1x128xi32, #tpu.memory_space<vmem>> -> memref<128xi32, #tpu.memory_space<vmem>>
        %dma_start3A_328 = tpu.memref_slice %arg3[%run_scoped3A_301, %add3A_298] : memref<2x320000xi32, #tpu.memory_space<hbm>> -> memref<1x128xi32, #tpu.memory_space<hbm>>
        %dma_start3A_329 = tpu.memref_squeeze %dma_start3A_328 : memref<1x128xi32, #tpu.memory_space<hbm>> -> memref<128xi32, #tpu.memory_space<hbm>>
        tpu.enqueue_dma source(%dma_start3A_329 : memref<128xi32, #tpu.memory_space<hbm>>) target(%dma_start3A_327 : memref<128xi32, #tpu.memory_space<vmem>>) target_semaphore(%run_scoped3A_319 : memref<!tpu.dma_semaphore, #tpu.memory_space<semaphore_mem>>)
        %dma_wait3A_330 = arith.constant 0 : i32
        %dma_wait3A_331 = tpu.memref_slice %arg9[%run_scoped3A_302, %dma_wait3A_330] : memref<1x128xi32, #tpu.memory_space<vmem>> -> memref<1x128xi32, #tpu.memory_space<vmem>>
        %dma_wait3A_332 = tpu.memref_squeeze %dma_wait3A_331 : memref<1x128xi32, #tpu.memory_space<vmem>> -> memref<128xi32, #tpu.memory_space<vmem>>
        %dma_wait3A_333 = tpu.memref_slice %arg3[%run_scoped3A_301, %add3A_298] : memref<2x320000xi32, #tpu.memory_space<hbm>> -> memref<1x128xi32, #tpu.memory_space<hbm>>
        %dma_wait3A_334 = tpu.memref_squeeze %dma_wait3A_333 : memref<1x128xi32, #tpu.memory_space<hbm>> -> memref<128xi32, #tpu.memory_space<hbm>>
        %dma_wait3A_335 = arith.constant 0 : i32
        %dma_wait3A_336 = tpu.memref_slice %arg9[%run_scoped3A_302, %dma_wait3A_335] : memref<1x128xi32, #tpu.memory_space<vmem>> -> memref<1x128xi32, #tpu.memory_space<vmem>>
        %dma_wait3A_337 = tpu.memref_squeeze %dma_wait3A_336 : memref<1x128xi32, #tpu.memory_space<vmem>> -> memref<128xi32, #tpu.memory_space<vmem>>
        %dma_wait3A_338 = tpu.memref_slice %arg3[%run_scoped3A_301, %add3A_298] : memref<2x320000xi32, #tpu.memory_space<hbm>> -> memref<1x128xi32, #tpu.memory_space<hbm>>
        %dma_wait3A_339 = tpu.memref_squeeze %dma_wait3A_338 : memref<1x128xi32, #tpu.memory_space<hbm>> -> memref<128xi32, #tpu.memory_space<hbm>>
        tpu.wait_dma2 semaphore(%run_scoped3A_319 : memref<!tpu.dma_semaphore, #tpu.memory_space<semaphore_mem>>) src(%dma_wait3A_339 : memref<128xi32, #tpu.memory_space<hbm>>) dst(%dma_wait3A_337 : memref<128xi32, #tpu.memory_space<vmem>>)
        tpu.yield
      }) : () -> ()
      %dma_start3A_303 = arith.constant 0 : i32
      %dma_start3A_304 = arith.constant 0 : i32
      %dma_start3A_305 = tpu.memref_slice %arg8[%dma_start3A_303, %dma_start3A_304] : memref<1x128xi32, #tpu.memory_space<vmem>> -> memref<1x128xi32, #tpu.memory_space<vmem>>
      %dma_start3A_306 = tpu.memref_squeeze %dma_start3A_305 : memref<1x128xi32, #tpu.memory_space<vmem>> -> memref<128xi32, #tpu.memory_space<vmem>>
      %dma_start3A_307 = arith.constant 0 : i32
      %dma_start3A_308 = arith.constant 0 : i32
      %dma_start3A_309 = tpu.memref_slice %arg2[%dma_start3A_307, %dma_start3A_308] : memref<10000x128xf32, #tpu.memory_space<hbm>> -> memref<10000x128xf32, #tpu.memory_space<hbm>>
      tpu.enqueue_indirect_dma source(%dma_start3A_309 : memref<10000x128xf32, #tpu.memory_space<hbm>>) target(%arg10 : memref<128x128xf32, #tpu.memory_space<vmem>>) offsets(%dma_start3A_306 : memref<128xi32, #tpu.memory_space<vmem>>) semaphore(%arg16 : memref<!tpu.dma_semaphore, #tpu.memory_space<semaphore_mem>>)
      %dma_wait3A_310 = arith.constant 0 : i32
      %dma_wait3A_311 = arith.constant 0 : i32
      %dma_wait3A_312 = tpu.memref_slice %arg8[%dma_wait3A_310, %dma_wait3A_311] : memref<1x128xi32, #tpu.memory_space<vmem>> -> memref<1x128xi32, #tpu.memory_space<vmem>>
      %dma_wait3A_313 = tpu.memref_squeeze %dma_wait3A_312 : memref<1x128xi32, #tpu.memory_space<vmem>> -> memref<128xi32, #tpu.memory_space<vmem>>
      %dma_wait3A_314 = arith.constant 0 : i32
      %dma_wait3A_315 = arith.constant 0 : i32
      %dma_wait3A_316 = tpu.memref_slice %arg2[%dma_wait3A_314, %dma_wait3A_315] : memref<10000x128xf32, #tpu.memory_space<hbm>> -> memref<10000x128xf32, #tpu.memory_space<hbm>>
      tpu.wait_indirect_dma semaphore(%arg16 : memref<!tpu.dma_semaphore, #tpu.memory_space<semaphore_mem>>) src(%dma_wait3A_316 : memref<10000x128xf32, #tpu.memory_space<hbm>>) dst(%arg10 : memref<128x128xf32, #tpu.memory_space<vmem>>)
      %run_scoped3A_317 = arith.constant 0 : i32
      "tpu.region"() ({
        %run_scoped3A_319 = tpu.sem_alloc : memref<!tpu.dma_semaphore, #tpu.memory_space<semaphore_mem>>
        %dma_start3A_320 = arith.constant 0 : i32
        %dma_start3A_321 = tpu.memref_slice %arg9[%run_scoped3A_317, %dma_start3A_320] : memref<1x128xi32, #tpu.memory_space<vmem>> -> memref<1x128xi32, #tpu.memory_space<vmem>>
        %dma_start3A_322 = tpu.memref_squeeze %dma_start3A_321 : memref<1x128xi32, #tpu.memory_space<vmem>> -> memref<128xi32, #tpu.memory_space<vmem>>
        %dma_start3A_323 = arith.constant 0 : i32
        %dma_start3A_324 = arith.constant 0 : i32
        %dma_start3A_325 = tpu.memref_slice %arg14[%dma_start3A_323, %dma_start3A_324] : memref<10000x128xf32, #tpu.memory_space<vmem_shared>> -> memref<10000x128xf32, #tpu.memory_space<vmem_shared>>
        tpu.enqueue_indirect_dma source(%arg10 : memref<128x128xf32, #tpu.memory_space<vmem>>) target(%dma_start3A_325 : memref<10000x128xf32, #tpu.memory_space<vmem_shared>>) offsets(%dma_start3A_322 : memref<128xi32, #tpu.memory_space<vmem>>) semaphore(%run_scoped3A_319 : memref<!tpu.dma_semaphore, #tpu.memory_space<semaphore_mem>>) {add = true}
        %dma_wait3A_326 = arith.constant 0 : i32
        %dma_wait3A_327 = tpu.memref_slice %arg9[%run_scoped3A_317, %dma_wait3A_326] : memref<1x128xi32, #tpu.memory_space<vmem>> -> memref<1x128xi32, #tpu.memory_space<vmem>>
        %dma_wait3A_328 = tpu.memref_squeeze %dma_wait3A_327 : memref<1x128xi32, #tpu.memory_space<vmem>> -> memref<128xi32, #tpu.memory_space<vmem>>
        %dma_wait3A_329 = arith.constant 0 : i32
        %dma_wait3A_330 = arith.constant 0 : i32
        %dma_wait3A_331 = tpu.memref_slice %arg14[%dma_wait3A_329, %dma_wait3A_330] : memref<10000x128xf32, #tpu.memory_space<vmem_shared>> -> memref<10000x128xf32, #tpu.memory_space<vmem_shared>>
        tpu.wait_indirect_dma semaphore(%run_scoped3A_319 : memref<!tpu.dma_semaphore, #tpu.memory_space<semaphore_mem>>) src(%arg10 : memref<128x128xf32, #tpu.memory_space<vmem>>) dst(%dma_wait3A_331 : memref<10000x128xf32, #tpu.memory_space<vmem_shared>>)
        tpu.yield
      }) : () -> ()
      %run_scoped3A_318 = arith.constant 0 : i32
      "tpu.region"() ({
        %run_scoped3A_319 = tpu.sem_alloc : memref<!tpu.dma_semaphore, #tpu.memory_space<semaphore_mem>>
        %dma_start3A_320 = arith.constant 0 : i32
        %dma_start3A_321 = tpu.memref_slice %arg9[%run_scoped3A_318, %dma_start3A_320] : memref<1x128xi32, #tpu.memory_space<vmem>> -> memref<1x128xi32, #tpu.memory_space<vmem>>
        %dma_start3A_322 = tpu.memref_squeeze %dma_start3A_321 : memref<1x128xi32, #tpu.memory_space<vmem>> -> memref<128xi32, #tpu.memory_space<vmem>>
        %dma_start3A_323 = arith.constant 0 : i32
        %dma_start3A_324 = tpu.memref_slice %arg15[%dma_start3A_323] : memref<10000xf32, #tpu.memory_space<vmem_shared>> -> memref<10000xf32, #tpu.memory_space<vmem_shared>>
        tpu.enqueue_indirect_dma source(%arg12 : memref<128xf32, #tpu.memory_space<vmem>>) target(%dma_start3A_324 : memref<10000xf32, #tpu.memory_space<vmem_shared>>) offsets(%dma_start3A_322 : memref<128xi32, #tpu.memory_space<vmem>>) semaphore(%run_scoped3A_319 : memref<!tpu.dma_semaphore, #tpu.memory_space<semaphore_mem>>) {add = true}
        %dma_wait3A_325 = arith.constant 0 : i32
        %dma_wait3A_326 = tpu.memref_slice %arg9[%run_scoped3A_318, %dma_wait3A_325] : memref<1x128xi32, #tpu.memory_space<vmem>> -> memref<1x128xi32, #tpu.memory_space<vmem>>
        %dma_wait3A_327 = tpu.memref_squeeze %dma_wait3A_326 : memref<1x128xi32, #tpu.memory_space<vmem>> -> memref<128xi32, #tpu.memory_space<vmem>>
        %dma_wait3A_328 = arith.constant 0 : i32
        %dma_wait3A_329 = tpu.memref_slice %arg15[%dma_wait3A_328] : memref<10000xf32, #tpu.memory_space<vmem_shared>> -> memref<10000xf32, #tpu.memory_space<vmem_shared>>
        tpu.wait_indirect_dma semaphore(%run_scoped3A_319 : memref<!tpu.dma_semaphore, #tpu.memory_space<semaphore_mem>>) src(%arg12 : memref<128xf32, #tpu.memory_space<vmem>>) dst(%dma_wait3A_329 : memref<10000xf32, #tpu.memory_space<vmem_shared>>)
        tpu.yield
      }) : () -> ()
    } else {
    }
    %barrier3A_286 = arith.constant 0 : index
    tpu.barrier barrier_id(%barrier3A_286)
    "tpu.region"() ({
      %run_scoped3A_297 = tpu.sem_alloc : memref<!tpu.dma_semaphore, #tpu.memory_space<semaphore_mem>>
      %dma_start3A_298 = arith.constant 0 : i32
      %dma_start3A_299 = tpu.memref_slice %arg4[%arg0, %mul3A_27, %dma_start3A_298] : memref<2x10000x128xf32, #tpu.memory_space<hbm>> -> memref<1x624x128xf32, #tpu.memory_space<hbm>>
      %dma_start3A_300 = tpu.memref_squeeze %dma_start3A_299 : memref<1x624x128xf32, #tpu.memory_space<hbm>> -> memref<624x128xf32, #tpu.memory_space<hbm>>
      %dma_start3A_301 = arith.constant 0 : i32
      %dma_start3A_302 = tpu.memref_slice %arg14[%mul3A_27, %dma_start3A_301] : memref<10000x128xf32, #tpu.memory_space<vmem_shared>> -> memref<624x128xf32, #tpu.memory_space<vmem_shared>>
      tpu.enqueue_dma source(%dma_start3A_302 : memref<624x128xf32, #tpu.memory_space<vmem_shared>>) target(%dma_start3A_300 : memref<624x128xf32, #tpu.memory_space<hbm>>) target_semaphore(%run_scoped3A_297 : memref<!tpu.dma_semaphore, #tpu.memory_space<semaphore_mem>>)
      %dma_wait3A_303 = arith.constant 0 : i32
      %dma_wait3A_304 = tpu.memref_slice %arg4[%arg0, %mul3A_27, %dma_wait3A_303] : memref<2x10000x128xf32, #tpu.memory_space<hbm>> -> memref<1x624x128xf32, #tpu.memory_space<hbm>>
      %dma_wait3A_305 = tpu.memref_squeeze %dma_wait3A_304 : memref<1x624x128xf32, #tpu.memory_space<hbm>> -> memref<624x128xf32, #tpu.memory_space<hbm>>
      %dma_wait3A_306 = arith.constant 0 : i32
      %dma_wait3A_307 = tpu.memref_slice %arg14[%mul3A_27, %dma_wait3A_306] : memref<10000x128xf32, #tpu.memory_space<vmem_shared>> -> memref<624x128xf32, #tpu.memory_space<vmem_shared>>
      tpu.wait_dma2 semaphore(%run_scoped3A_297 : memref<!tpu.dma_semaphore, #tpu.memory_space<semaphore_mem>>) src(%dma_wait3A_307 : memref<624x128xf32, #tpu.memory_space<vmem_shared>>) dst(%dma_wait3A_305 : memref<624x128xf32, #tpu.memory_space<hbm>>)
      tpu.yield
    }) : () -> ()
    %eq3A_287 = arith.constant 3 : i32
    %eq3A_288 = arith.cmpi eq, %arg1, %eq3A_287 : i32
    %convert_element_type3A_289 = arith.extui %eq3A_288 : i1 to i32
    %cond3A_290 = arith.constant 0 : i32
    %cond3A_291 = arith.cmpi ne, %convert_element_type3A_289, %cond3A_290 : i32
    scf.if %cond3A_291 {
      "tpu.region"() ({
        %run_scoped3A_297 = tpu.sem_alloc : memref<!tpu.dma_semaphore, #tpu.memory_space<semaphore_mem>>
        %dma_start3A_298 = arith.constant 9984 : i32
        %dma_start3A_299 = arith.constant 0 : i32
        %dma_start3A_300 = tpu.memref_slice %arg4[%arg0, %dma_start3A_298, %dma_start3A_299] : memref<2x10000x128xf32, #tpu.memory_space<hbm>> -> memref<1x16x128xf32, #tpu.memory_space<hbm>>
        %dma_start3A_301 = tpu.memref_squeeze %dma_start3A_300 : memref<1x16x128xf32, #tpu.memory_space<hbm>> -> memref<16x128xf32, #tpu.memory_space<hbm>>
        %dma_start3A_302 = arith.constant 9984 : i32
        %dma_start3A_303 = arith.constant 0 : i32
        %dma_start3A_304 = tpu.memref_slice %arg14[%dma_start3A_302, %dma_start3A_303] : memref<10000x128xf32, #tpu.memory_space<vmem_shared>> -> memref<16x128xf32, #tpu.memory_space<vmem_shared>>
        tpu.enqueue_dma source(%dma_start3A_304 : memref<16x128xf32, #tpu.memory_space<vmem_shared>>) target(%dma_start3A_301 : memref<16x128xf32, #tpu.memory_space<hbm>>) target_semaphore(%run_scoped3A_297 : memref<!tpu.dma_semaphore, #tpu.memory_space<semaphore_mem>>)
        %dma_wait3A_305 = arith.constant 9984 : i32
        %dma_wait3A_306 = arith.constant 0 : i32
        %dma_wait3A_307 = tpu.memref_slice %arg4[%arg0, %dma_wait3A_305, %dma_wait3A_306] : memref<2x10000x128xf32, #tpu.memory_space<hbm>> -> memref<1x16x128xf32, #tpu.memory_space<hbm>>
        %dma_wait3A_308 = tpu.memref_squeeze %dma_wait3A_307 : memref<1x16x128xf32, #tpu.memory_space<hbm>> -> memref<16x128xf32, #tpu.memory_space<hbm>>
        %dma_wait3A_309 = arith.constant 9984 : i32
        %dma_wait3A_310 = arith.constant 0 : i32
        %dma_wait3A_311 = tpu.memref_slice %arg14[%dma_wait3A_309, %dma_wait3A_310] : memref<10000x128xf32, #tpu.memory_space<vmem_shared>> -> memref<16x128xf32, #tpu.memory_space<vmem_shared>>
        tpu.wait_dma2 semaphore(%run_scoped3A_297 : memref<!tpu.dma_semaphore, #tpu.memory_space<semaphore_mem>>) src(%dma_wait3A_311 : memref<16x128xf32, #tpu.memory_space<vmem_shared>>) dst(%dma_wait3A_308 : memref<16x128xf32, #tpu.memory_space<hbm>>)
        tpu.yield
      }) : () -> ()
    } else {
    }
    %eq3A_292 = arith.constant 2 : i32
    %eq3A_293 = arith.cmpi eq, %arg1, %eq3A_292 : i32
    %convert_element_type3A_294 = arith.extui %eq3A_293 : i1 to i32
    %cond3A_295 = arith.constant 0 : i32
    %cond3A_296 = arith.cmpi ne, %convert_element_type3A_294, %cond3A_295 : i32
    scf.if %cond3A_296 {
      "tpu.region"() ({
        %run_scoped3A_297 = tpu.sem_alloc : memref<!tpu.dma_semaphore, #tpu.memory_space<semaphore_mem>>
        %dma_start3A_298 = arith.constant 0 : i32
        %dma_start3A_299 = tpu.memref_slice %arg5[%arg0, %dma_start3A_298] : memref<2x10000xf32, #tpu.memory_space<hbm>> -> memref<1x10000xf32, #tpu.memory_space<hbm>>
        %dma_start3A_300 = tpu.memref_squeeze %dma_start3A_299 : memref<1x10000xf32, #tpu.memory_space<hbm>> -> memref<10000xf32, #tpu.memory_space<hbm>>
        tpu.enqueue_dma source(%arg15 : memref<10000xf32, #tpu.memory_space<vmem_shared>>) target(%dma_start3A_300 : memref<10000xf32, #tpu.memory_space<hbm>>) target_semaphore(%run_scoped3A_297 : memref<!tpu.dma_semaphore, #tpu.memory_space<semaphore_mem>>)
        %dma_wait3A_301 = arith.constant 0 : i32
        %dma_wait3A_302 = tpu.memref_slice %arg5[%arg0, %dma_wait3A_301] : memref<2x10000xf32, #tpu.memory_space<hbm>> -> memref<1x10000xf32, #tpu.memory_space<hbm>>
        %dma_wait3A_303 = tpu.memref_squeeze %dma_wait3A_302 : memref<1x10000xf32, #tpu.memory_space<hbm>> -> memref<10000xf32, #tpu.memory_space<hbm>>
        tpu.wait_dma2 semaphore(%run_scoped3A_297 : memref<!tpu.dma_semaphore, #tpu.memory_space<semaphore_mem>>) src(%arg15 : memref<10000xf32, #tpu.memory_space<vmem_shared>>) dst(%dma_wait3A_303 : memref<10000xf32, #tpu.memory_space<hbm>>)
        tpu.yield
      }) : () -> ()
    } else {
    }
    return
  }
}

#map = affine_map<(d0, d1) -> (0, 0)>
#map1 = affine_map<(d0, d1) -> (0, 0, 0)>
module attributes {stable_mosaic.version = 14 : i64} {
  func.func @body(%arg0: i32, %arg1: i32, %arg2: memref<10000x128xf32, #tpu.memory_space<hbm>>, %arg3: memref<2x320000xi32, #tpu.memory_space<hbm>>, %arg4: memref<2x10000x128xf32, #tpu.memory_space<hbm>>, %arg5: memref<2x3328xi32, #tpu.memory_space<vmem>>, %arg6: memref<2x3328xi32, #tpu.memory_space<vmem>>, %arg7: memref<1x128xi32, #tpu.memory_space<vmem>>, %arg8: memref<1x128xi32, #tpu.memory_space<vmem>>, %arg9: memref<128x128xf32, #tpu.memory_space<vmem>>, %arg10: memref<128x128xf32, #tpu.memory_space<vmem>>, %arg11: memref<128xf32, #tpu.memory_space<vmem>>, %arg12: memref<2000xf32, #tpu.memory_space<vmem>>, %arg13: memref<10000x128xf32, #tpu.memory_space<vmem_shared>>, %arg14: memref<10000xf32, #tpu.memory_space<vmem_shared>>, %arg15: memref<!tpu.dma_semaphore, #tpu.memory_space<semaphore_mem>>, %arg16: memref<!tpu.dma_semaphore, #tpu.memory_space<semaphore_mem>>, %arg17: memref<!tpu.dma_semaphore, #tpu.memory_space<semaphore_mem>>, %arg18: memref<!tpu.dma_semaphore, #tpu.memory_space<semaphore_mem>>) attributes {dimension_semantics = [#tpu.dimension_semantics<core_parallel>, #tpu.dimension_semantics<subcore_parallel>], iteration_bounds = array<i64: 2, 16>, scalar_prefetch = 0 : i64, scratch_operands = 14 : i64, tpu.core_type = #tpu.core_type<sc_vector_subcore>, window_params = [{transform_indices = #map}, {transform_indices = #map}, {transform_indices = #map1}]} {
    %mul3A = arith.constant 2 : i32
    %mul3A_0 = arith.muli %arg1, %mul3A : i32
    %add3A = arith.addi %mul3A_0, %arg0 : i32
    %lt3A = arith.constant 4 : i32
    %lt3A_1 = arith.cmpi slt, %add3A, %lt3A : i32
    %mul3A_2 = arith.constant 79 : i32
    %mul3A_3 = arith.muli %add3A, %mul3A_2 : i32
    %sub3A = arith.constant 4 : i32
    %sub3A_4 = arith.subi %add3A, %sub3A : i32
    %mul3A_5 = arith.constant 78 : i32
    %mul3A_6 = arith.muli %sub3A_4, %mul3A_5 : i32
    %add3A_7 = arith.constant 316 : i32
    %add3A_8 = arith.addi %add3A_7, %mul3A_6 : i32
    %select_n3A = arith.select %lt3A_1, %mul3A_3, %add3A_8 : i32
    %mul3A_9 = arith.constant 128 : i32
    %mul3A_10 = arith.muli %select_n3A, %mul3A_9 : i32
    %multiple_of3A = tpu.assume_multiple %mul3A_10, 128 : i32
    %broadcast_in_dim3A = arith.constant 0.000000e+00 : f32
    %broadcast_in_dim3A_11 = vector.broadcast %broadcast_in_dim3A : f32 to vector<16xf32>
    %run_scoped3A = arith.constant 0 : i32
    %run_scoped3A_12 = arith.constant 0 : i32
    "tpu.region"() ({
      %run_scoped3A_248 = tpu.sem_alloc : memref<!tpu.dma_semaphore, #tpu.memory_space<semaphore_mem>>
      %dma_start3A_249 = arith.constant 0 : i32
      %dma_start3A_250 = tpu.memref_slice %arg5[%run_scoped3A_12, %dma_start3A_249] : memref<2x3328xi32, #tpu.memory_space<vmem>> -> memref<1x3328xi32, #tpu.memory_space<vmem>>
      %dma_start3A_251 = tpu.memref_squeeze %dma_start3A_250 : memref<1x3328xi32, #tpu.memory_space<vmem>> -> memref<3328xi32, #tpu.memory_space<vmem>>
      %dma_start3A_252 = tpu.memref_slice %arg3[%run_scoped3A, %multiple_of3A] : memref<2x320000xi32, #tpu.memory_space<hbm>> -> memref<1x3328xi32, #tpu.memory_space<hbm>>
      %dma_start3A_253 = tpu.memref_squeeze %dma_start3A_252 : memref<1x3328xi32, #tpu.memory_space<hbm>> -> memref<3328xi32, #tpu.memory_space<hbm>>
      %dma_start3A_254 = arith.constant 0 : i32
      %dma_start3A_255 = tpu.memref_slice %arg5[%run_scoped3A_12, %dma_start3A_254] : memref<2x3328xi32, #tpu.memory_space<vmem>> -> memref<1x3328xi32, #tpu.memory_space<vmem>>
      %dma_start3A_256 = tpu.memref_squeeze %dma_start3A_255 : memref<1x3328xi32, #tpu.memory_space<vmem>> -> memref<3328xi32, #tpu.memory_space<vmem>>
      %dma_start3A_257 = tpu.memref_slice %arg3[%run_scoped3A, %multiple_of3A] : memref<2x320000xi32, #tpu.memory_space<hbm>> -> memref<1x3328xi32, #tpu.memory_space<hbm>>
      %dma_start3A_258 = tpu.memref_squeeze %dma_start3A_257 : memref<1x3328xi32, #tpu.memory_space<hbm>> -> memref<3328xi32, #tpu.memory_space<hbm>>
      tpu.enqueue_dma source(%dma_start3A_258 : memref<3328xi32, #tpu.memory_space<hbm>>) target(%dma_start3A_256 : memref<3328xi32, #tpu.memory_space<vmem>>) target_semaphore(%run_scoped3A_248 : memref<!tpu.dma_semaphore, #tpu.memory_space<semaphore_mem>>)
      %dma_wait3A_259 = arith.constant 0 : i32
      %dma_wait3A_260 = tpu.memref_slice %arg5[%run_scoped3A_12, %dma_wait3A_259] : memref<2x3328xi32, #tpu.memory_space<vmem>> -> memref<1x3328xi32, #tpu.memory_space<vmem>>
      %dma_wait3A_261 = tpu.memref_squeeze %dma_wait3A_260 : memref<1x3328xi32, #tpu.memory_space<vmem>> -> memref<3328xi32, #tpu.memory_space<vmem>>
      %dma_wait3A_262 = tpu.memref_slice %arg3[%run_scoped3A, %multiple_of3A] : memref<2x320000xi32, #tpu.memory_space<hbm>> -> memref<1x3328xi32, #tpu.memory_space<hbm>>
      %dma_wait3A_263 = tpu.memref_squeeze %dma_wait3A_262 : memref<1x3328xi32, #tpu.memory_space<hbm>> -> memref<3328xi32, #tpu.memory_space<hbm>>
      %dma_wait3A_264 = arith.constant 0 : i32
      %dma_wait3A_265 = tpu.memref_slice %arg5[%run_scoped3A_12, %dma_wait3A_264] : memref<2x3328xi32, #tpu.memory_space<vmem>> -> memref<1x3328xi32, #tpu.memory_space<vmem>>
      %dma_wait3A_266 = tpu.memref_squeeze %dma_wait3A_265 : memref<1x3328xi32, #tpu.memory_space<vmem>> -> memref<3328xi32, #tpu.memory_space<vmem>>
      %dma_wait3A_267 = tpu.memref_slice %arg3[%run_scoped3A, %multiple_of3A] : memref<2x320000xi32, #tpu.memory_space<hbm>> -> memref<1x3328xi32, #tpu.memory_space<hbm>>
      %dma_wait3A_268 = tpu.memref_squeeze %dma_wait3A_267 : memref<1x3328xi32, #tpu.memory_space<hbm>> -> memref<3328xi32, #tpu.memory_space<hbm>>
      tpu.wait_dma2 semaphore(%run_scoped3A_248 : memref<!tpu.dma_semaphore, #tpu.memory_space<semaphore_mem>>) src(%dma_wait3A_268 : memref<3328xi32, #tpu.memory_space<hbm>>) dst(%dma_wait3A_266 : memref<3328xi32, #tpu.memory_space<vmem>>)
      tpu.yield
    }) : () -> ()
    %run_scoped3A_13 = arith.constant 1 : i32
    %run_scoped3A_14 = arith.constant 0 : i32
    "tpu.region"() ({
      %run_scoped3A_248 = tpu.sem_alloc : memref<!tpu.dma_semaphore, #tpu.memory_space<semaphore_mem>>
      %dma_start3A_249 = arith.constant 0 : i32
      %dma_start3A_250 = tpu.memref_slice %arg6[%run_scoped3A_14, %dma_start3A_249] : memref<2x3328xi32, #tpu.memory_space<vmem>> -> memref<1x3328xi32, #tpu.memory_space<vmem>>
      %dma_start3A_251 = tpu.memref_squeeze %dma_start3A_250 : memref<1x3328xi32, #tpu.memory_space<vmem>> -> memref<3328xi32, #tpu.memory_space<vmem>>
      %dma_start3A_252 = tpu.memref_slice %arg3[%run_scoped3A_13, %multiple_of3A] : memref<2x320000xi32, #tpu.memory_space<hbm>> -> memref<1x3328xi32, #tpu.memory_space<hbm>>
      %dma_start3A_253 = tpu.memref_squeeze %dma_start3A_252 : memref<1x3328xi32, #tpu.memory_space<hbm>> -> memref<3328xi32, #tpu.memory_space<hbm>>
      %dma_start3A_254 = arith.constant 0 : i32
      %dma_start3A_255 = tpu.memref_slice %arg6[%run_scoped3A_14, %dma_start3A_254] : memref<2x3328xi32, #tpu.memory_space<vmem>> -> memref<1x3328xi32, #tpu.memory_space<vmem>>
      %dma_start3A_256 = tpu.memref_squeeze %dma_start3A_255 : memref<1x3328xi32, #tpu.memory_space<vmem>> -> memref<3328xi32, #tpu.memory_space<vmem>>
      %dma_start3A_257 = tpu.memref_slice %arg3[%run_scoped3A_13, %multiple_of3A] : memref<2x320000xi32, #tpu.memory_space<hbm>> -> memref<1x3328xi32, #tpu.memory_space<hbm>>
      %dma_start3A_258 = tpu.memref_squeeze %dma_start3A_257 : memref<1x3328xi32, #tpu.memory_space<hbm>> -> memref<3328xi32, #tpu.memory_space<hbm>>
      tpu.enqueue_dma source(%dma_start3A_258 : memref<3328xi32, #tpu.memory_space<hbm>>) target(%dma_start3A_256 : memref<3328xi32, #tpu.memory_space<vmem>>) target_semaphore(%run_scoped3A_248 : memref<!tpu.dma_semaphore, #tpu.memory_space<semaphore_mem>>)
      %dma_wait3A_259 = arith.constant 0 : i32
      %dma_wait3A_260 = tpu.memref_slice %arg6[%run_scoped3A_14, %dma_wait3A_259] : memref<2x3328xi32, #tpu.memory_space<vmem>> -> memref<1x3328xi32, #tpu.memory_space<vmem>>
      %dma_wait3A_261 = tpu.memref_squeeze %dma_wait3A_260 : memref<1x3328xi32, #tpu.memory_space<vmem>> -> memref<3328xi32, #tpu.memory_space<vmem>>
      %dma_wait3A_262 = tpu.memref_slice %arg3[%run_scoped3A_13, %multiple_of3A] : memref<2x320000xi32, #tpu.memory_space<hbm>> -> memref<1x3328xi32, #tpu.memory_space<hbm>>
      %dma_wait3A_263 = tpu.memref_squeeze %dma_wait3A_262 : memref<1x3328xi32, #tpu.memory_space<hbm>> -> memref<3328xi32, #tpu.memory_space<hbm>>
      %dma_wait3A_264 = arith.constant 0 : i32
      %dma_wait3A_265 = tpu.memref_slice %arg6[%run_scoped3A_14, %dma_wait3A_264] : memref<2x3328xi32, #tpu.memory_space<vmem>> -> memref<1x3328xi32, #tpu.memory_space<vmem>>
      %dma_wait3A_266 = tpu.memref_squeeze %dma_wait3A_265 : memref<1x3328xi32, #tpu.memory_space<vmem>> -> memref<3328xi32, #tpu.memory_space<vmem>>
      %dma_wait3A_267 = tpu.memref_slice %arg3[%run_scoped3A_13, %multiple_of3A] : memref<2x320000xi32, #tpu.memory_space<hbm>> -> memref<1x3328xi32, #tpu.memory_space<hbm>>
      %dma_wait3A_268 = tpu.memref_squeeze %dma_wait3A_267 : memref<1x3328xi32, #tpu.memory_space<hbm>> -> memref<3328xi32, #tpu.memory_space<hbm>>
      tpu.wait_dma2 semaphore(%run_scoped3A_248 : memref<!tpu.dma_semaphore, #tpu.memory_space<semaphore_mem>>) src(%dma_wait3A_268 : memref<3328xi32, #tpu.memory_space<hbm>>) dst(%dma_wait3A_266 : memref<3328xi32, #tpu.memory_space<vmem>>)
      tpu.yield
    }) : () -> ()
    %dma_start3A = arith.constant 0 : i32
    %dma_start3A_15 = arith.constant 0 : i32
    %dma_start3A_16 = tpu.memref_slice %arg5[%dma_start3A, %dma_start3A_15] : memref<2x3328xi32, #tpu.memory_space<vmem>> -> memref<1x128xi32, #tpu.memory_space<vmem>>
    %dma_start3A_17 = tpu.memref_squeeze %dma_start3A_16 : memref<1x128xi32, #tpu.memory_space<vmem>> -> memref<128xi32, #tpu.memory_space<vmem>>
    %dma_start3A_18 = arith.constant 0 : i32
    %dma_start3A_19 = arith.constant 0 : i32
    %dma_start3A_20 = tpu.memref_slice %arg2[%dma_start3A_18, %dma_start3A_19] : memref<10000x128xf32, #tpu.memory_space<hbm>> -> memref<10000x128xf32, #tpu.memory_space<hbm>>
    tpu.enqueue_indirect_dma source(%dma_start3A_20 : memref<10000x128xf32, #tpu.memory_space<hbm>>) target(%arg9 : memref<128x128xf32, #tpu.memory_space<vmem>>) offsets(%dma_start3A_17 : memref<128xi32, #tpu.memory_space<vmem>>) semaphore(%arg15 : memref<!tpu.dma_semaphore, #tpu.memory_space<semaphore_mem>>)
    %scan3A = arith.constant 0 : i32
    %scan3A_21 = arith.constant 0 : i32
    %scan3A_22 = arith.constant 128 : i32
    %scan3A_23 = arith.addi %scan3A_21, %scan3A_22 : i32
    %scan3A_24 = arith.constant 1 : i32
    scf.for %scan3A_248 = %scan3A_21 to %scan3A_23 step %scan3A_24  : i32 {
      %swap3A = arith.index_cast %scan3A_248 : i32 to index
      %swap3A_249 = arith.constant 0 : index
      %swap3A_250 = tpu.vector_load %arg10[%swap3A, %swap3A_249] {strides = array<i32>} : memref<128x128xf32, #tpu.memory_space<vmem>>, vector<1x16xf32>,
      %swap3A_251 = vector.shape_cast %swap3A_250 : vector<1x16xf32> to vector<16xf32>
      %swap3A_252 = vector.shape_cast %broadcast_in_dim3A_11 : vector<16xf32> to vector<1x16xf32>
      tpu.vector_store %arg10[%swap3A, %swap3A_249], %swap3A_252 {strides = array<i32>} : memref<128x128xf32, #tpu.memory_space<vmem>>, vector<1x16xf32>,
      %swap3A_253 = arith.index_cast %scan3A_248 : i32 to index
      %swap3A_254 = arith.constant 16 : index
      %swap3A_255 = tpu.vector_load %arg10[%swap3A_253, %swap3A_254] {strides = array<i32>} : memref<128x128xf32, #tpu.memory_space<vmem>>, vector<1x16xf32>,
      %swap3A_256 = vector.shape_cast %swap3A_255 : vector<1x16xf32> to vector<16xf32>
      %swap3A_257 = vector.shape_cast %broadcast_in_dim3A_11 : vector<16xf32> to vector<1x16xf32>
      tpu.vector_store %arg10[%swap3A_253, %swap3A_254], %swap3A_257 {strides = array<i32>} : memref<128x128xf32, #tpu.memory_space<vmem>>, vector<1x16xf32>,
      %swap3A_258 = arith.index_cast %scan3A_248 : i32 to index
      %swap3A_259 = arith.constant 32 : index
      %swap3A_260 = tpu.vector_load %arg10[%swap3A_258, %swap3A_259] {strides = array<i32>} : memref<128x128xf32, #tpu.memory_space<vmem>>, vector<1x16xf32>,
      %swap3A_261 = vector.shape_cast %swap3A_260 : vector<1x16xf32> to vector<16xf32>
      %swap3A_262 = vector.shape_cast %broadcast_in_dim3A_11 : vector<16xf32> to vector<1x16xf32>
      tpu.vector_store %arg10[%swap3A_258, %swap3A_259], %swap3A_262 {strides = array<i32>} : memref<128x128xf32, #tpu.memory_space<vmem>>, vector<1x16xf32>,
      %swap3A_263 = arith.index_cast %scan3A_248 : i32 to index
      %swap3A_264 = arith.constant 48 : index
      %swap3A_265 = tpu.vector_load %arg10[%swap3A_263, %swap3A_264] {strides = array<i32>} : memref<128x128xf32, #tpu.memory_space<vmem>>, vector<1x16xf32>,
      %swap3A_266 = vector.shape_cast %swap3A_265 : vector<1x16xf32> to vector<16xf32>
      %swap3A_267 = vector.shape_cast %broadcast_in_dim3A_11 : vector<16xf32> to vector<1x16xf32>
      tpu.vector_store %arg10[%swap3A_263, %swap3A_264], %swap3A_267 {strides = array<i32>} : memref<128x128xf32, #tpu.memory_space<vmem>>, vector<1x16xf32>,
      %swap3A_268 = arith.index_cast %scan3A_248 : i32 to index
      %swap3A_269 = arith.constant 64 : index
      %swap3A_270 = tpu.vector_load %arg10[%swap3A_268, %swap3A_269] {strides = array<i32>} : memref<128x128xf32, #tpu.memory_space<vmem>>, vector<1x16xf32>,
      %swap3A_271 = vector.shape_cast %swap3A_270 : vector<1x16xf32> to vector<16xf32>
      %swap3A_272 = vector.shape_cast %broadcast_in_dim3A_11 : vector<16xf32> to vector<1x16xf32>
      tpu.vector_store %arg10[%swap3A_268, %swap3A_269], %swap3A_272 {strides = array<i32>} : memref<128x128xf32, #tpu.memory_space<vmem>>, vector<1x16xf32>,
      %swap3A_273 = arith.index_cast %scan3A_248 : i32 to index
      %swap3A_274 = arith.constant 80 : index
      %swap3A_275 = tpu.vector_load %arg10[%swap3A_273, %swap3A_274] {strides = array<i32>} : memref<128x128xf32, #tpu.memory_space<vmem>>, vector<1x16xf32>,
      %swap3A_276 = vector.shape_cast %swap3A_275 : vector<1x16xf32> to vector<16xf32>
      %swap3A_277 = vector.shape_cast %broadcast_in_dim3A_11 : vector<16xf32> to vector<1x16xf32>
      tpu.vector_store %arg10[%swap3A_273, %swap3A_274], %swap3A_277 {strides = array<i32>} : memref<128x128xf32, #tpu.memory_space<vmem>>, vector<1x16xf32>,
      %swap3A_278 = arith.index_cast %scan3A_248 : i32 to index
      %swap3A_279 = arith.constant 96 : index
      %swap3A_280 = tpu.vector_load %arg10[%swap3A_278, %swap3A_279] {strides = array<i32>} : memref<128x128xf32, #tpu.memory_space<vmem>>, vector<1x16xf32>,
      %swap3A_281 = vector.shape_cast %swap3A_280 : vector<1x16xf32> to vector<16xf32>
      %swap3A_282 = vector.shape_cast %broadcast_in_dim3A_11 : vector<16xf32> to vector<1x16xf32>
      tpu.vector_store %arg10[%swap3A_278, %swap3A_279], %swap3A_282 {strides = array<i32>} : memref<128x128xf32, #tpu.memory_space<vmem>>, vector<1x16xf32>,
      %swap3A_283 = arith.index_cast %scan3A_248 : i32 to index
      %swap3A_284 = arith.constant 112 : index
      %swap3A_285 = tpu.vector_load %arg10[%swap3A_283, %swap3A_284] {strides = array<i32>} : memref<128x128xf32, #tpu.memory_space<vmem>>, vector<1x16xf32>,
      %swap3A_286 = vector.shape_cast %swap3A_285 : vector<1x16xf32> to vector<16xf32>
      %swap3A_287 = vector.shape_cast %broadcast_in_dim3A_11 : vector<16xf32> to vector<1x16xf32>
      tpu.vector_store %arg10[%swap3A_283, %swap3A_284], %swap3A_287 {strides = array<i32>} : memref<128x128xf32, #tpu.memory_space<vmem>>, vector<1x16xf32>,
    }
    %scan3A_25 = arith.constant 128 : i32
    %mul3A_26 = arith.constant 624 : i32
    %mul3A_27 = arith.muli %arg1, %mul3A_26 : i32
    %add3A_28 = arith.constant 0 : i32
    %add3A_29 = arith.addi %mul3A_27, %add3A_28 : i32
    %dma_start3A_30 = arith.constant 0 : i32
    %dma_start3A_31 = tpu.memref_slice %arg13[%add3A_29, %dma_start3A_30] : memref<10000x128xf32, #tpu.memory_space<vmem_shared>> -> memref<128x128xf32, #tpu.memory_space<vmem_shared>>
    %dma_start3A_32 = arith.constant 0 : i32
    %dma_start3A_33 = tpu.memref_slice %arg13[%add3A_29, %dma_start3A_32] : memref<10000x128xf32, #tpu.memory_space<vmem_shared>> -> memref<128x128xf32, #tpu.memory_space<vmem_shared>>
    tpu.enqueue_dma source(%arg10 : memref<128x128xf32, #tpu.memory_space<vmem>>) target(%dma_start3A_33 : memref<128x128xf32, #tpu.memory_space<vmem_shared>>) target_semaphore(%arg18 : memref<!tpu.dma_semaphore, #tpu.memory_space<semaphore_mem>>)
    %add3A_34 = arith.constant 128 : i32
    %add3A_35 = arith.addi %mul3A_27, %add3A_34 : i32
    %dma_start3A_36 = arith.constant 0 : i32
    %dma_start3A_37 = tpu.memref_slice %arg13[%add3A_35, %dma_start3A_36] : memref<10000x128xf32, #tpu.memory_space<vmem_shared>> -> memref<128x128xf32, #tpu.memory_space<vmem_shared>>
    %dma_start3A_38 = arith.constant 0 : i32
    %dma_start3A_39 = tpu.memref_slice %arg13[%add3A_35, %dma_start3A_38] : memref<10000x128xf32, #tpu.memory_space<vmem_shared>> -> memref<128x128xf32, #tpu.memory_space<vmem_shared>>
    tpu.enqueue_dma source(%arg10 : memref<128x128xf32, #tpu.memory_space<vmem>>) target(%dma_start3A_39 : memref<128x128xf32, #tpu.memory_space<vmem_shared>>) target_semaphore(%arg18 : memref<!tpu.dma_semaphore, #tpu.memory_space<semaphore_mem>>)
    %add3A_40 = arith.constant 256 : i32
    %add3A_41 = arith.addi %mul3A_27, %add3A_40 : i32
    %dma_start3A_42 = arith.constant 0 : i32
    %dma_start3A_43 = tpu.memref_slice %arg13[%add3A_41, %dma_start3A_42] : memref<10000x128xf32, #tpu.memory_space<vmem_shared>> -> memref<128x128xf32, #tpu.memory_space<vmem_shared>>
    %dma_start3A_44 = arith.constant 0 : i32
    %dma_start3A_45 = tpu.memref_slice %arg13[%add3A_41, %dma_start3A_44] : memref<10000x128xf32, #tpu.memory_space<vmem_shared>> -> memref<128x128xf32, #tpu.memory_space<vmem_shared>>
    tpu.enqueue_dma source(%arg10 : memref<128x128xf32, #tpu.memory_space<vmem>>) target(%dma_start3A_45 : memref<128x128xf32, #tpu.memory_space<vmem_shared>>) target_semaphore(%arg18 : memref<!tpu.dma_semaphore, #tpu.memory_space<semaphore_mem>>)
    %add3A_46 = arith.constant 384 : i32
    %add3A_47 = arith.addi %mul3A_27, %add3A_46 : i32
    %dma_start3A_48 = arith.constant 0 : i32
    %dma_start3A_49 = tpu.memref_slice %arg13[%add3A_47, %dma_start3A_48] : memref<10000x128xf32, #tpu.memory_space<vmem_shared>> -> memref<128x128xf32, #tpu.memory_space<vmem_shared>>
    %dma_start3A_50 = arith.constant 0 : i32
    %dma_start3A_51 = tpu.memref_slice %arg13[%add3A_47, %dma_start3A_50] : memref<10000x128xf32, #tpu.memory_space<vmem_shared>> -> memref<128x128xf32, #tpu.memory_space<vmem_shared>>
    tpu.enqueue_dma source(%arg10 : memref<128x128xf32, #tpu.memory_space<vmem>>) target(%dma_start3A_51 : memref<128x128xf32, #tpu.memory_space<vmem_shared>>) target_semaphore(%arg18 : memref<!tpu.dma_semaphore, #tpu.memory_space<semaphore_mem>>)
    %add3A_52 = arith.constant 512 : i32
    %add3A_53 = arith.addi %mul3A_27, %add3A_52 : i32
    %dma_start3A_54 = arith.constant 0 : i32
    %dma_start3A_55 = arith.constant 0 : i32
    %dma_start3A_56 = tpu.memref_slice %arg10[%dma_start3A_54, %dma_start3A_55] : memref<128x128xf32, #tpu.memory_space<vmem>> -> memref<112x128xf32, #tpu.memory_space<vmem>>
    %dma_start3A_57 = arith.constant 0 : i32
    %dma_start3A_58 = tpu.memref_slice %arg13[%add3A_53, %dma_start3A_57] : memref<10000x128xf32, #tpu.memory_space<vmem_shared>> -> memref<112x128xf32, #tpu.memory_space<vmem_shared>>
    %dma_start3A_59 = arith.constant 0 : i32
    %dma_start3A_60 = tpu.memref_slice %arg13[%add3A_53, %dma_start3A_59] : memref<10000x128xf32, #tpu.memory_space<vmem_shared>> -> memref<112x128xf32, #tpu.memory_space<vmem_shared>>
    %dma_start3A_61 = arith.constant 0 : i32
    %dma_start3A_62 = arith.constant 0 : i32
    %dma_start3A_63 = tpu.memref_slice %arg10[%dma_start3A_61, %dma_start3A_62] : memref<128x128xf32, #tpu.memory_space<vmem>> -> memref<112x128xf32, #tpu.memory_space<vmem>>
    tpu.enqueue_dma source(%dma_start3A_63 : memref<112x128xf32, #tpu.memory_space<vmem>>) target(%dma_start3A_60 : memref<112x128xf32, #tpu.memory_space<vmem_shared>>) target_semaphore(%arg18 : memref<!tpu.dma_semaphore, #tpu.memory_space<semaphore_mem>>)
    %eq3A = arith.constant 3 : i32
    %eq3A_64 = arith.cmpi eq, %arg1, %eq3A : i32
    %convert_element_type3A = arith.extui %eq3A_64 : i1 to i32
    %cond3A = arith.constant 0 : i32
    %cond3A_65 = arith.cmpi ne, %convert_element_type3A, %cond3A : i32
    scf.if %cond3A_65 {
      "tpu.region"() ({
        %run_scoped3A_248 = tpu.sem_alloc : memref<!tpu.dma_semaphore, #tpu.memory_space<semaphore_mem>>
        %dma_start3A_249 = arith.constant 0 : i32
        %dma_start3A_250 = arith.constant 0 : i32
        %dma_start3A_251 = tpu.memref_slice %arg10[%dma_start3A_249, %dma_start3A_250] : memref<128x128xf32, #tpu.memory_space<vmem>> -> memref<16x128xf32, #tpu.memory_space<vmem>>
        %dma_start3A_252 = arith.constant 9984 : i32
        %dma_start3A_253 = arith.constant 0 : i32
        %dma_start3A_254 = tpu.memref_slice %arg13[%dma_start3A_252, %dma_start3A_253] : memref<10000x128xf32, #tpu.memory_space<vmem_shared>> -> memref<16x128xf32, #tpu.memory_space<vmem_shared>>
        %dma_start3A_255 = arith.constant 9984 : i32
        %dma_start3A_256 = arith.constant 0 : i32
        %dma_start3A_257 = tpu.memref_slice %arg13[%dma_start3A_255, %dma_start3A_256] : memref<10000x128xf32, #tpu.memory_space<vmem_shared>> -> memref<16x128xf32, #tpu.memory_space<vmem_shared>>
        %dma_start3A_258 = arith.constant 0 : i32
        %dma_start3A_259 = arith.constant 0 : i32
        %dma_start3A_260 = tpu.memref_slice %arg10[%dma_start3A_258, %dma_start3A_259] : memref<128x128xf32, #tpu.memory_space<vmem>> -> memref<16x128xf32, #tpu.memory_space<vmem>>
        tpu.enqueue_dma source(%dma_start3A_260 : memref<16x128xf32, #tpu.memory_space<vmem>>) target(%dma_start3A_257 : memref<16x128xf32, #tpu.memory_space<vmem_shared>>) target_semaphore(%run_scoped3A_248 : memref<!tpu.dma_semaphore, #tpu.memory_space<semaphore_mem>>)
        %dma_wait3A_261 = arith.constant 0 : i32
        %dma_wait3A_262 = arith.constant 0 : i32
        %dma_wait3A_263 = tpu.memref_slice %arg10[%dma_wait3A_261, %dma_wait3A_262] : memref<128x128xf32, #tpu.memory_space<vmem>> -> memref<16x128xf32, #tpu.memory_space<vmem>>
        %dma_wait3A_264 = arith.constant 9984 : i32
        %dma_wait3A_265 = arith.constant 0 : i32
        %dma_wait3A_266 = tpu.memref_slice %arg13[%dma_wait3A_264, %dma_wait3A_265] : memref<10000x128xf32, #tpu.memory_space<vmem_shared>> -> memref<16x128xf32, #tpu.memory_space<vmem_shared>>
        %dma_wait3A_267 = arith.constant 9984 : i32
        %dma_wait3A_268 = arith.constant 0 : i32
        %dma_wait3A_269 = tpu.memref_slice %arg13[%dma_wait3A_267, %dma_wait3A_268] : memref<10000x128xf32, #tpu.memory_space<vmem_shared>> -> memref<16x128xf32, #tpu.memory_space<vmem_shared>>
        %dma_wait3A_270 = arith.constant 0 : i32
        %dma_wait3A_271 = arith.constant 0 : i32
        %dma_wait3A_272 = tpu.memref_slice %arg10[%dma_wait3A_270, %dma_wait3A_271] : memref<128x128xf32, #tpu.memory_space<vmem>> -> memref<16x128xf32, #tpu.memory_space<vmem>>
        tpu.wait_dma2 semaphore(%run_scoped3A_248 : memref<!tpu.dma_semaphore, #tpu.memory_space<semaphore_mem>>) src(%dma_wait3A_272 : memref<16x128xf32, #tpu.memory_space<vmem>>) dst(%dma_wait3A_269 : memref<16x128xf32, #tpu.memory_space<vmem_shared>>)
        tpu.yield
      }) : () -> ()
    } else {
    }
    %add3A_66 = arith.constant 0 : i32
    %add3A_67 = arith.addi %mul3A_27, %add3A_66 : i32
    %dma_wait3A = arith.constant 0 : i32
    %dma_wait3A_68 = tpu.memref_slice %arg13[%add3A_67, %dma_wait3A] : memref<10000x128xf32, #tpu.memory_space<vmem_shared>> -> memref<128x128xf32, #tpu.memory_space<vmem_shared>>
    %dma_wait3A_69 = arith.constant 0 : i32
    %dma_wait3A_70 = tpu.memref_slice %arg13[%add3A_67, %dma_wait3A_69] : memref<10000x128xf32, #tpu.memory_space<vmem_shared>> -> memref<128x128xf32, #tpu.memory_space<vmem_shared>>
    tpu.wait_dma2 semaphore(%arg18 : memref<!tpu.dma_semaphore, #tpu.memory_space<semaphore_mem>>) src(%arg10 : memref<128x128xf32, #tpu.memory_space<vmem>>) dst(%dma_wait3A_70 : memref<128x128xf32, #tpu.memory_space<vmem_shared>>)
    %add3A_71 = arith.constant 128 : i32
    %add3A_72 = arith.addi %mul3A_27, %add3A_71 : i32
    %dma_wait3A_73 = arith.constant 0 : i32
    %dma_wait3A_74 = tpu.memref_slice %arg13[%add3A_72, %dma_wait3A_73] : memref<10000x128xf32, #tpu.memory_space<vmem_shared>> -> memref<128x128xf32, #tpu.memory_space<vmem_shared>>
    %dma_wait3A_75 = arith.constant 0 : i32
    %dma_wait3A_76 = tpu.memref_slice %arg13[%add3A_72, %dma_wait3A_75] : memref<10000x128xf32, #tpu.memory_space<vmem_shared>> -> memref<128x128xf32, #tpu.memory_space<vmem_shared>>
    tpu.wait_dma2 semaphore(%arg18 : memref<!tpu.dma_semaphore, #tpu.memory_space<semaphore_mem>>) src(%arg10 : memref<128x128xf32, #tpu.memory_space<vmem>>) dst(%dma_wait3A_76 : memref<128x128xf32, #tpu.memory_space<vmem_shared>>)
    %add3A_77 = arith.constant 256 : i32
    %add3A_78 = arith.addi %mul3A_27, %add3A_77 : i32
    %dma_wait3A_79 = arith.constant 0 : i32
    %dma_wait3A_80 = tpu.memref_slice %arg13[%add3A_78, %dma_wait3A_79] : memref<10000x128xf32, #tpu.memory_space<vmem_shared>> -> memref<128x128xf32, #tpu.memory_space<vmem_shared>>
    %dma_wait3A_81 = arith.constant 0 : i32
    %dma_wait3A_82 = tpu.memref_slice %arg13[%add3A_78, %dma_wait3A_81] : memref<10000x128xf32, #tpu.memory_space<vmem_shared>> -> memref<128x128xf32, #tpu.memory_space<vmem_shared>>
    tpu.wait_dma2 semaphore(%arg18 : memref<!tpu.dma_semaphore, #tpu.memory_space<semaphore_mem>>) src(%arg10 : memref<128x128xf32, #tpu.memory_space<vmem>>) dst(%dma_wait3A_82 : memref<128x128xf32, #tpu.memory_space<vmem_shared>>)
    %add3A_83 = arith.constant 384 : i32
    %add3A_84 = arith.addi %mul3A_27, %add3A_83 : i32
    %dma_wait3A_85 = arith.constant 0 : i32
    %dma_wait3A_86 = tpu.memref_slice %arg13[%add3A_84, %dma_wait3A_85] : memref<10000x128xf32, #tpu.memory_space<vmem_shared>> -> memref<128x128xf32, #tpu.memory_space<vmem_shared>>
    %dma_wait3A_87 = arith.constant 0 : i32
    %dma_wait3A_88 = tpu.memref_slice %arg13[%add3A_84, %dma_wait3A_87] : memref<10000x128xf32, #tpu.memory_space<vmem_shared>> -> memref<128x128xf32, #tpu.memory_space<vmem_shared>>
    tpu.wait_dma2 semaphore(%arg18 : memref<!tpu.dma_semaphore, #tpu.memory_space<semaphore_mem>>) src(%arg10 : memref<128x128xf32, #tpu.memory_space<vmem>>) dst(%dma_wait3A_88 : memref<128x128xf32, #tpu.memory_space<vmem_shared>>)
    %add3A_89 = arith.constant 512 : i32
    %add3A_90 = arith.addi %mul3A_27, %add3A_89 : i32
    %dma_wait3A_91 = arith.constant 0 : i32
    %dma_wait3A_92 = arith.constant 0 : i32
    %dma_wait3A_93 = tpu.memref_slice %arg10[%dma_wait3A_91, %dma_wait3A_92] : memref<128x128xf32, #tpu.memory_space<vmem>> -> memref<112x128xf32, #tpu.memory_space<vmem>>
    %dma_wait3A_94 = arith.constant 0 : i32
    %dma_wait3A_95 = tpu.memref_slice %arg13[%add3A_90, %dma_wait3A_94] : memref<10000x128xf32, #tpu.memory_space<vmem_shared>> -> memref<112x128xf32, #tpu.memory_space<vmem_shared>>
    %dma_wait3A_96 = arith.constant 0 : i32
    %dma_wait3A_97 = tpu.memref_slice %arg13[%add3A_90, %dma_wait3A_96] : memref<10000x128xf32, #tpu.memory_space<vmem_shared>> -> memref<112x128xf32, #tpu.memory_space<vmem_shared>>
    %dma_wait3A_98 = arith.constant 0 : i32
    %dma_wait3A_99 = arith.constant 0 : i32
    %dma_wait3A_100 = tpu.memref_slice %arg10[%dma_wait3A_98, %dma_wait3A_99] : memref<128x128xf32, #tpu.memory_space<vmem>> -> memref<112x128xf32, #tpu.memory_space<vmem>>
    tpu.wait_dma2 semaphore(%arg18 : memref<!tpu.dma_semaphore, #tpu.memory_space<semaphore_mem>>) src(%dma_wait3A_100 : memref<112x128xf32, #tpu.memory_space<vmem>>) dst(%dma_wait3A_97 : memref<112x128xf32, #tpu.memory_space<vmem_shared>>)
    %barrier3A = arith.constant 0 : index
    tpu.barrier barrier_id(%barrier3A)
    %add3A_101 = arith.constant 3328 : i32
    %add3A_102 = arith.addi %multiple_of3A, %add3A_101 : i32
    %dma_start3A_103 = arith.constant 0 : i32
    %dma_start3A_104 = arith.constant 1 : i32
    %dma_start3A_105 = arith.constant 0 : i32
    %dma_start3A_106 = tpu.memref_slice %arg5[%dma_start3A_104, %dma_start3A_105] : memref<2x3328xi32, #tpu.memory_space<vmem>> -> memref<1x3328xi32, #tpu.memory_space<vmem>>
    %dma_start3A_107 = tpu.memref_squeeze %dma_start3A_106 : memref<1x3328xi32, #tpu.memory_space<vmem>> -> memref<3328xi32, #tpu.memory_space<vmem>>
    %dma_start3A_108 = tpu.memref_slice %arg3[%dma_start3A_103, %add3A_102] : memref<2x320000xi32, #tpu.memory_space<hbm>> -> memref<1x3328xi32, #tpu.memory_space<hbm>>
    %dma_start3A_109 = tpu.memref_squeeze %dma_start3A_108 : memref<1x3328xi32, #tpu.memory_space<hbm>> -> memref<3328xi32, #tpu.memory_space<hbm>>
    %dma_start3A_110 = arith.constant 0 : i32
    %dma_start3A_111 = tpu.memref_slice %arg5[%dma_start3A_104, %dma_start3A_110] : memref<2x3328xi32, #tpu.memory_space<vmem>> -> memref<1x3328xi32, #tpu.memory_space<vmem>>
    %dma_start3A_112 = tpu.memref_squeeze %dma_start3A_111 : memref<1x3328xi32, #tpu.memory_space<vmem>> -> memref<3328xi32, #tpu.memory_space<vmem>>
    %dma_start3A_113 = tpu.memref_slice %arg3[%dma_start3A_103, %add3A_102] : memref<2x320000xi32, #tpu.memory_space<hbm>> -> memref<1x3328xi32, #tpu.memory_space<hbm>>
    %dma_start3A_114 = tpu.memref_squeeze %dma_start3A_113 : memref<1x3328xi32, #tpu.memory_space<hbm>> -> memref<3328xi32, #tpu.memory_space<hbm>>
    tpu.enqueue_dma source(%dma_start3A_114 : memref<3328xi32, #tpu.memory_space<hbm>>) target(%dma_start3A_112 : memref<3328xi32, #tpu.memory_space<vmem>>) target_semaphore(%arg17 : memref<!tpu.dma_semaphore, #tpu.memory_space<semaphore_mem>>)
    %dma_start3A_115 = arith.constant 1 : i32
    %dma_start3A_116 = arith.constant 1 : i32
    %dma_start3A_117 = arith.constant 0 : i32
    %dma_start3A_118 = tpu.memref_slice %arg6[%dma_start3A_116, %dma_start3A_117] : memref<2x3328xi32, #tpu.memory_space<vmem>> -> memref<1x3328xi32, #tpu.memory_space<vmem>>
    %dma_start3A_119 = tpu.memref_squeeze %dma_start3A_118 : memref<1x3328xi32, #tpu.memory_space<vmem>> -> memref<3328xi32, #tpu.memory_space<vmem>>
    %dma_start3A_120 = tpu.memref_slice %arg3[%dma_start3A_115, %add3A_102] : memref<2x320000xi32, #tpu.memory_space<hbm>> -> memref<1x3328xi32, #tpu.memory_space<hbm>>
    %dma_start3A_121 = tpu.memref_squeeze %dma_start3A_120 : memref<1x3328xi32, #tpu.memory_space<hbm>> -> memref<3328xi32, #tpu.memory_space<hbm>>
    %dma_start3A_122 = arith.constant 0 : i32
    %dma_start3A_123 = tpu.memref_slice %arg6[%dma_start3A_116, %dma_start3A_122] : memref<2x3328xi32, #tpu.memory_space<vmem>> -> memref<1x3328xi32, #tpu.memory_space<vmem>>
    %dma_start3A_124 = tpu.memref_squeeze %dma_start3A_123 : memref<1x3328xi32, #tpu.memory_space<vmem>> -> memref<3328xi32, #tpu.memory_space<vmem>>
    %dma_start3A_125 = tpu.memref_slice %arg3[%dma_start3A_115, %add3A_102] : memref<2x320000xi32, #tpu.memory_space<hbm>> -> memref<1x3328xi32, #tpu.memory_space<hbm>>
    %dma_start3A_126 = tpu.memref_squeeze %dma_start3A_125 : memref<1x3328xi32, #tpu.memory_space<hbm>> -> memref<3328xi32, #tpu.memory_space<hbm>>
    tpu.enqueue_dma source(%dma_start3A_126 : memref<3328xi32, #tpu.memory_space<hbm>>) target(%dma_start3A_124 : memref<3328xi32, #tpu.memory_space<vmem>>) target_semaphore(%arg17 : memref<!tpu.dma_semaphore, #tpu.memory_space<semaphore_mem>>)
    %scan3A_127 = arith.constant 0 : i32
    %scan3A_128 = arith.constant 0 : i32
    %scan3A_129 = arith.constant 13 : i32
    %scan3A_130 = arith.addi %scan3A_128, %scan3A_129 : i32
    %scan3A_131 = arith.constant 1 : i32
    scf.for %scan3A_248 = %scan3A_128 to %scan3A_130 step %scan3A_131  : i32 {
      %mul3A_249 = arith.constant 2 : i32
      %mul3A_250 = arith.muli %mul3A_249, %scan3A_248 : i32
      %add3A_251 = arith.constant 1 : i32
      %add3A_252 = arith.addi %mul3A_250, %add3A_251 : i32
      %mul3A_253 = arith.constant 128 : i32
      %mul3A_254 = arith.muli %add3A_252, %mul3A_253 : i32
      %dma_start3A_255 = arith.constant 0 : i32
      %dma_start3A_256 = tpu.memref_slice %arg5[%dma_start3A_255, %mul3A_254] : memref<2x3328xi32, #tpu.memory_space<vmem>> -> memref<1x128xi32, #tpu.memory_space<vmem>>
      %dma_start3A_257 = tpu.memref_squeeze %dma_start3A_256 : memref<1x128xi32, #tpu.memory_space<vmem>> -> memref<128xi32, #tpu.memory_space<vmem>>
      %dma_start3A_258 = arith.constant 0 : i32
      %dma_start3A_259 = arith.constant 0 : i32
      %dma_start3A_260 = tpu.memref_slice %arg2[%dma_start3A_258, %dma_start3A_259] : memref<10000x128xf32, #tpu.memory_space<hbm>> -> memref<10000x128xf32, #tpu.memory_space<hbm>>
      tpu.enqueue_indirect_dma source(%dma_start3A_260 : memref<10000x128xf32, #tpu.memory_space<hbm>>) target(%arg10 : memref<128x128xf32, #tpu.memory_space<vmem>>) offsets(%dma_start3A_257 : memref<128xi32, #tpu.memory_space<vmem>>) semaphore(%arg16 : memref<!tpu.dma_semaphore, #tpu.memory_space<semaphore_mem>>)
      %mul3A_261 = arith.constant 128 : i32
      %mul3A_262 = arith.muli %mul3A_250, %mul3A_261 : i32
      %dma_wait3A_263 = arith.constant 0 : i32
      %dma_wait3A_264 = tpu.memref_slice %arg5[%dma_wait3A_263, %mul3A_262] : memref<2x3328xi32, #tpu.memory_space<vmem>> -> memref<1x128xi32, #tpu.memory_space<vmem>>
      %dma_wait3A_265 = tpu.memref_squeeze %dma_wait3A_264 : memref<1x128xi32, #tpu.memory_space<vmem>> -> memref<128xi32, #tpu.memory_space<vmem>>
      %dma_wait3A_266 = arith.constant 0 : i32
      %dma_wait3A_267 = arith.constant 0 : i32
      %dma_wait3A_268 = tpu.memref_slice %arg2[%dma_wait3A_266, %dma_wait3A_267] : memref<10000x128xf32, #tpu.memory_space<hbm>> -> memref<10000x128xf32, #tpu.memory_space<hbm>>
      tpu.wait_indirect_dma semaphore(%arg15 : memref<!tpu.dma_semaphore, #tpu.memory_space<semaphore_mem>>) src(%dma_wait3A_268 : memref<10000x128xf32, #tpu.memory_space<hbm>>) dst(%arg9 : memref<128x128xf32, #tpu.memory_space<vmem>>)
      %mul3A_269 = arith.constant 128 : i32
      %mul3A_270 = arith.muli %mul3A_250, %mul3A_269 : i32
      %run_scoped3A_271 = arith.constant 0 : i32
      "tpu.region"() ({
        %run_scoped3A_294 = tpu.sem_alloc : memref<!tpu.dma_semaphore, #tpu.memory_space<semaphore_mem>>
        %dma_start3A_295 = tpu.memref_slice %arg6[%run_scoped3A_271, %mul3A_270] : memref<2x3328xi32, #tpu.memory_space<vmem>> -> memref<1x128xi32, #tpu.memory_space<vmem>>
        %dma_start3A_296 = tpu.memref_squeeze %dma_start3A_295 : memref<1x128xi32, #tpu.memory_space<vmem>> -> memref<128xi32, #tpu.memory_space<vmem>>
        %dma_start3A_297 = arith.constant 0 : i32
        %dma_start3A_298 = arith.constant 0 : i32
        %dma_start3A_299 = tpu.memref_slice %arg13[%dma_start3A_297, %dma_start3A_298] : memref<10000x128xf32, #tpu.memory_space<vmem_shared>> -> memref<10000x128xf32, #tpu.memory_space<vmem_shared>>
        tpu.enqueue_indirect_dma source(%arg9 : memref<128x128xf32, #tpu.memory_space<vmem>>) target(%dma_start3A_299 : memref<10000x128xf32, #tpu.memory_space<vmem_shared>>) offsets(%dma_start3A_296 : memref<128xi32, #tpu.memory_space<vmem>>) semaphore(%run_scoped3A_294 : memref<!tpu.dma_semaphore, #tpu.memory_space<semaphore_mem>>) {add = true}
        %dma_wait3A_300 = tpu.memref_slice %arg6[%run_scoped3A_271, %mul3A_270] : memref<2x3328xi32, #tpu.memory_space<vmem>> -> memref<1x128xi32, #tpu.memory_space<vmem>>
        %dma_wait3A_301 = tpu.memref_squeeze %dma_wait3A_300 : memref<1x128xi32, #tpu.memory_space<vmem>> -> memref<128xi32, #tpu.memory_space<vmem>>
        %dma_wait3A_302 = arith.constant 0 : i32
        %dma_wait3A_303 = arith.constant 0 : i32
        %dma_wait3A_304 = tpu.memref_slice %arg13[%dma_wait3A_302, %dma_wait3A_303] : memref<10000x128xf32, #tpu.memory_space<vmem_shared>> -> memref<10000x128xf32, #tpu.memory_space<vmem_shared>>
        tpu.wait_indirect_dma semaphore(%run_scoped3A_294 : memref<!tpu.dma_semaphore, #tpu.memory_space<semaphore_mem>>) src(%arg9 : memref<128x128xf32, #tpu.memory_space<vmem>>) dst(%dma_wait3A_304 : memref<10000x128xf32, #tpu.memory_space<vmem_shared>>)
        tpu.yield
      }) : () -> ()
      %add3A_272 = arith.constant 2 : i32
      %add3A_273 = arith.addi %mul3A_250, %add3A_272 : i32
      %lt3A_274 = arith.constant 26 : i32
      %lt3A_275 = arith.cmpi slt, %add3A_273, %lt3A_274 : i32
      %convert_element_type3A_276 = arith.extui %lt3A_275 : i1 to i32
      %cond3A_277 = arith.constant 0 : i32
      %cond3A_278 = arith.cmpi ne, %convert_element_type3A_276, %cond3A_277 : i32
      scf.if %cond3A_278 {
        %add3A_294 = arith.constant 2 : i32
        %add3A_295 = arith.addi %mul3A_250, %add3A_294 : i32
        %mul3A_296 = arith.constant 128 : i32
        %mul3A_297 = arith.muli %add3A_295, %mul3A_296 : i32
        %dma_start3A_298 = arith.constant 0 : i32
        %dma_start3A_299 = tpu.memref_slice %arg5[%dma_start3A_298, %mul3A_297] : memref<2x3328xi32, #tpu.memory_space<vmem>> -> memref<1x128xi32, #tpu.memory_space<vmem>>
        %dma_start3A_300 = tpu.memref_squeeze %dma_start3A_299 : memref<1x128xi32, #tpu.memory_space<vmem>> -> memref<128xi32, #tpu.memory_space<vmem>>
        %dma_start3A_301 = arith.constant 0 : i32
        %dma_start3A_302 = arith.constant 0 : i32
        %dma_start3A_303 = tpu.memref_slice %arg2[%dma_start3A_301, %dma_start3A_302] : memref<10000x128xf32, #tpu.memory_space<hbm>> -> memref<10000x128xf32, #tpu.memory_space<hbm>>
        tpu.enqueue_indirect_dma source(%dma_start3A_303 : memref<10000x128xf32, #tpu.memory_space<hbm>>) target(%arg9 : memref<128x128xf32, #tpu.memory_space<vmem>>) offsets(%dma_start3A_300 : memref<128xi32, #tpu.memory_space<vmem>>) semaphore(%arg15 : memref<!tpu.dma_semaphore, #tpu.memory_space<semaphore_mem>>)
      } else {
      }
      %add3A_279 = arith.constant 1 : i32
      %add3A_280 = arith.addi %mul3A_250, %add3A_279 : i32
      %mul3A_281 = arith.constant 128 : i32
      %mul3A_282 = arith.muli %add3A_280, %mul3A_281 : i32
      %dma_wait3A_283 = arith.constant 0 : i32
      %dma_wait3A_284 = tpu.memref_slice %arg5[%dma_wait3A_283, %mul3A_282] : memref<2x3328xi32, #tpu.memory_space<vmem>> -> memref<1x128xi32, #tpu.memory_space<vmem>>
      %dma_wait3A_285 = tpu.memref_squeeze %dma_wait3A_284 : memref<1x128xi32, #tpu.memory_space<vmem>> -> memref<128xi32, #tpu.memory_space<vmem>>
      %dma_wait3A_286 = arith.constant 0 : i32
      %dma_wait3A_287 = arith.constant 0 : i32
      %dma_wait3A_288 = tpu.memref_slice %arg2[%dma_wait3A_286, %dma_wait3A_287] : memref<10000x128xf32, #tpu.memory_space<hbm>> -> memref<10000x128xf32, #tpu.memory_space<hbm>>
      tpu.wait_indirect_dma semaphore(%arg16 : memref<!tpu.dma_semaphore, #tpu.memory_space<semaphore_mem>>) src(%dma_wait3A_288 : memref<10000x128xf32, #tpu.memory_space<hbm>>) dst(%arg10 : memref<128x128xf32, #tpu.memory_space<vmem>>)
      %add3A_289 = arith.constant 1 : i32
      %add3A_290 = arith.addi %mul3A_250, %add3A_289 : i32
      %mul3A_291 = arith.constant 128 : i32
      %mul3A_292 = arith.muli %add3A_290, %mul3A_291 : i32
      %run_scoped3A_293 = arith.constant 0 : i32
      "tpu.region"() ({
        %run_scoped3A_294 = tpu.sem_alloc : memref<!tpu.dma_semaphore, #tpu.memory_space<semaphore_mem>>
        %dma_start3A_295 = tpu.memref_slice %arg6[%run_scoped3A_293, %mul3A_292] : memref<2x3328xi32, #tpu.memory_space<vmem>> -> memref<1x128xi32, #tpu.memory_space<vmem>>
        %dma_start3A_296 = tpu.memref_squeeze %dma_start3A_295 : memref<1x128xi32, #tpu.memory_space<vmem>> -> memref<128xi32, #tpu.memory_space<vmem>>
        %dma_start3A_297 = arith.constant 0 : i32
        %dma_start3A_298 = arith.constant 0 : i32
        %dma_start3A_299 = tpu.memref_slice %arg13[%dma_start3A_297, %dma_start3A_298] : memref<10000x128xf32, #tpu.memory_space<vmem_shared>> -> memref<10000x128xf32, #tpu.memory_space<vmem_shared>>
        tpu.enqueue_indirect_dma source(%arg10 : memref<128x128xf32, #tpu.memory_space<vmem>>) target(%dma_start3A_299 : memref<10000x128xf32, #tpu.memory_space<vmem_shared>>) offsets(%dma_start3A_296 : memref<128xi32, #tpu.memory_space<vmem>>) semaphore(%run_scoped3A_294 : memref<!tpu.dma_semaphore, #tpu.memory_space<semaphore_mem>>) {add = true}
        %dma_wait3A_300 = tpu.memref_slice %arg6[%run_scoped3A_293, %mul3A_292] : memref<2x3328xi32, #tpu.memory_space<vmem>> -> memref<1x128xi32, #tpu.memory_space<vmem>>
        %dma_wait3A_301 = tpu.memref_squeeze %dma_wait3A_300 : memref<1x128xi32, #tpu.memory_space<vmem>> -> memref<128xi32, #tpu.memory_space<vmem>>
        %dma_wait3A_302 = arith.constant 0 : i32
        %dma_wait3A_303 = arith.constant 0 : i32
        %dma_wait3A_304 = tpu.memref_slice %arg13[%dma_wait3A_302, %dma_wait3A_303] : memref<10000x128xf32, #tpu.memory_space<vmem_shared>> -> memref<10000x128xf32, #tpu.memory_space<vmem_shared>>
        tpu.wait_indirect_dma semaphore(%run_scoped3A_294 : memref<!tpu.dma_semaphore, #tpu.memory_space<semaphore_mem>>) src(%arg10 : memref<128x128xf32, #tpu.memory_space<vmem>>) dst(%dma_wait3A_304 : memref<10000x128xf32, #tpu.memory_space<vmem_shared>>)
        tpu.yield
      }) : () -> ()
    }
    %scan3A_132 = arith.constant 13 : i32
    %add3A_133 = arith.constant 3328 : i32
    %add3A_134 = arith.addi %multiple_of3A, %add3A_133 : i32
    %dma_wait3A_135 = arith.constant 0 : i32
    %dma_wait3A_136 = arith.constant 1 : i32
    %dma_wait3A_137 = arith.constant 0 : i32
    %dma_wait3A_138 = tpu.memref_slice %arg5[%dma_wait3A_136, %dma_wait3A_137] : memref<2x3328xi32, #tpu.memory_space<vmem>> -> memref<1x3328xi32, #tpu.memory_space<vmem>>
    %dma_wait3A_139 = tpu.memref_squeeze %dma_wait3A_138 : memref<1x3328xi32, #tpu.memory_space<vmem>> -> memref<3328xi32, #tpu.memory_space<vmem>>
    %dma_wait3A_140 = tpu.memref_slice %arg3[%dma_wait3A_135, %add3A_134] : memref<2x320000xi32, #tpu.memory_space<hbm>> -> memref<1x3328xi32, #tpu.memory_space<hbm>>
    %dma_wait3A_141 = tpu.memref_squeeze %dma_wait3A_140 : memref<1x3328xi32, #tpu.memory_space<hbm>> -> memref<3328xi32, #tpu.memory_space<hbm>>
    %dma_wait3A_142 = arith.constant 0 : i32
    %dma_wait3A_143 = tpu.memref_slice %arg5[%dma_wait3A_136, %dma_wait3A_142] : memref<2x3328xi32, #tpu.memory_space<vmem>> -> memref<1x3328xi32, #tpu.memory_space<vmem>>
    %dma_wait3A_144 = tpu.memref_squeeze %dma_wait3A_143 : memref<1x3328xi32, #tpu.memory_space<vmem>> -> memref<3328xi32, #tpu.memory_space<vmem>>
    %dma_wait3A_145 = tpu.memref_slice %arg3[%dma_wait3A_135, %add3A_134] : memref<2x320000xi32, #tpu.memory_space<hbm>> -> memref<1x3328xi32, #tpu.memory_space<hbm>>
    %dma_wait3A_146 = tpu.memref_squeeze %dma_wait3A_145 : memref<1x3328xi32, #tpu.memory_space<hbm>> -> memref<3328xi32, #tpu.memory_space<hbm>>
    tpu.wait_dma2 semaphore(%arg17 : memref<!tpu.dma_semaphore, #tpu.memory_space<semaphore_mem>>) src(%dma_wait3A_146 : memref<3328xi32, #tpu.memory_space<hbm>>) dst(%dma_wait3A_144 : memref<3328xi32, #tpu.memory_space<vmem>>)
    %dma_wait3A_147 = arith.constant 1 : i32
    %dma_wait3A_148 = arith.constant 1 : i32
    %dma_wait3A_149 = arith.constant 0 : i32
    %dma_wait3A_150 = tpu.memref_slice %arg6[%dma_wait3A_148, %dma_wait3A_149] : memref<2x3328xi32, #tpu.memory_space<vmem>> -> memref<1x3328xi32, #tpu.memory_space<vmem>>
    %dma_wait3A_151 = tpu.memref_squeeze %dma_wait3A_150 : memref<1x3328xi32, #tpu.memory_space<vmem>> -> memref<3328xi32, #tpu.memory_space<vmem>>
    %dma_wait3A_152 = tpu.memref_slice %arg3[%dma_wait3A_147, %add3A_134] : memref<2x320000xi32, #tpu.memory_space<hbm>> -> memref<1x3328xi32, #tpu.memory_space<hbm>>
    %dma_wait3A_153 = tpu.memref_squeeze %dma_wait3A_152 : memref<1x3328xi32, #tpu.memory_space<hbm>> -> memref<3328xi32, #tpu.memory_space<hbm>>
    %dma_wait3A_154 = arith.constant 0 : i32
    %dma_wait3A_155 = tpu.memref_slice %arg6[%dma_wait3A_148, %dma_wait3A_154] : memref<2x3328xi32, #tpu.memory_space<vmem>> -> memref<1x3328xi32, #tpu.memory_space<vmem>>
    %dma_wait3A_156 = tpu.memref_squeeze %dma_wait3A_155 : memref<1x3328xi32, #tpu.memory_space<vmem>> -> memref<3328xi32, #tpu.memory_space<vmem>>
    %dma_wait3A_157 = tpu.memref_slice %arg3[%dma_wait3A_147, %add3A_134] : memref<2x320000xi32, #tpu.memory_space<hbm>> -> memref<1x3328xi32, #tpu.memory_space<hbm>>
    %dma_wait3A_158 = tpu.memref_squeeze %dma_wait3A_157 : memref<1x3328xi32, #tpu.memory_space<hbm>> -> memref<3328xi32, #tpu.memory_space<hbm>>
    tpu.wait_dma2 semaphore(%arg17 : memref<!tpu.dma_semaphore, #tpu.memory_space<semaphore_mem>>) src(%dma_wait3A_158 : memref<3328xi32, #tpu.memory_space<hbm>>) dst(%dma_wait3A_156 : memref<3328xi32, #tpu.memory_space<vmem>>)
    %dma_start3A_159 = arith.constant 1 : i32
    %dma_start3A_160 = arith.constant 0 : i32
    %dma_start3A_161 = tpu.memref_slice %arg5[%dma_start3A_159, %dma_start3A_160] : memref<2x3328xi32, #tpu.memory_space<vmem>> -> memref<1x128xi32, #tpu.memory_space<vmem>>
    %dma_start3A_162 = tpu.memref_squeeze %dma_start3A_161 : memref<1x128xi32, #tpu.memory_space<vmem>> -> memref<128xi32, #tpu.memory_space<vmem>>
    %dma_start3A_163 = arith.constant 0 : i32
    %dma_start3A_164 = arith.constant 0 : i32
    %dma_start3A_165 = tpu.memref_slice %arg2[%dma_start3A_163, %dma_start3A_164] : memref<10000x128xf32, #tpu.memory_space<hbm>> -> memref<10000x128xf32, #tpu.memory_space<hbm>>
    tpu.enqueue_indirect_dma source(%dma_start3A_165 : memref<10000x128xf32, #tpu.memory_space<hbm>>) target(%arg9 : memref<128x128xf32, #tpu.memory_space<vmem>>) offsets(%dma_start3A_162 : memref<128xi32, #tpu.memory_space<vmem>>) semaphore(%arg15 : memref<!tpu.dma_semaphore, #tpu.memory_space<semaphore_mem>>)
    %add3A_166 = arith.constant 6656 : i32
    %add3A_167 = arith.addi %multiple_of3A, %add3A_166 : i32
    %dma_start3A_168 = arith.constant 0 : i32
    %dma_start3A_169 = arith.constant 0 : i32
    %dma_start3A_170 = arith.constant 0 : i32
    %dma_start3A_171 = tpu.memref_slice %arg5[%dma_start3A_169, %dma_start3A_170] : memref<2x3328xi32, #tpu.memory_space<vmem>> -> memref<1x3328xi32, #tpu.memory_space<vmem>>
    %dma_start3A_172 = tpu.memref_squeeze %dma_start3A_171 : memref<1x3328xi32, #tpu.memory_space<vmem>> -> memref<3328xi32, #tpu.memory_space<vmem>>
    %dma_start3A_173 = tpu.memref_slice %arg3[%dma_start3A_168, %add3A_167] : memref<2x320000xi32, #tpu.memory_space<hbm>> -> memref<1x3328xi32, #tpu.memory_space<hbm>>
    %dma_start3A_174 = tpu.memref_squeeze %dma_start3A_173 : memref<1x3328xi32, #tpu.memory_space<hbm>> -> memref<3328xi32, #tpu.memory_space<hbm>>
    %dma_start3A_175 = arith.constant 0 : i32
    %dma_start3A_176 = tpu.memref_slice %arg5[%dma_start3A_169, %dma_start3A_175] : memref<2x3328xi32, #tpu.memory_space<vmem>> -> memref<1x3328xi32, #tpu.memory_space<vmem>>
    %dma_start3A_177 = tpu.memref_squeeze %dma_start3A_176 : memref<1x3328xi32, #tpu.memory_space<vmem>> -> memref<3328xi32, #tpu.memory_space<vmem>>
    %dma_start3A_178 = tpu.memref_slice %arg3[%dma_start3A_168, %add3A_167] : memref<2x320000xi32, #tpu.memory_space<hbm>> -> memref<1x3328xi32, #tpu.memory_space<hbm>>
    %dma_start3A_179 = tpu.memref_squeeze %dma_start3A_178 : memref<1x3328xi32, #tpu.memory_space<hbm>> -> memref<3328xi32, #tpu.memory_space<hbm>>
    tpu.enqueue_dma source(%dma_start3A_179 : memref<3328xi32, #tpu.memory_space<hbm>>) target(%dma_start3A_177 : memref<3328xi32, #tpu.memory_space<vmem>>) target_semaphore(%arg17 : memref<!tpu.dma_semaphore, #tpu.memory_space<semaphore_mem>>)
    %dma_start3A_180 = arith.constant 1 : i32
    %dma_start3A_181 = arith.constant 0 : i32
    %dma_start3A_182 = arith.constant 0 : i32
    %dma_start3A_183 = tpu.memref_slice %arg6[%dma_start3A_181, %dma_start3A_182] : memref<2x3328xi32, #tpu.memory_space<vmem>> -> memref<1x3328xi32, #tpu.memory_space<vmem>>
    %dma_start3A_184 = tpu.memref_squeeze %dma_start3A_183 : memref<1x3328xi32, #tpu.memory_space<vmem>> -> memref<3328xi32, #tpu.memory_space<vmem>>
    %dma_start3A_185 = tpu.memref_slice %arg3[%dma_start3A_180, %add3A_167] : memref<2x320000xi32, #tpu.memory_space<hbm>> -> memref<1x3328xi32, #tpu.memory_space<hbm>>
    %dma_start3A_186 = tpu.memref_squeeze %dma_start3A_185 : memref<1x3328xi32, #tpu.memory_space<hbm>> -> memref<3328xi32, #tpu.memory_space<hbm>>
    %dma_start3A_187 = arith.constant 0 : i32
    %dma_start3A_188 = tpu.memref_slice %arg6[%dma_start3A_181, %dma_start3A_187] : memref<2x3328xi32, #tpu.memory_space<vmem>> -> memref<1x3328xi32, #tpu.memory_space<vmem>>
    %dma_start3A_189 = tpu.memref_squeeze %dma_start3A_188 : memref<1x3328xi32, #tpu.memory_space<vmem>> -> memref<3328xi32, #tpu.memory_space<vmem>>
    %dma_start3A_190 = tpu.memref_slice %arg3[%dma_start3A_180, %add3A_167] : memref<2x320000xi32, #tpu.memory_space<hbm>> -> memref<1x3328xi32, #tpu.memory_space<hbm>>
    %dma_start3A_191 = tpu.memref_squeeze %dma_start3A_190 : memref<1x3328xi32, #tpu.memory_space<hbm>> -> memref<3328xi32, #tpu.memory_space<hbm>>
    tpu.enqueue_dma source(%dma_start3A_191 : memref<3328xi32, #tpu.memory_space<hbm>>) target(%dma_start3A_189 : memref<3328xi32, #tpu.memory_space<vmem>>) target_semaphore(%arg17 : memref<!tpu.dma_semaphore, #tpu.memory_space<semaphore_mem>>)
    %scan3A_192 = arith.constant 0 : i32
    %scan3A_193 = arith.constant 0 : i32
    %scan3A_194 = arith.constant 13 : i32
    %scan3A_195 = arith.addi %scan3A_193, %scan3A_194 : i32
    %scan3A_196 = arith.constant 1 : i32
    scf.for %scan3A_248 = %scan3A_193 to %scan3A_195 step %scan3A_196  : i32 {
      %mul3A_249 = arith.constant 2 : i32
      %mul3A_250 = arith.muli %mul3A_249, %scan3A_248 : i32
      %add3A_251 = arith.constant 1 : i32
      %add3A_252 = arith.addi %mul3A_250, %add3A_251 : i32
      %mul3A_253 = arith.constant 128 : i32
      %mul3A_254 = arith.muli %add3A_252, %mul3A_253 : i32
      %dma_start3A_255 = arith.constant 1 : i32
      %dma_start3A_256 = tpu.memref_slice %arg5[%dma_start3A_255, %mul3A_254] : memref<2x3328xi32, #tpu.memory_space<vmem>> -> memref<1x128xi32, #tpu.memory_space<vmem>>
      %dma_start3A_257 = tpu.memref_squeeze %dma_start3A_256 : memref<1x128xi32, #tpu.memory_space<vmem>> -> memref<128xi32, #tpu.memory_space<vmem>>
      %dma_start3A_258 = arith.constant 0 : i32
      %dma_start3A_259 = arith.constant 0 : i32
      %dma_start3A_260 = tpu.memref_slice %arg2[%dma_start3A_258, %dma_start3A_259] : memref<10000x128xf32, #tpu.memory_space<hbm>> -> memref<10000x128xf32, #tpu.memory_space<hbm>>
      tpu.enqueue_indirect_dma source(%dma_start3A_260 : memref<10000x128xf32, #tpu.memory_space<hbm>>) target(%arg10 : memref<128x128xf32, #tpu.memory_space<vmem>>) offsets(%dma_start3A_257 : memref<128xi32, #tpu.memory_space<vmem>>) semaphore(%arg16 : memref<!tpu.dma_semaphore, #tpu.memory_space<semaphore_mem>>)
      %mul3A_261 = arith.constant 128 : i32
      %mul3A_262 = arith.muli %mul3A_250, %mul3A_261 : i32
      %dma_wait3A_263 = arith.constant 1 : i32
      %dma_wait3A_264 = tpu.memref_slice %arg5[%dma_wait3A_263, %mul3A_262] : memref<2x3328xi32, #tpu.memory_space<vmem>> -> memref<1x128xi32, #tpu.memory_space<vmem>>
      %dma_wait3A_265 = tpu.memref_squeeze %dma_wait3A_264 : memref<1x128xi32, #tpu.memory_space<vmem>> -> memref<128xi32, #tpu.memory_space<vmem>>
      %dma_wait3A_266 = arith.constant 0 : i32
      %dma_wait3A_267 = arith.constant 0 : i32
      %dma_wait3A_268 = tpu.memref_slice %arg2[%dma_wait3A_266, %dma_wait3A_267] : memref<10000x128xf32, #tpu.memory_space<hbm>> -> memref<10000x128xf32, #tpu.memory_space<hbm>>
      tpu.wait_indirect_dma semaphore(%arg15 : memref<!tpu.dma_semaphore, #tpu.memory_space<semaphore_mem>>) src(%dma_wait3A_268 : memref<10000x128xf32, #tpu.memory_space<hbm>>) dst(%arg9 : memref<128x128xf32, #tpu.memory_space<vmem>>)
      %mul3A_269 = arith.constant 128 : i32
      %mul3A_270 = arith.muli %mul3A_250, %mul3A_269 : i32
      %run_scoped3A_271 = arith.constant 1 : i32
      "tpu.region"() ({
        %run_scoped3A_294 = tpu.sem_alloc : memref<!tpu.dma_semaphore, #tpu.memory_space<semaphore_mem>>
        %dma_start3A_295 = tpu.memref_slice %arg6[%run_scoped3A_271, %mul3A_270] : memref<2x3328xi32, #tpu.memory_space<vmem>> -> memref<1x128xi32, #tpu.memory_space<vmem>>
        %dma_start3A_296 = tpu.memref_squeeze %dma_start3A_295 : memref<1x128xi32, #tpu.memory_space<vmem>> -> memref<128xi32, #tpu.memory_space<vmem>>
        %dma_start3A_297 = arith.constant 0 : i32
        %dma_start3A_298 = arith.constant 0 : i32
        %dma_start3A_299 = tpu.memref_slice %arg13[%dma_start3A_297, %dma_start3A_298] : memref<10000x128xf32, #tpu.memory_space<vmem_shared>> -> memref<10000x128xf32, #tpu.memory_space<vmem_shared>>
        tpu.enqueue_indirect_dma source(%arg9 : memref<128x128xf32, #tpu.memory_space<vmem>>) target(%dma_start3A_299 : memref<10000x128xf32, #tpu.memory_space<vmem_shared>>) offsets(%dma_start3A_296 : memref<128xi32, #tpu.memory_space<vmem>>) semaphore(%run_scoped3A_294 : memref<!tpu.dma_semaphore, #tpu.memory_space<semaphore_mem>>) {add = true}
        %dma_wait3A_300 = tpu.memref_slice %arg6[%run_scoped3A_271, %mul3A_270] : memref<2x3328xi32, #tpu.memory_space<vmem>> -> memref<1x128xi32, #tpu.memory_space<vmem>>
        %dma_wait3A_301 = tpu.memref_squeeze %dma_wait3A_300 : memref<1x128xi32, #tpu.memory_space<vmem>> -> memref<128xi32, #tpu.memory_space<vmem>>
        %dma_wait3A_302 = arith.constant 0 : i32
        %dma_wait3A_303 = arith.constant 0 : i32
        %dma_wait3A_304 = tpu.memref_slice %arg13[%dma_wait3A_302, %dma_wait3A_303] : memref<10000x128xf32, #tpu.memory_space<vmem_shared>> -> memref<10000x128xf32, #tpu.memory_space<vmem_shared>>
        tpu.wait_indirect_dma semaphore(%run_scoped3A_294 : memref<!tpu.dma_semaphore, #tpu.memory_space<semaphore_mem>>) src(%arg9 : memref<128x128xf32, #tpu.memory_space<vmem>>) dst(%dma_wait3A_304 : memref<10000x128xf32, #tpu.memory_space<vmem_shared>>)
        tpu.yield
      }) : () -> ()
      %add3A_272 = arith.constant 2 : i32
      %add3A_273 = arith.addi %mul3A_250, %add3A_272 : i32
      %lt3A_274 = arith.constant 26 : i32
      %lt3A_275 = arith.cmpi slt, %add3A_273, %lt3A_274 : i32
      %convert_element_type3A_276 = arith.extui %lt3A_275 : i1 to i32
      %cond3A_277 = arith.constant 0 : i32
      %cond3A_278 = arith.cmpi ne, %convert_element_type3A_276, %cond3A_277 : i32
      scf.if %cond3A_278 {
        %add3A_294 = arith.constant 2 : i32
        %add3A_295 = arith.addi %mul3A_250, %add3A_294 : i32
        %mul3A_296 = arith.constant 128 : i32
        %mul3A_297 = arith.muli %add3A_295, %mul3A_296 : i32
        %dma_start3A_298 = arith.constant 1 : i32
        %dma_start3A_299 = tpu.memref_slice %arg5[%dma_start3A_298, %mul3A_297] : memref<2x3328xi32, #tpu.memory_space<vmem>> -> memref<1x128xi32, #tpu.memory_space<vmem>>
        %dma_start3A_300 = tpu.memref_squeeze %dma_start3A_299 : memref<1x128xi32, #tpu.memory_space<vmem>> -> memref<128xi32, #tpu.memory_space<vmem>>
        %dma_start3A_301 = arith.constant 0 : i32
        %dma_start3A_302 = arith.constant 0 : i32
        %dma_start3A_303 = tpu.memref_slice %arg2[%dma_start3A_301, %dma_start3A_302] : memref<10000x128xf32, #tpu.memory_space<hbm>> -> memref<10000x128xf32, #tpu.memory_space<hbm>>
        tpu.enqueue_indirect_dma source(%dma_start3A_303 : memref<10000x128xf32, #tpu.memory_space<hbm>>) target(%arg9 : memref<128x128xf32, #tpu.memory_space<vmem>>) offsets(%dma_start3A_300 : memref<128xi32, #tpu.memory_space<vmem>>) semaphore(%arg15 : memref<!tpu.dma_semaphore, #tpu.memory_space<semaphore_mem>>)
      } else {
      }
      %add3A_279 = arith.constant 1 : i32
      %add3A_280 = arith.addi %mul3A_250, %add3A_279 : i32
      %mul3A_281 = arith.constant 128 : i32
      %mul3A_282 = arith.muli %add3A_280, %mul3A_281 : i32
      %dma_wait3A_283 = arith.constant 1 : i32
      %dma_wait3A_284 = tpu.memref_slice %arg5[%dma_wait3A_283, %mul3A_282] : memref<2x3328xi32, #tpu.memory_space<vmem>> -> memref<1x128xi32, #tpu.memory_space<vmem>>
      %dma_wait3A_285 = tpu.memref_squeeze %dma_wait3A_284 : memref<1x128xi32, #tpu.memory_space<vmem>> -> memref<128xi32, #tpu.memory_space<vmem>>
      %dma_wait3A_286 = arith.constant 0 : i32
      %dma_wait3A_287 = arith.constant 0 : i32
      %dma_wait3A_288 = tpu.memref_slice %arg2[%dma_wait3A_286, %dma_wait3A_287] : memref<10000x128xf32, #tpu.memory_space<hbm>> -> memref<10000x128xf32, #tpu.memory_space<hbm>>
      tpu.wait_indirect_dma semaphore(%arg16 : memref<!tpu.dma_semaphore, #tpu.memory_space<semaphore_mem>>) src(%dma_wait3A_288 : memref<10000x128xf32, #tpu.memory_space<hbm>>) dst(%arg10 : memref<128x128xf32, #tpu.memory_space<vmem>>)
      %add3A_289 = arith.constant 1 : i32
      %add3A_290 = arith.addi %mul3A_250, %add3A_289 : i32
      %mul3A_291 = arith.constant 128 : i32
      %mul3A_292 = arith.muli %add3A_290, %mul3A_291 : i32
      %run_scoped3A_293 = arith.constant 1 : i32
      "tpu.region"() ({
        %run_scoped3A_294 = tpu.sem_alloc : memref<!tpu.dma_semaphore, #tpu.memory_space<semaphore_mem>>
        %dma_start3A_295 = tpu.memref_slice %arg6[%run_scoped3A_293, %mul3A_292] : memref<2x3328xi32, #tpu.memory_space<vmem>> -> memref<1x128xi32, #tpu.memory_space<vmem>>
        %dma_start3A_296 = tpu.memref_squeeze %dma_start3A_295 : memref<1x128xi32, #tpu.memory_space<vmem>> -> memref<128xi32, #tpu.memory_space<vmem>>
        %dma_start3A_297 = arith.constant 0 : i32
        %dma_start3A_298 = arith.constant 0 : i32
        %dma_start3A_299 = tpu.memref_slice %arg13[%dma_start3A_297, %dma_start3A_298] : memref<10000x128xf32, #tpu.memory_space<vmem_shared>> -> memref<10000x128xf32, #tpu.memory_space<vmem_shared>>
        tpu.enqueue_indirect_dma source(%arg10 : memref<128x128xf32, #tpu.memory_space<vmem>>) target(%dma_start3A_299 : memref<10000x128xf32, #tpu.memory_space<vmem_shared>>) offsets(%dma_start3A_296 : memref<128xi32, #tpu.memory_space<vmem>>) semaphore(%run_scoped3A_294 : memref<!tpu.dma_semaphore, #tpu.memory_space<semaphore_mem>>) {add = true}
        %dma_wait3A_300 = tpu.memref_slice %arg6[%run_scoped3A_293, %mul3A_292] : memref<2x3328xi32, #tpu.memory_space<vmem>> -> memref<1x128xi32, #tpu.memory_space<vmem>>
        %dma_wait3A_301 = tpu.memref_squeeze %dma_wait3A_300 : memref<1x128xi32, #tpu.memory_space<vmem>> -> memref<128xi32, #tpu.memory_space<vmem>>
        %dma_wait3A_302 = arith.constant 0 : i32
        %dma_wait3A_303 = arith.constant 0 : i32
        %dma_wait3A_304 = tpu.memref_slice %arg13[%dma_wait3A_302, %dma_wait3A_303] : memref<10000x128xf32, #tpu.memory_space<vmem_shared>> -> memref<10000x128xf32, #tpu.memory_space<vmem_shared>>
        tpu.wait_indirect_dma semaphore(%run_scoped3A_294 : memref<!tpu.dma_semaphore, #tpu.memory_space<semaphore_mem>>) src(%arg10 : memref<128x128xf32, #tpu.memory_space<vmem>>) dst(%dma_wait3A_304 : memref<10000x128xf32, #tpu.memory_space<vmem_shared>>)
        tpu.yield
      }) : () -> ()
    }
    %scan3A_197 = arith.constant 13 : i32
    %add3A_198 = arith.constant 6656 : i32
    %add3A_199 = arith.addi %multiple_of3A, %add3A_198 : i32
    %dma_wait3A_200 = arith.constant 0 : i32
    %dma_wait3A_201 = arith.constant 0 : i32
    %dma_wait3A_202 = arith.constant 0 : i32
    %dma_wait3A_203 = tpu.memref_slice %arg5[%dma_wait3A_201, %dma_wait3A_202] : memref<2x3328xi32, #tpu.memory_space<vmem>> -> memref<1x3328xi32, #tpu.memory_space<vmem>>
    %dma_wait3A_204 = tpu.memref_squeeze %dma_wait3A_203 : memref<1x3328xi32, #tpu.memory_space<vmem>> -> memref<3328xi32, #tpu.memory_space<vmem>>
    %dma_wait3A_205 = tpu.memref_slice %arg3[%dma_wait3A_200, %add3A_199] : memref<2x320000xi32, #tpu.memory_space<hbm>> -> memref<1x3328xi32, #tpu.memory_space<hbm>>
    %dma_wait3A_206 = tpu.memref_squeeze %dma_wait3A_205 : memref<1x3328xi32, #tpu.memory_space<hbm>> -> memref<3328xi32, #tpu.memory_space<hbm>>
    %dma_wait3A_207 = arith.constant 0 : i32
    %dma_wait3A_208 = tpu.memref_slice %arg5[%dma_wait3A_201, %dma_wait3A_207] : memref<2x3328xi32, #tpu.memory_space<vmem>> -> memref<1x3328xi32, #tpu.memory_space<vmem>>
    %dma_wait3A_209 = tpu.memref_squeeze %dma_wait3A_208 : memref<1x3328xi32, #tpu.memory_space<vmem>> -> memref<3328xi32, #tpu.memory_space<vmem>>
    %dma_wait3A_210 = tpu.memref_slice %arg3[%dma_wait3A_200, %add3A_199] : memref<2x320000xi32, #tpu.memory_space<hbm>> -> memref<1x3328xi32, #tpu.memory_space<hbm>>
    %dma_wait3A_211 = tpu.memref_squeeze %dma_wait3A_210 : memref<1x3328xi32, #tpu.memory_space<hbm>> -> memref<3328xi32, #tpu.memory_space<hbm>>
    tpu.wait_dma2 semaphore(%arg17 : memref<!tpu.dma_semaphore, #tpu.memory_space<semaphore_mem>>) src(%dma_wait3A_211 : memref<3328xi32, #tpu.memory_space<hbm>>) dst(%dma_wait3A_209 : memref<3328xi32, #tpu.memory_space<vmem>>)
    %dma_wait3A_212 = arith.constant 1 : i32
    %dma_wait3A_213 = arith.constant 0 : i32
    %dma_wait3A_214 = arith.constant 0 : i32
    %dma_wait3A_215 = tpu.memref_slice %arg6[%dma_wait3A_213, %dma_wait3A_214] : memref<2x3328xi32, #tpu.memory_space<vmem>> -> memref<1x3328xi32, #tpu.memory_space<vmem>>
    %dma_wait3A_216 = tpu.memref_squeeze %dma_wait3A_215 : memref<1x3328xi32, #tpu.memory_space<vmem>> -> memref<3328xi32, #tpu.memory_space<vmem>>
    %dma_wait3A_217 = tpu.memref_slice %arg3[%dma_wait3A_212, %add3A_199] : memref<2x320000xi32, #tpu.memory_space<hbm>> -> memref<1x3328xi32, #tpu.memory_space<hbm>>
    %dma_wait3A_218 = tpu.memref_squeeze %dma_wait3A_217 : memref<1x3328xi32, #tpu.memory_space<hbm>> -> memref<3328xi32, #tpu.memory_space<hbm>>
    %dma_wait3A_219 = arith.constant 0 : i32
    %dma_wait3A_220 = tpu.memref_slice %arg6[%dma_wait3A_213, %dma_wait3A_219] : memref<2x3328xi32, #tpu.memory_space<vmem>> -> memref<1x3328xi32, #tpu.memory_space<vmem>>
    %dma_wait3A_221 = tpu.memref_squeeze %dma_wait3A_220 : memref<1x3328xi32, #tpu.memory_space<vmem>> -> memref<3328xi32, #tpu.memory_space<vmem>>
    %dma_wait3A_222 = tpu.memref_slice %arg3[%dma_wait3A_212, %add3A_199] : memref<2x320000xi32, #tpu.memory_space<hbm>> -> memref<1x3328xi32, #tpu.memory_space<hbm>>
    %dma_wait3A_223 = tpu.memref_squeeze %dma_wait3A_222 : memref<1x3328xi32, #tpu.memory_space<hbm>> -> memref<3328xi32, #tpu.memory_space<hbm>>
    tpu.wait_dma2 semaphore(%arg17 : memref<!tpu.dma_semaphore, #tpu.memory_space<semaphore_mem>>) src(%dma_wait3A_223 : memref<3328xi32, #tpu.memory_space<hbm>>) dst(%dma_wait3A_221 : memref<3328xi32, #tpu.memory_space<vmem>>)
    %dma_start3A_224 = arith.constant 0 : i32
    %dma_start3A_225 = arith.constant 0 : i32
    %dma_start3A_226 = tpu.memref_slice %arg5[%dma_start3A_224, %dma_start3A_225] : memref<2x3328xi32, #tpu.memory_space<vmem>> -> memref<1x128xi32, #tpu.memory_space<vmem>>
    %dma_start3A_227 = tpu.memref_squeeze %dma_start3A_226 : memref<1x128xi32, #tpu.memory_space<vmem>> -> memref<128xi32, #tpu.memory_space<vmem>>
    %dma_start3A_228 = arith.constant 0 : i32
    %dma_start3A_229 = arith.constant 0 : i32
    %dma_start3A_230 = tpu.memref_slice %arg2[%dma_start3A_228, %dma_start3A_229] : memref<10000x128xf32, #tpu.memory_space<hbm>> -> memref<10000x128xf32, #tpu.memory_space<hbm>>
    tpu.enqueue_indirect_dma source(%dma_start3A_230 : memref<10000x128xf32, #tpu.memory_space<hbm>>) target(%arg9 : memref<128x128xf32, #tpu.memory_space<vmem>>) offsets(%dma_start3A_227 : memref<128xi32, #tpu.memory_space<vmem>>) semaphore(%arg15 : memref<!tpu.dma_semaphore, #tpu.memory_space<semaphore_mem>>)
    %scan3A_231 = arith.constant 0 : i32
    %scan3A_232 = arith.constant 0 : i32
    %scan3A_233 = arith.constant 13 : i32
    %scan3A_234 = arith.addi %scan3A_232, %scan3A_233 : i32
    %scan3A_235 = arith.constant 1 : i32
    scf.for %scan3A_248 = %scan3A_232 to %scan3A_234 step %scan3A_235  : i32 {
      %mul3A_249 = arith.constant 2 : i32
      %mul3A_250 = arith.muli %mul3A_249, %scan3A_248 : i32
      %add3A_251 = arith.constant 1 : i32
      %add3A_252 = arith.addi %mul3A_250, %add3A_251 : i32
      %mul3A_253 = arith.constant 128 : i32
      %mul3A_254 = arith.muli %add3A_252, %mul3A_253 : i32
      %dma_start3A_255 = arith.constant 0 : i32
      %dma_start3A_256 = tpu.memref_slice %arg5[%dma_start3A_255, %mul3A_254] : memref<2x3328xi32, #tpu.memory_space<vmem>> -> memref<1x128xi32, #tpu.memory_space<vmem>>
      %dma_start3A_257 = tpu.memref_squeeze %dma_start3A_256 : memref<1x128xi32, #tpu.memory_space<vmem>> -> memref<128xi32, #tpu.memory_space<vmem>>
      %dma_start3A_258 = arith.constant 0 : i32
      %dma_start3A_259 = arith.constant 0 : i32
      %dma_start3A_260 = tpu.memref_slice %arg2[%dma_start3A_258, %dma_start3A_259] : memref<10000x128xf32, #tpu.memory_space<hbm>> -> memref<10000x128xf32, #tpu.memory_space<hbm>>
      tpu.enqueue_indirect_dma source(%dma_start3A_260 : memref<10000x128xf32, #tpu.memory_space<hbm>>) target(%arg10 : memref<128x128xf32, #tpu.memory_space<vmem>>) offsets(%dma_start3A_257 : memref<128xi32, #tpu.memory_space<vmem>>) semaphore(%arg16 : memref<!tpu.dma_semaphore, #tpu.memory_space<semaphore_mem>>)
      %mul3A_261 = arith.constant 128 : i32
      %mul3A_262 = arith.muli %mul3A_250, %mul3A_261 : i32
      %dma_wait3A_263 = arith.constant 0 : i32
      %dma_wait3A_264 = tpu.memref_slice %arg5[%dma_wait3A_263, %mul3A_262] : memref<2x3328xi32, #tpu.memory_space<vmem>> -> memref<1x128xi32, #tpu.memory_space<vmem>>
      %dma_wait3A_265 = tpu.memref_squeeze %dma_wait3A_264 : memref<1x128xi32, #tpu.memory_space<vmem>> -> memref<128xi32, #tpu.memory_space<vmem>>
      %dma_wait3A_266 = arith.constant 0 : i32
      %dma_wait3A_267 = arith.constant 0 : i32
      %dma_wait3A_268 = tpu.memref_slice %arg2[%dma_wait3A_266, %dma_wait3A_267] : memref<10000x128xf32, #tpu.memory_space<hbm>> -> memref<10000x128xf32, #tpu.memory_space<hbm>>
      tpu.wait_indirect_dma semaphore(%arg15 : memref<!tpu.dma_semaphore, #tpu.memory_space<semaphore_mem>>) src(%dma_wait3A_268 : memref<10000x128xf32, #tpu.memory_space<hbm>>) dst(%arg9 : memref<128x128xf32, #tpu.memory_space<vmem>>)
      %mul3A_269 = arith.constant 128 : i32
      %mul3A_270 = arith.muli %mul3A_250, %mul3A_269 : i32
      %run_scoped3A_271 = arith.constant 0 : i32
      "tpu.region"() ({
        %run_scoped3A_294 = tpu.sem_alloc : memref<!tpu.dma_semaphore, #tpu.memory_space<semaphore_mem>>
        %dma_start3A_295 = tpu.memref_slice %arg6[%run_scoped3A_271, %mul3A_270] : memref<2x3328xi32, #tpu.memory_space<vmem>> -> memref<1x128xi32, #tpu.memory_space<vmem>>
        %dma_start3A_296 = tpu.memref_squeeze %dma_start3A_295 : memref<1x128xi32, #tpu.memory_space<vmem>> -> memref<128xi32, #tpu.memory_space<vmem>>
        %dma_start3A_297 = arith.constant 0 : i32
        %dma_start3A_298 = arith.constant 0 : i32
        %dma_start3A_299 = tpu.memref_slice %arg13[%dma_start3A_297, %dma_start3A_298] : memref<10000x128xf32, #tpu.memory_space<vmem_shared>> -> memref<10000x128xf32, #tpu.memory_space<vmem_shared>>
        tpu.enqueue_indirect_dma source(%arg9 : memref<128x128xf32, #tpu.memory_space<vmem>>) target(%dma_start3A_299 : memref<10000x128xf32, #tpu.memory_space<vmem_shared>>) offsets(%dma_start3A_296 : memref<128xi32, #tpu.memory_space<vmem>>) semaphore(%run_scoped3A_294 : memref<!tpu.dma_semaphore, #tpu.memory_space<semaphore_mem>>) {add = true}
        %dma_wait3A_300 = tpu.memref_slice %arg6[%run_scoped3A_271, %mul3A_270] : memref<2x3328xi32, #tpu.memory_space<vmem>> -> memref<1x128xi32, #tpu.memory_space<vmem>>
        %dma_wait3A_301 = tpu.memref_squeeze %dma_wait3A_300 : memref<1x128xi32, #tpu.memory_space<vmem>> -> memref<128xi32, #tpu.memory_space<vmem>>
        %dma_wait3A_302 = arith.constant 0 : i32
        %dma_wait3A_303 = arith.constant 0 : i32
        %dma_wait3A_304 = tpu.memref_slice %arg13[%dma_wait3A_302, %dma_wait3A_303] : memref<10000x128xf32, #tpu.memory_space<vmem_shared>> -> memref<10000x128xf32, #tpu.memory_space<vmem_shared>>
        tpu.wait_indirect_dma semaphore(%run_scoped3A_294 : memref<!tpu.dma_semaphore, #tpu.memory_space<semaphore_mem>>) src(%arg9 : memref<128x128xf32, #tpu.memory_space<vmem>>) dst(%dma_wait3A_304 : memref<10000x128xf32, #tpu.memory_space<vmem_shared>>)
        tpu.yield
      }) : () -> ()
      %add3A_272 = arith.constant 2 : i32
      %add3A_273 = arith.addi %mul3A_250, %add3A_272 : i32
      %lt3A_274 = arith.constant 26 : i32
      %lt3A_275 = arith.cmpi slt, %add3A_273, %lt3A_274 : i32
      %convert_element_type3A_276 = arith.extui %lt3A_275 : i1 to i32
      %cond3A_277 = arith.constant 0 : i32
      %cond3A_278 = arith.cmpi ne, %convert_element_type3A_276, %cond3A_277 : i32
      scf.if %cond3A_278 {
        %add3A_294 = arith.constant 2 : i32
        %add3A_295 = arith.addi %mul3A_250, %add3A_294 : i32
        %mul3A_296 = arith.constant 128 : i32
        %mul3A_297 = arith.muli %add3A_295, %mul3A_296 : i32
        %dma_start3A_298 = arith.constant 0 : i32
        %dma_start3A_299 = tpu.memref_slice %arg5[%dma_start3A_298, %mul3A_297] : memref<2x3328xi32, #tpu.memory_space<vmem>> -> memref<1x128xi32, #tpu.memory_space<vmem>>
        %dma_start3A_300 = tpu.memref_squeeze %dma_start3A_299 : memref<1x128xi32, #tpu.memory_space<vmem>> -> memref<128xi32, #tpu.memory_space<vmem>>
        %dma_start3A_301 = arith.constant 0 : i32
        %dma_start3A_302 = arith.constant 0 : i32
        %dma_start3A_303 = tpu.memref_slice %arg2[%dma_start3A_301, %dma_start3A_302] : memref<10000x128xf32, #tpu.memory_space<hbm>> -> memref<10000x128xf32, #tpu.memory_space<hbm>>
        tpu.enqueue_indirect_dma source(%dma_start3A_303 : memref<10000x128xf32, #tpu.memory_space<hbm>>) target(%arg9 : memref<128x128xf32, #tpu.memory_space<vmem>>) offsets(%dma_start3A_300 : memref<128xi32, #tpu.memory_space<vmem>>) semaphore(%arg15 : memref<!tpu.dma_semaphore, #tpu.memory_space<semaphore_mem>>)
      } else {
      }
      %add3A_279 = arith.constant 1 : i32
      %add3A_280 = arith.addi %mul3A_250, %add3A_279 : i32
      %mul3A_281 = arith.constant 128 : i32
      %mul3A_282 = arith.muli %add3A_280, %mul3A_281 : i32
      %dma_wait3A_283 = arith.constant 0 : i32
      %dma_wait3A_284 = tpu.memref_slice %arg5[%dma_wait3A_283, %mul3A_282] : memref<2x3328xi32, #tpu.memory_space<vmem>> -> memref<1x128xi32, #tpu.memory_space<vmem>>
      %dma_wait3A_285 = tpu.memref_squeeze %dma_wait3A_284 : memref<1x128xi32, #tpu.memory_space<vmem>> -> memref<128xi32, #tpu.memory_space<vmem>>
      %dma_wait3A_286 = arith.constant 0 : i32
      %dma_wait3A_287 = arith.constant 0 : i32
      %dma_wait3A_288 = tpu.memref_slice %arg2[%dma_wait3A_286, %dma_wait3A_287] : memref<10000x128xf32, #tpu.memory_space<hbm>> -> memref<10000x128xf32, #tpu.memory_space<hbm>>
      tpu.wait_indirect_dma semaphore(%arg16 : memref<!tpu.dma_semaphore, #tpu.memory_space<semaphore_mem>>) src(%dma_wait3A_288 : memref<10000x128xf32, #tpu.memory_space<hbm>>) dst(%arg10 : memref<128x128xf32, #tpu.memory_space<vmem>>)
      %add3A_289 = arith.constant 1 : i32
      %add3A_290 = arith.addi %mul3A_250, %add3A_289 : i32
      %mul3A_291 = arith.constant 128 : i32
      %mul3A_292 = arith.muli %add3A_290, %mul3A_291 : i32
      %run_scoped3A_293 = arith.constant 0 : i32
      "tpu.region"() ({
        %run_scoped3A_294 = tpu.sem_alloc : memref<!tpu.dma_semaphore, #tpu.memory_space<semaphore_mem>>
        %dma_start3A_295 = tpu.memref_slice %arg6[%run_scoped3A_293, %mul3A_292] : memref<2x3328xi32, #tpu.memory_space<vmem>> -> memref<1x128xi32, #tpu.memory_space<vmem>>
        %dma_start3A_296 = tpu.memref_squeeze %dma_start3A_295 : memref<1x128xi32, #tpu.memory_space<vmem>> -> memref<128xi32, #tpu.memory_space<vmem>>
        %dma_start3A_297 = arith.constant 0 : i32
        %dma_start3A_298 = arith.constant 0 : i32
        %dma_start3A_299 = tpu.memref_slice %arg13[%dma_start3A_297, %dma_start3A_298] : memref<10000x128xf32, #tpu.memory_space<vmem_shared>> -> memref<10000x128xf32, #tpu.memory_space<vmem_shared>>
        tpu.enqueue_indirect_dma source(%arg10 : memref<128x128xf32, #tpu.memory_space<vmem>>) target(%dma_start3A_299 : memref<10000x128xf32, #tpu.memory_space<vmem_shared>>) offsets(%dma_start3A_296 : memref<128xi32, #tpu.memory_space<vmem>>) semaphore(%run_scoped3A_294 : memref<!tpu.dma_semaphore, #tpu.memory_space<semaphore_mem>>) {add = true}
        %dma_wait3A_300 = tpu.memref_slice %arg6[%run_scoped3A_293, %mul3A_292] : memref<2x3328xi32, #tpu.memory_space<vmem>> -> memref<1x128xi32, #tpu.memory_space<vmem>>
        %dma_wait3A_301 = tpu.memref_squeeze %dma_wait3A_300 : memref<1x128xi32, #tpu.memory_space<vmem>> -> memref<128xi32, #tpu.memory_space<vmem>>
        %dma_wait3A_302 = arith.constant 0 : i32
        %dma_wait3A_303 = arith.constant 0 : i32
        %dma_wait3A_304 = tpu.memref_slice %arg13[%dma_wait3A_302, %dma_wait3A_303] : memref<10000x128xf32, #tpu.memory_space<vmem_shared>> -> memref<10000x128xf32, #tpu.memory_space<vmem_shared>>
        tpu.wait_indirect_dma semaphore(%run_scoped3A_294 : memref<!tpu.dma_semaphore, #tpu.memory_space<semaphore_mem>>) src(%arg10 : memref<128x128xf32, #tpu.memory_space<vmem>>) dst(%dma_wait3A_304 : memref<10000x128xf32, #tpu.memory_space<vmem_shared>>)
        tpu.yield
      }) : () -> ()
    }
    %scan3A_236 = arith.constant 13 : i32
    %lt3A_237 = arith.constant 4 : i32
    %lt3A_238 = arith.cmpi slt, %add3A, %lt3A_237 : i32
    %convert_element_type3A_239 = arith.extui %lt3A_238 : i1 to i32
    %cond3A_240 = arith.constant 0 : i32
    %cond3A_241 = arith.cmpi ne, %convert_element_type3A_239, %cond3A_240 : i32
    scf.if %cond3A_241 {
      %add3A_248 = arith.constant 9984 : i32
      %add3A_249 = arith.addi %multiple_of3A, %add3A_248 : i32
      %run_scoped3A_250 = arith.constant 0 : i32
      %run_scoped3A_251 = arith.constant 0 : i32
      "tpu.region"() ({
        %run_scoped3A_269 = tpu.sem_alloc : memref<!tpu.dma_semaphore, #tpu.memory_space<semaphore_mem>>
        %dma_start3A_270 = arith.constant 0 : i32
        %dma_start3A_271 = tpu.memref_slice %arg7[%run_scoped3A_251, %dma_start3A_270] : memref<1x128xi32, #tpu.memory_space<vmem>> -> memref<1x128xi32, #tpu.memory_space<vmem>>
        %dma_start3A_272 = tpu.memref_squeeze %dma_start3A_271 : memref<1x128xi32, #tpu.memory_space<vmem>> -> memref<128xi32, #tpu.memory_space<vmem>>
        %dma_start3A_273 = tpu.memref_slice %arg3[%run_scoped3A_250, %add3A_249] : memref<2x320000xi32, #tpu.memory_space<hbm>> -> memref<1x128xi32, #tpu.memory_space<hbm>>
        %dma_start3A_274 = tpu.memref_squeeze %dma_start3A_273 : memref<1x128xi32, #tpu.memory_space<hbm>> -> memref<128xi32, #tpu.memory_space<hbm>>
        %dma_start3A_275 = arith.constant 0 : i32
        %dma_start3A_276 = tpu.memref_slice %arg7[%run_scoped3A_251, %dma_start3A_275] : memref<1x128xi32, #tpu.memory_space<vmem>> -> memref<1x128xi32, #tpu.memory_space<vmem>>
        %dma_start3A_277 = tpu.memref_squeeze %dma_start3A_276 : memref<1x128xi32, #tpu.memory_space<vmem>> -> memref<128xi32, #tpu.memory_space<vmem>>
        %dma_start3A_278 = tpu.memref_slice %arg3[%run_scoped3A_250, %add3A_249] : memref<2x320000xi32, #tpu.memory_space<hbm>> -> memref<1x128xi32, #tpu.memory_space<hbm>>
        %dma_start3A_279 = tpu.memref_squeeze %dma_start3A_278 : memref<1x128xi32, #tpu.memory_space<hbm>> -> memref<128xi32, #tpu.memory_space<hbm>>
        tpu.enqueue_dma source(%dma_start3A_279 : memref<128xi32, #tpu.memory_space<hbm>>) target(%dma_start3A_277 : memref<128xi32, #tpu.memory_space<vmem>>) target_semaphore(%run_scoped3A_269 : memref<!tpu.dma_semaphore, #tpu.memory_space<semaphore_mem>>)
        %dma_wait3A_280 = arith.constant 0 : i32
        %dma_wait3A_281 = tpu.memref_slice %arg7[%run_scoped3A_251, %dma_wait3A_280] : memref<1x128xi32, #tpu.memory_space<vmem>> -> memref<1x128xi32, #tpu.memory_space<vmem>>
        %dma_wait3A_282 = tpu.memref_squeeze %dma_wait3A_281 : memref<1x128xi32, #tpu.memory_space<vmem>> -> memref<128xi32, #tpu.memory_space<vmem>>
        %dma_wait3A_283 = tpu.memref_slice %arg3[%run_scoped3A_250, %add3A_249] : memref<2x320000xi32, #tpu.memory_space<hbm>> -> memref<1x128xi32, #tpu.memory_space<hbm>>
        %dma_wait3A_284 = tpu.memref_squeeze %dma_wait3A_283 : memref<1x128xi32, #tpu.memory_space<hbm>> -> memref<128xi32, #tpu.memory_space<hbm>>
        %dma_wait3A_285 = arith.constant 0 : i32
        %dma_wait3A_286 = tpu.memref_slice %arg7[%run_scoped3A_251, %dma_wait3A_285] : memref<1x128xi32, #tpu.memory_space<vmem>> -> memref<1x128xi32, #tpu.memory_space<vmem>>
        %dma_wait3A_287 = tpu.memref_squeeze %dma_wait3A_286 : memref<1x128xi32, #tpu.memory_space<vmem>> -> memref<128xi32, #tpu.memory_space<vmem>>
        %dma_wait3A_288 = tpu.memref_slice %arg3[%run_scoped3A_250, %add3A_249] : memref<2x320000xi32, #tpu.memory_space<hbm>> -> memref<1x128xi32, #tpu.memory_space<hbm>>
        %dma_wait3A_289 = tpu.memref_squeeze %dma_wait3A_288 : memref<1x128xi32, #tpu.memory_space<hbm>> -> memref<128xi32, #tpu.memory_space<hbm>>
        tpu.wait_dma2 semaphore(%run_scoped3A_269 : memref<!tpu.dma_semaphore, #tpu.memory_space<semaphore_mem>>) src(%dma_wait3A_289 : memref<128xi32, #tpu.memory_space<hbm>>) dst(%dma_wait3A_287 : memref<128xi32, #tpu.memory_space<vmem>>)
        tpu.yield
      }) : () -> ()
      %run_scoped3A_252 = arith.constant 1 : i32
      %run_scoped3A_253 = arith.constant 0 : i32
      "tpu.region"() ({
        %run_scoped3A_269 = tpu.sem_alloc : memref<!tpu.dma_semaphore, #tpu.memory_space<semaphore_mem>>
        %dma_start3A_270 = arith.constant 0 : i32
        %dma_start3A_271 = tpu.memref_slice %arg8[%run_scoped3A_253, %dma_start3A_270] : memref<1x128xi32, #tpu.memory_space<vmem>> -> memref<1x128xi32, #tpu.memory_space<vmem>>
        %dma_start3A_272 = tpu.memref_squeeze %dma_start3A_271 : memref<1x128xi32, #tpu.memory_space<vmem>> -> memref<128xi32, #tpu.memory_space<vmem>>
        %dma_start3A_273 = tpu.memref_slice %arg3[%run_scoped3A_252, %add3A_249] : memref<2x320000xi32, #tpu.memory_space<hbm>> -> memref<1x128xi32, #tpu.memory_space<hbm>>
        %dma_start3A_274 = tpu.memref_squeeze %dma_start3A_273 : memref<1x128xi32, #tpu.memory_space<hbm>> -> memref<128xi32, #tpu.memory_space<hbm>>
        %dma_start3A_275 = arith.constant 0 : i32
        %dma_start3A_276 = tpu.memref_slice %arg8[%run_scoped3A_253, %dma_start3A_275] : memref<1x128xi32, #tpu.memory_space<vmem>> -> memref<1x128xi32, #tpu.memory_space<vmem>>
        %dma_start3A_277 = tpu.memref_squeeze %dma_start3A_276 : memref<1x128xi32, #tpu.memory_space<vmem>> -> memref<128xi32, #tpu.memory_space<vmem>>
        %dma_start3A_278 = tpu.memref_slice %arg3[%run_scoped3A_252, %add3A_249] : memref<2x320000xi32, #tpu.memory_space<hbm>> -> memref<1x128xi32, #tpu.memory_space<hbm>>
        %dma_start3A_279 = tpu.memref_squeeze %dma_start3A_278 : memref<1x128xi32, #tpu.memory_space<hbm>> -> memref<128xi32, #tpu.memory_space<hbm>>
        tpu.enqueue_dma source(%dma_start3A_279 : memref<128xi32, #tpu.memory_space<hbm>>) target(%dma_start3A_277 : memref<128xi32, #tpu.memory_space<vmem>>) target_semaphore(%run_scoped3A_269 : memref<!tpu.dma_semaphore, #tpu.memory_space<semaphore_mem>>)
        %dma_wait3A_280 = arith.constant 0 : i32
        %dma_wait3A_281 = tpu.memref_slice %arg8[%run_scoped3A_253, %dma_wait3A_280] : memref<1x128xi32, #tpu.memory_space<vmem>> -> memref<1x128xi32, #tpu.memory_space<vmem>>
        %dma_wait3A_282 = tpu.memref_squeeze %dma_wait3A_281 : memref<1x128xi32, #tpu.memory_space<vmem>> -> memref<128xi32, #tpu.memory_space<vmem>>
        %dma_wait3A_283 = tpu.memref_slice %arg3[%run_scoped3A_252, %add3A_249] : memref<2x320000xi32, #tpu.memory_space<hbm>> -> memref<1x128xi32, #tpu.memory_space<hbm>>
        %dma_wait3A_284 = tpu.memref_squeeze %dma_wait3A_283 : memref<1x128xi32, #tpu.memory_space<hbm>> -> memref<128xi32, #tpu.memory_space<hbm>>
        %dma_wait3A_285 = arith.constant 0 : i32
        %dma_wait3A_286 = tpu.memref_slice %arg8[%run_scoped3A_253, %dma_wait3A_285] : memref<1x128xi32, #tpu.memory_space<vmem>> -> memref<1x128xi32, #tpu.memory_space<vmem>>
        %dma_wait3A_287 = tpu.memref_squeeze %dma_wait3A_286 : memref<1x128xi32, #tpu.memory_space<vmem>> -> memref<128xi32, #tpu.memory_space<vmem>>
        %dma_wait3A_288 = tpu.memref_slice %arg3[%run_scoped3A_252, %add3A_249] : memref<2x320000xi32, #tpu.memory_space<hbm>> -> memref<1x128xi32, #tpu.memory_space<hbm>>
        %dma_wait3A_289 = tpu.memref_squeeze %dma_wait3A_288 : memref<1x128xi32, #tpu.memory_space<hbm>> -> memref<128xi32, #tpu.memory_space<hbm>>
        tpu.wait_dma2 semaphore(%run_scoped3A_269 : memref<!tpu.dma_semaphore, #tpu.memory_space<semaphore_mem>>) src(%dma_wait3A_289 : memref<128xi32, #tpu.memory_space<hbm>>) dst(%dma_wait3A_287 : memref<128xi32, #tpu.memory_space<vmem>>)
        tpu.yield
      }) : () -> ()
      %dma_start3A_254 = arith.constant 0 : i32
      %dma_start3A_255 = arith.constant 0 : i32
      %dma_start3A_256 = tpu.memref_slice %arg7[%dma_start3A_254, %dma_start3A_255] : memref<1x128xi32, #tpu.memory_space<vmem>> -> memref<1x128xi32, #tpu.memory_space<vmem>>
      %dma_start3A_257 = tpu.memref_squeeze %dma_start3A_256 : memref<1x128xi32, #tpu.memory_space<vmem>> -> memref<128xi32, #tpu.memory_space<vmem>>
      %dma_start3A_258 = arith.constant 0 : i32
      %dma_start3A_259 = arith.constant 0 : i32
      %dma_start3A_260 = tpu.memref_slice %arg2[%dma_start3A_258, %dma_start3A_259] : memref<10000x128xf32, #tpu.memory_space<hbm>> -> memref<10000x128xf32, #tpu.memory_space<hbm>>
      tpu.enqueue_indirect_dma source(%dma_start3A_260 : memref<10000x128xf32, #tpu.memory_space<hbm>>) target(%arg9 : memref<128x128xf32, #tpu.memory_space<vmem>>) offsets(%dma_start3A_257 : memref<128xi32, #tpu.memory_space<vmem>>) semaphore(%arg15 : memref<!tpu.dma_semaphore, #tpu.memory_space<semaphore_mem>>)
      %dma_wait3A_261 = arith.constant 0 : i32
      %dma_wait3A_262 = arith.constant 0 : i32
      %dma_wait3A_263 = tpu.memref_slice %arg7[%dma_wait3A_261, %dma_wait3A_262] : memref<1x128xi32, #tpu.memory_space<vmem>> -> memref<1x128xi32, #tpu.memory_space<vmem>>
      %dma_wait3A_264 = tpu.memref_squeeze %dma_wait3A_263 : memref<1x128xi32, #tpu.memory_space<vmem>> -> memref<128xi32, #tpu.memory_space<vmem>>
      %dma_wait3A_265 = arith.constant 0 : i32
      %dma_wait3A_266 = arith.constant 0 : i32
      %dma_wait3A_267 = tpu.memref_slice %arg2[%dma_wait3A_265, %dma_wait3A_266] : memref<10000x128xf32, #tpu.memory_space<hbm>> -> memref<10000x128xf32, #tpu.memory_space<hbm>>
      tpu.wait_indirect_dma semaphore(%arg15 : memref<!tpu.dma_semaphore, #tpu.memory_space<semaphore_mem>>) src(%dma_wait3A_267 : memref<10000x128xf32, #tpu.memory_space<hbm>>) dst(%arg9 : memref<128x128xf32, #tpu.memory_space<vmem>>)
      %run_scoped3A_268 = arith.constant 0 : i32
      "tpu.region"() ({
        %run_scoped3A_269 = tpu.sem_alloc : memref<!tpu.dma_semaphore, #tpu.memory_space<semaphore_mem>>
        %dma_start3A_270 = arith.constant 0 : i32
        %dma_start3A_271 = tpu.memref_slice %arg8[%run_scoped3A_268, %dma_start3A_270] : memref<1x128xi32, #tpu.memory_space<vmem>> -> memref<1x128xi32, #tpu.memory_space<vmem>>
        %dma_start3A_272 = tpu.memref_squeeze %dma_start3A_271 : memref<1x128xi32, #tpu.memory_space<vmem>> -> memref<128xi32, #tpu.memory_space<vmem>>
        %dma_start3A_273 = arith.constant 0 : i32
        %dma_start3A_274 = arith.constant 0 : i32
        %dma_start3A_275 = tpu.memref_slice %arg13[%dma_start3A_273, %dma_start3A_274] : memref<10000x128xf32, #tpu.memory_space<vmem_shared>> -> memref<10000x128xf32, #tpu.memory_space<vmem_shared>>
        tpu.enqueue_indirect_dma source(%arg9 : memref<128x128xf32, #tpu.memory_space<vmem>>) target(%dma_start3A_275 : memref<10000x128xf32, #tpu.memory_space<vmem_shared>>) offsets(%dma_start3A_272 : memref<128xi32, #tpu.memory_space<vmem>>) semaphore(%run_scoped3A_269 : memref<!tpu.dma_semaphore, #tpu.memory_space<semaphore_mem>>) {add = true}
        %dma_wait3A_276 = arith.constant 0 : i32
        %dma_wait3A_277 = tpu.memref_slice %arg8[%run_scoped3A_268, %dma_wait3A_276] : memref<1x128xi32, #tpu.memory_space<vmem>> -> memref<1x128xi32, #tpu.memory_space<vmem>>
        %dma_wait3A_278 = tpu.memref_squeeze %dma_wait3A_277 : memref<1x128xi32, #tpu.memory_space<vmem>> -> memref<128xi32, #tpu.memory_space<vmem>>
        %dma_wait3A_279 = arith.constant 0 : i32
        %dma_wait3A_280 = arith.constant 0 : i32
        %dma_wait3A_281 = tpu.memref_slice %arg13[%dma_wait3A_279, %dma_wait3A_280] : memref<10000x128xf32, #tpu.memory_space<vmem_shared>> -> memref<10000x128xf32, #tpu.memory_space<vmem_shared>>
        tpu.wait_indirect_dma semaphore(%run_scoped3A_269 : memref<!tpu.dma_semaphore, #tpu.memory_space<semaphore_mem>>) src(%arg9 : memref<128x128xf32, #tpu.memory_space<vmem>>) dst(%dma_wait3A_281 : memref<10000x128xf32, #tpu.memory_space<vmem_shared>>)
        tpu.yield
      }) : () -> ()
    } else {
    }
    %barrier3A_242 = arith.constant 0 : index
    tpu.barrier barrier_id(%barrier3A_242)
    "tpu.region"() ({
      %run_scoped3A_248 = tpu.sem_alloc : memref<!tpu.dma_semaphore, #tpu.memory_space<semaphore_mem>>
      %dma_start3A_249 = arith.constant 0 : i32
      %dma_start3A_250 = tpu.memref_slice %arg4[%arg0, %mul3A_27, %dma_start3A_249] : memref<2x10000x128xf32, #tpu.memory_space<hbm>> -> memref<1x624x128xf32, #tpu.memory_space<hbm>>
      %dma_start3A_251 = tpu.memref_squeeze %dma_start3A_250 : memref<1x624x128xf32, #tpu.memory_space<hbm>> -> memref<624x128xf32, #tpu.memory_space<hbm>>
      %dma_start3A_252 = arith.constant 0 : i32
      %dma_start3A_253 = tpu.memref_slice %arg13[%mul3A_27, %dma_start3A_252] : memref<10000x128xf32, #tpu.memory_space<vmem_shared>> -> memref<624x128xf32, #tpu.memory_space<vmem_shared>>
      tpu.enqueue_dma source(%dma_start3A_253 : memref<624x128xf32, #tpu.memory_space<vmem_shared>>) target(%dma_start3A_251 : memref<624x128xf32, #tpu.memory_space<hbm>>) target_semaphore(%run_scoped3A_248 : memref<!tpu.dma_semaphore, #tpu.memory_space<semaphore_mem>>)
      %dma_wait3A_254 = arith.constant 0 : i32
      %dma_wait3A_255 = tpu.memref_slice %arg4[%arg0, %mul3A_27, %dma_wait3A_254] : memref<2x10000x128xf32, #tpu.memory_space<hbm>> -> memref<1x624x128xf32, #tpu.memory_space<hbm>>
      %dma_wait3A_256 = tpu.memref_squeeze %dma_wait3A_255 : memref<1x624x128xf32, #tpu.memory_space<hbm>> -> memref<624x128xf32, #tpu.memory_space<hbm>>
      %dma_wait3A_257 = arith.constant 0 : i32
      %dma_wait3A_258 = tpu.memref_slice %arg13[%mul3A_27, %dma_wait3A_257] : memref<10000x128xf32, #tpu.memory_space<vmem_shared>> -> memref<624x128xf32, #tpu.memory_space<vmem_shared>>
      tpu.wait_dma2 semaphore(%run_scoped3A_248 : memref<!tpu.dma_semaphore, #tpu.memory_space<semaphore_mem>>) src(%dma_wait3A_258 : memref<624x128xf32, #tpu.memory_space<vmem_shared>>) dst(%dma_wait3A_256 : memref<624x128xf32, #tpu.memory_space<hbm>>)
      tpu.yield
    }) : () -> ()
    %eq3A_243 = arith.constant 3 : i32
    %eq3A_244 = arith.cmpi eq, %arg1, %eq3A_243 : i32
    %convert_element_type3A_245 = arith.extui %eq3A_244 : i1 to i32
    %cond3A_246 = arith.constant 0 : i32
    %cond3A_247 = arith.cmpi ne, %convert_element_type3A_245, %cond3A_246 : i32
    scf.if %cond3A_247 {
      "tpu.region"() ({
        %run_scoped3A_248 = tpu.sem_alloc : memref<!tpu.dma_semaphore, #tpu.memory_space<semaphore_mem>>
        %dma_start3A_249 = arith.constant 9984 : i32
        %dma_start3A_250 = arith.constant 0 : i32
        %dma_start3A_251 = tpu.memref_slice %arg4[%arg0, %dma_start3A_249, %dma_start3A_250] : memref<2x10000x128xf32, #tpu.memory_space<hbm>> -> memref<1x16x128xf32, #tpu.memory_space<hbm>>
        %dma_start3A_252 = tpu.memref_squeeze %dma_start3A_251 : memref<1x16x128xf32, #tpu.memory_space<hbm>> -> memref<16x128xf32, #tpu.memory_space<hbm>>
        %dma_start3A_253 = arith.constant 9984 : i32
        %dma_start3A_254 = arith.constant 0 : i32
        %dma_start3A_255 = tpu.memref_slice %arg13[%dma_start3A_253, %dma_start3A_254] : memref<10000x128xf32, #tpu.memory_space<vmem_shared>> -> memref<16x128xf32, #tpu.memory_space<vmem_shared>>
        tpu.enqueue_dma source(%dma_start3A_255 : memref<16x128xf32, #tpu.memory_space<vmem_shared>>) target(%dma_start3A_252 : memref<16x128xf32, #tpu.memory_space<hbm>>) target_semaphore(%run_scoped3A_248 : memref<!tpu.dma_semaphore, #tpu.memory_space<semaphore_mem>>)
        %dma_wait3A_256 = arith.constant 9984 : i32
        %dma_wait3A_257 = arith.constant 0 : i32
        %dma_wait3A_258 = tpu.memref_slice %arg4[%arg0, %dma_wait3A_256, %dma_wait3A_257] : memref<2x10000x128xf32, #tpu.memory_space<hbm>> -> memref<1x16x128xf32, #tpu.memory_space<hbm>>
        %dma_wait3A_259 = tpu.memref_squeeze %dma_wait3A_258 : memref<1x16x128xf32, #tpu.memory_space<hbm>> -> memref<16x128xf32, #tpu.memory_space<hbm>>
        %dma_wait3A_260 = arith.constant 9984 : i32
        %dma_wait3A_261 = arith.constant 0 : i32
        %dma_wait3A_262 = tpu.memref_slice %arg13[%dma_wait3A_260, %dma_wait3A_261] : memref<10000x128xf32, #tpu.memory_space<vmem_shared>> -> memref<16x128xf32, #tpu.memory_space<vmem_shared>>
        tpu.wait_dma2 semaphore(%run_scoped3A_248 : memref<!tpu.dma_semaphore, #tpu.memory_space<semaphore_mem>>) src(%dma_wait3A_262 : memref<16x128xf32, #tpu.memory_space<vmem_shared>>) dst(%dma_wait3A_259 : memref<16x128xf32, #tpu.memory_space<hbm>>)
        tpu.yield
      }) : () -> ()
    } else {
    }
    return
  }
}

module attributes {stable_mosaic.version = 14 : i64} {
  func.func @_tc_xw_body(%arg0: i32, %arg1: memref<5000x128xf32, #tpu.memory_space<vmem>>, %arg2: memref<128x128xf32, #tpu.memory_space<vmem>>, %arg3: memref<1x128xf32, #tpu.memory_space<vmem>>, %arg4: memref<5000x128xf32, #tpu.memory_space<vmem>>) attributes {dimension_semantics = [#tpu.dimension_semantics<arbitrary>], iteration_bounds = array<i64: 2>, scalar_prefetch = 0 : i64, scratch_operands = 0 : i64, tpu.core_type = #tpu.core_type<tc>, window_params = [{transform_indices = @transform_0, window_bounds = array<i64: 5000, 128>}, {pipeline_mode = #tpu.pipeline_mode<synchronous>, transform_indices = @transform_1, window_bounds = array<i64: 128, 128>}, {pipeline_mode = #tpu.pipeline_mode<synchronous>, transform_indices = @transform_2, window_bounds = array<i64: 1, 128>}, {transform_indices = @transform_3, window_bounds = array<i64: 5000, 128>}]} {
    %get3A = arith.constant 0 : index
    %get3A_0 = arith.constant 0 : index
    %get3A_1 = vector.load %arg1[%get3A, %get3A_0] : memref<5000x128xf32, #tpu.memory_space<vmem>>, vector<5000x128xf32>
    %get3A_2 = arith.constant 0 : index
    %get3A_3 = arith.constant 0 : index
    %get3A_4 = vector.load %arg2[%get3A_2, %get3A_3] : memref<128x128xf32, #tpu.memory_space<vmem>>, vector<128x128xf32>
    %dot_general3A = arith.constant dense<0.000000e+00> : vector<5000x128xf32>
    %dot_general3A_5 = tpu.matmul %get3A_1, %get3A_4, %dot_general3A {dimension_numbers = #tpu.dot_dimension_numbers<[1], [1], [0], [0], [0, 0, 1, 0], [], []>, transpose_lhs_hint = false} : vector<5000x128xf32>, vector<128x128xf32>, vector<5000x128xf32> -> vector<5000x128xf32>
    %get3A_6 = arith.constant 0 : index
    %get3A_7 = arith.constant 0 : index
    %get3A_8 = vector.load %arg3[%get3A_6, %get3A_7] : memref<1x128xf32, #tpu.memory_space<vmem>>, vector<1x128xf32>
    %add3A = vector.broadcast %get3A_8 : vector<1x128xf32> to vector<5000x128xf32>
    %add3A_9 = arith.addf %dot_general3A_5, %add3A : vector<5000x128xf32>
    %swap3A = arith.constant 0 : index
    %swap3A_10 = arith.constant 0 : index
    %swap3A_11 = vector.load %arg4[%swap3A, %swap3A_10] : memref<5000x128xf32, #tpu.memory_space<vmem>>, vector<5000x128xf32>
    tpu.vector_store %arg4[%swap3A, %swap3A_10], %add3A_9 {strides = array<i32>} : memref<5000x128xf32, #tpu.memory_space<vmem>>, vector<5000x128xf32>,
    return
  }
  func.func @transform_0(%arg0: i32) -> (i32, i32) {
    %c0_i32 = arith.constant 0 : i32
    %c0_i32_0 = arith.constant 0 : i32
    return %arg0, %c0_i32 : i32, i32
  }
  func.func @transform_1(%arg0: i32) -> (i32, i32) {
    %c0_i32 = arith.constant 0 : i32
    %c0_i32_0 = arith.constant 0 : i32
    %c0_i32_1 = arith.constant 0 : i32
    return %c0_i32, %c0_i32_0 : i32, i32
  }
  func.func @transform_2(%arg0: i32) -> (i32, i32) {
    %c0_i32 = arith.constant 0 : i32
    %c0_i32_0 = arith.constant 0 : i32
    %c0_i32_1 = arith.constant 0 : i32
    return %c0_i32, %c0_i32_0 : i32, i32
  }
  func.func @transform_3(%arg0: i32) -> (i32, i32) {
    %c0_i32 = arith.constant 0 : i32
    %c0_i32_0 = arith.constant 0 : i32
    return %arg0, %c0_i32 : i32, i32
  }
}

module attributes {stable_mosaic.version = 14 : i64} {
  func.func @_tc_hidden_body(%arg0: i32, %arg1: memref<2x5000x128xf32, #tpu.memory_space<vmem>>, %arg2: memref<5000x2xf32, #tpu.memory_space<vmem>>, %arg3: memref<5000x128xf32, #tpu.memory_space<vmem>>, %arg4: memref<128x128xf32, #tpu.memory_space<vmem>>, %arg5: memref<5000x128xf32, #tpu.memory_space<vmem>>) attributes {dimension_semantics = [#tpu.dimension_semantics<arbitrary>], iteration_bounds = array<i64: 2>, scalar_prefetch = 0 : i64, scratch_operands = 0 : i64, tpu.core_type = #tpu.core_type<tc>, window_params = [{transform_indices = @transform_0, window_bounds = array<i64: 2, 5000, 128>}, {transform_indices = @transform_1, window_bounds = array<i64: 5000, 2>}, {transform_indices = @transform_2, window_bounds = array<i64: 5000, 128>}, {pipeline_mode = #tpu.pipeline_mode<synchronous>, transform_indices = @transform_3, window_bounds = array<i64: 128, 128>}, {transform_indices = @transform_4, window_bounds = array<i64: 5000, 128>}]} {
    %get3A = arith.constant 0 : index
    %get3A_0 = arith.constant 0 : index
    %get3A_1 = vector.load %arg2[%get3A, %get3A_0] : memref<5000x2xf32, #tpu.memory_space<vmem>>, vector<5000x2xf32>
    %get3A_2 = arith.constant 0 : index
    %get3A_3 = arith.constant 0 : index
    %get3A_4 = arith.constant 0 : index
    %get3A_5 = vector.load %arg1[%get3A_2, %get3A_3, %get3A_4] : memref<2x5000x128xf32, #tpu.memory_space<vmem>>, vector<1x5000x128xf32>
    %get3A_6 = vector.shape_cast %get3A_5 : vector<1x5000x128xf32> to vector<5000x128xf32>
    %get3A_7 = arith.constant 1 : index
    %get3A_8 = arith.constant 0 : index
    %get3A_9 = arith.constant 0 : index
    %get3A_10 = vector.load %arg1[%get3A_7, %get3A_8, %get3A_9] : memref<2x5000x128xf32, #tpu.memory_space<vmem>>, vector<1x5000x128xf32>
    %get3A_11 = vector.shape_cast %get3A_10 : vector<1x5000x128xf32> to vector<5000x128xf32>
    %add3A = arith.addf %get3A_6, %get3A_11 : vector<5000x128xf32>
    %slice3A = vector.extract_strided_slice %get3A_1 {offsets = [0, 0], sizes = [5000, 1], strides = [1, 1]} : vector<5000x2xf32> to vector<5000x1xf32>
    %slice3A_12 = vector.extract_strided_slice %get3A_1 {offsets = [0, 1], sizes = [5000, 1], strides = [1, 1]} : vector<5000x2xf32> to vector<5000x1xf32>
    %add3A_13 = arith.addf %slice3A, %slice3A_12 : vector<5000x1xf32>
    %max3A = arith.constant 1.000000e+00 : f32
    %max3A_14 = vector.broadcast %max3A : f32 to vector<5000x1xf32>
    %max3A_15 = arith.maximumf %add3A_13, %max3A_14 : vector<5000x1xf32>
    %div3A = vector.broadcast %max3A_15 : vector<5000x1xf32> to vector<5000x128xf32>
    %div3A_16 = arith.divf %add3A, %div3A : vector<5000x128xf32>
    %get3A_17 = arith.constant 0 : index
    %get3A_18 = arith.constant 0 : index
    %get3A_19 = vector.load %arg4[%get3A_17, %get3A_18] : memref<128x128xf32, #tpu.memory_space<vmem>>, vector<128x128xf32>
    %dot_general3A = arith.constant dense<0.000000e+00> : vector<5000x128xf32>
    %dot_general3A_20 = tpu.matmul %div3A_16, %get3A_19, %dot_general3A {dimension_numbers = #tpu.dot_dimension_numbers<[1], [1], [0], [0], [0, 0, 1, 0], [], []>, transpose_lhs_hint = false} : vector<5000x128xf32>, vector<128x128xf32>, vector<5000x128xf32> -> vector<5000x128xf32>
    %get3A_21 = arith.constant 0 : index
    %get3A_22 = arith.constant 0 : index
    %get3A_23 = vector.load %arg3[%get3A_21, %get3A_22] : memref<5000x128xf32, #tpu.memory_space<vmem>>, vector<5000x128xf32>
    %add3A_24 = arith.addf %dot_general3A_20, %get3A_23 : vector<5000x128xf32>
    %max3A_25 = arith.constant 0.000000e+00 : f32
    %max3A_26 = vector.broadcast %max3A_25 : f32 to vector<5000x128xf32>
    %max3A_27 = arith.maximumf %add3A_24, %max3A_26 : vector<5000x128xf32>
    %swap3A = arith.constant 0 : index
    %swap3A_28 = arith.constant 0 : index
    %swap3A_29 = vector.load %arg5[%swap3A, %swap3A_28] : memref<5000x128xf32, #tpu.memory_space<vmem>>, vector<5000x128xf32>
    tpu.vector_store %arg5[%swap3A, %swap3A_28], %max3A_27 {strides = array<i32>} : memref<5000x128xf32, #tpu.memory_space<vmem>>, vector<5000x128xf32>,
    return
  }
  func.func @transform_0(%arg0: i32) -> (i32, i32, i32) {
    %c0_i32 = arith.constant 0 : i32
    %c0_i32_0 = arith.constant 0 : i32
    %c0_i32_1 = arith.constant 0 : i32
    return %c0_i32, %arg0, %c0_i32_0 : i32, i32, i32
  }
  func.func @transform_1(%arg0: i32) -> (i32, i32) {
    %c0_i32 = arith.constant 0 : i32
    %c0_i32_0 = arith.constant 0 : i32
    return %arg0, %c0_i32 : i32, i32
  }
  func.func @transform_2(%arg0: i32) -> (i32, i32) {
    %c0_i32 = arith.constant 0 : i32
    %c0_i32_0 = arith.constant 0 : i32
    return %arg0, %c0_i32 : i32, i32
  }
  func.func @transform_3(%arg0: i32) -> (i32, i32) {
    %c0_i32 = arith.constant 0 : i32
    %c0_i32_0 = arith.constant 0 : i32
    %c0_i32_1 = arith.constant 0 : i32
    return %c0_i32, %c0_i32_0 : i32, i32
  }
  func.func @transform_4(%arg0: i32) -> (i32, i32) {
    %c0_i32 = arith.constant 0 : i32
    %c0_i32_0 = arith.constant 0 : i32
    return %arg0, %c0_i32 : i32, i32
  }
}

module attributes {stable_mosaic.version = 14 : i64} {
  func.func @_tc_final_body(%arg0: i32, %arg1: memref<2x5000x128xf32, #tpu.memory_space<vmem>>, %arg2: memref<5000x2xf32, #tpu.memory_space<vmem>>, %arg3: memref<5000x128xf32, #tpu.memory_space<vmem>>, %arg4: memref<128x128xf32, #tpu.memory_space<vmem>>, %arg5: memref<5000x128xf32, #tpu.memory_space<vmem>>) attributes {dimension_semantics = [#tpu.dimension_semantics<arbitrary>], iteration_bounds = array<i64: 2>, scalar_prefetch = 0 : i64, scratch_operands = 0 : i64, tpu.core_type = #tpu.core_type<tc>, window_params = [{transform_indices = @transform_0, window_bounds = array<i64: 2, 5000, 128>}, {transform_indices = @transform_1, window_bounds = array<i64: 5000, 2>}, {transform_indices = @transform_2, window_bounds = array<i64: 5000, 128>}, {pipeline_mode = #tpu.pipeline_mode<synchronous>, transform_indices = @transform_3, window_bounds = array<i64: 128, 128>}, {transform_indices = @transform_4, window_bounds = array<i64: 5000, 128>}]} {
    %get3A = arith.constant 0 : index
    %get3A_0 = arith.constant 0 : index
    %get3A_1 = vector.load %arg2[%get3A, %get3A_0] : memref<5000x2xf32, #tpu.memory_space<vmem>>, vector<5000x2xf32>
    %get3A_2 = arith.constant 0 : index
    %get3A_3 = arith.constant 0 : index
    %get3A_4 = arith.constant 0 : index
    %get3A_5 = vector.load %arg1[%get3A_2, %get3A_3, %get3A_4] : memref<2x5000x128xf32, #tpu.memory_space<vmem>>, vector<1x5000x128xf32>
    %get3A_6 = vector.shape_cast %get3A_5 : vector<1x5000x128xf32> to vector<5000x128xf32>
    %get3A_7 = arith.constant 1 : index
    %get3A_8 = arith.constant 0 : index
    %get3A_9 = arith.constant 0 : index
    %get3A_10 = vector.load %arg1[%get3A_7, %get3A_8, %get3A_9] : memref<2x5000x128xf32, #tpu.memory_space<vmem>>, vector<1x5000x128xf32>
    %get3A_11 = vector.shape_cast %get3A_10 : vector<1x5000x128xf32> to vector<5000x128xf32>
    %add3A = arith.addf %get3A_6, %get3A_11 : vector<5000x128xf32>
    %slice3A = vector.extract_strided_slice %get3A_1 {offsets = [0, 0], sizes = [5000, 1], strides = [1, 1]} : vector<5000x2xf32> to vector<5000x1xf32>
    %slice3A_12 = vector.extract_strided_slice %get3A_1 {offsets = [0, 1], sizes = [5000, 1], strides = [1, 1]} : vector<5000x2xf32> to vector<5000x1xf32>
    %add3A_13 = arith.addf %slice3A, %slice3A_12 : vector<5000x1xf32>
    %max3A = arith.constant 1.000000e+00 : f32
    %max3A_14 = vector.broadcast %max3A : f32 to vector<5000x1xf32>
    %max3A_15 = arith.maximumf %add3A_13, %max3A_14 : vector<5000x1xf32>
    %div3A = vector.broadcast %max3A_15 : vector<5000x1xf32> to vector<5000x128xf32>
    %div3A_16 = arith.divf %add3A, %div3A : vector<5000x128xf32>
    %get3A_17 = arith.constant 0 : index
    %get3A_18 = arith.constant 0 : index
    %get3A_19 = vector.load %arg4[%get3A_17, %get3A_18] : memref<128x128xf32, #tpu.memory_space<vmem>>, vector<128x128xf32>
    %dot_general3A = arith.constant dense<0.000000e+00> : vector<5000x128xf32>
    %dot_general3A_20 = tpu.matmul %div3A_16, %get3A_19, %dot_general3A {dimension_numbers = #tpu.dot_dimension_numbers<[1], [1], [0], [0], [0, 0, 1, 0], [], []>, transpose_lhs_hint = false} : vector<5000x128xf32>, vector<128x128xf32>, vector<5000x128xf32> -> vector<5000x128xf32>
    %get3A_21 = arith.constant 0 : index
    %get3A_22 = arith.constant 0 : index
    %get3A_23 = vector.load %arg3[%get3A_21, %get3A_22] : memref<5000x128xf32, #tpu.memory_space<vmem>>, vector<5000x128xf32>
    %add3A_24 = arith.addf %dot_general3A_20, %get3A_23 : vector<5000x128xf32>
    %reduce_max3A = arith.constant dense<0xFF800000> : vector<5000xf32>
    %reduce_max3A_25 = vector.multi_reduction <maximumf>, %add3A_24, %reduce_max3A [1] : vector<5000x128xf32> to vector<5000xf32>
    %broadcast_in_dim3A = vector.shape_cast %reduce_max3A_25 : vector<5000xf32> to vector<5000x1xf32>
    %sub3A = vector.broadcast %broadcast_in_dim3A : vector<5000x1xf32> to vector<5000x128xf32>
    %sub3A_26 = arith.subf %add3A_24, %sub3A : vector<5000x128xf32>
    %exp3A = math.exp %sub3A_26 : vector<5000x128xf32>
    %reduce_sum3A = arith.constant dense<0.000000e+00> : vector<5000xf32>
    %reduce_sum3A_27 = vector.multi_reduction <add>, %exp3A, %reduce_sum3A [1] : vector<5000x128xf32> to vector<5000xf32>
    %broadcast_in_dim3A_28 = vector.shape_cast %reduce_sum3A_27 : vector<5000xf32> to vector<5000x1xf32>
    %log3A = math.log %broadcast_in_dim3A_28 : vector<5000x1xf32>
    %add3A_29 = arith.addf %log3A, %broadcast_in_dim3A : vector<5000x1xf32>
    %sub3A_30 = vector.broadcast %add3A_29 : vector<5000x1xf32> to vector<5000x128xf32>
    %sub3A_31 = arith.subf %add3A_24, %sub3A_30 : vector<5000x128xf32>
    %swap3A = arith.constant 0 : index
    %swap3A_32 = arith.constant 0 : index
    %swap3A_33 = vector.load %arg5[%swap3A, %swap3A_32] : memref<5000x128xf32, #tpu.memory_space<vmem>>, vector<5000x128xf32>
    tpu.vector_store %arg5[%swap3A, %swap3A_32], %sub3A_31 {strides = array<i32>} : memref<5000x128xf32, #tpu.memory_space<vmem>>, vector<5000x128xf32>,
    return
  }
  func.func @transform_0(%arg0: i32) -> (i32, i32, i32) {
    %c0_i32 = arith.constant 0 : i32
    %c0_i32_0 = arith.constant 0 : i32
    %c0_i32_1 = arith.constant 0 : i32
    return %c0_i32, %arg0, %c0_i32_0 : i32, i32, i32
  }
  func.func @transform_1(%arg0: i32) -> (i32, i32) {
    %c0_i32 = arith.constant 0 : i32
    %c0_i32_0 = arith.constant 0 : i32
    return %arg0, %c0_i32 : i32, i32
  }
  func.func @transform_2(%arg0: i32) -> (i32, i32) {
    %c0_i32 = arith.constant 0 : i32
    %c0_i32_0 = arith.constant 0 : i32
    return %arg0, %c0_i32 : i32, i32
  }
  func.func @transform_3(%arg0: i32) -> (i32, i32) {
    %c0_i32 = arith.constant 0 : i32
    %c0_i32_0 = arith.constant 0 : i32
    %c0_i32_1 = arith.constant 0 : i32
    return %c0_i32, %c0_i32_0 : i32, i32
  }
  func.func @transform_4(%arg0: i32) -> (i32, i32) {
    %c0_i32 = arith.constant 0 : i32
    %c0_i32_0 = arith.constant 0 : i32
    return %arg0, %c0_i32 : i32, i32
  }
}

</mosaic_0001>

<sc_bundles>
// kernel: kernel.11.cloned.1.call-start
scs
__scs_entry_jumppad:
0x0: {  	(pc) =	sbr.rel $0x88, $3  }
0x1: {  	(tag) =	ssettag $0x0;
	lr =	simm.s32 $0x1  }
0x2: {  	[smem:$0x3F99] =	sst lr;
	_ =	strace $0xD0000000  }
0x3: {  	_ = 	snop  }
0x4: {  	_ = 	snop  }
0x5: {  	_ = 	snop  }
0x6: {  	_ = 	snop  }
0x7: {  	_ = 	snop  }
__scs_overlays_trampoline_lowered:
0x8: {  	[smem:$0x3FA8] =	sst s0  }
0x9: {  	[smem:$0x3FA9] =	sst s1  }
0xa: {  	[smem:$0x3FAA] =	sst s2  }
0xb: {  	[smem:$0x3FAB] =	sst s3  }
0xc: {  	[smem:$0x3FAC] =	sst s4  }
0xd: {  	[smem:$0x3FAD] =	sst s5  }
0xe: {  	[smem:$0x3FAE] =	sst s6  }
0xf: {  	[smem:$0x3FAF] =	sst s7  }
0x10: {  	[smem:$0x3FB0] =	sst s8  }
0x11: {  	[smem:$0x3FB1] =	sst s9;
	s0 =	simm.s32 @!p0 $0x0  }
0x12: {  	s1 =	sld [smem:$0x3F97];
	s0 =	simm.s32 @p0 $0x1  }
0x13: {  	[smem:$0x3FB2] =	sst s0;
	s0 =	simm.s32 @!p1 $0x0  }
0x14: {  	s2 =	sld [smem:$0x3F96];
	s0 =	simm.s32 @p1 $0x1  }
0x15: {  	[smem:$0x3FB3] =	sst s0;
	s0 =	simm.s32 @!p2 $0x0  }
0x16: {  	s3 =	sld [smem:$0x3FDB];
	s0 =	simm.s32 @p2 $0x1  }
0x17: {  	s4 =	simm.s32 $0x1BF5;
	[smem:$0x3FB5] =	sst s0  }
0x18: {  	s0 =	sld [smem:$0x3F98];
	_ =	swait.ge [sflag:s4], $0x0  }
0x19: {  	s7 =	sld [smem:$0x3F99]  }
0x1a: {  	s8 =	sadd.s32 $0xFFFFE003, lr  }
0x1b: {  	s9 =	sadd.s32 $0xFFFFFEF7, lr;
	s5 =	simm.s32 $0xFFFFFFFF;
	p2 =	slt.u32 s8, $0xFFFFF086  }
0x1c: {  	p1 =	slt.u32 s9, $0xF7A;
	s5 =	simm.s32 @!p2 $0x0  }
0x1d: {  	s5 =	simm.s32 @p1 $0x1;
	p0 =	seq.s32 s7, s2  }
0x1e: {  	s7 =	smul.u32 @!p0 $0xF7A, s2;
	p2 =	seq.s32 @!p0 s5, $0x0  }
0x1f: {  	s9 =	smul.u32 $0xF7A, s1;
	s8 =	simm.s32 @!p0 $0x1BF5;
	p2 =	por !p2, p0  }
0x20: {  	[sflag:s8] =	ssyncset.s32 @!p0 $0xFFFFF086;
	s6 =	sadd.s32 @!p0 s3, s7;
	s7 =	simm.s32 @!p0 $0x108  }
0x21: {  	s3 =	sadd.s32 s3, s9;
	s6 =	sadd.s32 @!p0 $0x88, s6;
	s7 =	simm.s32 @p2 $0x1082  }
0x22: {  	[simem:s7], [sflag:s8] =	dma.local @!p0 [hbm:s6], $0xF7A  }
0x23: {  	s9 =	sor.u32 $0xD0000000, s2;
	s6 =	simm.s32 $0x108;
	_ =	swait.ge @!p0 [sflag:s8], $0x0  }
0x24: {  	s3 =	sadd.s32 $0x88, s3;
	s6 =	simm.s32 @!p1 $0x1082;
	[sflag:s4] =	ssyncset.s32 $0xFFFFF086  }
0x25: {  	[simem:s6], [sflag:s4] =	dma.local [hbm:s3], $0xF7A  }
0x26: {  	[smem:$0x3F99] =	sst s1;
	(tag) =	ssettag s2;
	_ =	strace s9  }
0x27: {  	s1 =	sld [smem:$0x3FA9]  }
0x28: {  	s2 =	sld [smem:$0x3FAA]  }
0x29: {  	s4 =	sld [smem:$0x3FAC]  }
0x2a: {  	p0 =	seq.s32 s5, $0x0;
	s5 =	sld [smem:$0x3FAD]  }
0x2b: {  	s6 =	sld [smem:$0x3FAE]  }
0x2c: {  	s7 =	sld [smem:$0x3FAF]  }
0x2d: {  	s3 =	simm.s32 $0x108;
	s8 =	sld [smem:$0x3FB0]  }
0x2e: {  	s3 =	simm.s32 @!p0 $0x1082;
	s9 =	sld [smem:$0x3FB1]  }
0x2f: {  	lr =	sadd.s32 s0, s3;
	s0 =	sld [smem:$0x3FA8]  }
0x30: {  	s3 =	sld [smem:$0x3FAB]  }
0x31: {  	[smem:$0x3FB4] =	sst s10  }
0x32: {  	s10 =	sld [smem:$0x3FB2];
	_ =	sdelay $0x3  }
0x33: {  	p0 =	seq.s32 s10, $0x1;
	s10 =	sld [smem:$0x3FB4];
	_ =	sdelay $0x3  }
0x34: {  	[smem:$0x3FB4] =	sst s10  }
0x35: {  	s10 =	sld [smem:$0x3FB3];
	_ =	sdelay $0x3  }
0x36: {  	p1 =	seq.s32 s10, $0x1;
	s10 =	sld [smem:$0x3FB4];
	_ =	sdelay $0x3  }
0x37: {  	[smem:$0x3FB4] =	sst s10  }
0x38: {  	s10 =	sld [smem:$0x3FB5]  }
0x39: {  	_ = 	snop;
	(pc) =	sbr.ind lr, $3  }
0x3a: {  	_ = 	snop  }
0x3b: {  	_ = 	snop  }
0x3c: {  	p2 =	seq.s32 s10, $0x1;
	s10 =	sld [smem:$0x3FB4]  }
0x3d: {  	_ =	shalt  }
0x3e: {  	_ =	shalt  }
0x3f: {  	_ =	shalt  }
0x40: {  	_ =	shalt  }
0x41: {  	_ =	shalt  }
0x42: {  	_ =	shalt  }
0x43: {  	_ =	shalt  }
0x44: {  	_ =	shalt  }
0x45: {  	_ =	shalt  }
0x46: {  	_ =	shalt  }
0x47: {  	_ =	shalt  }
0x48: {  	_ =	shalt  }
0x49: {  	_ =	shalt  }
0x4a: {  	_ =	shalt  }
0x4b: {  	_ =	shalt  }
0x4c: {  	_ =	shalt  }
0x4d: {  	_ =	shalt  }
0x4e: {  	_ =	shalt  }
0x4f: {  	_ =	shalt  }
0x50: {  	_ =	shalt  }
0x51: {  	_ =	shalt  }
0x52: {  	_ =	shalt  }
0x53: {  	_ =	shalt  }
0x54: {  	_ =	shalt  }
0x55: {  	_ =	shalt  }
0x56: {  	_ =	shalt  }
0x57: {  	_ =	shalt  }
0x58: {  	_ =	shalt  }
0x59: {  	_ =	shalt  }
0x5a: {  	_ =	shalt  }
0x5b: {  	_ =	shalt  }
0x5c: {  	_ =	shalt  }
0x5d: {  	_ =	shalt  }
0x5e: {  	_ =	shalt  }
0x5f: {  	_ =	shalt  }
0x60: {  	_ =	shalt  }
0x61: {  	_ =	shalt  }
0x62: {  	_ =	shalt  }
0x63: {  	_ =	shalt  }
0x64: {  	_ =	shalt  }
0x65: {  	_ =	shalt  }
0x66: {  	_ =	shalt  }
0x67: {  	_ =	shalt  }
0x68: {  	_ =	shalt  }
0x69: {  	_ =	shalt  }
0x6a: {  	_ =	shalt  }
0x6b: {  	_ =	shalt  }
0x6c: {  	_ =	shalt  }
0x6d: {  	_ =	shalt  }
0x6e: {  	_ =	shalt  }
0x6f: {  	_ =	shalt  }
0x70: {  	_ =	shalt  }
0x71: {  	_ =	shalt  }
0x72: {  	_ =	shalt  }
0x73: {  	_ =	shalt  }
0x74: {  	_ =	shalt  }
0x75: {  	_ =	shalt  }
0x76: {  	_ =	shalt  }
0x77: {  	_ =	shalt  }
0x78: {  	_ =	shalt  }
0x79: {  	_ =	shalt  }
0x7a: {  	_ =	shalt  }
0x7b: {  	_ =	shalt  }
0x7c: {  	_ =	shalt  }
0x7d: {  	_ =	shalt  }
0x7e: {  	_ =	shalt  }
0x7f: {  	_ =	shalt  }
0x80: {  	_ =	shalt  }
0x81: {  	_ =	shalt  }
0x82: {  	_ =	shalt  }
0x83: {  	_ =	shalt  }
0x84: {  	_ =	shalt  }
0x85: {  	_ =	shalt  }
0x86: {  	_ =	shalt  }
0x87: {  	_ =	shalt  }
.Lfunc_end0:
.L_simem_size_0:
called_computation.1_lowered:
.L_overlay_start_0:
0x88: {  	s2 =	sld [smem:$0x3FD9]  }
0x89: {  	s3 =	sld [smem:$0x3FFE];
	_ =	sdelay $0x1  }
0x8a: {  	s1 =	srdreg.scid  }
0x8b: {  	s0 =	sand.u32 $0x1, s1  }
0x8c: {  	s17 =	sshll.u32 s0, $0xA;
	s2 =	sadd.s32 s3, s2  }
0x8d: {  	s2 =	sadd.s32 s2, s17  }
0x8e: {  	[smem:$0x3FC0] =	sst s2  }
0x8f: {  	_ = 	snop  }
0x90: {  	s2 =	sld [smem:$0x3FC8]  }
0x91: {  	s18 =	sld [smem:$0x3FD0];
	(tm) =	ssettm $0x1  }
0x92: {  	s4 =	sld [smem:$0x3FFB];
	_ =	sdelay $0x3  }
0x93: {  	_ =	strace s4  }
0x94: {  	s4 =	sld [smem:$0x3FFC];
	_ =	sdelay $0x3  }
0x95: {  	_ =	strace s4  }
0x96: {  	s4 =	sld [smem:$0x3FFD];
	_ =	sdelay $0x3  }
0x97: {  	_ =	strace s4  }
0x98: {  	_ =	strace $0x8FFFFFFF  }
0x99: {  	s19 =	sld [smem:$0x3FDB];
	_ =	sdelay $0x1  }
0x9a: {  	s5 =	simm.s32 $_scs_section_size  }
0x9b: {  	s6 =	simm.s32 $_size__tile_overlayer_lowered;
	s7 =	simm.s32 $_tile_overlayer_lowered  }
0x9c: {  	s22 =	simm.s32 $0x1BFF;
	s21 =	sshll.u32 s7, $0x1;
	s4 =	sadd.s32 s5, s19  }
0x9d: {  	s8 =	simm.s32 $0x0;
	s20 =	sshll.u32 s6, $0x1;
	s6 =	sadd.s32 s21, s4  }
0x9e: {  	[timem:s8], [sflag:s22] =	dma.local [hbm:s6], s20  }
0x9f: {  	_ =	swait.ge [sflag:s22], s20  }
0xa0: {  	s5 =	ssub.s32 $0x0, s20;
	[sflag:s22] =	ssyncset.done $0x0  }
0xa1: {  	[sflag:s22] =	ssyncadd.s32 s5;
	_ =	sdelay $0x1  }
0xa2: {  	s23 =	simm.s32 $0x1B8B  }
0xa3: {  	_ =	swait.ge [sflag:s23], $0x1  }
0xa4: {  	[sflag:s23] =	ssyncset.done $0x0  }
0xa5: {  	s25 =	simm.s32 $0x1B8E;
	s24 =	sld [smem:$0x3FFE];
	[sflag:s23] =	ssyncadd.s32 $0xFFFFFFFF  }
0xa6: {  	s26 =	simm.s32 $execute0_lowered;
	[smem:$0x3FD2] =	sst s25  }
0xa7: {  	s6 =	sshll.u32 s26, $0x1;
	_ =	strace $0x80000049;
	[dreg:$0x1] =	wrdreg $0xFFFFFFFF  }
0xa8: {  	s28 =	simm.s32 $_size_execute0_lowered;
	s4 =	sadd.s32 s4, s6;
	[dreg:$0x0] =	wrdreg $0x0  }
0xa9: {  	s6 =	sshll.u32 s28, $0x1;
	[dreg:$0x2] =	wrdreg s4  }
0xaa: {  	[dreg:$0x3] =	wrdreg s6  }
0xab: {  	[dreg:$0x4] =	wrdreg $0xC0  }
0xac: {  	_ =	task [dreg:s8], $0x5FFFF  }
0xad: {  	[dreg:$0x1] =	wrdreg $0xFFFFFFFF  }
0xae: {  	[dreg:$0x0] =	wrdreg $0x60  }
0xaf: {  	[dreg:$0x2] =	wrdreg s18  }
0xb0: {  	[dreg:$0x3] =	wrdreg s2  }
0xb1: {  	[dreg:$0x4] =	wrdreg s24  }
0xb2: {  	[dreg:$0x5] =	wrdreg $0xB5000  }
0xb3: {  	[dreg:$0x6] =	wrdreg $0x9  }
0xb4: {  	_ =	task.clear_ibuf [dreg:s8], $0x7FFFF;
	_ =	strace $0x90000049  }
0xb5: {  	s29 =	simm.s32 $0x9;
	_ =	strace $0x8000004B  }
0xb6: {  	_ =	swait.ge [sflag:s29], $0x1  }
0xb7: {  	[sflag:s29] =	ssyncadd.s32 $0xFFFFFFFF  }
0xb8: {  	_ =	strace $0x9000004B  }
0xb9: {  	_ =	sfence  }
0xba: {  	s30 =	sld [smem:$0x0];
	_ =	sdelay $0x2  }
0xbb: {  	s31 =	sshll.u32 s1, $0xD;
	s1 =	sshrl.u32 s1, $0x2  }
0xbc: {  	s3 =	sand.u32 $0x4000, s31;
	s1 =	sadd.s32 s1, s30  }
0xbd: {  	s0 =	sor.u32 s3, s0;
	s1 =	sshll.u32 s1, $0x11  }
0xbe: {  	s0 =	sor.u32 s1, s0  }
0xbf: {  	s0 =	sadd.s32 $0x8F2B, s0  }
0xc0: {  	[sflag:s0] =	ssyncadd.remote.s32 $0x1  }
0xc1: {  	_ =	sfence.sel $0xFFFF  }
0xc2: {  	[dreg:$0x0] =	wrdreg $0xFFFFFFFF;
	(pc) =	sbr.abs _section_cstart, $3  }
0xc3: {  	[dreg:$0x1] =	wrdreg $0xFFFFFFFF  }
0xc4: {  	_ =	task.clear_ibuf [dreg:s8], $0x2FFFF;
	_ =	strace $0x9FFFFFFF  }
0xc5: {  	(tm) =	ssettm $0x7FFFFFFF  }
tec
execute0_lowered:
.L_overlay_start_1:
0x0: {  	(tag) =	ssettag $0x1  }
0x1: {  	s1 =	rddreg [dreg:$0x0]  }
0x2: {  	s0 =	rddreg [dreg:$0x1]  }
0x3: {  	s2 =	srdreg.scid;
	s5 =	rddreg [dreg:$0x2]  }
0x4: {  	s17 =	stileid.u32;
	s3 =	rddreg [dreg:$0x3]  }
0x5: {  	s28 =	simm.s32 $0x1;
	s29 =	simm.s32 $0x2;
	s30 =	simm.s32 $0x1900  }
0x6: {  	s31 =	simm.s32 $0x3200;
	s2 =	sand.u32 $0x1, s2;
	s8 =	smul.u32 $0x4E000, s17  }
0x7: {  	s4 =	sshll.u32 s17, $0x1;
	s9 =	sadd.s32 $0x2000, s5;
	s25 =	smul.u32 $0x13800, s17  }
0x8: {  	s6 =	sor.u32 s2, s4;
	s14 =	ssub.s32 $0x2, s2;
	s2 =	smul.u32 $0x138800, s2  }
0x9: {  	p0 =	slt.u32 s17, $0x2;
	s12 =	sadd.s32 $0x138000, s3;
	s7 =	smul.u32 $0x4F, s6  }
0xa: {  	p1 =	sgt.u32 s17, $0x1;
	s4 =	simm.s32 $0x0;
	s6 =	smul.u32 $0x4E, s6  }
0xb: {  	[smem:$0x7FF] =	sst s4;
	s15 =	sshrl.u32 s8, $0x2;
	s16 =	sshrl.u32 s14, $0x1  }
0xc: {  	_ =	strace $0x8000004A;
	s18 =	ssub.s32 s14, s16;
	s5 =	sadd.s32 $0x4, s6  }
0xd: {  	s8 =	sadd.s32 s25, s2;
	s2 =	sshrl.u32 s2, $0x3;
	s5 =	smov.u32 @p0 s7  }
0xe: {  	s25 =	simm.s32 $0x7500;
	s10 =	sshll.u32 s5, $0x5;
	s5 =	sadd.s32 s15, s3  }
0xf: {  	s8 =	sshrl.u32 s8, $0x3;
	s2 =	sadd.s32 s9, s2;
	s20 =	sadd.s32 $0x4000, s5  }
0x10: {  	s19 =	sadd.s32 s9, s8;
	s21 =	sadd.s32 $0x8000, s5;
	[dreg:$0x5] =	wrdreg s20  }
0x11: {  	p0 =	sne.s32 s17, $0x3;
	s22 =	sadd.s32 $0xC000, s5;
	[dreg:$0x6] =	wrdreg s21  }
0x12: {  	s7 =	simm.s32 $0x0;
	s23 =	sadd.s32 $0x10000, s5;
	[dreg:$0x7] =	wrdreg s22  }
0x13: {  	s6 =	sadd.s32 s0, s10;
	s24 =	sand.u32 $0x1FFFFFE0, s10;
	[dreg:$0x8] =	wrdreg s23  }
0x14: {  	s11 =	sadd.s32 $0x10, s6;
	s0 =	sadd.s32 s0, s24;
	s20 =	sadd.s32 $0x27000, s2  }
0x15: {  	s21 =	smax.u32 s18, $0x1;
	s22 =	simm.s32 $0x5;
	s23 =	simm.s32 $0x80  }
0x16: {  	s24 =	simm.s32 $0x3500;
	s2 =	simm.s32 $0x3300;
	s13 =	sadd.s32 $0x340, s0  }
0x17: {  	s14 =	sadd.s32 $0x350, s0;
	s15 =	sadd.s32 $0x680, s0;
	s26 =	sadd.s32 $0x9C0, s0  }
0x18: {  	s16 =	sadd.s32 $0x690, s0;
	s0 =	sadd.s32 $0x9D0, s0;
	[dreg:$0x9] =	wrdreg s26  }
0x19: {  	v0 =	vimm.f32 $0.0e+00;
	[dreg:$0xa] =	wrdreg s0;
	s26 =	simm.s32 $0x4;
	s0 =	simm.s32 $0x3  }
.LBB2_1:
0x1a: {  	s8 =	simm.s32 $0x20  }
0x1b: {  	s17 =	sadd.s32 $0x0, s6;
	s9 =	simm.s32 $0x100;
	s10 =	simm.s32 $0x0  }
.LBB2_2:
0x1c: {  	[tilespmem:s10], [sflag:$0x5] =	stream.linear.gather [hbm4b:s17+s4], $0x80, $0x38;
	[tilespmem:$0x1ED80] =	vst v63  }
0x1d: {  	s17 =	smov.u32 s8;
	s10 =	smov.u32 s9;
	p2 =	sne.s32 s8, $0x320  }
.Ltmp0:
0x1e: {  	s8 =	sadd.s32 $0x20, s8;
	(pc) =	sbr.rel @p2 .LBB2_2-.Ltmp0, $2  }
0x1f: {  	_ =	sdelay $0x2  }
0x20: {  	s9 =	sadd.s32 $0x100, s9;
	s17 =	sadd.s32 s17, s6  }
0x21: {  	[tilespmem:s10], [sflag:$0x5] =	stream.linear.gather [hbm4b:s17+s4], $0x80, $0x38;
	[tilespmem:$0x1ED80] =	vst v63  }
0x22: {  	_ =	swait.ge [sflag:s22], $0xD00  }
0x23: {  	s8 =	simm.s32 $0x1A00;
	s9 =	simm.s32 $0x20;
	[sflag:s22] =	ssyncset.done $0x0  }
0x24: {  	s17 =	sadd.s32 $0x0, s11;
	s10 =	simm.s32 $0x1B00;
	[sflag:s22] =	ssyncadd.s32 $0xFFFFF300  }
.LBB2_4:
0x25: {  	[tilespmem:s8], [sflag:$0x5] =	stream.linear.gather [hbm4b:s17+s4], $0x80, $0x38;
	[tilespmem:$0x1ED80] =	vst v63  }
0x26: {  	s17 =	smov.u32 s9;
	s8 =	smov.u32 s10;
	p2 =	sne.s32 s9, $0x320  }
.Ltmp1:
0x27: {  	s9 =	sadd.s32 $0x20, s9;
	(pc) =	sbr.rel @p2 .LBB2_4-.Ltmp1, $2  }
0x28: {  	_ =	sdelay $0x2  }
0x29: {  	s10 =	sadd.s32 $0x100, s10;
	s17 =	sadd.s32 s17, s11  }
0x2a: {  	[tilespmem:s8], [sflag:$0x5] =	stream.linear.gather [hbm4b:s17+s4], $0x80, $0x38;
	[tilespmem:$0x1ED80] =	vst v63  }
0x2b: {  	_ =	swait.ge [sflag:s22], $0xD00  }
0x2c: {  	s18 =	simm.s32 $0x0;
	[sflag:s22] =	ssyncset.done $0x0  }
0x2d: {  	s8 =	simm.s32 $0x0;
	s9 =	simm.s32 $0x200;
	[sflag:s22] =	ssyncadd.s32 $0xFFFFF300  }
0x2e: {  	[tilespmem:s24], [sflag:$0x1] =	stream.indirect.gather [hbm4b:s1+s23], $0x80, s18, s23, $0xb8;
	[tilespmem:$0x1ED80] =	vst v63  }
.LBB2_6:
0x2f: {  	p2 =	sne.s32 s9, $0xFE00;
	[tilespmem:s8+$0x7570] =	vst v0  }
0x30: {  	[tilespmem:s8+$0x7500] =	vst v0  }
0x31: {  	[tilespmem:s8+$0x7510] =	vst v0  }
.Ltmp2:
0x32: {  	[tilespmem:s8+$0x7520] =	vst v0;
	(pc) =	sbr.rel @p2 .LBB2_6-.Ltmp2, $4  }
0x33: {  	[tilespmem:s8+$0x7530] =	vst v0  }
0x34: {  	[tilespmem:s8+$0x7540] =	vst v0  }
0x35: {  	[tilespmem:s8+$0x7550] =	vst v0  }
0x36: {  	[tilespmem:s8+$0x7560] =	vst v0;
	s8 =	sshra.s32 s9, $0x2;
	s9 =	sadd.s32 $0x200, s9  }
0x37: {  	[tilespmem:s8+$0x7570] =	vst v0  }
0x38: {  	[tilespmem:s8+$0x7500] =	vst v0  }
0x39: {  	[tilespmem:s8+$0x7510] =	vst v0  }
0x3a: {  	[tilespmem:s8+$0x7520] =	vst v0  }
0x3b: {  	[tilespmem:s8+$0x7530] =	vst v0  }
0x3c: {  	[tilespmem:s8+$0x7540] =	vst v0  }
0x3d: {  	[tilespmem:s8+$0x7550] =	vst v0  }
0x3e: {  	[tilespmem:s8+$0x7560] =	vst v0  }
0x3f: {  	[spmem:s5] =	stream.linear.scatter [tilespmem:s25], [sflag:$0x4], $0x4000, $0x38;
	[tilespmem:$0x1ED80] =	vst v63  }
0x40: {  	s9 =	rddreg [dreg:$0x5]  }
0x41: {  	[spmem:s9] =	stream.linear.scatter [tilespmem:s25], [sflag:$0x4], $0x4000, $0x38;
	[tilespmem:$0x1ED80] =	vst v63  }
0x42: {  	s10 =	rddreg [dreg:$0x6]  }
0x43: {  	[spmem:s10] =	stream.linear.scatter [tilespmem:s25], [sflag:$0x4], $0x4000, $0x38;
	[tilespmem:$0x1ED80] =	vst v63  }
0x44: {  	s17 =	rddreg [dreg:$0x7]  }
0x45: {  	[spmem:s17] =	stream.linear.scatter [tilespmem:s25], [sflag:$0x4], $0x4000, $0x38;
	[tilespmem:$0x1ED80] =	vst v63  }
0x46: {  	s18 =	rddreg [dreg:$0x8]  }
0x47: {  	[spmem:s18] =	stream.linear.scatter [tilespmem:s25], [sflag:$0x4], $0x3800, $0x38;
	[tilespmem:$0x1ED80] =	vst v63  }
0x48: {  	s8 =	simm.s32 @!p0 $0x7500  }
0x49: {  	[spmem:s12] =	stream.linear.scatter @!p0 [tilespmem:s8], [sflag:$0x5], $0x800, $0x38;
	[tilespmem:$0x1ED80] =	vst v63  }
0x4a: {  	s8 =	simm.s32 @!p0 $0x5  }
0x4b: {  	_ =	swait.ge @!p0 [sflag:s8], $0x800  }
0x4c: {  	[sflag:s8] =	ssyncset.done @!p0 $0x0  }
0x4d: {  	[sflag:s8] =	ssyncadd.s32 @!p0 $0xFFFFF800  }
0x4e: {  	_ =	swait.ge [sflag:s26], $0x4000  }
0x4f: {  	[sflag:s26] =	ssyncset.done $0x0  }
0x50: {  	[sflag:s26] =	ssyncadd.s32 $0xFFFFC000  }
0x51: {  	_ =	swait.ge [sflag:s26], $0x4000  }
0x52: {  	[sflag:s26] =	ssyncset.done $0x0  }
0x53: {  	[sflag:s26] =	ssyncadd.s32 $0xFFFFC000  }
0x54: {  	_ =	swait.ge [sflag:s26], $0x4000  }
0x55: {  	[sflag:s26] =	ssyncset.done $0x0  }
0x56: {  	[sflag:s26] =	ssyncadd.s32 $0xFFFFC000  }
0x57: {  	_ =	swait.ge [sflag:s26], $0x4000  }
0x58: {  	[sflag:s26] =	ssyncset.done $0x0  }
0x59: {  	[sflag:s26] =	ssyncadd.s32 $0xFFFFC000  }
0x5a: {  	_ =	swait.ge [sflag:s26], $0x3800  }
0x5b: {  	[sflag:s26] =	ssyncset.done $0x0  }
0x5c: {  	s9 =	simm.s32 $0x20;
	s10 =	simm.s32 $0x180;
	[sflag:s26] =	ssyncadd.s32 $0xFFFFC800  }
0x5d: {  	s17 =	sadd.s32 $0x0, s13;
	s8 =	simm.s32 $0x80;
	[bflag:$0x0] =	sbarrier.arrive $0xFFFF  }
.LBB2_8:
0x5e: {  	[tilespmem:s8], [sflag:$0x3] =	stream.linear.gather [hbm4b:s17+s4], $0x80, $0x38;
	[tilespmem:$0x1ED80] =	vst v63  }
0x5f: {  	s17 =	smov.u32 s9;
	s8 =	smov.u32 s10;
	p2 =	sne.s32 s9, $0x320  }
.Ltmp3:
0x60: {  	s9 =	sadd.s32 $0x20, s9;
	(pc) =	sbr.rel @p2 .LBB2_8-.Ltmp3, $2  }
0x61: {  	_ =	sdelay $0x2  }
0x62: {  	s10 =	sadd.s32 $0x100, s10;
	s17 =	sadd.s32 s17, s13  }
0x63: {  	[tilespmem:s8], [sflag:$0x3] =	stream.linear.gather [hbm4b:s17+s4], $0x80, $0x38;
	[tilespmem:$0x1ED80] =	vst v63  }
0x64: {  	s8 =	simm.s32 $0x0;
	s9 =	simm.s32 $0x1A80  }
0x65: {  	s10 =	simm.s32 $0x20;
	s18 =	sadd.s32 $0x0, s14;
	s17 =	simm.s32 $0x1B80  }
.LBB2_10:
0x66: {  	[tilespmem:s9], [sflag:$0x3] =	stream.linear.gather [hbm4b:s18+s8], $0x80, $0x38;
	[tilespmem:$0x1ED80] =	vst v63  }
0x67: {  	s18 =	smov.u32 s10;
	s9 =	smov.u32 s17;
	p2 =	sne.s32 s10, $0x320  }
.Ltmp4:
0x68: {  	s10 =	sadd.s32 $0x20, s10;
	(pc) =	sbr.rel @p2 .LBB2_10-.Ltmp4, $2  }
0x69: {  	_ =	sdelay $0x2  }
0x6a: {  	s17 =	sadd.s32 $0x100, s17;
	s18 =	sadd.s32 s18, s14  }
0x6b: {  	[tilespmem:s9], [sflag:$0x3] =	stream.linear.gather [hbm4b:s18+s8], $0x80, $0x38;
	[tilespmem:$0x1ED80] =	vst v63  }
0x6c: {  	s9 =	simm.s32 $0x100  }
0x6d: {  	[tilespmem:s25], [sflag:$0x2] =	stream.indirect.gather [hbm4b:s1+s23], $0x80, s9, s23, $0xb8;
	[tilespmem:$0x1ED80] =	vst v63  }
0x6e: {  	_ =	swait.ge [sflag:s28], $0x4000  }
0x6f: {  	[sflag:s28] =	ssyncset.done $0x0  }
0x70: {  	s10 =	simm.s32 $0x1A00;
	[sflag:s28] =	ssyncadd.s32 $0xFFFFC000  }
0x71: {  	[spmem:s3] =	stream.indirect.scatter.add.f32 [tilespmem:s24], [sflag:$0x5], $0x80, s10, s23, $0xb8;
	[tilespmem:$0x1ED80] =	vst v63  }
0x72: {  	_ =	swait.ge [sflag:s22], $0x4000  }
0x73: {  	[sflag:s22] =	ssyncset.done $0x0  }
0x74: {  	s17 =	simm.s32 $0x200;
	[sflag:s22] =	ssyncadd.s32 $0xFFFFC000  }
0x75: {  	[tilespmem:s24], [sflag:$0x1] =	stream.indirect.gather [hbm4b:s1+s23], $0x80, s17, s23, $0xb8;
	[tilespmem:$0x1ED80] =	vst v63  }
0x76: {  	_ =	swait.ge [sflag:s29], $0x4000  }
0x77: {  	[sflag:s29] =	ssyncset.done $0x0  }
0x78: {  	s18 =	simm.s32 $0x1B00;
	[sflag:s29] =	ssyncadd.s32 $0xFFFFC000  }
0x79: {  	[spmem:s3] =	stream.indirect.scatter.add.f32 [tilespmem:s25], [sflag:$0x5], $0x80, s18, s23, $0xb8;
	[tilespmem:$0x1ED80] =	vst v63  }
0x7a: {  	_ =	swait.ge [sflag:s22], $0x4000  }
0x7b: {  	s8 =	simm.s32 $0x200;
	s9 =	simm.s32 $0x1000;
	[sflag:s22] =	ssyncset.done $0x0  }
.LBB2_12:
0x7c: {  	s10 =	sadd.s32 $0x100, s8  }
0x7d: {  	[sflag:s22] =	ssyncadd.s32 $0xFFFFC000;
	s17 =	smov.u32 s9;
	s18 =	sadd.s32 $0x800, s9  }
0x7e: {  	[tilespmem:s25], [sflag:$0x2] =	stream.indirect.gather [hbm4b:s1+s23], $0x80, s10, s23, $0xb8;
	[tilespmem:$0x1ED80] =	vst v63  }
0x7f: {  	p2 =	sne.s32 s9, $0x5800;
	_ =	swait.ge [sflag:s28], $0x4000  }
0x80: {  	[sflag:s28] =	ssyncset.done $0x0  }
0x81: {  	s9 =	sadd.s32 $0x1A00, s8;
	[sflag:s28] =	ssyncadd.s32 $0xFFFFC000  }
0x82: {  	[spmem:s3] =	stream.indirect.scatter.add.f32 [tilespmem:s24], [sflag:$0x5], $0x80, s9, s23, $0xb8;
	[tilespmem:$0x1ED80] =	vst v63  }
0x83: {  	_ =	swait.ge [sflag:s22], $0x4000  }
0x84: {  	[sflag:s22] =	ssyncset.done $0x0  }
0x85: {  	s9 =	sadd.s32 $0x200, s8;
	[sflag:s22] =	ssyncadd.s32 $0xFFFFC000  }
0x86: {  	[tilespmem:s24], [sflag:$0x1] =	stream.indirect.gather [hbm4b:s1+s23], $0x80, s9, s23, $0xb8;
	[tilespmem:$0x1ED80] =	vst v63  }
0x87: {  	_ =	swait.ge [sflag:s29], $0x4000  }
.Ltmp5:
0x88: {  	[sflag:s29] =	ssyncset.done $0x0;
	(pc) =	sbr.rel @p2 .LBB2_12-.Ltmp5, $4  }
0x89: {  	s8 =	sadd.s32 $0x1B00, s8;
	[sflag:s29] =	ssyncadd.s32 $0xFFFFC000  }
0x8a: {  	[spmem:s3] =	stream.indirect.scatter.add.f32 [tilespmem:s25], [sflag:$0x5], $0x80, s8, s23, $0xb8;
	[tilespmem:$0x1ED80] =	vst v63  }
0x8b: {  	_ =	swait.ge [sflag:s22], $0x4000  }
0x8c: {  	s9 =	smov.u32 s18;
	s8 =	sshra.s32 s17, $0x2;
	[sflag:s22] =	ssyncset.done $0x0  }
0x8d: {  	s9 =	sadd.s32 $0x100, s8;
	[sflag:s22] =	ssyncadd.s32 $0xFFFFC000  }
0x8e: {  	[tilespmem:s25], [sflag:$0x2] =	stream.indirect.gather [hbm4b:s1+s23], $0x80, s9, s23, $0xb8;
	[tilespmem:$0x1ED80] =	vst v63  }
0x8f: {  	_ =	swait.ge [sflag:s28], $0x4000  }
0x90: {  	[sflag:s28] =	ssyncset.done $0x0  }
0x91: {  	s10 =	sadd.s32 $0x1A00, s8;
	[sflag:s28] =	ssyncadd.s32 $0xFFFFC000  }
0x92: {  	[spmem:s3] =	stream.indirect.scatter.add.f32 [tilespmem:s24], [sflag:$0x5], $0x80, s10, s23, $0xb8;
	[tilespmem:$0x1ED80] =	vst v63  }
0x93: {  	_ =	swait.ge [sflag:s22], $0x4000  }
0x94: {  	[sflag:s22] =	ssyncset.done $0x0  }
0x95: {  	s17 =	sadd.s32 $0x200, s8;
	[sflag:s22] =	ssyncadd.s32 $0xFFFFC000  }
0x96: {  	[tilespmem:s24], [sflag:$0x1] =	stream.indirect.gather [hbm4b:s1+s23], $0x80, s17, s23, $0xb8;
	[tilespmem:$0x1ED80] =	vst v63  }
0x97: {  	_ =	swait.ge [sflag:s29], $0x4000  }
0x98: {  	[sflag:s29] =	ssyncset.done $0x0  }
0x99: {  	s18 =	sadd.s32 $0x1B00, s8;
	[sflag:s29] =	ssyncadd.s32 $0xFFFFC000  }
0x9a: {  	[spmem:s3] =	stream.indirect.scatter.add.f32 [tilespmem:s25], [sflag:$0x5], $0x80, s18, s23, $0xb8;
	[tilespmem:$0x1ED80] =	vst v63  }
0x9b: {  	_ =	swait.ge [sflag:s22], $0x4000  }
0x9c: {  	[sflag:s22] =	ssyncset.done $0x0  }
0x9d: {  	[sflag:s22] =	ssyncadd.s32 $0xFFFFC000  }
0x9e: {  	[tilespmem:s25], [sflag:$0x2] =	stream.indirect.gather [hbm4b:s1+s23], $0x80, s30, s23, $0xb8;
	[tilespmem:$0x1ED80] =	vst v63  }
0x9f: {  	_ =	swait.ge [sflag:s28], $0x4000  }
0xa0: {  	[sflag:s28] =	ssyncset.done $0x0  }
0xa1: {  	[sflag:s28] =	ssyncadd.s32 $0xFFFFC000  }
0xa2: {  	[spmem:s3] =	stream.indirect.scatter.add.f32 [tilespmem:s24], [sflag:$0x5], $0x80, s31, s23, $0xb8;
	[tilespmem:$0x1ED80] =	vst v63  }
0xa3: {  	_ =	swait.ge [sflag:s22], $0x4000  }
0xa4: {  	[sflag:s22] =	ssyncset.done $0x0  }
0xa5: {  	[sflag:s22] =	ssyncadd.s32 $0xFFFFC000  }
0xa6: {  	_ =	swait.ge [sflag:s29], $0x4000  }
0xa7: {  	[sflag:s29] =	ssyncset.done $0x0  }
0xa8: {  	[sflag:s29] =	ssyncadd.s32 $0xFFFFC000  }
0xa9: {  	[spmem:s3] =	stream.indirect.scatter.add.f32 [tilespmem:s25], [sflag:$0x5], $0x80, s2, s23, $0xb8;
	[tilespmem:$0x1ED80] =	vst v63  }
0xaa: {  	_ =	swait.ge [sflag:s22], $0x4000  }
0xab: {  	[sflag:s22] =	ssyncset.done $0x0  }
0xac: {  	[sflag:s22] =	ssyncadd.s32 $0xFFFFC000  }
0xad: {  	_ =	swait.ge [sflag:s0], $0xD00  }
0xae: {  	[sflag:s0] =	ssyncset.done $0x0  }
0xaf: {  	[sflag:s0] =	ssyncadd.s32 $0xFFFFF300  }
0xb0: {  	_ =	swait.ge [sflag:s0], $0xD00  }
0xb1: {  	s8 =	simm.s32 $0x0;
	s9 =	simm.s32 $0x20;
	[sflag:s0] =	ssyncset.done $0x0  }
0xb2: {  	s10 =	simm.s32 $0x100;
	s17 =	sadd.s32 $0x0, s15;
	[sflag:s0] =	ssyncadd.s32 $0xFFFFF300  }
0xb3: {  	[tilespmem:s24], [sflag:$0x1] =	stream.indirect.gather [hbm4b:s1+s23], $0x80, s23, s23, $0xb8;
	[tilespmem:$0x1ED80] =	vst v63  }
.LBB2_14:
0xb4: {  	[tilespmem:s8], [sflag:$0x3] =	stream.linear.gather [hbm4b:s17+s4], $0x80, $0x38;
	[tilespmem:$0x1ED80] =	vst v63  }
0xb5: {  	s17 =	smov.u32 s9;
	s8 =	smov.u32 s10;
	p2 =	sne.s32 s9, $0x320  }
.Ltmp6:
0xb6: {  	s9 =	sadd.s32 $0x20, s9;
	(pc) =	sbr.rel @p2 .LBB2_14-.Ltmp6, $2  }
0xb7: {  	_ =	sdelay $0x2  }
0xb8: {  	s10 =	sadd.s32 $0x100, s10;
	s17 =	sadd.s32 s17, s15  }
0xb9: {  	[tilespmem:s8], [sflag:$0x3] =	stream.linear.gather [hbm4b:s17+s4], $0x80, $0x38;
	[tilespmem:$0x1ED80] =	vst v63  }
0xba: {  	s8 =	simm.s32 $0x0;
	s9 =	simm.s32 $0x1A00  }
.LBB2_16:
0xbb: {  	p2 =	sne.s32 s8, $0x320  }
.Ltmp7:
0xbc: {  	_ = 	snop;
	(pc) =	sbr.rel @p2 .LBB2_16-.Ltmp7, $4  }
0xbd: {  	_ = 	snop  }
0xbe: {  	s10 =	sadd.s32 s8, s16  }
0xbf: {  	[tilespmem:s9], [sflag:$0x3] =	stream.linear.gather [hbm4b:s10+s4], $0x80, $0x38;
	[tilespmem:$0x1ED80] =	vst v63  }
0xc0: {  	s8 =	sadd.s32 $0x20, s8;
	s9 =	sadd.s32 $0x100, s9  }
0xc1: {  	s8 =	simm.s32 $0x180  }
0xc2: {  	[tilespmem:s25], [sflag:$0x2] =	stream.indirect.gather [hbm4b:s1+s23], $0x80, s8, s23, $0xb8;
	[tilespmem:$0x1ED80] =	vst v63  }
0xc3: {  	_ =	swait.ge [sflag:s28], $0x4000  }
0xc4: {  	[sflag:s28] =	ssyncset.done $0x0  }
0xc5: {  	s10 =	simm.s32 $0x1A80;
	[sflag:s28] =	ssyncadd.s32 $0xFFFFC000  }
0xc6: {  	[spmem:s3] =	stream.indirect.scatter.add.f32 [tilespmem:s24], [sflag:$0x5], $0x80, s10, s23, $0xb8;
	[tilespmem:$0x1ED80] =	vst v63  }
0xc7: {  	_ =	swait.ge [sflag:s22], $0x4000  }
0xc8: {  	[sflag:s22] =	ssyncset.done $0x0  }
0xc9: {  	s17 =	simm.s32 $0x280;
	[sflag:s22] =	ssyncadd.s32 $0xFFFFC000  }
0xca: {  	[tilespmem:s24], [sflag:$0x1] =	stream.indirect.gather [hbm4b:s1+s23], $0x80, s17, s23, $0xb8;
	[tilespmem:$0x1ED80] =	vst v63  }
0xcb: {  	_ =	swait.ge [sflag:s29], $0x4000  }
0xcc: {  	[sflag:s29] =	ssyncset.done $0x0  }
0xcd: {  	s18 =	simm.s32 $0x1B80;
	[sflag:s29] =	ssyncadd.s32 $0xFFFFC000  }
0xce: {  	[spmem:s3] =	stream.indirect.scatter.add.f32 [tilespmem:s25], [sflag:$0x5], $0x80, s18, s23, $0xb8;
	[tilespmem:$0x1ED80] =	vst v63  }
0xcf: {  	_ =	swait.ge [sflag:s22], $0x4000  }
0xd0: {  	s9 =	simm.s32 $0xFFFFB000;
	s8 =	simm.s32 $0xFFFFEA00;
	[sflag:s22] =	ssyncset.done $0x0  }
.LBB2_18:
0xd1: {  	s10 =	sadd.s32 $0x1980, s8  }
0xd2: {  	[sflag:s22] =	ssyncadd.s32 $0xFFFFC000;
	s17 =	smov.u32 s9;
	s18 =	sadd.s32 $0x800, s9  }
0xd3: {  	[tilespmem:s25], [sflag:$0x2] =	stream.indirect.gather [hbm4b:s1+s23], $0x80, s10, s23, $0xb8;
	[tilespmem:$0x1ED80] =	vst v63  }
0xd4: {  	p2 =	sne.s32 s9, $0xFFFFF800;
	_ =	swait.ge [sflag:s28], $0x4000  }
0xd5: {  	[sflag:s28] =	ssyncset.done $0x0  }
0xd6: {  	s9 =	sadd.s32 $0x3280, s8;
	[sflag:s28] =	ssyncadd.s32 $0xFFFFC000  }
0xd7: {  	[spmem:s3] =	stream.indirect.scatter.add.f32 [tilespmem:s24], [sflag:$0x5], $0x80, s9, s23, $0xb8;
	[tilespmem:$0x1ED80] =	vst v63  }
0xd8: {  	_ =	swait.ge [sflag:s22], $0x4000  }
0xd9: {  	[sflag:s22] =	ssyncset.done $0x0  }
0xda: {  	s9 =	sadd.s32 $0x1A80, s8;
	[sflag:s22] =	ssyncadd.s32 $0xFFFFC000  }
0xdb: {  	[tilespmem:s24], [sflag:$0x1] =	stream.indirect.gather [hbm4b:s1+s23], $0x80, s9, s23, $0xb8;
	[tilespmem:$0x1ED80] =	vst v63  }
0xdc: {  	_ =	swait.ge [sflag:s29], $0x4000  }
.Ltmp8:
0xdd: {  	[sflag:s29] =	ssyncset.done $0x0;
	(pc) =	sbr.rel @p2 .LBB2_18-.Ltmp8, $4  }
0xde: {  	s8 =	sadd.s32 $0x3380, s8;
	[sflag:s29] =	ssyncadd.s32 $0xFFFFC000  }
0xdf: {  	[spmem:s3] =	stream.indirect.scatter.add.f32 [tilespmem:s25], [sflag:$0x5], $0x80, s8, s23, $0xb8;
	[tilespmem:$0x1ED80] =	vst v63  }
0xe0: {  	_ =	swait.ge [sflag:s22], $0x4000  }
0xe1: {  	s9 =	smov.u32 s18;
	s8 =	sshra.s32 s17, $0x2;
	[sflag:s22] =	ssyncset.done $0x0  }
0xe2: {  	s9 =	sadd.s32 $0x1980, s8;
	[sflag:s22] =	ssyncadd.s32 $0xFFFFC000  }
0xe3: {  	[tilespmem:s25], [sflag:$0x2] =	stream.indirect.gather [hbm4b:s1+s23], $0x80, s9, s23, $0xb8;
	[tilespmem:$0x1ED80] =	vst v63  }
0xe4: {  	_ =	swait.ge [sflag:s28], $0x4000  }
0xe5: {  	[sflag:s28] =	ssyncset.done $0x0  }
0xe6: {  	s10 =	sadd.s32 $0x3280, s8;
	[sflag:s28] =	ssyncadd.s32 $0xFFFFC000  }
0xe7: {  	[spmem:s3] =	stream.indirect.scatter.add.f32 [tilespmem:s24], [sflag:$0x5], $0x80, s10, s23, $0xb8;
	[tilespmem:$0x1ED80] =	vst v63  }
0xe8: {  	_ =	swait.ge [sflag:s22], $0x4000  }
0xe9: {  	[sflag:s22] =	ssyncset.done $0x0  }
0xea: {  	s17 =	sadd.s32 $0x1A80, s8;
	[sflag:s22] =	ssyncadd.s32 $0xFFFFC000  }
0xeb: {  	[tilespmem:s24], [sflag:$0x1] =	stream.indirect.gather [hbm4b:s1+s23], $0x80, s17, s23, $0xb8;
	[tilespmem:$0x1ED80] =	vst v63  }
0xec: {  	_ =	swait.ge [sflag:s29], $0x4000  }
0xed: {  	[sflag:s29] =	ssyncset.done $0x0  }
0xee: {  	s18 =	sadd.s32 $0x3380, s8;
	[sflag:s29] =	ssyncadd.s32 $0xFFFFC000  }
0xef: {  	[spmem:s3] =	stream.indirect.scatter.add.f32 [tilespmem:s25], [sflag:$0x5], $0x80, s18, s23, $0xb8;
	[tilespmem:$0x1ED80] =	vst v63  }
0xf0: {  	_ =	swait.ge [sflag:s22], $0x4000  }
0xf1: {  	[sflag:s22] =	ssyncset.done $0x0  }
0xf2: {  	s9 =	simm.s32 $0x1980;
	[sflag:s22] =	ssyncadd.s32 $0xFFFFC000  }
0xf3: {  	[tilespmem:s25], [sflag:$0x2] =	stream.indirect.gather [hbm4b:s1+s23], $0x80, s9, s23, $0xb8;
	[tilespmem:$0x1ED80] =	vst v63  }
0xf4: {  	_ =	swait.ge [sflag:s28], $0x4000  }
0xf5: {  	[sflag:s28] =	ssyncset.done $0x0  }
0xf6: {  	s10 =	simm.s32 $0x3280;
	[sflag:s28] =	ssyncadd.s32 $0xFFFFC000  }
0xf7: {  	[spmem:s3] =	stream.indirect.scatter.add.f32 [tilespmem:s24], [sflag:$0x5], $0x80, s10, s23, $0xb8;
	[tilespmem:$0x1ED80] =	vst v63  }
0xf8: {  	_ =	swait.ge [sflag:s22], $0x4000  }
0xf9: {  	[sflag:s22] =	ssyncset.done $0x0  }
0xfa: {  	[sflag:s22] =	ssyncadd.s32 $0xFFFFC000  }
0xfb: {  	_ =	swait.ge [sflag:s29], $0x4000  }
0xfc: {  	[sflag:s29] =	ssyncset.done $0x0  }
0xfd: {  	s17 =	simm.s32 $0x3380;
	[sflag:s29] =	ssyncadd.s32 $0xFFFFC000  }
0xfe: {  	[spmem:s3] =	stream.indirect.scatter.add.f32 [tilespmem:s25], [sflag:$0x5], $0x80, s17, s23, $0xb8;
	[tilespmem:$0x1ED80] =	vst v63  }
0xff: {  	_ =	swait.ge [sflag:s22], $0x4000  }
0x100: {  	[sflag:s22] =	ssyncset.done $0x0  }
0x101: {  	[sflag:s22] =	ssyncadd.s32 $0xFFFFC000  }
0x102: {  	_ =	swait.ge [sflag:s0], $0xD00  }
0x103: {  	[sflag:s0] =	ssyncset.done $0x0  }
0x104: {  	[sflag:s0] =	ssyncadd.s32 $0xFFFFF300  }
0x105: {  	_ =	swait.ge [sflag:s0], $0xD00  }
0x106: {  	[sflag:s0] =	ssyncset.done $0x0  }
0x107: {  	s18 =	simm.s32 $0x0;
	[sflag:s0] =	ssyncadd.s32 $0xFFFFF300  }
0x108: {  	[tilespmem:s24], [sflag:$0x1] =	stream.indirect.gather [hbm4b:s1+s23], $0x80, s18, s23, $0xb8;
	[tilespmem:$0x1ED80] =	vst v63  }
0x109: {  	s9 =	simm.s32 $0x100  }
0x10a: {  	[tilespmem:s25], [sflag:$0x2] =	stream.indirect.gather [hbm4b:s1+s23], $0x80, s9, s23, $0xb8;
	[tilespmem:$0x1ED80] =	vst v63  }
0x10b: {  	_ =	swait.ge [sflag:s28], $0x4000  }
0x10c: {  	[sflag:s28] =	ssyncset.done $0x0  }
0x10d: {  	s10 =	simm.s32 $0x1A00;
	[sflag:s28] =	ssyncadd.s32 $0xFFFFC000  }
0x10e: {  	[spmem:s3] =	stream.indirect.scatter.add.f32 [tilespmem:s24], [sflag:$0x5], $0x80, s10, s23, $0xb8;
	[tilespmem:$0x1ED80] =	vst v63  }
0x10f: {  	_ =	swait.ge [sflag:s22], $0x4000  }
0x110: {  	[sflag:s22] =	ssyncset.done $0x0  }
0x111: {  	s17 =	simm.s32 $0x200;
	[sflag:s22] =	ssyncadd.s32 $0xFFFFC000  }
0x112: {  	[tilespmem:s24], [sflag:$0x1] =	stream.indirect.gather [hbm4b:s1+s23], $0x80, s17, s23, $0xb8;
	[tilespmem:$0x1ED80] =	vst v63  }
0x113: {  	_ =	swait.ge [sflag:s29], $0x4000  }
0x114: {  	[sflag:s29] =	ssyncset.done $0x0  }
0x115: {  	s18 =	simm.s32 $0x1B00;
	[sflag:s29] =	ssyncadd.s32 $0xFFFFC000  }
0x116: {  	[spmem:s3] =	stream.indirect.scatter.add.f32 [tilespmem:s25], [sflag:$0x5], $0x80, s18, s23, $0xb8;
	[tilespmem:$0x1ED80] =	vst v63  }
0x117: {  	_ =	swait.ge [sflag:s22], $0x4000  }
0x118: {  	s8 =	simm.s32 $0x200;
	s9 =	simm.s32 $0x1000;
	[sflag:s22] =	ssyncset.done $0x0  }
.LBB2_20:
0x119: {  	s10 =	sadd.s32 $0x100, s8  }
0x11a: {  	[sflag:s22] =	ssyncadd.s32 $0xFFFFC000;
	s17 =	smov.u32 s9;
	s18 =	sadd.s32 $0x800, s9  }
0x11b: {  	[tilespmem:s25], [sflag:$0x2] =	stream.indirect.gather [hbm4b:s1+s23], $0x80, s10, s23, $0xb8;
	[tilespmem:$0x1ED80] =	vst v63  }
0x11c: {  	p2 =	sne.s32 s9, $0x5800;
	_ =	swait.ge [sflag:s28], $0x4000  }
0x11d: {  	[sflag:s28] =	ssyncset.done $0x0  }
0x11e: {  	s9 =	sadd.s32 $0x1A00, s8;
	[sflag:s28] =	ssyncadd.s32 $0xFFFFC000  }
0x11f: {  	[spmem:s3] =	stream.indirect.scatter.add.f32 [tilespmem:s24], [sflag:$0x5], $0x80, s9, s23, $0xb8;
	[tilespmem:$0x1ED80] =	vst v63  }
0x120: {  	_ =	swait.ge [sflag:s22], $0x4000  }
0x121: {  	[sflag:s22] =	ssyncset.done $0x0  }
0x122: {  	s9 =	sadd.s32 $0x200, s8;
	[sflag:s22] =	ssyncadd.s32 $0xFFFFC000  }
0x123: {  	[tilespmem:s24], [sflag:$0x1] =	stream.indirect.gather [hbm4b:s1+s23], $0x80, s9, s23, $0xb8;
	[tilespmem:$0x1ED80] =	vst v63  }
0x124: {  	_ =	swait.ge [sflag:s29], $0x4000  }
.Ltmp9:
0x125: {  	[sflag:s29] =	ssyncset.done $0x0;
	(pc) =	sbr.rel @p2 .LBB2_20-.Ltmp9, $4  }
0x126: {  	s8 =	sadd.s32 $0x1B00, s8;
	[sflag:s29] =	ssyncadd.s32 $0xFFFFC000  }
0x127: {  	[spmem:s3] =	stream.indirect.scatter.add.f32 [tilespmem:s25], [sflag:$0x5], $0x80, s8, s23, $0xb8;
	[tilespmem:$0x1ED80] =	vst v63  }
0x128: {  	_ =	swait.ge [sflag:s22], $0x4000  }
0x129: {  	s9 =	smov.u32 s18;
	s8 =	sshra.s32 s17, $0x2;
	[sflag:s22] =	ssyncset.done $0x0  }
0x12a: {  	s9 =	sadd.s32 $0x100, s8;
	[sflag:s22] =	ssyncadd.s32 $0xFFFFC000  }
0x12b: {  	[tilespmem:s25], [sflag:$0x2] =	stream.indirect.gather [hbm4b:s1+s23], $0x80, s9, s23, $0xb8;
	[tilespmem:$0x1ED80] =	vst v63  }
0x12c: {  	_ =	swait.ge [sflag:s28], $0x4000  }
0x12d: {  	[sflag:s28] =	ssyncset.done $0x0  }
0x12e: {  	s17 =	sadd.s32 $0x1A00, s8;
	[sflag:s28] =	ssyncadd.s32 $0xFFFFC000  }
0x12f: {  	[spmem:s3] =	stream.indirect.scatter.add.f32 [tilespmem:s24], [sflag:$0x5], $0x80, s17, s23, $0xb8;
	[tilespmem:$0x1ED80] =	vst v63  }
0x130: {  	_ =	swait.ge [sflag:s22], $0x4000  }
0x131: {  	[sflag:s22] =	ssyncset.done $0x0  }
0x132: {  	s18 =	sadd.s32 $0x200, s8;
	[sflag:s22] =	ssyncadd.s32 $0xFFFFC000  }
0x133: {  	[tilespmem:s24], [sflag:$0x1] =	stream.indirect.gather [hbm4b:s1+s23], $0x80, s18, s23, $0xb8;
	[tilespmem:$0x1ED80] =	vst v63  }
0x134: {  	_ =	swait.ge [sflag:s29], $0x4000  }
0x135: {  	[sflag:s29] =	ssyncset.done $0x0  }
0x136: {  	s10 =	sadd.s32 $0x1B00, s8;
	[sflag:s29] =	ssyncadd.s32 $0xFFFFC000  }
0x137: {  	[spmem:s3] =	stream.indirect.scatter.add.f32 [tilespmem:s25], [sflag:$0x5], $0x80, s10, s23, $0xb8;
	[tilespmem:$0x1ED80] =	vst v63  }
0x138: {  	_ =	swait.ge [sflag:s22], $0x4000  }
0x139: {  	[sflag:s22] =	ssyncset.done $0x0  }
0x13a: {  	[sflag:s22] =	ssyncadd.s32 $0xFFFFC000  }
0x13b: {  	[tilespmem:s25], [sflag:$0x2] =	stream.indirect.gather [hbm4b:s1+s23], $0x80, s30, s23, $0xb8;
	[tilespmem:$0x1ED80] =	vst v63  }
0x13c: {  	_ =	swait.ge [sflag:s28], $0x4000  }
0x13d: {  	[sflag:s28] =	ssyncset.done $0x0  }
0x13e: {  	[sflag:s28] =	ssyncadd.s32 $0xFFFFC000  }
0x13f: {  	[spmem:s3] =	stream.indirect.scatter.add.f32 [tilespmem:s24], [sflag:$0x5], $0x80, s31, s23, $0xb8;
	[tilespmem:$0x1ED80] =	vst v63  }
0x140: {  	_ =	swait.ge [sflag:s22], $0x4000  }
0x141: {  	[sflag:s22] =	ssyncset.done $0x0  }
0x142: {  	[sflag:s22] =	ssyncadd.s32 $0xFFFFC000  }
0x143: {  	_ =	swait.ge [sflag:s29], $0x4000  }
0x144: {  	[sflag:s29] =	ssyncset.done $0x0  }
0x145: {  	[sflag:s29] =	ssyncadd.s32 $0xFFFFC000  }
0x146: {  	[spmem:s3] =	stream.indirect.scatter.add.f32 [tilespmem:s25], [sflag:$0x5], $0x80, s2, s23, $0xb8;
	[tilespmem:$0x1ED80] =	vst v63  }
0x147: {  	_ =	swait.ge [sflag:s22], $0x4000  }
0x148: {  	s8 =	simm.s32 @!p1 $0x0;
	[sflag:s22] =	ssyncset.done $0x0  }
0x149: {  	s9 =	simm.s32 @!p1 $0x3400;
	s10 =	rddreg [dreg:$0x9];
	[sflag:s22] =	ssyncadd.s32 $0xFFFFC000  }
0x14a: {  	[tilespmem:s9], [sflag:$0x5] =	stream.linear.gather @!p1 [hbm4b:s10+s8], $0x80, $0x38;
	[tilespmem:$0x1ED80] =	vst v63  }
0x14b: {  	s10 =	simm.s32 @!p1 $0x5  }
0x14c: {  	_ =	swait.ge @!p1 [sflag:s10], $0x80  }
0x14d: {  	[sflag:s10] =	ssyncset.done @!p1 $0x0  }
0x14e: {  	s17 =	simm.s32 @!p1 $0x3480;
	s18 =	rddreg [dreg:$0xa];
	[sflag:s10] =	ssyncadd.s32 @!p1 $0xFFFFFF80  }
0x14f: {  	[tilespmem:s17], [sflag:$0x5] =	stream.linear.gather @!p1 [hbm4b:s18+s8], $0x80, $0x38;
	[tilespmem:$0x1ED80] =	vst v63  }
0x150: {  	_ =	swait.ge @!p1 [sflag:s10], $0x80  }
0x151: {  	[sflag:s10] =	ssyncset.done @!p1 $0x0  }
0x152: {  	s8 =	simm.s32 @!p1 $0x80;
	s18 =	simm.s32 @!p1 $0x3500;
	[sflag:s10] =	ssyncadd.s32 @!p1 $0xFFFFFF80  }
0x153: {  	[tilespmem:s18], [sflag:$0x1] =	stream.indirect.gather @!p1 [hbm4b:s1+s8], $0x80, s9, s8, $0xb8;
	[tilespmem:$0x1ED80] =	vst v63  }
0x154: {  	s9 =	simm.s32 @!p1 $0x1  }
0x155: {  	_ =	swait.ge @!p1 [sflag:s9], $0x4000  }
0x156: {  	[sflag:s9] =	ssyncset.done @!p1 $0x0  }
0x157: {  	[sflag:s9] =	ssyncadd.s32 @!p1 $0xFFFFC000  }
0x158: {  	[spmem:s3] =	stream.indirect.scatter.add.f32 @!p1 [tilespmem:s18], [sflag:$0x5], $0x80, s17, s8, $0xb8;
	[tilespmem:$0x1ED80] =	vst v63  }
0x159: {  	_ =	swait.ge @!p1 [sflag:s10], $0x4000  }
0x15a: {  	s17 =	stileid.u32;
	[sflag:s10] =	ssyncset.done @!p1 $0x0  }
0x15b: {  	s8 =	sshll.u32 s17, $0x6;
	[sflag:s10] =	ssyncadd.s32 @!p1 $0xFFFFC000  }
0x15c: {  	s18 =	sshrl.u32 s5, $0x3;
	s8 =	sor.u32 $0x1C05, s8;
	[bflag:$0x0] =	sbarrier.arrive $0xFFFF  }
0x15d: {  	[hbm:s19], [sflag:s8] =	dma.local [spmem:s18], $0x2700  }
0x15e: {  	_ =	swait.ge [sflag:s22], $0x2700  }
0x15f: {  	s7 =	sadd.s32 $0x1, s7;
	[sflag:s22] =	ssyncset.done $0x0  }
0x160: {  	p2 =	sne.s32 s7, s21;
	s9 =	sshrl.u32 @!p0 s12, $0x3;
	[sflag:s22] =	ssyncadd.s32 $0xFFFFD900  }
0x161: {  	[hbm:s20], [sflag:s8] =	dma.local @!p0 [spmem:s9], $0x100  }
.Ltmp10:
0x162: {  	_ = 	snop;
	(pc) =	sbr.rel @p2 .LBB2_1-.Ltmp10, $4  }
0x163: {  	s8 =	simm.s32 @!p0 $0x5  }
0x164: {  	_ =	swait.ge @!p0 [sflag:s8], $0x100  }
0x165: {  	[sflag:s8] =	ssyncset.done @!p0 $0x0  }
0x166: {  	[sflag:s8] =	ssyncadd.s32 @!p0 $0xFFFFFF00  }
0x167: {  	_ =	sfence.sel $0x180000  }
0x168: {  	[bflag:$0x0] =	sbarrier.arrive $0xFFFF  }
0x169: {  	_ =	strace $0x9000004A  }
0x16a: {  	s0 =	stileid.u32;
	[bflag:$0x2] =	sbarrier.arrive $0xFFFF  }
0x16b: {  	p0 =	sne.s32 s0, $0x0;
	s0 =	rddreg [dreg:$0x4]  }
0x16c: {  	s0 =	sadd.s32 @!p0 $0x100000, s0  }
0x16d: {  	[sflag:s0] =	ssyncadd.tile.s32 @!p0 $0x1;
	_ =	shalt  }
.Lfunc_end2:
_tile_overlayer_lowered:
.L_overlay_start_2:
0x16e: {  	(tag) =	ssettag $0x2  }
0x16f: {  	s0 =	rddreg [dreg:$0x0];
	s2 =	stileid.u32  }
0x170: {  	s1 =	rddreg [dreg:$0x1];
	p0 =	sne.s32 s2, $0x0  }
0x171: {  	s3 =	rddreg [dreg:$0x2];
	[bflag:$0x3] =	sbarrier.arrive $0xFFFF;
	s2 =	simm.s32 @!p0 $0x1C05  }
0x172: {  	[timem:s3], [sflag:s2] =	dma.local @!p0 [hbm:s0], s1  }
0x173: {  	s0 =	simm.s32 @!p0 $0x5  }
0x174: {  	_ =	swait.ge @!p0 [sflag:s0], s1  }
0x175: {  	s1 =	ssub.s32 @!p0 $0x0, s1;
	[sflag:s0] =	ssyncset.done @!p0 $0x0  }
0x176: {  	[sflag:s0] =	ssyncadd.s32 @!p0 s1  }
0x177: {  	[bflag:$0x3] =	sbarrier.arrive $0xFFFF  }
0x178: {  	_ =	shalt  }

// kernel: kernel.8.cloned.1.call-start
scs
__scs_entry_jumppad:
0x0: {  	(pc) =	sbr.rel $0x88, $3  }
0x1: {  	(tag) =	ssettag $0x0;
	lr =	simm.s32 $0x1  }
0x2: {  	[smem:$0x3F99] =	sst lr;
	_ =	strace $0xD0000000  }
0x3: {  	_ = 	snop  }
0x4: {  	_ = 	snop  }
0x5: {  	_ = 	snop  }
0x6: {  	_ = 	snop  }
0x7: {  	_ = 	snop  }
__scs_overlays_trampoline_lowered:
0x8: {  	[smem:$0x3FA8] =	sst s0  }
0x9: {  	[smem:$0x3FA9] =	sst s1  }
0xa: {  	[smem:$0x3FAA] =	sst s2  }
0xb: {  	[smem:$0x3FAB] =	sst s3  }
0xc: {  	[smem:$0x3FAC] =	sst s4  }
0xd: {  	[smem:$0x3FAD] =	sst s5  }
0xe: {  	[smem:$0x3FAE] =	sst s6  }
0xf: {  	[smem:$0x3FAF] =	sst s7  }
0x10: {  	[smem:$0x3FB0] =	sst s8  }
0x11: {  	[smem:$0x3FB1] =	sst s9;
	s0 =	simm.s32 @!p0 $0x0  }
0x12: {  	s1 =	sld [smem:$0x3F97];
	s0 =	simm.s32 @p0 $0x1  }
0x13: {  	[smem:$0x3FB2] =	sst s0;
	s0 =	simm.s32 @!p1 $0x0  }
0x14: {  	s2 =	sld [smem:$0x3F96];
	s0 =	simm.s32 @p1 $0x1  }
0x15: {  	[smem:$0x3FB3] =	sst s0;
	s0 =	simm.s32 @!p2 $0x0  }
0x16: {  	s3 =	sld [smem:$0x3FDB];
	s0 =	simm.s32 @p2 $0x1  }
0x17: {  	s4 =	simm.s32 $0x1BF5;
	[smem:$0x3FB5] =	sst s0  }
0x18: {  	s0 =	sld [smem:$0x3F98];
	_ =	swait.ge [sflag:s4], $0x0  }
0x19: {  	s7 =	sld [smem:$0x3F99]  }
0x1a: {  	s8 =	sadd.s32 $0xFFFFE003, lr  }
0x1b: {  	s9 =	sadd.s32 $0xFFFFFEF7, lr;
	s5 =	simm.s32 $0xFFFFFFFF;
	p2 =	slt.u32 s8, $0xFFFFF086  }
0x1c: {  	p1 =	slt.u32 s9, $0xF7A;
	s5 =	simm.s32 @!p2 $0x0  }
0x1d: {  	s5 =	simm.s32 @p1 $0x1;
	p0 =	seq.s32 s7, s2  }
0x1e: {  	s7 =	smul.u32 @!p0 $0xF7A, s2;
	p2 =	seq.s32 @!p0 s5, $0x0  }
0x1f: {  	s9 =	smul.u32 $0xF7A, s1;
	s8 =	simm.s32 @!p0 $0x1BF5;
	p2 =	por !p2, p0  }
0x20: {  	[sflag:s8] =	ssyncset.s32 @!p0 $0xFFFFF086;
	s6 =	sadd.s32 @!p0 s3, s7;
	s7 =	simm.s32 @!p0 $0x108  }
0x21: {  	s3 =	sadd.s32 s3, s9;
	s6 =	sadd.s32 @!p0 $0x88, s6;
	s7 =	simm.s32 @p2 $0x1082  }
0x22: {  	[simem:s7], [sflag:s8] =	dma.local @!p0 [hbm:s6], $0xF7A  }
0x23: {  	s9 =	sor.u32 $0xD0000000, s2;
	s6 =	simm.s32 $0x108;
	_ =	swait.ge @!p0 [sflag:s8], $0x0  }
0x24: {  	s3 =	sadd.s32 $0x88, s3;
	s6 =	simm.s32 @!p1 $0x1082;
	[sflag:s4] =	ssyncset.s32 $0xFFFFF086  }
0x25: {  	[simem:s6], [sflag:s4] =	dma.local [hbm:s3], $0xF7A  }
0x26: {  	[smem:$0x3F99] =	sst s1;
	(tag) =	ssettag s2;
	_ =	strace s9  }
0x27: {  	s1 =	sld [smem:$0x3FA9]  }
0x28: {  	s2 =	sld [smem:$0x3FAA]  }
0x29: {  	s4 =	sld [smem:$0x3FAC]  }
0x2a: {  	p0 =	seq.s32 s5, $0x0;
	s5 =	sld [smem:$0x3FAD]  }
0x2b: {  	s6 =	sld [smem:$0x3FAE]  }
0x2c: {  	s7 =	sld [smem:$0x3FAF]  }
0x2d: {  	s3 =	simm.s32 $0x108;
	s8 =	sld [smem:$0x3FB0]  }
0x2e: {  	s3 =	simm.s32 @!p0 $0x1082;
	s9 =	sld [smem:$0x3FB1]  }
0x2f: {  	lr =	sadd.s32 s0, s3;
	s0 =	sld [smem:$0x3FA8]  }
0x30: {  	s3 =	sld [smem:$0x3FAB]  }
0x31: {  	[smem:$0x3FB4] =	sst s10  }
0x32: {  	s10 =	sld [smem:$0x3FB2];
	_ =	sdelay $0x3  }
0x33: {  	p0 =	seq.s32 s10, $0x1;
	s10 =	sld [smem:$0x3FB4];
	_ =	sdelay $0x3  }
0x34: {  	[smem:$0x3FB4] =	sst s10  }
0x35: {  	s10 =	sld [smem:$0x3FB3];
	_ =	sdelay $0x3  }
0x36: {  	p1 =	seq.s32 s10, $0x1;
	s10 =	sld [smem:$0x3FB4];
	_ =	sdelay $0x3  }
0x37: {  	[smem:$0x3FB4] =	sst s10  }
0x38: {  	s10 =	sld [smem:$0x3FB5]  }
0x39: {  	_ = 	snop;
	(pc) =	sbr.ind lr, $3  }
0x3a: {  	_ = 	snop  }
0x3b: {  	_ = 	snop  }
0x3c: {  	p2 =	seq.s32 s10, $0x1;
	s10 =	sld [smem:$0x3FB4]  }
0x3d: {  	_ =	shalt  }
0x3e: {  	_ =	shalt  }
0x3f: {  	_ =	shalt  }
0x40: {  	_ =	shalt  }
0x41: {  	_ =	shalt  }
0x42: {  	_ =	shalt  }
0x43: {  	_ =	shalt  }
0x44: {  	_ =	shalt  }
0x45: {  	_ =	shalt  }
0x46: {  	_ =	shalt  }
0x47: {  	_ =	shalt  }
0x48: {  	_ =	shalt  }
0x49: {  	_ =	shalt  }
0x4a: {  	_ =	shalt  }
0x4b: {  	_ =	shalt  }
0x4c: {  	_ =	shalt  }
0x4d: {  	_ =	shalt  }
0x4e: {  	_ =	shalt  }
0x4f: {  	_ =	shalt  }
0x50: {  	_ =	shalt  }
0x51: {  	_ =	shalt  }
0x52: {  	_ =	shalt  }
0x53: {  	_ =	shalt  }
0x54: {  	_ =	shalt  }
0x55: {  	_ =	shalt  }
0x56: {  	_ =	shalt  }
0x57: {  	_ =	shalt  }
0x58: {  	_ =	shalt  }
0x59: {  	_ =	shalt  }
0x5a: {  	_ =	shalt  }
0x5b: {  	_ =	shalt  }
0x5c: {  	_ =	shalt  }
0x5d: {  	_ =	shalt  }
0x5e: {  	_ =	shalt  }
0x5f: {  	_ =	shalt  }
0x60: {  	_ =	shalt  }
0x61: {  	_ =	shalt  }
0x62: {  	_ =	shalt  }
0x63: {  	_ =	shalt  }
0x64: {  	_ =	shalt  }
0x65: {  	_ =	shalt  }
0x66: {  	_ =	shalt  }
0x67: {  	_ =	shalt  }
0x68: {  	_ =	shalt  }
0x69: {  	_ =	shalt  }
0x6a: {  	_ =	shalt  }
0x6b: {  	_ =	shalt  }
0x6c: {  	_ =	shalt  }
0x6d: {  	_ =	shalt  }
0x6e: {  	_ =	shalt  }
0x6f: {  	_ =	shalt  }
0x70: {  	_ =	shalt  }
0x71: {  	_ =	shalt  }
0x72: {  	_ =	shalt  }
0x73: {  	_ =	shalt  }
0x74: {  	_ =	shalt  }
0x75: {  	_ =	shalt  }
0x76: {  	_ =	shalt  }
0x77: {  	_ =	shalt  }
0x78: {  	_ =	shalt  }
0x79: {  	_ =	shalt  }
0x7a: {  	_ =	shalt  }
0x7b: {  	_ =	shalt  }
0x7c: {  	_ =	shalt  }
0x7d: {  	_ =	shalt  }
0x7e: {  	_ =	shalt  }
0x7f: {  	_ =	shalt  }
0x80: {  	_ =	shalt  }
0x81: {  	_ =	shalt  }
0x82: {  	_ =	shalt  }
0x83: {  	_ =	shalt  }
0x84: {  	_ =	shalt  }
0x85: {  	_ =	shalt  }
0x86: {  	_ =	shalt  }
0x87: {  	_ =	shalt  }
.Lfunc_end0:
.L_simem_size_0:
called_computation_lowered:
.L_overlay_start_0:
0x88: {  	s2 =	sld [smem:$0x3FD9]  }
0x89: {  	s3 =	sld [smem:$0x3FFE];
	_ =	sdelay $0x1  }
0x8a: {  	s1 =	srdreg.scid  }
0x8b: {  	s0 =	sand.u32 $0x1, s1  }
0x8c: {  	s17 =	sshll.u32 s0, $0xA;
	s2 =	sadd.s32 s3, s2  }
0x8d: {  	s2 =	sadd.s32 s2, s17  }
0x8e: {  	[smem:$0x3FC0] =	sst s2  }
0x8f: {  	_ = 	snop  }
0x90: {  	s2 =	sld [smem:$0x3FC9]  }
0x91: {  	s18 =	sld [smem:$0x3FC8]  }
0x92: {  	s4 =	sld [smem:$0x3FD0];
	(tm) =	ssettm $0x1  }
0x93: {  	s5 =	sld [smem:$0x3FFB];
	_ =	sdelay $0x3  }
0x94: {  	_ =	strace s5  }
0x95: {  	s5 =	sld [smem:$0x3FFC];
	_ =	sdelay $0x3  }
0x96: {  	_ =	strace s5  }
0x97: {  	s5 =	sld [smem:$0x3FFD];
	_ =	sdelay $0x3  }
0x98: {  	_ =	strace s5  }
0x99: {  	_ =	strace $0x8FFFFFFF  }
0x9a: {  	s19 =	sld [smem:$0x3FDB];
	_ =	sdelay $0x1  }
0x9b: {  	s6 =	simm.s32 $_scs_section_size  }
0x9c: {  	s7 =	simm.s32 $_size__tile_overlayer_lowered;
	s8 =	simm.s32 $_tile_overlayer_lowered  }
0x9d: {  	s22 =	simm.s32 $0x1BFF;
	s21 =	sshll.u32 s8, $0x1;
	s5 =	sadd.s32 s6, s19  }
0x9e: {  	s9 =	simm.s32 $0x0;
	s20 =	sshll.u32 s7, $0x1;
	s7 =	sadd.s32 s21, s5  }
0x9f: {  	[timem:s9], [sflag:s22] =	dma.local [hbm:s7], s20  }
0xa0: {  	_ =	swait.ge [sflag:s22], s20  }
0xa1: {  	s6 =	ssub.s32 $0x0, s20;
	[sflag:s22] =	ssyncset.done $0x0  }
0xa2: {  	[sflag:s22] =	ssyncadd.s32 s6;
	_ =	sdelay $0x1  }
0xa3: {  	s23 =	simm.s32 $0x1B8B  }
0xa4: {  	_ =	swait.ge [sflag:s23], $0x1  }
0xa5: {  	[sflag:s23] =	ssyncset.done $0x0  }
0xa6: {  	s25 =	simm.s32 $0x1B8E;
	s24 =	sld [smem:$0x3FFE];
	[sflag:s23] =	ssyncadd.s32 $0xFFFFFFFF  }
0xa7: {  	s26 =	simm.s32 $execute0_lowered;
	[smem:$0x3FD2] =	sst s25  }
0xa8: {  	s7 =	sshll.u32 s26, $0x1;
	_ =	strace $0x80000046;
	[dreg:$0x1] =	wrdreg $0xFFFFFFFF  }
0xa9: {  	s28 =	simm.s32 $_size_execute0_lowered;
	s5 =	sadd.s32 s5, s7;
	[dreg:$0x0] =	wrdreg $0x0  }
0xaa: {  	s7 =	sshll.u32 s28, $0x1;
	[dreg:$0x2] =	wrdreg s5  }
0xab: {  	[dreg:$0x3] =	wrdreg s7  }
0xac: {  	[dreg:$0x4] =	wrdreg $0xC0  }
0xad: {  	_ =	task [dreg:s9], $0x5FFFF  }
0xae: {  	[dreg:$0x1] =	wrdreg $0xFFFFFFFF  }
0xaf: {  	[dreg:$0x0] =	wrdreg $0x60  }
0xb0: {  	[dreg:$0x2] =	wrdreg s2  }
0xb1: {  	[dreg:$0x3] =	wrdreg s18  }
0xb2: {  	[dreg:$0x4] =	wrdreg s24  }
0xb3: {  	[dreg:$0x5] =	wrdreg s4  }
0xb4: {  	[dreg:$0x6] =	wrdreg $0xBD800  }
0xb5: {  	[dreg:$0x7] =	wrdreg $0x1F6000  }
0xb6: {  	[dreg:$0x8] =	wrdreg $0x9  }
0xb7: {  	_ =	task.clear_ibuf [dreg:s9], $0x9FFFF;
	_ =	strace $0x90000046  }
0xb8: {  	s29 =	simm.s32 $0x9;
	_ =	strace $0x80000048  }
0xb9: {  	_ =	swait.ge [sflag:s29], $0x1  }
0xba: {  	[sflag:s29] =	ssyncadd.s32 $0xFFFFFFFF  }
0xbb: {  	_ =	strace $0x90000048  }
0xbc: {  	_ =	sfence  }
0xbd: {  	s30 =	sld [smem:$0x0];
	_ =	sdelay $0x2  }
0xbe: {  	s31 =	sshll.u32 s1, $0xD;
	s1 =	sshrl.u32 s1, $0x2  }
0xbf: {  	s3 =	sand.u32 $0x4000, s31;
	s1 =	sadd.s32 s1, s30  }
0xc0: {  	s0 =	sor.u32 s3, s0;
	s1 =	sshll.u32 s1, $0x11  }
0xc1: {  	s0 =	sor.u32 s1, s0  }
0xc2: {  	s0 =	sadd.s32 $0x8F2B, s0  }
0xc3: {  	[sflag:s0] =	ssyncadd.remote.s32 $0x1  }
0xc4: {  	_ =	sfence.sel $0xFFFF  }
0xc5: {  	[dreg:$0x0] =	wrdreg $0xFFFFFFFF;
	(pc) =	sbr.abs _section_cstart, $3  }
0xc6: {  	[dreg:$0x1] =	wrdreg $0xFFFFFFFF  }
0xc7: {  	_ =	task.clear_ibuf [dreg:s9], $0x2FFFF;
	_ =	strace $0x9FFFFFFF  }
0xc8: {  	(tm) =	ssettm $0x7FFFFFFF  }
0xc9: {  	_ =	shalt  }
tec
execute0_lowered:
.L_overlay_start_1:
0x0: {  	(tag) =	ssettag $0x1  }
0x1: {  	s0 =	rddreg [dreg:$0x0]  }
0x2: {  	s1 =	rddreg [dreg:$0x1]  }
0x3: {  	s2 =	rddreg [dreg:$0x2]  }
0x4: {  	s8 =	rddreg [dreg:$0x3]  }
0x5: {  	s3 =	rddreg [dreg:$0x4];
	s5 =	srdreg.scid  }
0x6: {  	s15 =	stileid.u32;
	s4 =	rddreg [dreg:$0x5];
	s29 =	simm.s32 $0x5  }
0x7: {  	s30 =	simm.s32 $0x80;
	s31 =	simm.s32 $0x3500;
	s9 =	sand.u32 $0x1, s5  }
0x8: {  	s6 =	sshll.u32 s15, $0x1;
	s5 =	simm.s32 $0x0;
	p0 =	slt.u32 s15, $0x2  }
0x9: {  	s10 =	smul.u32 $0x4E000, s15;
	s2 =	sadd.s32 $0x2000, s2;
	s17 =	sadd.s32 $0x7D0, s4  }
0xa: {  	s20 =	smul.u32 $0x13800, s15;
	p1 =	sne.s32 s15, $0x3;
	p2 =	sne.s32 s15, $0x2  }
0xb: {  	p3 =	sgt.u32 s15, $0x1;
	s6 =	sor.u32 s9, s6;
	s19 =	smul.u32 $0x138800, s9  }
0xc: {  	[smem:$0x7FF] =	sst s5;
	s11 =	ssub.s32 $0x2, s9;
	s7 =	smul.u32 $0x4E, s6  }
0xd: {  	s9 =	sshll.u32 s9, $0x4;
	_ =	strace $0x80000047;
	s6 =	smul.u32 $0x4F, s6  }
0xe: {  	s24 =	sshrl.u32 s11, $0x1;
	s25 =	sshrl.u32 s10, $0x2;
	[dreg:$0xb] =	wrdreg s17  }
0xf: {  	s8 =	sadd.s32 s8, s9;
	s9 =	simm.s32 $0xB500;
	s10 =	simm.s32 $0x2  }
0x10: {  	s26 =	ssub.s32 s11, s24;
	s11 =	sadd.s32 s20, s19;
	[dreg:$0xd] =	wrdreg s8  }
0x11: {  	s22 =	sshrl.u32 s19, $0x3;
	s7 =	sadd.s32 $0x4, s7;
	s21 =	sshrl.u32 s11, $0x3  }
0x12: {  	s19 =	simm.s32 $0x3;
	s7 =	smov.u32 @p0 s6;
	s8 =	sadd.s32 s2, s21  }
0x13: {  	s2 =	sadd.s32 s2, s22;
	p0 =	seq.s32 s15, $0x2;
	s22 =	simm.s32 $0x3380  }
0x14: {  	s13 =	sshll.u32 s7, $0x5;
	s7 =	sadd.s32 s25, s3;
	[dreg:$0xe] =	wrdreg s8  }
0x15: {  	s24 =	sadd.s32 $0x27000, s2;
	s25 =	smax.u32 s26, $0x1;
	p4 =	sne.s32 @!p0 s15, $0x3  }
0x16: {  	s26 =	sadd.s32 $0x1770, s4;
	s2 =	simm.s32 $0x7500;
	[dreg:$0x11] =	wrdreg s24  }
0x17: {  	s8 =	simm.s32 $0x1;
	s15 =	simm.s32 $0x3300;
	[dreg:$0x12] =	wrdreg s25  }
0x18: {  	s6 =	sadd.s32 s1, s13;
	s28 =	sadd.s32 $0x4000, s7;
	[dreg:$0x13] =	wrdreg s26  }
0x19: {  	s12 =	sadd.s32 $0x8000, s7;
	s14 =	sadd.s32 $0xC000, s7;
	[dreg:$0x7] =	wrdreg s28  }
0x1a: {  	s16 =	sadd.s32 $0x10000, s7;
	s18 =	sand.u32 $0x1FFFFFE0, s13;
	[dreg:$0x8] =	wrdreg s12  }
0x1b: {  	p4 =	por p4, p0;
	s13 =	simm.s32 $0x3200;
	[dreg:$0x9] =	wrdreg s14  }
0x1c: {  	[dreg:$0xa] =	wrdreg s16;
	s12 =	sadd.s32 $0x138000, s3;
	s14 =	sadd.s32 $0x10, s6  }
0x1d: {  	s16 =	sadd.s32 $0xFA0, s4;
	s1 =	sadd.s32 s1, s18;
	s28 =	sadd.s32 $0x1F40, s4  }
0x1e: {  	[dreg:$0xc] =	wrdreg s16;
	s16 =	sadd.s32 $0x340, s1;
	s17 =	sadd.s32 $0x350, s1  }
0x1f: {  	s18 =	sadd.s32 $0x680, s1;
	s23 =	sadd.s32 $0x9C0, s1;
	[dreg:$0x14] =	wrdreg s28  }
0x20: {  	s20 =	sadd.s32 $0x690, s1;
	s1 =	sadd.s32 $0x9D0, s1;
	[dreg:$0xf] =	wrdreg s23  }
0x21: {  	v0 =	vimm.f32 $0.0e+00;
	v1 =	vimm.f32 $1.000000000e+00;
	[dreg:$0x10] =	wrdreg s1;
	s1 =	simm.s32 $0x4;
	s23 =	simm.s32 $0x0  }
.LBB2_1:
0x22: {  	s24 =	simm.s32 $0x20  }
0x23: {  	s26 =	sadd.s32 $0x0, s6;
	s11 =	simm.s32 $0x100;
	s25 =	simm.s32 $0x0  }
.LBB2_2:
0x24: {  	[tilespmem:s25], [sflag:$0x5] =	stream.linear.gather [hbm4b:s26+s5], $0x80, $0x38;
	[tilespmem:$0x1F878] =	vst v63  }
0x25: {  	s26 =	smov.u32 s24;
	s25 =	smov.u32 s11;
	p5 =	sne.s32 s24, $0x320  }
.Ltmp0:
0x26: {  	s24 =	sadd.s32 $0x20, s24;
	(pc) =	sbr.rel @p5 .LBB2_2-.Ltmp0, $2  }
0x27: {  	_ =	sdelay $0x2  }
0x28: {  	s11 =	sadd.s32 $0x100, s11;
	s26 =	sadd.s32 s26, s6  }
0x29: {  	[tilespmem:s25], [sflag:$0x5] =	stream.linear.gather [hbm4b:s26+s5], $0x80, $0x38;
	[tilespmem:$0x1F878] =	vst v63  }
0x2a: {  	_ =	swait.ge [sflag:s29], $0xD00  }
0x2b: {  	s24 =	simm.s32 $0x1A00;
	s25 =	simm.s32 $0x20;
	[sflag:s29] =	ssyncset.done $0x0  }
0x2c: {  	s26 =	sadd.s32 $0x0, s14;
	s11 =	simm.s32 $0x1B00;
	[sflag:s29] =	ssyncadd.s32 $0xFFFFF300  }
.LBB2_4:
0x2d: {  	[tilespmem:s24], [sflag:$0x5] =	stream.linear.gather [hbm4b:s26+s5], $0x80, $0x38;
	[tilespmem:$0x1F878] =	vst v63  }
0x2e: {  	s26 =	smov.u32 s25;
	s24 =	smov.u32 s11;
	p5 =	sne.s32 s25, $0x320  }
.Ltmp1:
0x2f: {  	s25 =	sadd.s32 $0x20, s25;
	(pc) =	sbr.rel @p5 .LBB2_4-.Ltmp1, $2  }
0x30: {  	_ =	sdelay $0x2  }
0x31: {  	s11 =	sadd.s32 $0x100, s11;
	s26 =	sadd.s32 s26, s14  }
0x32: {  	[tilespmem:s24], [sflag:$0x5] =	stream.linear.gather [hbm4b:s26+s5], $0x80, $0x38;
	[tilespmem:$0x1F878] =	vst v63  }
0x33: {  	_ =	swait.ge [sflag:s29], $0xD00  }
0x34: {  	s11 =	simm.s32 $0x0;
	[sflag:s29] =	ssyncset.done $0x0  }
0x35: {  	s24 =	simm.s32 $0x0;
	s25 =	simm.s32 $0x200;
	[sflag:s29] =	ssyncadd.s32 $0xFFFFF300  }
0x36: {  	[tilespmem:s31], [sflag:$0x1] =	stream.indirect.gather [hbm4b:s0+s30], $0x80, s11, s30, $0xb8;
	[tilespmem:$0x1F878] =	vst v63  }
.LBB2_6:
0x37: {  	p5 =	sne.s32 s25, $0xFE00;
	[tilespmem:s24+$0x7570] =	vst v0  }
0x38: {  	[tilespmem:s24+$0x7500] =	vst v0  }
0x39: {  	[tilespmem:s24+$0x7510] =	vst v0  }
.Ltmp2:
0x3a: {  	[tilespmem:s24+$0x7520] =	vst v0;
	(pc) =	sbr.rel @p5 .LBB2_6-.Ltmp2, $4  }
0x3b: {  	[tilespmem:s24+$0x7530] =	vst v0  }
0x3c: {  	[tilespmem:s24+$0x7540] =	vst v0  }
0x3d: {  	[tilespmem:s24+$0x7550] =	vst v0  }
0x3e: {  	[tilespmem:s24+$0x7560] =	vst v0;
	s24 =	sshra.s32 s25, $0x2;
	s25 =	sadd.s32 $0x200, s25  }
0x3f: {  	[tilespmem:s24+$0x7570] =	vst v0  }
0x40: {  	[tilespmem:s24+$0x7500] =	vst v0  }
0x41: {  	[tilespmem:s24+$0x7510] =	vst v0  }
0x42: {  	[tilespmem:s24+$0x7520] =	vst v0  }
0x43: {  	[tilespmem:s24+$0x7530] =	vst v0  }
0x44: {  	[tilespmem:s24+$0x7540] =	vst v0  }
0x45: {  	[tilespmem:s24+$0x7550] =	vst v0  }
0x46: {  	[tilespmem:s24+$0x7560] =	vst v0  }
0x47: {  	[spmem:s7] =	stream.linear.scatter [tilespmem:s2], [sflag:$0x4], $0x4000, $0x38;
	[tilespmem:$0x1F878] =	vst v63  }
0x48: {  	s11 =	rddreg [dreg:$0x7]  }
0x49: {  	[spmem:s11] =	stream.linear.scatter [tilespmem:s2], [sflag:$0x4], $0x4000, $0x38;
	[tilespmem:$0x1F878] =	vst v63  }
0x4a: {  	s25 =	rddreg [dreg:$0x8]  }
0x4b: {  	[spmem:s25] =	stream.linear.scatter [tilespmem:s2], [sflag:$0x4], $0x4000, $0x38;
	[tilespmem:$0x1F878] =	vst v63  }
0x4c: {  	s26 =	rddreg [dreg:$0x9]  }
0x4d: {  	[spmem:s26] =	stream.linear.scatter [tilespmem:s2], [sflag:$0x4], $0x4000, $0x38;
	[tilespmem:$0x1F878] =	vst v63  }
0x4e: {  	s28 =	rddreg [dreg:$0xa]  }
0x4f: {  	[spmem:s28] =	stream.linear.scatter [tilespmem:s2], [sflag:$0x4], $0x3800, $0x38;
	[tilespmem:$0x1F878] =	vst v63  }
0x50: {  	s11 =	simm.s32 @!p1 $0x7500  }
0x51: {  	[spmem:s12] =	stream.linear.scatter @!p1 [tilespmem:s11], [sflag:$0x5], $0x800, $0x38;
	[tilespmem:$0x1F878] =	vst v63  }
0x52: {  	s11 =	simm.s32 @!p1 $0x5  }
0x53: {  	_ =	swait.ge @!p1 [sflag:s11], $0x800  }
0x54: {  	[sflag:s11] =	ssyncset.done @!p1 $0x0  }
0x55: {  	s24 =	simm.s32 $0x0;
	[sflag:s11] =	ssyncadd.s32 @!p1 $0xFFFFF800;
	s11 =	simm.s32 $0x40  }
.LBB2_8:
0x56: {  	p5 =	sne.s32 s11, $0x1F00;
	[tilespmem:s24+$0xB580] =	vst v0;
	s24 =	smov.u32 s11;
	s11 =	sadd.s32 $0x40, s11  }
.Ltmp3:
0x57: {  	(pc) =	sbr.rel @p5 .LBB2_8-.Ltmp3, $2  }
0x58: {  	_ =	sdelay $0x2  }
0x59: {  	s24 =	sshra.s32 s24, $0x2  }
0x5a: {  	[tilespmem:s24+$0xB580] =	vst v0  }
0x5b: {  	[tilespmem:$0xB500] =	vst v1  }
0x5c: {  	[tilespmem:$0xB510] =	vst v1  }
0x5d: {  	[tilespmem:$0xB520] =	vst v1  }
0x5e: {  	[tilespmem:$0xB530] =	vst v1  }
0x5f: {  	[tilespmem:$0xB540] =	vst v1  }
0x60: {  	[tilespmem:$0xB550] =	vst v1  }
0x61: {  	[tilespmem:$0xB560] =	vst v1  }
0x62: {  	s11 =	simm.s32 @!p2 $0xB580;
	s24 =	simm.s32 @!p2 $0x5;
	[tilespmem:$0xB570] =	vst v1  }
0x63: {  	[spmem:s4] =	stream.linear.scatter @!p2 [tilespmem:s11], [sflag:$0x5], $0x7D0, $0x38;
	[tilespmem:$0x1F878] =	vst v63  }
0x64: {  	_ =	swait.ge @!p2 [sflag:s24], $0x7D0  }
0x65: {  	[sflag:s24] =	ssyncset.done @!p2 $0x0  }
0x66: {  	s25 =	rddreg [dreg:$0xb];
	[sflag:s24] =	ssyncadd.s32 @!p2 $0xFFFFF830  }
0x67: {  	[spmem:s25] =	stream.linear.scatter @!p2 [tilespmem:s11], [sflag:$0x5], $0x7D0, $0x38;
	[tilespmem:$0x1F878] =	vst v63  }
0x68: {  	_ =	swait.ge @!p2 [sflag:s24], $0x7D0  }
0x69: {  	[sflag:s24] =	ssyncset.done @!p2 $0x0  }
0x6a: {  	s25 =	rddreg [dreg:$0xc];
	[sflag:s24] =	ssyncadd.s32 @!p2 $0xFFFFF830  }
0x6b: {  	[spmem:s25] =	stream.linear.scatter @!p2 [tilespmem:s11], [sflag:$0x5], $0x7D0, $0x38;
	[tilespmem:$0x1F878] =	vst v63  }
0x6c: {  	_ =	swait.ge @!p2 [sflag:s24], $0x7D0  }
0x6d: {  	[sflag:s24] =	ssyncset.done @!p2 $0x0  }
0x6e: {  	s21 =	rddreg [dreg:$0x13];
	[sflag:s24] =	ssyncadd.s32 @!p2 $0xFFFFF830  }
0x6f: {  	[spmem:s21] =	stream.linear.scatter @!p2 [tilespmem:s11], [sflag:$0x5], $0x7D0, $0x38;
	[tilespmem:$0x1F878] =	vst v63  }
0x70: {  	_ =	swait.ge @!p2 [sflag:s24], $0x7D0  }
0x71: {  	[sflag:s24] =	ssyncset.done @!p2 $0x0  }
0x72: {  	s21 =	rddreg [dreg:$0x14];
	[sflag:s24] =	ssyncadd.s32 @!p2 $0xFFFFF830  }
0x73: {  	[spmem:s21] =	stream.linear.scatter @!p2 [tilespmem:s11], [sflag:$0x5], $0x7D0, $0x38;
	[tilespmem:$0x1F878] =	vst v63  }
0x74: {  	_ =	swait.ge @!p2 [sflag:s24], $0x7D0  }
0x75: {  	[sflag:s24] =	ssyncset.done @!p2 $0x0  }
0x76: {  	[sflag:s24] =	ssyncadd.s32 @!p2 $0xFFFFF830  }
0x77: {  	_ =	swait.ge [sflag:s1], $0x4000  }
0x78: {  	[sflag:s1] =	ssyncset.done $0x0  }
0x79: {  	[sflag:s1] =	ssyncadd.s32 $0xFFFFC000  }
0x7a: {  	_ =	swait.ge [sflag:s1], $0x4000  }
0x7b: {  	[sflag:s1] =	ssyncset.done $0x0  }
0x7c: {  	[sflag:s1] =	ssyncadd.s32 $0xFFFFC000  }
0x7d: {  	_ =	swait.ge [sflag:s1], $0x4000  }
0x7e: {  	[sflag:s1] =	ssyncset.done $0x0  }
0x7f: {  	[sflag:s1] =	ssyncadd.s32 $0xFFFFC000  }
0x80: {  	_ =	swait.ge [sflag:s1], $0x4000  }
0x81: {  	[sflag:s1] =	ssyncset.done $0x0  }
0x82: {  	[sflag:s1] =	ssyncadd.s32 $0xFFFFC000  }
0x83: {  	_ =	swait.ge [sflag:s1], $0x3800  }
0x84: {  	[sflag:s1] =	ssyncset.done $0x0  }
0x85: {  	s26 =	sadd.s32 $0x0, s16;
	s25 =	simm.s32 $0x20;
	[sflag:s1] =	ssyncadd.s32 $0xFFFFC800  }
0x86: {  	s11 =	simm.s32 $0x180;
	s24 =	simm.s32 $0x80;
	[bflag:$0x0] =	sbarrier.arrive $0xFFFF  }
.LBB2_10:
0x87: {  	[tilespmem:s24], [sflag:$0x3] =	stream.linear.gather [hbm4b:s26+s5], $0x80, $0x38;
	[tilespmem:$0x1F878] =	vst v63  }
0x88: {  	s26 =	smov.u32 s25;
	s24 =	smov.u32 s11;
	p5 =	sne.s32 s25, $0x320  }
.Ltmp4:
0x89: {  	s25 =	sadd.s32 $0x20, s25;
	(pc) =	sbr.rel @p5 .LBB2_10-.Ltmp4, $2  }
0x8a: {  	_ =	sdelay $0x2  }
0x8b: {  	s11 =	sadd.s32 $0x100, s11;
	s26 =	sadd.s32 s26, s16  }
0x8c: {  	[tilespmem:s24], [sflag:$0x3] =	stream.linear.gather [hbm4b:s26+s5], $0x80, $0x38;
	[tilespmem:$0x1F878] =	vst v63  }
0x8d: {  	s24 =	simm.s32 $0x0;
	s25 =	simm.s32 $0x1A80  }
0x8e: {  	s11 =	simm.s32 $0x20;
	s28 =	sadd.s32 $0x0, s17;
	s26 =	simm.s32 $0x1B80  }
.LBB2_12:
0x8f: {  	[tilespmem:s25], [sflag:$0x3] =	stream.linear.gather [hbm4b:s28+s24], $0x80, $0x38;
	[tilespmem:$0x1F878] =	vst v63  }
0x90: {  	s28 =	smov.u32 s11;
	s25 =	smov.u32 s26;
	p5 =	sne.s32 s11, $0x320  }
.Ltmp5:
0x91: {  	s11 =	sadd.s32 $0x20, s11;
	(pc) =	sbr.rel @p5 .LBB2_12-.Ltmp5, $2  }
0x92: {  	_ =	sdelay $0x2  }
0x93: {  	s26 =	sadd.s32 $0x100, s26;
	s28 =	sadd.s32 s28, s17  }
0x94: {  	[tilespmem:s25], [sflag:$0x3] =	stream.linear.gather [hbm4b:s28+s24], $0x80, $0x38;
	[tilespmem:$0x1F878] =	vst v63  }
0x95: {  	s11 =	simm.s32 $0x100  }
0x96: {  	[tilespmem:s2], [sflag:$0x2] =	stream.indirect.gather [hbm4b:s0+s30], $0x80, s11, s30, $0xb8;
	[tilespmem:$0x1F878] =	vst v63  }
0x97: {  	_ =	swait.ge [sflag:s8], $0x4000  }
0x98: {  	[sflag:s8] =	ssyncset.done $0x0  }
0x99: {  	s25 =	simm.s32 $0x1A00;
	[sflag:s8] =	ssyncadd.s32 $0xFFFFC000  }
0x9a: {  	[spmem:s3] =	stream.indirect.scatter.add.f32 [tilespmem:s31], [sflag:$0x5], $0x80, s25, s30, $0xb8;
	[tilespmem:$0x1F878] =	vst v63  }
0x9b: {  	_ =	swait.ge [sflag:s29], $0x4000  }
0x9c: {  	[sflag:s29] =	ssyncset.done $0x0  }
0x9d: {  	[sflag:s29] =	ssyncadd.s32 $0xFFFFC000  }
0x9e: {  	[spmem:s4] =	stream.indirect.scatter.add.f32 [tilespmem:s9], [sflag:$0x5], $0x1, s25, s30, $0xb8;
	[tilespmem:$0x1F878] =	vst v63  }
0x9f: {  	_ =	swait.ge [sflag:s29], $0x80  }
0xa0: {  	[sflag:s29] =	ssyncset.done $0x0  }
0xa1: {  	s26 =	simm.s32 $0x200;
	[sflag:s29] =	ssyncadd.s32 $0xFFFFFF80  }
0xa2: {  	[tilespmem:s31], [sflag:$0x1] =	stream.indirect.gather [hbm4b:s0+s30], $0x80, s26, s30, $0xb8;
	[tilespmem:$0x1F878] =	vst v63  }
0xa3: {  	_ =	swait.ge [sflag:s10], $0x4000  }
0xa4: {  	[sflag:s10] =	ssyncset.done $0x0  }
0xa5: {  	s28 =	simm.s32 $0x1B00;
	[sflag:s10] =	ssyncadd.s32 $0xFFFFC000  }
0xa6: {  	[spmem:s3] =	stream.indirect.scatter.add.f32 [tilespmem:s2], [sflag:$0x5], $0x80, s28, s30, $0xb8;
	[tilespmem:$0x1F878] =	vst v63  }
0xa7: {  	_ =	swait.ge [sflag:s29], $0x4000  }
0xa8: {  	[sflag:s29] =	ssyncset.done $0x0  }
0xa9: {  	[sflag:s29] =	ssyncadd.s32 $0xFFFFC000  }
0xaa: {  	[spmem:s4] =	stream.indirect.scatter.add.f32 [tilespmem:s9], [sflag:$0x5], $0x1, s28, s30, $0xb8;
	[tilespmem:$0x1F878] =	vst v63  }
0xab: {  	_ =	swait.ge [sflag:s29], $0x80  }
0xac: {  	s24 =	simm.s32 $0x200;
	s11 =	simm.s32 $0x1000;
	[sflag:s29] =	ssyncset.done $0x0  }
.LBB2_14:
0xad: {  	s25 =	sadd.s32 $0x100, s24  }
0xae: {  	[sflag:s29] =	ssyncadd.s32 $0xFFFFFF80;
	s26 =	smov.u32 s11;
	s28 =	sadd.s32 $0x800, s11  }
0xaf: {  	[tilespmem:s2], [sflag:$0x2] =	stream.indirect.gather [hbm4b:s0+s30], $0x80, s25, s30, $0xb8;
	[tilespmem:$0x1F878] =	vst v63  }
0xb0: {  	p5 =	sne.s32 s11, $0x5800;
	_ =	swait.ge [sflag:s8], $0x4000  }
0xb1: {  	[sflag:s8] =	ssyncset.done $0x0  }
0xb2: {  	s11 =	sadd.s32 $0x1A00, s24;
	[sflag:s8] =	ssyncadd.s32 $0xFFFFC000  }
0xb3: {  	[spmem:s3] =	stream.indirect.scatter.add.f32 [tilespmem:s31], [sflag:$0x5], $0x80, s11, s30, $0xb8;
	[tilespmem:$0x1F878] =	vst v63  }
0xb4: {  	_ =	swait.ge [sflag:s29], $0x4000  }
0xb5: {  	[sflag:s29] =	ssyncset.done $0x0  }
0xb6: {  	[sflag:s29] =	ssyncadd.s32 $0xFFFFC000  }
0xb7: {  	[spmem:s4] =	stream.indirect.scatter.add.f32 [tilespmem:s9], [sflag:$0x5], $0x1, s11, s30, $0xb8;
	[tilespmem:$0x1F878] =	vst v63  }
0xb8: {  	_ =	swait.ge [sflag:s29], $0x80  }
0xb9: {  	[sflag:s29] =	ssyncset.done $0x0  }
0xba: {  	s11 =	sadd.s32 $0x200, s24;
	[sflag:s29] =	ssyncadd.s32 $0xFFFFFF80  }
0xbb: {  	[tilespmem:s31], [sflag:$0x1] =	stream.indirect.gather [hbm4b:s0+s30], $0x80, s11, s30, $0xb8;
	[tilespmem:$0x1F878] =	vst v63  }
0xbc: {  	_ =	swait.ge [sflag:s10], $0x4000  }
0xbd: {  	[sflag:s10] =	ssyncset.done $0x0  }
0xbe: {  	s11 =	sadd.s32 $0x1B00, s24;
	[sflag:s10] =	ssyncadd.s32 $0xFFFFC000  }
0xbf: {  	[spmem:s3] =	stream.indirect.scatter.add.f32 [tilespmem:s2], [sflag:$0x5], $0x80, s11, s30, $0xb8;
	[tilespmem:$0x1F878] =	vst v63  }
0xc0: {  	_ =	swait.ge [sflag:s29], $0x4000  }
.Ltmp6:
0xc1: {  	[sflag:s29] =	ssyncset.done $0x0;
	(pc) =	sbr.rel @p5 .LBB2_14-.Ltmp6, $4  }
0xc2: {  	[sflag:s29] =	ssyncadd.s32 $0xFFFFC000  }
0xc3: {  	[spmem:s4] =	stream.indirect.scatter.add.f32 [tilespmem:s9], [sflag:$0x5], $0x1, s11, s30, $0xb8;
	[tilespmem:$0x1F878] =	vst v63  }
0xc4: {  	_ =	swait.ge [sflag:s29], $0x80  }
0xc5: {  	s24 =	sshra.s32 s26, $0x2;
	s11 =	smov.u32 s28;
	[sflag:s29] =	ssyncset.done $0x0  }
0xc6: {  	s11 =	sadd.s32 $0x100, s24;
	[sflag:s29] =	ssyncadd.s32 $0xFFFFFF80  }
0xc7: {  	[tilespmem:s2], [sflag:$0x2] =	stream.indirect.gather [hbm4b:s0+s30], $0x80, s11, s30, $0xb8;
	[tilespmem:$0x1F878] =	vst v63  }
0xc8: {  	_ =	swait.ge [sflag:s8], $0x4000  }
0xc9: {  	[sflag:s8] =	ssyncset.done $0x0  }
0xca: {  	s21 =	sadd.s32 $0x1A00, s24;
	[sflag:s8] =	ssyncadd.s32 $0xFFFFC000  }
0xcb: {  	[spmem:s3] =	stream.indirect.scatter.add.f32 [tilespmem:s31], [sflag:$0x5], $0x80, s21, s30, $0xb8;
	[tilespmem:$0x1F878] =	vst v63  }
0xcc: {  	_ =	swait.ge [sflag:s29], $0x4000  }
0xcd: {  	[sflag:s29] =	ssyncset.done $0x0  }
0xce: {  	[sflag:s29] =	ssyncadd.s32 $0xFFFFC000  }
0xcf: {  	[spmem:s4] =	stream.indirect.scatter.add.f32 [tilespmem:s9], [sflag:$0x5], $0x1, s21, s30, $0xb8;
	[tilespmem:$0x1F878] =	vst v63  }
0xd0: {  	_ =	swait.ge [sflag:s29], $0x80  }
0xd1: {  	[sflag:s29] =	ssyncset.done $0x0  }
0xd2: {  	s25 =	sadd.s32 $0x200, s24;
	[sflag:s29] =	ssyncadd.s32 $0xFFFFFF80  }
0xd3: {  	[tilespmem:s31], [sflag:$0x1] =	stream.indirect.gather [hbm4b:s0+s30], $0x80, s25, s30, $0xb8;
	[tilespmem:$0x1F878] =	vst v63  }
0xd4: {  	_ =	swait.ge [sflag:s10], $0x4000  }
0xd5: {  	[sflag:s10] =	ssyncset.done $0x0  }
0xd6: {  	s26 =	sadd.s32 $0x1B00, s24;
	[sflag:s10] =	ssyncadd.s32 $0xFFFFC000  }
0xd7: {  	[spmem:s3] =	stream.indirect.scatter.add.f32 [tilespmem:s2], [sflag:$0x5], $0x80, s26, s30, $0xb8;
	[tilespmem:$0x1F878] =	vst v63  }
0xd8: {  	_ =	swait.ge [sflag:s29], $0x4000  }
0xd9: {  	[sflag:s29] =	ssyncset.done $0x0  }
0xda: {  	[sflag:s29] =	ssyncadd.s32 $0xFFFFC000  }
0xdb: {  	[spmem:s4] =	stream.indirect.scatter.add.f32 [tilespmem:s9], [sflag:$0x5], $0x1, s26, s30, $0xb8;
	[tilespmem:$0x1F878] =	vst v63  }
0xdc: {  	_ =	swait.ge [sflag:s29], $0x80  }
0xdd: {  	[sflag:s29] =	ssyncset.done $0x0  }
0xde: {  	s28 =	simm.s32 $0x1900;
	[sflag:s29] =	ssyncadd.s32 $0xFFFFFF80  }
0xdf: {  	[tilespmem:s2], [sflag:$0x2] =	stream.indirect.gather [hbm4b:s0+s30], $0x80, s28, s30, $0xb8;
	[tilespmem:$0x1F878] =	vst v63  }
0xe0: {  	_ =	swait.ge [sflag:s8], $0x4000  }
0xe1: {  	[sflag:s8] =	ssyncset.done $0x0  }
0xe2: {  	[sflag:s8] =	ssyncadd.s32 $0xFFFFC000  }
0xe3: {  	[spmem:s3] =	stream.indirect.scatter.add.f32 [tilespmem:s31], [sflag:$0x5], $0x80, s13, s30, $0xb8;
	[tilespmem:$0x1F878] =	vst v63  }
0xe4: {  	_ =	swait.ge [sflag:s29], $0x4000  }
0xe5: {  	[sflag:s29] =	ssyncset.done $0x0  }
0xe6: {  	[sflag:s29] =	ssyncadd.s32 $0xFFFFC000  }
0xe7: {  	[spmem:s4] =	stream.indirect.scatter.add.f32 [tilespmem:s9], [sflag:$0x5], $0x1, s13, s30, $0xb8;
	[tilespmem:$0x1F878] =	vst v63  }
0xe8: {  	_ =	swait.ge [sflag:s29], $0x80  }
0xe9: {  	[sflag:s29] =	ssyncset.done $0x0  }
0xea: {  	[sflag:s29] =	ssyncadd.s32 $0xFFFFFF80  }
0xeb: {  	_ =	swait.ge [sflag:s10], $0x4000  }
0xec: {  	[sflag:s10] =	ssyncset.done $0x0  }
0xed: {  	[sflag:s10] =	ssyncadd.s32 $0xFFFFC000  }
0xee: {  	[spmem:s3] =	stream.indirect.scatter.add.f32 [tilespmem:s2], [sflag:$0x5], $0x80, s15, s30, $0xb8;
	[tilespmem:$0x1F878] =	vst v63  }
0xef: {  	_ =	swait.ge [sflag:s29], $0x4000  }
0xf0: {  	[sflag:s29] =	ssyncset.done $0x0  }
0xf1: {  	[sflag:s29] =	ssyncadd.s32 $0xFFFFC000  }
0xf2: {  	[spmem:s4] =	stream.indirect.scatter.add.f32 [tilespmem:s9], [sflag:$0x5], $0x1, s15, s30, $0xb8;
	[tilespmem:$0x1F878] =	vst v63  }
0xf3: {  	_ =	swait.ge [sflag:s29], $0x80  }
0xf4: {  	[sflag:s29] =	ssyncset.done $0x0  }
0xf5: {  	[sflag:s29] =	ssyncadd.s32 $0xFFFFFF80  }
0xf6: {  	_ =	swait.ge [sflag:s19], $0xD00  }
0xf7: {  	[sflag:s19] =	ssyncset.done $0x0  }
0xf8: {  	[sflag:s19] =	ssyncadd.s32 $0xFFFFF300  }
0xf9: {  	_ =	swait.ge [sflag:s19], $0xD00  }
0xfa: {  	s24 =	simm.s32 $0x0;
	s11 =	simm.s32 $0x20;
	[sflag:s19] =	ssyncset.done $0x0  }
0xfb: {  	s25 =	simm.s32 $0x100;
	s26 =	sadd.s32 $0x0, s18;
	[sflag:s19] =	ssyncadd.s32 $0xFFFFF300  }
0xfc: {  	[tilespmem:s31], [sflag:$0x1] =	stream.indirect.gather [hbm4b:s0+s30], $0x80, s30, s30, $0xb8;
	[tilespmem:$0x1F878] =	vst v63  }
.LBB2_16:
0xfd: {  	[tilespmem:s24], [sflag:$0x3] =	stream.linear.gather [hbm4b:s26+s5], $0x80, $0x38;
	[tilespmem:$0x1F878] =	vst v63  }
0xfe: {  	s26 =	smov.u32 s11;
	s24 =	smov.u32 s25;
	p5 =	sne.s32 s11, $0x320  }
.Ltmp7:
0xff: {  	s11 =	sadd.s32 $0x20, s11;
	(pc) =	sbr.rel @p5 .LBB2_16-.Ltmp7, $2  }
0x100: {  	_ =	sdelay $0x2  }
0x101: {  	s25 =	sadd.s32 $0x100, s25;
	s26 =	sadd.s32 s26, s18  }
0x102: {  	[tilespmem:s24], [sflag:$0x3] =	stream.linear.gather [hbm4b:s26+s5], $0x80, $0x38;
	[tilespmem:$0x1F878] =	vst v63  }
0x103: {  	s11 =	simm.s32 $0x0;
	s24 =	simm.s32 $0x1A00  }
.LBB2_18:
0x104: {  	p5 =	sne.s32 s11, $0x320  }
.Ltmp8:
0x105: {  	_ = 	snop;
	(pc) =	sbr.rel @p5 .LBB2_18-.Ltmp8, $4  }
0x106: {  	_ = 	snop  }
0x107: {  	s25 =	sadd.s32 s11, s20  }
0x108: {  	[tilespmem:s24], [sflag:$0x3] =	stream.linear.gather [hbm4b:s25+s5], $0x80, $0x38;
	[tilespmem:$0x1F878] =	vst v63  }
0x109: {  	s11 =	sadd.s32 $0x20, s11;
	s24 =	sadd.s32 $0x100, s24  }
0x10a: {  	s11 =	simm.s32 $0x180  }
0x10b: {  	[tilespmem:s2], [sflag:$0x2] =	stream.indirect.gather [hbm4b:s0+s30], $0x80, s11, s30, $0xb8;
	[tilespmem:$0x1F878] =	vst v63  }
0x10c: {  	_ =	swait.ge [sflag:s8], $0x4000  }
0x10d: {  	[sflag:s8] =	ssyncset.done $0x0  }
0x10e: {  	s25 =	simm.s32 $0x1A80;
	[sflag:s8] =	ssyncadd.s32 $0xFFFFC000  }
0x10f: {  	[spmem:s3] =	stream.indirect.scatter.add.f32 [tilespmem:s31], [sflag:$0x5], $0x80, s25, s30, $0xb8;
	[tilespmem:$0x1F878] =	vst v63  }
0x110: {  	_ =	swait.ge [sflag:s29], $0x4000  }
0x111: {  	[sflag:s29] =	ssyncset.done $0x0  }
0x112: {  	[sflag:s29] =	ssyncadd.s32 $0xFFFFC000  }
0x113: {  	[spmem:s4] =	stream.indirect.scatter.add.f32 [tilespmem:s9], [sflag:$0x5], $0x1, s25, s30, $0xb8;
	[tilespmem:$0x1F878] =	vst v63  }
0x114: {  	_ =	swait.ge [sflag:s29], $0x80  }
0x115: {  	[sflag:s29] =	ssyncset.done $0x0  }
0x116: {  	s26 =	simm.s32 $0x280;
	[sflag:s29] =	ssyncadd.s32 $0xFFFFFF80  }
0x117: {  	[tilespmem:s31], [sflag:$0x1] =	stream.indirect.gather [hbm4b:s0+s30], $0x80, s26, s30, $0xb8;
	[tilespmem:$0x1F878] =	vst v63  }
0x118: {  	_ =	swait.ge [sflag:s10], $0x4000  }
0x119: {  	[sflag:s10] =	ssyncset.done $0x0  }
0x11a: {  	s28 =	simm.s32 $0x1B80;
	[sflag:s10] =	ssyncadd.s32 $0xFFFFC000  }
0x11b: {  	[spmem:s3] =	stream.indirect.scatter.add.f32 [tilespmem:s2], [sflag:$0x5], $0x80, s28, s30, $0xb8;
	[tilespmem:$0x1F878] =	vst v63  }
0x11c: {  	_ =	swait.ge [sflag:s29], $0x4000  }
0x11d: {  	[sflag:s29] =	ssyncset.done $0x0  }
0x11e: {  	[sflag:s29] =	ssyncadd.s32 $0xFFFFC000  }
0x11f: {  	[spmem:s4] =	stream.indirect.scatter.add.f32 [tilespmem:s9], [sflag:$0x5], $0x1, s28, s30, $0xb8;
	[tilespmem:$0x1F878] =	vst v63  }
0x120: {  	_ =	swait.ge [sflag:s29], $0x80  }
0x121: {  	s24 =	simm.s32 $0xFFFFEA00;
	s11 =	simm.s32 $0xFFFFB000;
	[sflag:s29] =	ssyncset.done $0x0  }
.LBB2_20:
0x122: {  	s25 =	sadd.s32 $0x1980, s24  }
0x123: {  	[sflag:s29] =	ssyncadd.s32 $0xFFFFFF80;
	s26 =	smov.u32 s11;
	s28 =	sadd.s32 $0x800, s11  }
0x124: {  	[tilespmem:s2], [sflag:$0x2] =	stream.indirect.gather [hbm4b:s0+s30], $0x80, s25, s30, $0xb8;
	[tilespmem:$0x1F878] =	vst v63  }
0x125: {  	p5 =	sne.s32 s11, $0xFFFFF800;
	_ =	swait.ge [sflag:s8], $0x4000  }
0x126: {  	[sflag:s8] =	ssyncset.done $0x0  }
0x127: {  	s11 =	sadd.s32 $0x3280, s24;
	[sflag:s8] =	ssyncadd.s32 $0xFFFFC000  }
0x128: {  	[spmem:s3] =	stream.indirect.scatter.add.f32 [tilespmem:s31], [sflag:$0x5], $0x80, s11, s30, $0xb8;
	[tilespmem:$0x1F878] =	vst v63  }
0x129: {  	_ =	swait.ge [sflag:s29], $0x4000  }
0x12a: {  	[sflag:s29] =	ssyncset.done $0x0  }
0x12b: {  	[sflag:s29] =	ssyncadd.s32 $0xFFFFC000  }
0x12c: {  	[spmem:s4] =	stream.indirect.scatter.add.f32 [tilespmem:s9], [sflag:$0x5], $0x1, s11, s30, $0xb8;
	[tilespmem:$0x1F878] =	vst v63  }
0x12d: {  	_ =	swait.ge [sflag:s29], $0x80  }
0x12e: {  	[sflag:s29] =	ssyncset.done $0x0  }
0x12f: {  	s11 =	sadd.s32 $0x1A80, s24;
	[sflag:s29] =	ssyncadd.s32 $0xFFFFFF80  }
0x130: {  	[tilespmem:s31], [sflag:$0x1] =	stream.indirect.gather [hbm4b:s0+s30], $0x80, s11, s30, $0xb8;
	[tilespmem:$0x1F878] =	vst v63  }
0x131: {  	_ =	swait.ge [sflag:s10], $0x4000  }
0x132: {  	[sflag:s10] =	ssyncset.done $0x0  }
0x133: {  	s11 =	sadd.s32 $0x3380, s24;
	[sflag:s10] =	ssyncadd.s32 $0xFFFFC000  }
0x134: {  	[spmem:s3] =	stream.indirect.scatter.add.f32 [tilespmem:s2], [sflag:$0x5], $0x80, s11, s30, $0xb8;
	[tilespmem:$0x1F878] =	vst v63  }
0x135: {  	_ =	swait.ge [sflag:s29], $0x4000  }
.Ltmp9:
0x136: {  	[sflag:s29] =	ssyncset.done $0x0;
	(pc) =	sbr.rel @p5 .LBB2_20-.Ltmp9, $4  }
0x137: {  	[sflag:s29] =	ssyncadd.s32 $0xFFFFC000  }
0x138: {  	[spmem:s4] =	stream.indirect.scatter.add.f32 [tilespmem:s9], [sflag:$0x5], $0x1, s11, s30, $0xb8;
	[tilespmem:$0x1F878] =	vst v63  }
0x139: {  	_ =	swait.ge [sflag:s29], $0x80  }
0x13a: {  	s24 =	sshra.s32 s26, $0x2;
	s11 =	smov.u32 s28;
	[sflag:s29] =	ssyncset.done $0x0  }
0x13b: {  	s11 =	sadd.s32 $0x1980, s24;
	[sflag:s29] =	ssyncadd.s32 $0xFFFFFF80  }
0x13c: {  	[tilespmem:s2], [sflag:$0x2] =	stream.indirect.gather [hbm4b:s0+s30], $0x80, s11, s30, $0xb8;
	[tilespmem:$0x1F878] =	vst v63  }
0x13d: {  	_ =	swait.ge [sflag:s8], $0x4000  }
0x13e: {  	[sflag:s8] =	ssyncset.done $0x0  }
0x13f: {  	s28 =	sadd.s32 $0x3280, s24;
	[sflag:s8] =	ssyncadd.s32 $0xFFFFC000  }
0x140: {  	[spmem:s3] =	stream.indirect.scatter.add.f32 [tilespmem:s31], [sflag:$0x5], $0x80, s28, s30, $0xb8;
	[tilespmem:$0x1F878] =	vst v63  }
0x141: {  	_ =	swait.ge [sflag:s29], $0x4000  }
0x142: {  	[sflag:s29] =	ssyncset.done $0x0  }
0x143: {  	[sflag:s29] =	ssyncadd.s32 $0xFFFFC000  }
0x144: {  	[spmem:s4] =	stream.indirect.scatter.add.f32 [tilespmem:s9], [sflag:$0x5], $0x1, s28, s30, $0xb8;
	[tilespmem:$0x1F878] =	vst v63  }
0x145: {  	_ =	swait.ge [sflag:s29], $0x80  }
0x146: {  	[sflag:s29] =	ssyncset.done $0x0  }
0x147: {  	s21 =	sadd.s32 $0x1A80, s24;
	[sflag:s29] =	ssyncadd.s32 $0xFFFFFF80  }
0x148: {  	[tilespmem:s31], [sflag:$0x1] =	stream.indirect.gather [hbm4b:s0+s30], $0x80, s21, s30, $0xb8;
	[tilespmem:$0x1F878] =	vst v63  }
0x149: {  	_ =	swait.ge [sflag:s10], $0x4000  }
0x14a: {  	[sflag:s10] =	ssyncset.done $0x0  }
0x14b: {  	s25 =	sadd.s32 $0x3380, s24;
	[sflag:s10] =	ssyncadd.s32 $0xFFFFC000  }
0x14c: {  	[spmem:s3] =	stream.indirect.scatter.add.f32 [tilespmem:s2], [sflag:$0x5], $0x80, s25, s30, $0xb8;
	[tilespmem:$0x1F878] =	vst v63  }
0x14d: {  	_ =	swait.ge [sflag:s29], $0x4000  }
0x14e: {  	[sflag:s29] =	ssyncset.done $0x0  }
0x14f: {  	[sflag:s29] =	ssyncadd.s32 $0xFFFFC000  }
0x150: {  	[spmem:s4] =	stream.indirect.scatter.add.f32 [tilespmem:s9], [sflag:$0x5], $0x1, s25, s30, $0xb8;
	[tilespmem:$0x1F878] =	vst v63  }
0x151: {  	_ =	swait.ge [sflag:s29], $0x80  }
0x152: {  	[sflag:s29] =	ssyncset.done $0x0  }
0x153: {  	s26 =	simm.s32 $0x1980;
	[sflag:s29] =	ssyncadd.s32 $0xFFFFFF80  }
0x154: {  	[tilespmem:s2], [sflag:$0x2] =	stream.indirect.gather [hbm4b:s0+s30], $0x80, s26, s30, $0xb8;
	[tilespmem:$0x1F878] =	vst v63  }
0x155: {  	_ =	swait.ge [sflag:s8], $0x4000  }
0x156: {  	[sflag:s8] =	ssyncset.done $0x0  }
0x157: {  	s28 =	simm.s32 $0x3280;
	[sflag:s8] =	ssyncadd.s32 $0xFFFFC000  }
0x158: {  	[spmem:s3] =	stream.indirect.scatter.add.f32 [tilespmem:s31], [sflag:$0x5], $0x80, s28, s30, $0xb8;
	[tilespmem:$0x1F878] =	vst v63  }
0x159: {  	_ =	swait.ge [sflag:s29], $0x4000  }
0x15a: {  	[sflag:s29] =	ssyncset.done $0x0  }
0x15b: {  	[sflag:s29] =	ssyncadd.s32 $0xFFFFC000  }
0x15c: {  	[spmem:s4] =	stream.indirect.scatter.add.f32 [tilespmem:s9], [sflag:$0x5], $0x1, s28, s30, $0xb8;
	[tilespmem:$0x1F878] =	vst v63  }
0x15d: {  	_ =	swait.ge [sflag:s29], $0x80  }
0x15e: {  	[sflag:s29] =	ssyncset.done $0x0  }
0x15f: {  	[sflag:s29] =	ssyncadd.s32 $0xFFFFFF80  }
0x160: {  	_ =	swait.ge [sflag:s10], $0x4000  }
0x161: {  	[sflag:s10] =	ssyncset.done $0x0  }
0x162: {  	[sflag:s10] =	ssyncadd.s32 $0xFFFFC000  }
0x163: {  	[spmem:s3] =	stream.indirect.scatter.add.f32 [tilespmem:s2], [sflag:$0x5], $0x80, s22, s30, $0xb8;
	[tilespmem:$0x1F878] =	vst v63  }
0x164: {  	_ =	swait.ge [sflag:s29], $0x4000  }
0x165: {  	[sflag:s29] =	ssyncset.done $0x0  }
0x166: {  	[sflag:s29] =	ssyncadd.s32 $0xFFFFC000  }
0x167: {  	[spmem:s4] =	stream.indirect.scatter.add.f32 [tilespmem:s9], [sflag:$0x5], $0x1, s22, s30, $0xb8;
	[tilespmem:$0x1F878] =	vst v63  }
0x168: {  	_ =	swait.ge [sflag:s29], $0x80  }
0x169: {  	[sflag:s29] =	ssyncset.done $0x0  }
0x16a: {  	[sflag:s29] =	ssyncadd.s32 $0xFFFFFF80  }
0x16b: {  	_ =	swait.ge [sflag:s19], $0xD00  }
0x16c: {  	[sflag:s19] =	ssyncset.done $0x0  }
0x16d: {  	[sflag:s19] =	ssyncadd.s32 $0xFFFFF300  }
0x16e: {  	_ =	swait.ge [sflag:s19], $0xD00  }
0x16f: {  	[sflag:s19] =	ssyncset.done $0x0  }
0x170: {  	s21 =	simm.s32 $0x0;
	[sflag:s19] =	ssyncadd.s32 $0xFFFFF300  }
0x171: {  	[tilespmem:s31], [sflag:$0x1] =	stream.indirect.gather [hbm4b:s0+s30], $0x80, s21, s30, $0xb8;
	[tilespmem:$0x1F878] =	vst v63  }
0x172: {  	s24 =	simm.s32 $0x100  }
0x173: {  	[tilespmem:s2], [sflag:$0x2] =	stream.indirect.gather [hbm4b:s0+s30], $0x80, s24, s30, $0xb8;
	[tilespmem:$0x1F878] =	vst v63  }
0x174: {  	_ =	swait.ge [sflag:s8], $0x4000  }
0x175: {  	[sflag:s8] =	ssyncset.done $0x0  }
0x176: {  	s25 =	simm.s32 $0x1A00;
	[sflag:s8] =	ssyncadd.s32 $0xFFFFC000  }
0x177: {  	[spmem:s3] =	stream.indirect.scatter.add.f32 [tilespmem:s31], [sflag:$0x5], $0x80, s25, s30, $0xb8;
	[tilespmem:$0x1F878] =	vst v63  }
0x178: {  	_ =	swait.ge [sflag:s29], $0x4000  }
0x179: {  	[sflag:s29] =	ssyncset.done $0x0  }
0x17a: {  	[sflag:s29] =	ssyncadd.s32 $0xFFFFC000  }
0x17b: {  	[spmem:s4] =	stream.indirect.scatter.add.f32 [tilespmem:s9], [sflag:$0x5], $0x1, s25, s30, $0xb8;
	[tilespmem:$0x1F878] =	vst v63  }
0x17c: {  	_ =	swait.ge [sflag:s29], $0x80  }
0x17d: {  	[sflag:s29] =	ssyncset.done $0x0  }
0x17e: {  	s26 =	simm.s32 $0x200;
	[sflag:s29] =	ssyncadd.s32 $0xFFFFFF80  }
0x17f: {  	[tilespmem:s31], [sflag:$0x1] =	stream.indirect.gather [hbm4b:s0+s30], $0x80, s26, s30, $0xb8;
	[tilespmem:$0x1F878] =	vst v63  }
0x180: {  	_ =	swait.ge [sflag:s10], $0x4000  }
0x181: {  	[sflag:s10] =	ssyncset.done $0x0  }
0x182: {  	s28 =	simm.s32 $0x1B00;
	[sflag:s10] =	ssyncadd.s32 $0xFFFFC000  }
0x183: {  	[spmem:s3] =	stream.indirect.scatter.add.f32 [tilespmem:s2], [sflag:$0x5], $0x80, s28, s30, $0xb8;
	[tilespmem:$0x1F878] =	vst v63  }
0x184: {  	_ =	swait.ge [sflag:s29], $0x4000  }
0x185: {  	[sflag:s29] =	ssyncset.done $0x0  }
0x186: {  	[sflag:s29] =	ssyncadd.s32 $0xFFFFC000  }
0x187: {  	[spmem:s4] =	stream.indirect.scatter.add.f32 [tilespmem:s9], [sflag:$0x5], $0x1, s28, s30, $0xb8;
	[tilespmem:$0x1F878] =	vst v63  }
0x188: {  	_ =	swait.ge [sflag:s29], $0x80  }
0x189: {  	s11 =	simm.s32 $0x1000;
	s24 =	simm.s32 $0x200;
	[sflag:s29] =	ssyncset.done $0x0  }
.LBB2_22:
0x18a: {  	s25 =	sadd.s32 $0x100, s24  }
0x18b: {  	[sflag:s29] =	ssyncadd.s32 $0xFFFFFF80;
	s26 =	smov.u32 s11;
	s28 =	sadd.s32 $0x800, s11  }
0x18c: {  	[tilespmem:s2], [sflag:$0x2] =	stream.indirect.gather [hbm4b:s0+s30], $0x80, s25, s30, $0xb8;
	[tilespmem:$0x1F878] =	vst v63  }
0x18d: {  	p5 =	sne.s32 s11, $0x5800;
	_ =	swait.ge [sflag:s8], $0x4000  }
0x18e: {  	[sflag:s8] =	ssyncset.done $0x0  }
0x18f: {  	s11 =	sadd.s32 $0x1A00, s24;
	[sflag:s8] =	ssyncadd.s32 $0xFFFFC000  }
0x190: {  	[spmem:s3] =	stream.indirect.scatter.add.f32 [tilespmem:s31], [sflag:$0x5], $0x80, s11, s30, $0xb8;
	[tilespmem:$0x1F878] =	vst v63  }
0x191: {  	_ =	swait.ge [sflag:s29], $0x4000  }
0x192: {  	[sflag:s29] =	ssyncset.done $0x0  }
0x193: {  	[sflag:s29] =	ssyncadd.s32 $0xFFFFC000  }
0x194: {  	[spmem:s4] =	stream.indirect.scatter.add.f32 [tilespmem:s9], [sflag:$0x5], $0x1, s11, s30, $0xb8;
	[tilespmem:$0x1F878] =	vst v63  }
0x195: {  	_ =	swait.ge [sflag:s29], $0x80  }
0x196: {  	[sflag:s29] =	ssyncset.done $0x0  }
0x197: {  	s11 =	sadd.s32 $0x200, s24;
	[sflag:s29] =	ssyncadd.s32 $0xFFFFFF80  }
0x198: {  	[tilespmem:s31], [sflag:$0x1] =	stream.indirect.gather [hbm4b:s0+s30], $0x80, s11, s30, $0xb8;
	[tilespmem:$0x1F878] =	vst v63  }
0x199: {  	_ =	swait.ge [sflag:s10], $0x4000  }
0x19a: {  	[sflag:s10] =	ssyncset.done $0x0  }
0x19b: {  	s11 =	sadd.s32 $0x1B00, s24;
	[sflag:s10] =	ssyncadd.s32 $0xFFFFC000  }
0x19c: {  	[spmem:s3] =	stream.indirect.scatter.add.f32 [tilespmem:s2], [sflag:$0x5], $0x80, s11, s30, $0xb8;
	[tilespmem:$0x1F878] =	vst v63  }
0x19d: {  	_ =	swait.ge [sflag:s29], $0x4000  }
.Ltmp10:
0x19e: {  	[sflag:s29] =	ssyncset.done $0x0;
	(pc) =	sbr.rel @p5 .LBB2_22-.Ltmp10, $4  }
0x19f: {  	[sflag:s29] =	ssyncadd.s32 $0xFFFFC000  }
0x1a0: {  	[spmem:s4] =	stream.indirect.scatter.add.f32 [tilespmem:s9], [sflag:$0x5], $0x1, s11, s30, $0xb8;
	[tilespmem:$0x1F878] =	vst v63  }
0x1a1: {  	_ =	swait.ge [sflag:s29], $0x80  }
0x1a2: {  	s24 =	sshra.s32 s26, $0x2;
	s11 =	smov.u32 s28;
	[sflag:s29] =	ssyncset.done $0x0  }
0x1a3: {  	s11 =	sadd.s32 $0x100, s24;
	[sflag:s29] =	ssyncadd.s32 $0xFFFFFF80  }
0x1a4: {  	[tilespmem:s2], [sflag:$0x2] =	stream.indirect.gather [hbm4b:s0+s30], $0x80, s11, s30, $0xb8;
	[tilespmem:$0x1F878] =	vst v63  }
0x1a5: {  	_ =	swait.ge [sflag:s8], $0x4000  }
0x1a6: {  	[sflag:s8] =	ssyncset.done $0x0  }
0x1a7: {  	s25 =	sadd.s32 $0x1A00, s24;
	[sflag:s8] =	ssyncadd.s32 $0xFFFFC000  }
0x1a8: {  	[spmem:s3] =	stream.indirect.scatter.add.f32 [tilespmem:s31], [sflag:$0x5], $0x80, s25, s30, $0xb8;
	[tilespmem:$0x1F878] =	vst v63  }
0x1a9: {  	_ =	swait.ge [sflag:s29], $0x4000  }
0x1aa: {  	[sflag:s29] =	ssyncset.done $0x0  }
0x1ab: {  	[sflag:s29] =	ssyncadd.s32 $0xFFFFC000  }
0x1ac: {  	[spmem:s4] =	stream.indirect.scatter.add.f32 [tilespmem:s9], [sflag:$0x5], $0x1, s25, s30, $0xb8;
	[tilespmem:$0x1F878] =	vst v63  }
0x1ad: {  	_ =	swait.ge [sflag:s29], $0x80  }
0x1ae: {  	[sflag:s29] =	ssyncset.done $0x0  }
0x1af: {  	s26 =	sadd.s32 $0x200, s24;
	[sflag:s29] =	ssyncadd.s32 $0xFFFFFF80  }
0x1b0: {  	[tilespmem:s31], [sflag:$0x1] =	stream.indirect.gather [hbm4b:s0+s30], $0x80, s26, s30, $0xb8;
	[tilespmem:$0x1F878] =	vst v63  }
0x1b1: {  	_ =	swait.ge [sflag:s10], $0x4000  }
0x1b2: {  	[sflag:s10] =	ssyncset.done $0x0  }
0x1b3: {  	s28 =	sadd.s32 $0x1B00, s24;
	[sflag:s10] =	ssyncadd.s32 $0xFFFFC000  }
0x1b4: {  	[spmem:s3] =	stream.indirect.scatter.add.f32 [tilespmem:s2], [sflag:$0x5], $0x80, s28, s30, $0xb8;
	[tilespmem:$0x1F878] =	vst v63  }
0x1b5: {  	_ =	swait.ge [sflag:s29], $0x4000  }
0x1b6: {  	[sflag:s29] =	ssyncset.done $0x0  }
0x1b7: {  	[sflag:s29] =	ssyncadd.s32 $0xFFFFC000  }
0x1b8: {  	[spmem:s4] =	stream.indirect.scatter.add.f32 [tilespmem:s9], [sflag:$0x5], $0x1, s28, s30, $0xb8;
	[tilespmem:$0x1F878] =	vst v63  }
0x1b9: {  	_ =	swait.ge [sflag:s29], $0x80  }
0x1ba: {  	[sflag:s29] =	ssyncset.done $0x0  }
0x1bb: {  	s21 =	simm.s32 $0x1900;
	[sflag:s29] =	ssyncadd.s32 $0xFFFFFF80  }
0x1bc: {  	[tilespmem:s2], [sflag:$0x2] =	stream.indirect.gather [hbm4b:s0+s30], $0x80, s21, s30, $0xb8;
	[tilespmem:$0x1F878] =	vst v63  }
0x1bd: {  	_ =	swait.ge [sflag:s8], $0x4000  }
0x1be: {  	[sflag:s8] =	ssyncset.done $0x0  }
0x1bf: {  	[sflag:s8] =	ssyncadd.s32 $0xFFFFC000  }
0x1c0: {  	[spmem:s3] =	stream.indirect.scatter.add.f32 [tilespmem:s31], [sflag:$0x5], $0x80, s13, s30, $0xb8;
	[tilespmem:$0x1F878] =	vst v63  }
0x1c1: {  	_ =	swait.ge [sflag:s29], $0x4000  }
0x1c2: {  	[sflag:s29] =	ssyncset.done $0x0  }
0x1c3: {  	[sflag:s29] =	ssyncadd.s32 $0xFFFFC000  }
0x1c4: {  	[spmem:s4] =	stream.indirect.scatter.add.f32 [tilespmem:s9], [sflag:$0x5], $0x1, s13, s30, $0xb8;
	[tilespmem:$0x1F878] =	vst v63  }
0x1c5: {  	_ =	swait.ge [sflag:s29], $0x80  }
0x1c6: {  	[sflag:s29] =	ssyncset.done $0x0  }
0x1c7: {  	[sflag:s29] =	ssyncadd.s32 $0xFFFFFF80  }
0x1c8: {  	_ =	swait.ge [sflag:s10], $0x4000  }
0x1c9: {  	[sflag:s10] =	ssyncset.done $0x0  }
0x1ca: {  	[sflag:s10] =	ssyncadd.s32 $0xFFFFC000  }
0x1cb: {  	[spmem:s3] =	stream.indirect.scatter.add.f32 [tilespmem:s2], [sflag:$0x5], $0x80, s15, s30, $0xb8;
	[tilespmem:$0x1F878] =	vst v63  }
0x1cc: {  	_ =	swait.ge [sflag:s29], $0x4000  }
0x1cd: {  	[sflag:s29] =	ssyncset.done $0x0  }
0x1ce: {  	[sflag:s29] =	ssyncadd.s32 $0xFFFFC000  }
0x1cf: {  	[spmem:s4] =	stream.indirect.scatter.add.f32 [tilespmem:s9], [sflag:$0x5], $0x1, s15, s30, $0xb8;
	[tilespmem:$0x1F878] =	vst v63  }
0x1d0: {  	_ =	swait.ge [sflag:s29], $0x80  }
0x1d1: {  	s24 =	simm.s32 @!p3 $0x3400;
	s11 =	simm.s32 @!p3 $0x0;
	[sflag:s29] =	ssyncset.done $0x0  }
0x1d2: {  	s25 =	simm.s32 @!p3 $0x5;
	s21 =	rddreg [dreg:$0xf];
	[sflag:s29] =	ssyncadd.s32 $0xFFFFFF80  }
0x1d3: {  	[tilespmem:s24], [sflag:$0x5] =	stream.linear.gather @!p3 [hbm4b:s21+s11], $0x80, $0x38;
	[tilespmem:$0x1F878] =	vst v63  }
0x1d4: {  	_ =	swait.ge @!p3 [sflag:s25], $0x80  }
0x1d5: {  	[sflag:s25] =	ssyncset.done @!p3 $0x0  }
0x1d6: {  	s26 =	simm.s32 @!p3 $0x3480;
	s21 =	rddreg [dreg:$0x10];
	[sflag:s25] =	ssyncadd.s32 @!p3 $0xFFFFFF80  }
0x1d7: {  	[tilespmem:s26], [sflag:$0x5] =	stream.linear.gather @!p3 [hbm4b:s21+s11], $0x80, $0x38;
	[tilespmem:$0x1F878] =	vst v63  }
0x1d8: {  	_ =	swait.ge @!p3 [sflag:s25], $0x80  }
0x1d9: {  	[sflag:s25] =	ssyncset.done @!p3 $0x0  }
0x1da: {  	s28 =	simm.s32 @!p3 $0x3500;
	s11 =	simm.s32 @!p3 $0x80;
	[sflag:s25] =	ssyncadd.s32 @!p3 $0xFFFFFF80  }
0x1db: {  	[tilespmem:s28], [sflag:$0x1] =	stream.indirect.gather @!p3 [hbm4b:s0+s11], $0x80, s24, s11, $0xb8;
	[tilespmem:$0x1F878] =	vst v63  }
0x1dc: {  	s24 =	simm.s32 @!p3 $0x1  }
0x1dd: {  	_ =	swait.ge @!p3 [sflag:s24], $0x4000  }
0x1de: {  	[sflag:s24] =	ssyncset.done @!p3 $0x0  }
0x1df: {  	[sflag:s24] =	ssyncadd.s32 @!p3 $0xFFFFC000  }
0x1e0: {  	[spmem:s3] =	stream.indirect.scatter.add.f32 @!p3 [tilespmem:s28], [sflag:$0x5], $0x80, s26, s11, $0xb8;
	[tilespmem:$0x1F878] =	vst v63  }
0x1e1: {  	_ =	swait.ge @!p3 [sflag:s25], $0x4000  }
0x1e2: {  	[sflag:s25] =	ssyncset.done @!p3 $0x0  }
0x1e3: {  	s24 =	simm.s32 @!p3 $0xB500;
	[sflag:s25] =	ssyncadd.s32 @!p3 $0xFFFFC000  }
0x1e4: {  	[spmem:s4] =	stream.indirect.scatter.add.f32 @!p3 [tilespmem:s24], [sflag:$0x5], $0x1, s26, s11, $0xb8;
	[tilespmem:$0x1F878] =	vst v63  }
0x1e5: {  	_ =	swait.ge @!p3 [sflag:s25], $0x80  }
0x1e6: {  	[sflag:s25] =	ssyncset.done @!p3 $0x0  }
0x1e7: {  	s24 =	stileid.u32;
	[sflag:s25] =	ssyncadd.s32 @!p3 $0xFFFFFF80  }
0x1e8: {  	s11 =	sshll.u32 s24, $0x6;
	[bflag:$0x0] =	sbarrier.arrive $0xFFFF  }
0x1e9: {  	s11 =	sor.u32 $0x1C05, s11;
	s25 =	sshrl.u32 s7, $0x3;
	s26 =	rddreg [dreg:$0xe]  }
0x1ea: {  	[hbm:s26], [sflag:s11] =	dma.local [spmem:s25], $0x2700  }
0x1eb: {  	s28 =	simm.s32 @p0 $0x10;
	_ =	swait.ge [sflag:s29], $0x2700  }
0x1ec: {  	s24 =	sshrl.u32 @p0 s4, $0x3;
	s25 =	simm.s32 @p0 $0x1;
	[sflag:s29] =	ssyncset.done $0x0  }
0x1ed: {  	s26 =	simm.s32 @p0 $0x20;
	s21 =	rddreg [dreg:$0xd];
	[sflag:s29] =	ssyncadd.s32 $0xFFFFD900  }
0x1ee: {  	[hbm:s21@s26], [sflag:s11] =	dma.strided @p0 [spmem:s24@s28], $0x4F0, s25, $0x10   }
0x1ef: {  	s24 =	simm.s32 @p0 $0x5  }
0x1f0: {  	_ =	swait.ge @p0 [sflag:s24], $0x4F0  }
0x1f1: {  	[sflag:s24] =	ssyncset.done @p0 $0x0  }
0x1f2: {  	s21 =	rddreg [dreg:$0x11];
	[sflag:s24] =	ssyncadd.s32 @p0 $0xFFFFFB10;
	s24 =	sshrl.u32 @!p4 s12, $0x3  }
0x1f3: {  	[hbm:s21], [sflag:s11] =	dma.local @!p4 [spmem:s24], $0x100  }
0x1f4: {  	s11 =	simm.s32 @!p4 $0x5  }
0x1f5: {  	_ =	swait.ge @!p4 [sflag:s11], $0x100  }
0x1f6: {  	s23 =	sadd.s32 $0x1, s23;
	s28 =	rddreg [dreg:$0x12]  }
0x1f7: {  	p5 =	sne.s32 s23, s28  }
.Ltmp11:
0x1f8: {  	_ = 	snop;
	(pc) =	sbr.rel @p5 .LBB2_1-.Ltmp11, $3  }
0x1f9: {  	_ =	sdelay $0x1  }
0x1fa: {  	[sflag:s11] =	ssyncset.done @!p4 $0x0  }
0x1fb: {  	[sflag:s11] =	ssyncadd.s32 @!p4 $0xFFFFFF00  }
0x1fc: {  	_ =	sfence.sel $0x180000  }
0x1fd: {  	[bflag:$0x0] =	sbarrier.arrive $0xFFFF  }
0x1fe: {  	_ =	strace $0x90000047  }
0x1ff: {  	s0 =	stileid.u32;
	[bflag:$0x2] =	sbarrier.arrive $0xFFFF  }
0x200: {  	p0 =	sne.s32 s0, $0x0;
	s0 =	rddreg [dreg:$0x6]  }
0x201: {  	s0 =	sadd.s32 @!p0 $0x100000, s0  }
0x202: {  	[sflag:s0] =	ssyncadd.tile.s32 @!p0 $0x1;
	_ =	shalt  }
.Lfunc_end2:
_tile_overlayer_lowered:
.L_overlay_start_2:
0x203: {  	(tag) =	ssettag $0x2  }
0x204: {  	s0 =	rddreg [dreg:$0x0];
	s2 =	stileid.u32  }
0x205: {  	s1 =	rddreg [dreg:$0x1];
	p0 =	sne.s32 s2, $0x0  }
0x206: {  	s3 =	rddreg [dreg:$0x2];
	[bflag:$0x3] =	sbarrier.arrive $0xFFFF;
	s2 =	simm.s32 @!p0 $0x1C05  }
0x207: {  	[timem:s3], [sflag:s2] =	dma.local @!p0 [hbm:s0], s1  }
0x208: {  	s0 =	simm.s32 @!p0 $0x5  }
0x209: {  	_ =	swait.ge @!p0 [sflag:s0], s1  }
0x20a: {  	s1 =	ssub.s32 @!p0 $0x0, s1;
	[sflag:s0] =	ssyncset.done @!p0 $0x0  }
0x20b: {  	[sflag:s0] =	ssyncadd.s32 @!p0 s1  }
0x20c: {  	[bflag:$0x3] =	sbarrier.arrive $0xFFFF  }
0x20d: {  	_ =	shalt  }

</sc_bundles>
